<compile_context>
chip_gen: v7x
topology: tpu7x:2x2x1
jax: 0.10.2.dev20260603
libtpu: 0.0.44.dev20260713+nightly
codegen_flags: <defaults>
</compile_context>

<pallas_src>
import jax
import jax.numpy as jnp
from jax import lax
from jax.experimental import pallas as pl
from jax.experimental.pallas import tpu as pltpu
from jax.experimental.pallas import tpu_sc as plsc

N_GRAPHS = 8
_HI = jax.lax.Precision.HIGHEST

N_NODES = 10000
N_EDGES = 320000
NPAD = 10240
NSC = 16
PER_W = NPAD // NSC
EPAD = 327680
ES = EPAD // NSC
EC = 512
NCH = ES // EC
SUB = 128
NSUB = EC // SUB
ECG = 512
NCHG = ES // ECG
NSUBG = ECG // SUB


def _lrelu(x, s=0.01):
    return jnp.where(x >= 0, x, s * x)


def _bn(x, w, b, eps=1e-5):
    m = x.mean(0)
    v = ((x - m) ** 2).mean(0)
    return (x - m) / jnp.sqrt(v + eps) * w + b


def _bt(x):
    return x.astype(jnp.bfloat16).astype(jnp.float32)


def _bt_reg(v):
    t = v * 65537.0
    return t - (t - v)



def _pre_e_body(ea_ref, we_ref, be_ref, w1c_ref, bm_ref, out_ref):
    ea = ea_ref[...]
    ee = _lrelu(ea * we_ref[...] + be_ref[...])
    out_ref[...] = jax.lax.dot_general(
        _bt(ee), w1c_ref[...], (((1,), (0,)), ((), ())),
        preferred_element_type=jnp.float32, precision=_HI) + bm_ref[...]


def _pre_e(edge_attr2, w_edge_row, b_edge, W1c, b_msg1):
    E2 = edge_attr2.shape[0]
    BLK = 2048
    grid = (E2 // BLK,)
    return pl.pallas_call(
        _pre_e_body,
        grid=grid,
        in_specs=[
            pl.BlockSpec((BLK, 1), lambda i: (i, 0)),
            pl.BlockSpec((1, 64), lambda i: (0, 0)),
            pl.BlockSpec((1, 64), lambda i: (0, 0)),
            pl.BlockSpec((64, 32), lambda i: (0, 0)),
            pl.BlockSpec((1, 32), lambda i: (0, 0)),
        ],
        out_specs=pl.BlockSpec((BLK, 32), lambda i: (i, 0)),
        out_shape=jax.ShapeDtypeStruct((E2, 32), jnp.float32),
    )(edge_attr2, w_edge_row, b_edge, _bt(W1c), b_msg1)



def _sc_embed_body(pre_d_hbm, pre_s_hbm, src_hbm, dst_hbm, pre_e_hbm,
                   z32_hbm, zn_hbm,
                   aggr_out, deg_out,
                   dstb, gdb, gsb, rows_d, rows_s, rows_e, onesb,
                   aggr_sh, deg_sh, sem):
    c = lax.axis_index("c")
    w = lax.axis_index("s")
    cn16 = jnp.full((16,), c * NPAD, jnp.int32)

    pltpu.sync_copy(z32_hbm, aggr_sh.at[pl.ds(w * PER_W, PER_W)])
    pltpu.sync_copy(zn_hbm, deg_sh.at[pl.ds(w * PER_W, PER_W)])

    def fill_ones(i, _):
        onesb[pl.ds(i * 16, 16)] = jnp.full((16,), 1.0, jnp.float32)
        return 0
    lax.fori_loop(0, SUB // 16, fill_ones, 0)
    plsc.subcore_barrier()

    def chunk(k, _):
        lds = [pltpu.async_copy(dst_hbm.at[c, w, k], dstb, sem),
               pltpu.async_copy(src_hbm.at[c, w, k], gsb, sem),
               pltpu.async_copy(pre_e_hbm.at[c, w, k], rows_e, sem)]
        for cp in lds:
            cp.wait()

        def offs(i, _):
            j, q = i // (SUB // 16), i % (SUB // 16)
            sl = pl.ds(q * 16, 16)
            gdb[j, sl] = dstb[j, sl] + cn16
            gsb[j, sl] = gsb[j, sl] + cn16
            return 0
        lax.fori_loop(0, EC // 16, offs, 0, unroll=4)

        cps = []
        for j in range(NSUB):
            cps.append(pltpu.async_copy(pre_d_hbm.at[gdb.at[j]],
                                        rows_d.at[pl.ds(j * SUB, SUB)], sem))
            cps.append(pltpu.async_copy(pre_s_hbm.at[gsb.at[j]],
                                        rows_s.at[pl.ds(j * SUB, SUB)], sem))
        for cp in cps:
            cp.wait()

        def compute(i, _):
            for half in (0, 16):
                sl = pl.ds(half, 16)
                v = rows_d[i, sl] + rows_s[i, sl] + rows_e[i, sl]
                m = jnp.maximum(v, 0.01 * v)
                rows_d[i, sl] = _bt_reg(m)
            return 0
        lax.fori_loop(0, EC, compute, 0, unroll=8)

        sc = []
        for j in range(NSUB):
            sc.append(pltpu.async_copy(rows_d.at[pl.ds(j * SUB, SUB)],
                                       aggr_sh.at[dstb.at[j]], sem, add=True))
            sc.append(pltpu.async_copy(onesb, deg_sh.at[dstb.at[j]], sem,
                                       add=True))
        for cp in sc:
            cp.wait()
        return 0

    lax.fori_loop(0, NCH, chunk, 0)
    plsc.subcore_barrier()

    sl = pl.ds(w * PER_W, PER_W)
    pltpu.sync_copy(aggr_sh.at[sl], aggr_out.at[c, sl])
    pltpu.sync_copy(deg_sh.at[sl], deg_out.at[c, sl])


def _sc_embed(pre_d2, pre_s2, src3, dst3, pre_e3, z32, zn):
    mesh = plsc.VectorSubcoreMesh(core_axis_name="c", subcore_axis_name="s")
    return pl.kernel(
        _sc_embed_body,
        out_type=[
            jax.ShapeDtypeStruct((2, NPAD, 32), jnp.float32),
            jax.ShapeDtypeStruct((2, NPAD), jnp.float32),
        ],
        mesh=mesh,
        compiler_params=pltpu.CompilerParams(use_tc_tiling_on_sc=False, needs_layout_passes=False),
        scratch_types=[
            pltpu.VMEM((NSUB, SUB), jnp.int32),
            pltpu.VMEM((NSUB, SUB), jnp.int32),
            pltpu.VMEM((NSUB, SUB), jnp.int32),
            pltpu.VMEM((EC, 32), jnp.float32),
            pltpu.VMEM((EC, 32), jnp.float32),
            pltpu.VMEM((EC, 32), jnp.float32),
            pltpu.VMEM((SUB,), jnp.float32),
            pltpu.VMEM_SHARED((NPAD, 32), jnp.float32),
            pltpu.VMEM_SHARED((NPAD,), jnp.float32),
            pltpu.SemaphoreType.DMA,
        ],
    )(pre_d2, pre_s2, src3, dst3, pre_e3, z32, zn)



def _sc_gat_body(asrc_hbm, adst_hbm, hs_hbm, src_hbm, dst_hbm, ae_hbm, s_hbm,
                 z64_hbm, zn_hbm,
                 num_out, den_out,
                 asrc_v, adst_v, srcb, dstb, gsb, aeb, exb,
                 hsrows, svec, num_sh, den_sh, sem):
    c = lax.axis_index("c")
    w = lax.axis_index("s")
    cn16 = jnp.full((16,), c * NPAD, jnp.int32)

    pltpu.sync_copy(z64_hbm, num_sh.at[pl.ds(w * PER_W, PER_W)])
    pltpu.sync_copy(zn_hbm, den_sh.at[pl.ds(w * PER_W, PER_W)])
    pltpu.sync_copy(asrc_hbm.at[c], asrc_v)
    pltpu.sync_copy(adst_hbm.at[c], adst_v)
    pltpu.sync_copy(s_hbm.at[c], svec)
    plsc.subcore_barrier()
    sv = svec[...]

    def chunk(k, _):
        lds = [pltpu.async_copy(src_hbm.at[c, w, k], srcb, sem),
               pltpu.async_copy(dst_hbm.at[c, w, k], dstb, sem),
               pltpu.async_copy(ae_hbm.at[c, w, k], aeb, sem)]
        for cp in lds:
            cp.wait()

        def offs(i, _):
            j, q = i // (SUB // 16), i % (SUB // 16)
            sl = pl.ds(q * 16, 16)
            gsb[j, sl] = srcb[j, sl] + cn16
            return 0
        lax.fori_loop(0, ECG // 16, offs, 0, unroll=4)

        cps = []
        for j in range(NSUBG):
            cps.append(pltpu.async_copy(hs_hbm.at[gsb.at[j]],
                                        hsrows.at[pl.ds(j * SUB, SUB)], sem))

        def attn(i, _):
            j, q = i // (SUB // 16), i % (SUB // 16)
            sl = pl.ds(q * 16, 16)
            a = plsc.load_gather(asrc_v, [srcb[j, sl]])
            b = plsc.load_gather(adst_v, [dstb[j, sl]])
            t = (a + b) + aeb[j, sl]
            al = jnp.maximum(t, 0.2 * t)
            exb[j, sl] = jnp.exp(al - sv)
            return 0
        lax.fori_loop(0, ECG // 16, attn, 0, unroll=4)

        for cp in cps:
            cp.wait()

        def scale(i, _):
            jj, j = i // SUB, i % SUB
            e16 = plsc.load_gather(exb, [jnp.full((16,), jj, jnp.int32),
                                         jnp.full((16,), j, jnp.int32)])
            for q in range(4):
                sl = pl.ds(q * 16, 16)
                hsrows[i, sl] = hsrows[i, sl] * e16
            return 0
        lax.fori_loop(0, ECG, scale, 0, unroll=8)

        sc = []
        for j in range(NSUBG):
            sc.append(pltpu.async_copy(hsrows.at[pl.ds(j * SUB, SUB)],
                                       num_sh.at[dstb.at[j]], sem, add=True))
            sc.append(pltpu.async_copy(exb.at[j], den_sh.at[dstb.at[j]], sem,
                                       add=True))
        for cp in sc:
            cp.wait()
        return 0

    lax.fori_loop(0, NCHG, chunk, 0)
    plsc.subcore_barrier()

    sl = pl.ds(w * PER_W, PER_W)
    pltpu.sync_copy(num_sh.at[sl], num_out.at[c, sl])
    pltpu.sync_copy(den_sh.at[sl], den_out.at[c, sl])


def _sc_gat(asrc2, adst2, hs2, src3, dst3, ae3, s2, z64, zn):
    mesh = plsc.VectorSubcoreMesh(core_axis_name="c", subcore_axis_name="s")
    return pl.kernel(
        _sc_gat_body,
        out_type=[
            jax.ShapeDtypeStruct((2, NPAD, 64), jnp.float32),
            jax.ShapeDtypeStruct((2, NPAD), jnp.float32),
        ],
        mesh=mesh,
        compiler_params=pltpu.CompilerParams(use_tc_tiling_on_sc=False, needs_layout_passes=False),
        scratch_types=[
            pltpu.VMEM((NPAD,), jnp.float32),
            pltpu.VMEM((NPAD,), jnp.float32),
            pltpu.VMEM((NSUBG, SUB), jnp.int32),
            pltpu.VMEM((NSUBG, SUB), jnp.int32),
            pltpu.VMEM((NSUBG, SUB), jnp.int32),
            pltpu.VMEM((NSUBG, SUB), jnp.float32),
            pltpu.VMEM((NSUBG, SUB), jnp.float32),
            pltpu.VMEM((ECG, 64), jnp.float32),
            pltpu.VMEM((16,), jnp.float32),
            pltpu.VMEM_SHARED((NPAD, 64), jnp.float32),
            pltpu.VMEM_SHARED((NPAD,), jnp.float32),
            pltpu.SemaphoreType.DMA,
        ],
    )(asrc2, adst2, hs2, src3, dst3, ae3, s2, z64, zn)



def _pad_edges(idx):
    return jnp.concatenate(
        [idx, jnp.full((EPAD - N_EDGES,), NPAD - 1, jnp.int32)])


def kernel(x_s, edge_index_s, edge_attr_s, x_s_batch,
           x_t, edge_index_t, edge_attr_t, x_t_batch, params):
    P = params
    n = x_s.shape[0]

    xe_s = _lrelu(x_s @ P['W_node'] + P['b_node'])
    xe_t = _lrelu(x_t @ P['W_node'] + P['b_node'])
    pre_d_s = xe_s @ P['W_msg1'][0:64]
    pre_s_s = xe_s @ P['W_msg1'][64:128]
    pre_d_t = xe_t @ P['W_msg1'][0:64]
    pre_s_t = xe_t @ P['W_msg1'][64:128]

    def padn(a):
        return jnp.pad(a, ((0, NPAD - n), (0, 0)))

    pre_d2 = jnp.concatenate([padn(pre_d_s), padn(pre_d_t)])
    pre_s2 = jnp.concatenate([padn(pre_s_s), padn(pre_s_t)])

    src3 = jnp.stack([_pad_edges(edge_index_s[0]),
                      _pad_edges(edge_index_t[0])]).reshape(2, NSC, NCH, NSUB, SUB)
    dst3 = jnp.stack([_pad_edges(edge_index_s[1]),
                      _pad_edges(edge_index_t[1])]).reshape(2, NSC, NCH, NSUB, SUB)

    ea_pad = jnp.pad(jnp.stack([edge_attr_s, edge_attr_t]),
                     ((0, 0), (0, EPAD - N_EDGES), (0, 0))
                     ).reshape(2 * EPAD, 1)
    pre_e = _pre_e(ea_pad, P['W_edge'][0:1], P['b_edge'][None, :],
                   P['W_msg1'][128:192], P['b_msg1'][None, :])
    pre_e3 = pre_e.reshape(2, NSC, NCH, EC, 32)

    z32 = jnp.zeros((PER_W, 32), jnp.float32)
    z64 = jnp.zeros((PER_W, 64), jnp.float32)
    zn = jnp.zeros((PER_W,), jnp.float32)

    aggr32, deg = _sc_embed(pre_d2, pre_s2, src3, dst3, pre_e3, z32, zn)

    W2b = _bt(P['W_msg2'])
    outs = []
    svals = []
    gat_inputs = []
    for g, (x, ea) in enumerate(((x_s, edge_attr_s), (x_t, edge_attr_t))):
        aggr = jax.lax.dot_general(aggr32[g, :n], W2b, (((1,), (0,)), ((), ())),
                                   precision=_HI) + deg[g, :n, None] * P['b_msg2']
        h = _lrelu(jnp.concatenate([x, aggr], axis=1) @ P['W_upd'] + P['b_upd'])
        h = _bn(h, P['bn_w'], P['bn_b'])
        hs = h @ P['gat_W']
        a_src = (hs * P['att_src']).sum(-1)
        a_dst = (hs * P['att_dst']).sum(-1)
        ce = (P['gat_We'][0] * P['att_edge']).sum()
        eav = ea[:, 0]
        ea_mean = eav.mean()
        a_e = eav * ce
        a_e_self = ea_mean * ce
        ub = a_src.max() + a_dst.max() + jnp.maximum(jnp.max(a_e), a_e_self)
        S = _lrelu(ub, 0.2)
        gat_inputs.append((hs, a_src, a_dst, a_e, a_e_self, S))

    def padv(a):
        return jnp.pad(a, ((0, NPAD - n),))

    asrc2 = jnp.stack([padv(gat_inputs[0][1]), padv(gat_inputs[1][1])])
    adst2 = jnp.stack([padv(gat_inputs[0][2]), padv(gat_inputs[1][2])])
    hs2 = jnp.concatenate([padn(gat_inputs[0][0]), padn(gat_inputs[1][0])])
    ae3 = jnp.stack([
        jnp.pad(gat_inputs[0][3], (0, EPAD - N_EDGES)),
        jnp.pad(gat_inputs[1][3], (0, EPAD - N_EDGES)),
    ]).reshape(2, NSC, NCHG, NSUBG, SUB)
    s2 = jnp.stack([jnp.broadcast_to(gat_inputs[0][5], (16,)),
                    jnp.broadcast_to(gat_inputs[1][5], (16,))])

    num, den = _sc_gat(asrc2, adst2, hs2, src3, dst3, ae3, s2, z64, zn)

    for g, batch in enumerate((x_s_batch, x_t_batch)):
        hs, a_src, a_dst, a_e, a_e_self, S = gat_inputs[g]
        alpha_self = _lrelu(a_src + a_dst + a_e_self, 0.2)
        ex_self = jnp.exp(alpha_self - S)
        den_g = den[g, :n] + ex_self
        num_g = num[g, :n] + ex_self[:, None] * hs
        gat = num_g / (den_g[:, None] + 1e-16) + P['gat_b']
        s = gat @ P['ag_W1'] + P['ag_b1']
        s = jnp.where(s >= 0, s, P['prelu_a'] * s)
        gsm = jax.nn.softmax(gat @ P['ag_Wg'] + P['ag_bg'], axis=1)
        s = _lrelu((s * gsm) @ P['ag_Wf1'] + P['ag_bf1'])
        s = s @ P['ag_Wf2'] + P['ag_bf2']
        oh = (batch[None, :] == jnp.arange(N_GRAPHS, dtype=jnp.int32)[:, None]
              ).astype(jnp.float32)
        sums = jax.lax.dot_general(oh, s, (((1,), (0,)), ((), ())),
                                   precision=_HI)
        outs.append(sums / jnp.clip(oh.sum(1), 1.0)[:, None])

    out = jnp.concatenate(outs, axis=1)
    h = out @ P['c_W1'] + P['c_b1']
    h = jax.nn.relu(_bn(h, P['c_bn1w'], P['c_bn1b']))
    h = h @ P['c_W2'] + P['c_b2']
    h = jax.nn.relu(_bn(h, P['c_bn2w'], P['c_bn2b']))
    h = h @ P['c_W3'] + P['c_b3']
    return h

# --- scband reference (transcript-rebuilt; emitter-appended) ---
"""Pipeline reference for scband-gengat-48000554500394 (READ-ONLY COPY).

The authoritative reference and input builder live on the scoring server;
editing this copy changes nothing except your own understanding.
"""

import jax, jax.numpy as jnp
import numpy as np

N_NODES = 10000
N_EDGES = 320000
N_GRAPHS = 8


def _lrelu(x, s=0.01):
    return jnp.where(x >= 0, x, s * x)


def _bn(x, w, b, eps=1e-5):
    m = x.mean(0)
    v = ((x - m) ** 2).mean(0)
    return (x - m) / jnp.sqrt(v + eps) * w + b


def _make_params(key):
    ks = list(jax.random.split(key, 64))
    ctr = [0]
    def nk():
        k = ks[ctr[0]]
        ctr[0] += 1
        return k
    def lin(i, o):
        s = 1.0 / np.sqrt(i)
        W = jax.random.uniform(nk(), (i, o), minval=-s, maxval=s, dtype=jnp.float32)
        b = jax.random.uniform(nk(), (o,), minval=-s, maxval=s, dtype=jnp.float32)
        return W, b
    P = {}
    P['W_node'], P['b_node'] = lin(3, 64)
    P['W_edge'], P['b_edge'] = lin(1, 64)
    P['W_msg1'], P['b_msg1'] = lin(192, 32)
    P['W_msg2'], P['b_msg2'] = lin(32, 64)
    P['W_upd'], P['b_upd'] = lin(67, 64)
    P['bn_w'] = jnp.ones(64, jnp.float32)
    P['bn_b'] = jnp.zeros(64, jnp.float32)
    P['gat_W'], _ = lin(64, 64)
    P['att_src'] = jax.random.normal(nk(), (64,), jnp.float32) * 0.1
    P['att_dst'] = jax.random.normal(nk(), (64,), jnp.float32) * 0.1
    P['gat_We'], _ = lin(1, 64)
    P['att_edge'] = jax.random.normal(nk(), (64,), jnp.float32) * 0.1
    P['gat_b'] = jnp.zeros(64, jnp.float32)
    P['ag_W1'], P['ag_b1'] = lin(64, 32)
    P['prelu_a'] = jnp.asarray(0.25, jnp.float32)
    P['ag_Wg'], P['ag_bg'] = lin(64, 32)
    P['ag_Wf1'], P['ag_bf1'] = lin(32, 48)
    P['ag_Wf2'], P['ag_bf2'] = lin(48, 32)
    P['c_W1'], P['c_b1'] = lin(64, 32)
    P['c_bn1w'] = jnp.ones(32, jnp.float32)
    P['c_bn1b'] = jnp.zeros(32, jnp.float32)
    P['c_W2'], P['c_b2'] = lin(32, 32)
    P['c_bn2w'] = jnp.ones(32, jnp.float32)
    P['c_bn2b'] = jnp.zeros(32, jnp.float32)
    P['c_W3'], P['c_b3'] = lin(32, 2)
    return P


def _embed(x, edge_index, edge_attr, batch, P):
    src = edge_index[0]
    dst = edge_index[1]
    n = x.shape[0]
    # GEmbedLayer
    xe = _lrelu(x @ P['W_node'] + P['b_node'])
    ee = _lrelu(edge_attr @ P['W_edge'] + P['b_edge'])
    m = jnp.concatenate([xe[dst], xe[src], ee], axis=1)
    m = _lrelu(m @ P['W_msg1'] + P['b_msg1'])
    m = m @ P['W_msg2'] + P['b_msg2']
    aggr = jnp.zeros((n, 64), dtype=x.dtype).at[dst].add(m)
    h = _lrelu(jnp.concatenate([x, aggr], axis=1) @ P['W_upd'] + P['b_upd'])
    h = _bn(h, P['bn_w'], P['bn_b'])
    # GATConv (heads=1, edge_dim=1, add_self_loops with mean edge fill)
    loop = jnp.arange(n)
    src2 = jnp.concatenate([src, loop])
    dst2 = jnp.concatenate([dst, loop])
    ea_mean = edge_attr.mean(axis=0)
    ea2 = jnp.concatenate([edge_attr, jnp.broadcast_to(ea_mean, (n, edge_attr.shape[1]))], axis=0)
    hs = h @ P['gat_W']
    a_src = (hs * P['att_src']).sum(-1)
    a_dst = (hs * P['att_dst']).sum(-1)
    eg = ea2 @ P['gat_We']
    a_e = (eg * P['att_edge']).sum(-1)
    alpha = _lrelu(a_src[src2] + a_dst[dst2] + a_e, 0.2)
    amax = jax.lax.stop_gradient(jax.ops.segment_max(alpha, dst2, num_segments=n))
    ex = jnp.exp(alpha - amax[dst2])
    den = jax.ops.segment_sum(ex, dst2, num_segments=n)
    w = ex / (den[dst2] + 1e-16)
    gat = jnp.zeros((n, 64), dtype=x.dtype).at[dst2].add(w[:, None] * hs[src2]) + P['gat_b']
    # GraphAggregator
    s = gat @ P['ag_W1'] + P['ag_b1']
    s = jnp.where(s >= 0, s, P['prelu_a'] * s)
    g = jax.nn.softmax(gat @ P['ag_Wg'] + P['ag_bg'], axis=1)
    s = _lrelu((s * g) @ P['ag_Wf1'] + P['ag_bf1'])
    s = s @ P['ag_Wf2'] + P['ag_bf2']
    # scatter_mean over graphs
    sums = jax.ops.segment_sum(s, batch, num_segments=N_GRAPHS)
    cnt = jax.ops.segment_sum(jnp.ones((n,), dtype=x.dtype), batch, num_segments=N_GRAPHS)
    return sums / jnp.clip(cnt, 1.0)[:, None]


def _forward(x_s, edge_index_s, edge_attr_s, x_s_batch, x_t, edge_index_t, edge_attr_t, x_t_batch, P):
    es = _embed(x_s, edge_index_s, edge_attr_s, x_s_batch, P)
    et = _embed(x_t, edge_index_t, edge_attr_t, x_t_batch, P)
    out = jnp.concatenate([es, et], axis=1)
    out = out.reshape(out.shape[0], -1)
    # MLP(64, 32, 2, num_layers=3) with batch-norm + relu between layers
    h = out @ P['c_W1'] + P['c_b1']
    h = jax.nn.relu(_bn(h, P['c_bn1w'], P['c_bn1b']))
    h = h @ P['c_W2'] + P['c_b2']
    h = jax.nn.relu(_bn(h, P['c_bn2w'], P['c_bn2b']))
    h = h @ P['c_W3'] + P['c_b3']
    return h


def setup_inputs(seed: int = 0):
    key = jax.random.key(seed)
    ks = jax.random.split(key, 12)
    inp = {}
    inp['x_s'] = jax.random.normal(ks[0], (N_NODES, 3), dtype=jnp.float32)
    inp['edge_index_s'] = jax.random.randint(ks[1], (2, N_EDGES), 0, N_NODES, dtype=jnp.int32)
    inp['edge_attr_s'] = jax.random.normal(ks[2], (N_EDGES, 1), dtype=jnp.float32)
    inp['x_s_batch'] = jnp.sort(jax.random.randint(ks[3], (N_NODES,), 0, N_GRAPHS, dtype=jnp.int32))
    inp['x_t'] = jax.random.normal(ks[4], (N_NODES, 3), dtype=jnp.float32)
    inp['edge_index_t'] = jax.random.randint(ks[5], (2, N_EDGES), 0, N_NODES, dtype=jnp.int32)
    inp['edge_attr_t'] = jax.random.normal(ks[6], (N_EDGES, 1), dtype=jnp.float32)
    inp['x_t_batch'] = jnp.sort(jax.random.randint(ks[7], (N_NODES,), 0, N_GRAPHS, dtype=jnp.int32))
    inp['params'] = _make_params(ks[8])
    return inp


def reference(x_s, edge_index_s, edge_attr_s, x_s_batch, x_t, edge_index_t, edge_attr_t, x_t_batch, params):
    return _forward(x_s, edge_index_s, edge_attr_s, x_s_batch, x_t, edge_index_t, edge_attr_t, x_t_batch, params)

if __name__ == "__main__":
    import jax
    _d = setup_inputs()
    print(jax.jit(kernel)(*tuple(_d.values())))

</pallas_src>

<mosaic_0001>
#map = affine_map<(d0, d1) -> (0, 0)>
#map1 = affine_map<(d0, d1) -> (0, 0, 0, 0, 0)>
#map2 = affine_map<(d0, d1) -> (0)>
#map3 = affine_map<(d0, d1) -> (0, 0, 0)>
module attributes {stable_mosaic.version = 14 : i64} {
  func.func @_sc_embed_body(%arg0: i32, %arg1: i32, %arg2: memref<20480x32xf32, #tpu.memory_space<hbm>>, %arg3: memref<20480x32xf32, #tpu.memory_space<hbm>>, %arg4: memref<2x16x40x4x128xi32, #tpu.memory_space<hbm>>, %arg5: memref<2x16x40x4x128xi32, #tpu.memory_space<hbm>>, %arg6: memref<2x16x40x512x32xf32, #tpu.memory_space<hbm>>, %arg7: memref<640x32xf32, #tpu.memory_space<hbm>>, %arg8: memref<640xf32, #tpu.memory_space<hbm>>, %arg9: memref<2x10240x32xf32, #tpu.memory_space<hbm>>, %arg10: memref<2x10240xf32, #tpu.memory_space<hbm>>, %arg11: memref<4x128xi32, #tpu.memory_space<vmem>>, %arg12: memref<4x128xi32, #tpu.memory_space<vmem>>, %arg13: memref<4x128xi32, #tpu.memory_space<vmem>>, %arg14: memref<512x32xf32, #tpu.memory_space<vmem>>, %arg15: memref<512x32xf32, #tpu.memory_space<vmem>>, %arg16: memref<512x32xf32, #tpu.memory_space<vmem>>, %arg17: memref<128xf32, #tpu.memory_space<vmem>>, %arg18: memref<10240x32xf32, #tpu.memory_space<vmem_shared>>, %arg19: memref<10240xf32, #tpu.memory_space<vmem_shared>>, %arg20: memref<!tpu.dma_semaphore, #tpu.memory_space<semaphore_mem>>) attributes {dimension_semantics = [#tpu.dimension_semantics<core_parallel>, #tpu.dimension_semantics<subcore_parallel>], iteration_bounds = array<i64: 2, 16>, scalar_prefetch = 0 : i64, scratch_operands = 10 : i64, tpu.core_type = #tpu.core_type<sc_vector_subcore>, window_params = [{transform_indices = #map}, {transform_indices = #map}, {transform_indices = #map1}, {transform_indices = #map1}, {transform_indices = #map1}, {transform_indices = #map}, {transform_indices = #map2}, {transform_indices = #map3}, {transform_indices = #map}]} {
    %mul3A = arith.constant 10240 : i32
    %mul3A_0 = arith.muli %arg0, %mul3A : i32
    %broadcast_in_dim3A = vector.broadcast %mul3A_0 : i32 to vector<16xi32>
    %mul3A_1 = arith.constant 640 : i32
    %mul3A_2 = arith.muli %arg1, %mul3A_1 : i32
    "tpu.region"() ({
      %run_scoped3A = tpu.sem_alloc : memref<!tpu.dma_semaphore, #tpu.memory_space<semaphore_mem>>
      %dma_start3A = arith.constant 0 : i32
      %dma_start3A_21 = tpu.memref_slice %arg18[%mul3A_2, %dma_start3A] : memref<10240x32xf32, #tpu.memory_space<vmem_shared>> -> memref<640x32xf32, #tpu.memory_space<vmem_shared>>
      tpu.enqueue_dma source(%arg7 : memref<640x32xf32, #tpu.memory_space<hbm>>) target(%dma_start3A_21 : memref<640x32xf32, #tpu.memory_space<vmem_shared>>) target_semaphore(%run_scoped3A : memref<!tpu.dma_semaphore, #tpu.memory_space<semaphore_mem>>)
      %dma_wait3A = arith.constant 0 : i32
      %dma_wait3A_22 = tpu.memref_slice %arg18[%mul3A_2, %dma_wait3A] : memref<10240x32xf32, #tpu.memory_space<vmem_shared>> -> memref<640x32xf32, #tpu.memory_space<vmem_shared>>
      tpu.wait_dma2 semaphore(%run_scoped3A : memref<!tpu.dma_semaphore, #tpu.memory_space<semaphore_mem>>) src(%arg7 : memref<640x32xf32, #tpu.memory_space<hbm>>) dst(%dma_wait3A_22 : memref<640x32xf32, #tpu.memory_space<vmem_shared>>)
      tpu.yield
    }) : () -> ()
    %mul3A_3 = arith.constant 640 : i32
    %mul3A_4 = arith.muli %arg1, %mul3A_3 : i32
    "tpu.region"() ({
      %run_scoped3A = tpu.sem_alloc : memref<!tpu.dma_semaphore, #tpu.memory_space<semaphore_mem>>
      %dma_start3A = tpu.memref_slice %arg19[%mul3A_4] : memref<10240xf32, #tpu.memory_space<vmem_shared>> -> memref<640xf32, #tpu.memory_space<vmem_shared>>
      tpu.enqueue_dma source(%arg8 : memref<640xf32, #tpu.memory_space<hbm>>) target(%dma_start3A : memref<640xf32, #tpu.memory_space<vmem_shared>>) target_semaphore(%run_scoped3A : memref<!tpu.dma_semaphore, #tpu.memory_space<semaphore_mem>>)
      %dma_wait3A = tpu.memref_slice %arg19[%mul3A_4] : memref<10240xf32, #tpu.memory_space<vmem_shared>> -> memref<640xf32, #tpu.memory_space<vmem_shared>>
      tpu.wait_dma2 semaphore(%run_scoped3A : memref<!tpu.dma_semaphore, #tpu.memory_space<semaphore_mem>>) src(%arg8 : memref<640xf32, #tpu.memory_space<hbm>>) dst(%dma_wait3A : memref<640xf32, #tpu.memory_space<vmem_shared>>)
      tpu.yield
    }) : () -> ()
    %scan3A = arith.constant 0 : i32
    %scan3A_5 = arith.constant 0 : i32
    %scan3A_6 = arith.constant 8 : i32
    %scan3A_7 = arith.addi %scan3A_5, %scan3A_6 : i32
    %scan3A_8 = arith.constant 1 : i32
    %scan3A_9 = scf.for %scan3A_21 = %scan3A_5 to %scan3A_7 step %scan3A_8 iter_args(%scan3A_22 = %scan3A) -> (i32)  : i32 {
      %broadcast_in_dim3A_23 = arith.constant 1.000000e+00 : f32
      %broadcast_in_dim3A_24 = vector.broadcast %broadcast_in_dim3A_23 : f32 to vector<16xf32>
      %mul3A_25 = arith.constant 16 : i32
      %mul3A_26 = arith.muli %scan3A_21, %mul3A_25 : i32
      %swap3A = arith.index_cast %mul3A_26 : i32 to index
      %swap3A_27 = tpu.vector_load %arg17[%swap3A] {strides = array<i32>} : memref<128xf32, #tpu.memory_space<vmem>>, vector<16xf32>,
      tpu.vector_store %arg17[%swap3A], %broadcast_in_dim3A_24 {strides = array<i32>} : memref<128xf32, #tpu.memory_space<vmem>>, vector<16xf32>,
      %scan3A_28 = arith.constant 0 : i32
      scf.yield %scan3A_28 : i32
    }
    %scan3A_10 = arith.constant 8 : i32
    %barrier3A = arith.constant 0 : index
    tpu.barrier barrier_id(%barrier3A)
    %scan3A_11 = arith.constant 0 : i32
    %scan3A_12 = arith.constant 0 : i32
    %scan3A_13 = arith.constant 40 : i32
    %scan3A_14 = arith.addi %scan3A_12, %scan3A_13 : i32
    %scan3A_15 = arith.constant 1 : i32
    %scan3A_16 = scf.for %scan3A_21 = %scan3A_12 to %scan3A_14 step %scan3A_15 iter_args(%scan3A_22 = %scan3A_11) -> (i32)  : i32 {
      %dma_start3A = arith.constant 0 : i32
      %dma_start3A_23 = arith.constant 0 : i32
      %dma_start3A_24 = tpu.memref_slice %arg5[%arg0, %arg1, %scan3A_21, %dma_start3A, %dma_start3A_23] : memref<2x16x40x4x128xi32, #tpu.memory_space<hbm>> -> memref<1x1x1x4x128xi32, #tpu.memory_space<hbm>>
      %dma_start3A_25 = tpu.memref_squeeze %dma_start3A_24 : memref<1x1x1x4x128xi32, #tpu.memory_space<hbm>> -> memref<4x128xi32, #tpu.memory_space<hbm>>
      %dma_start3A_26 = arith.constant 0 : i32
      %dma_start3A_27 = arith.constant 0 : i32
      %dma_start3A_28 = tpu.memref_slice %arg5[%arg0, %arg1, %scan3A_21, %dma_start3A_26, %dma_start3A_27] : memref<2x16x40x4x128xi32, #tpu.memory_space<hbm>> -> memref<1x1x1x4x128xi32, #tpu.memory_space<hbm>>
      %dma_start3A_29 = tpu.memref_squeeze %dma_start3A_28 : memref<1x1x1x4x128xi32, #tpu.memory_space<hbm>> -> memref<4x128xi32, #tpu.memory_space<hbm>>
      tpu.enqueue_dma source(%dma_start3A_29 : memref<4x128xi32, #tpu.memory_space<hbm>>) target(%arg11 : memref<4x128xi32, #tpu.memory_space<vmem>>) target_semaphore(%arg20 : memref<!tpu.dma_semaphore, #tpu.memory_space<semaphore_mem>>)
      %dma_start3A_30 = arith.constant 0 : i32
      %dma_start3A_31 = arith.constant 0 : i32
      %dma_start3A_32 = tpu.memref_slice %arg4[%arg0, %arg1, %scan3A_21, %dma_start3A_30, %dma_start3A_31] : memref<2x16x40x4x128xi32, #tpu.memory_space<hbm>> -> memref<1x1x1x4x128xi32, #tpu.memory_space<hbm>>
      %dma_start3A_33 = tpu.memref_squeeze %dma_start3A_32 : memref<1x1x1x4x128xi32, #tpu.memory_space<hbm>> -> memref<4x128xi32, #tpu.memory_space<hbm>>
      %dma_start3A_34 = arith.constant 0 : i32
      %dma_start3A_35 = arith.constant 0 : i32
      %dma_start3A_36 = tpu.memref_slice %arg4[%arg0, %arg1, %scan3A_21, %dma_start3A_34, %dma_start3A_35] : memref<2x16x40x4x128xi32, #tpu.memory_space<hbm>> -> memref<1x1x1x4x128xi32, #tpu.memory_space<hbm>>
      %dma_start3A_37 = tpu.memref_squeeze %dma_start3A_36 : memref<1x1x1x4x128xi32, #tpu.memory_space<hbm>> -> memref<4x128xi32, #tpu.memory_space<hbm>>
      tpu.enqueue_dma source(%dma_start3A_37 : memref<4x128xi32, #tpu.memory_space<hbm>>) target(%arg13 : memref<4x128xi32, #tpu.memory_space<vmem>>) target_semaphore(%arg20 : memref<!tpu.dma_semaphore, #tpu.memory_space<semaphore_mem>>)
      %dma_start3A_38 = arith.constant 0 : i32
      %dma_start3A_39 = arith.constant 0 : i32
      %dma_start3A_40 = tpu.memref_slice %arg6[%arg0, %arg1, %scan3A_21, %dma_start3A_38, %dma_start3A_39] : memref<2x16x40x512x32xf32, #tpu.memory_space<hbm>> -> memref<1x1x1x512x32xf32, #tpu.memory_space<hbm>>
      %dma_start3A_41 = tpu.memref_squeeze %dma_start3A_40 : memref<1x1x1x512x32xf32, #tpu.memory_space<hbm>> -> memref<512x32xf32, #tpu.memory_space<hbm>>
      %dma_start3A_42 = arith.constant 0 : i32
      %dma_start3A_43 = arith.constant 0 : i32
      %dma_start3A_44 = tpu.memref_slice %arg6[%arg0, %arg1, %scan3A_21, %dma_start3A_42, %dma_start3A_43] : memref<2x16x40x512x32xf32, #tpu.memory_space<hbm>> -> memref<1x1x1x512x32xf32, #tpu.memory_space<hbm>>
      %dma_start3A_45 = tpu.memref_squeeze %dma_start3A_44 : memref<1x1x1x512x32xf32, #tpu.memory_space<hbm>> -> memref<512x32xf32, #tpu.memory_space<hbm>>
      tpu.enqueue_dma source(%dma_start3A_45 : memref<512x32xf32, #tpu.memory_space<hbm>>) target(%arg16 : memref<512x32xf32, #tpu.memory_space<vmem>>) target_semaphore(%arg20 : memref<!tpu.dma_semaphore, #tpu.memory_space<semaphore_mem>>)
      %dma_wait3A = arith.constant 0 : i32
      %dma_wait3A_46 = arith.constant 0 : i32
      %dma_wait3A_47 = tpu.memref_slice %arg5[%arg0, %arg1, %scan3A_21, %dma_wait3A, %dma_wait3A_46] : memref<2x16x40x4x128xi32, #tpu.memory_space<hbm>> -> memref<1x1x1x4x128xi32, #tpu.memory_space<hbm>>
      %dma_wait3A_48 = tpu.memref_squeeze %dma_wait3A_47 : memref<1x1x1x4x128xi32, #tpu.memory_space<hbm>> -> memref<4x128xi32, #tpu.memory_space<hbm>>
      %dma_wait3A_49 = arith.constant 0 : i32
      %dma_wait3A_50 = arith.constant 0 : i32
      %dma_wait3A_51 = tpu.memref_slice %arg5[%arg0, %arg1, %scan3A_21, %dma_wait3A_49, %dma_wait3A_50] : memref<2x16x40x4x128xi32, #tpu.memory_space<hbm>> -> memref<1x1x1x4x128xi32, #tpu.memory_space<hbm>>
      %dma_wait3A_52 = tpu.memref_squeeze %dma_wait3A_51 : memref<1x1x1x4x128xi32, #tpu.memory_space<hbm>> -> memref<4x128xi32, #tpu.memory_space<hbm>>
      tpu.wait_dma2 semaphore(%arg20 : memref<!tpu.dma_semaphore, #tpu.memory_space<semaphore_mem>>) src(%dma_wait3A_52 : memref<4x128xi32, #tpu.memory_space<hbm>>) dst(%arg11 : memref<4x128xi32, #tpu.memory_space<vmem>>)
      %dma_wait3A_53 = arith.constant 0 : i32
      %dma_wait3A_54 = arith.constant 0 : i32
      %dma_wait3A_55 = tpu.memref_slice %arg4[%arg0, %arg1, %scan3A_21, %dma_wait3A_53, %dma_wait3A_54] : memref<2x16x40x4x128xi32, #tpu.memory_space<hbm>> -> memref<1x1x1x4x128xi32, #tpu.memory_space<hbm>>
      %dma_wait3A_56 = tpu.memref_squeeze %dma_wait3A_55 : memref<1x1x1x4x128xi32, #tpu.memory_space<hbm>> -> memref<4x128xi32, #tpu.memory_space<hbm>>
      %dma_wait3A_57 = arith.constant 0 : i32
      %dma_wait3A_58 = arith.constant 0 : i32
      %dma_wait3A_59 = tpu.memref_slice %arg4[%arg0, %arg1, %scan3A_21, %dma_wait3A_57, %dma_wait3A_58] : memref<2x16x40x4x128xi32, #tpu.memory_space<hbm>> -> memref<1x1x1x4x128xi32, #tpu.memory_space<hbm>>
      %dma_wait3A_60 = tpu.memref_squeeze %dma_wait3A_59 : memref<1x1x1x4x128xi32, #tpu.memory_space<hbm>> -> memref<4x128xi32, #tpu.memory_space<hbm>>
      tpu.wait_dma2 semaphore(%arg20 : memref<!tpu.dma_semaphore, #tpu.memory_space<semaphore_mem>>) src(%dma_wait3A_60 : memref<4x128xi32, #tpu.memory_space<hbm>>) dst(%arg13 : memref<4x128xi32, #tpu.memory_space<vmem>>)
      %dma_wait3A_61 = arith.constant 0 : i32
      %dma_wait3A_62 = arith.constant 0 : i32
      %dma_wait3A_63 = tpu.memref_slice %arg6[%arg0, %arg1, %scan3A_21, %dma_wait3A_61, %dma_wait3A_62] : memref<2x16x40x512x32xf32, #tpu.memory_space<hbm>> -> memref<1x1x1x512x32xf32, #tpu.memory_space<hbm>>
      %dma_wait3A_64 = tpu.memref_squeeze %dma_wait3A_63 : memref<1x1x1x512x32xf32, #tpu.memory_space<hbm>> -> memref<512x32xf32, #tpu.memory_space<hbm>>
      %dma_wait3A_65 = arith.constant 0 : i32
      %dma_wait3A_66 = arith.constant 0 : i32
      %dma_wait3A_67 = tpu.memref_slice %arg6[%arg0, %arg1, %scan3A_21, %dma_wait3A_65, %dma_wait3A_66] : memref<2x16x40x512x32xf32, #tpu.memory_space<hbm>> -> memref<1x1x1x512x32xf32, #tpu.memory_space<hbm>>
      %dma_wait3A_68 = tpu.memref_squeeze %dma_wait3A_67 : memref<1x1x1x512x32xf32, #tpu.memory_space<hbm>> -> memref<512x32xf32, #tpu.memory_space<hbm>>
      tpu.wait_dma2 semaphore(%arg20 : memref<!tpu.dma_semaphore, #tpu.memory_space<semaphore_mem>>) src(%dma_wait3A_68 : memref<512x32xf32, #tpu.memory_space<hbm>>) dst(%arg16 : memref<512x32xf32, #tpu.memory_space<vmem>>)
      %scan3A_69 = arith.constant 0 : i32
      %scan3A_70 = arith.constant 0 : i32
      %scan3A_71 = arith.constant 32 : i32
      %scan3A_72 = arith.addi %scan3A_70, %scan3A_71 : i32
      %scan3A_73 = arith.constant 4 : i32
      %scan3A_74 = scf.for %scan3A_372 = %scan3A_70 to %scan3A_72 step %scan3A_73 iter_args(%scan3A_373 = %scan3A_69) -> (i32)  : i32 {
        %jit3A = arith.constant 8 : i32
        %div3A = arith.divsi %scan3A_372, %jit3A : i32
        %sign3A = arith.constant 0 : i32
        %sign3A_374 = arith.cmpi sgt, %scan3A_372, %sign3A : i32
        %sign3A_375 = arith.extui %sign3A_374 : i1 to i32
        %sign3A_376 = arith.constant 0 : i32
        %sign3A_377 = arith.cmpi slt, %scan3A_372, %sign3A_376 : i32
        %sign3A_378 = arith.extui %sign3A_377 : i1 to i32
        %sign3A_379 = arith.subi %sign3A_375, %sign3A_378 : i32
        %sign3A_380 = arith.constant 0 : i32
        %sign3A_381 = arith.cmpi sgt, %jit3A, %sign3A_380 : i32
        %sign3A_382 = arith.extui %sign3A_381 : i1 to i32
        %sign3A_383 = arith.constant 0 : i32
        %sign3A_384 = arith.cmpi slt, %jit3A, %sign3A_383 : i32
        %sign3A_385 = arith.extui %sign3A_384 : i1 to i32
        %sign3A_386 = arith.subi %sign3A_382, %sign3A_385 : i32
        %ne3A = arith.cmpi ne, %sign3A_379, %sign3A_386 : i32
        %rem3A = arith.remsi %scan3A_372, %jit3A : i32
        %ne3A_387 = arith.constant 0 : i32
        %ne3A_388 = arith.cmpi ne, %rem3A, %ne3A_387 : i32
        %and3A = arith.andi %ne3A, %ne3A_388 : i1
        %sub3A = arith.constant 1 : i32
        %sub3A_389 = arith.subi %div3A, %sub3A : i32
        %select_n3A = arith.select %and3A, %sub3A_389, %div3A : i32
        %jit3A_390 = arith.constant 8 : i32
        %eq3A = arith.constant 0 : i32
        %eq3A_391 = arith.cmpi eq, %jit3A_390, %eq3A : i32
        %jit3A_392 = arith.constant 1 : i32
        %select_n3A_393 = arith.select %eq3A_391, %jit3A_392, %jit3A_390 : i32
        %rem3A_394 = arith.remsi %scan3A_372, %select_n3A_393 : i32
        %ne3A_395 = arith.constant 0 : i32
        %ne3A_396 = arith.cmpi ne, %rem3A_394, %ne3A_395 : i32
        %lt3A = arith.constant 0 : i32
        %lt3A_397 = arith.cmpi slt, %rem3A_394, %lt3A : i32
        %lt3A_398 = arith.constant 0 : i32
        %lt3A_399 = arith.cmpi slt, %select_n3A_393, %lt3A_398 : i32
        %ne3A_400 = arith.xori %lt3A_397, %lt3A_399 : i1
        %and3A_401 = arith.andi %ne3A_400, %ne3A_396 : i1
        %add3A = arith.addi %rem3A_394, %select_n3A_393 : i32
        %select_n3A_402 = arith.select %and3A_401, %add3A, %rem3A_394 : i32
        %mul3A_403 = arith.constant 16 : i32
        %mul3A_404 = arith.muli %select_n3A_402, %mul3A_403 : i32
        %get3A = arith.index_cast %select_n3A : i32 to index
        %get3A_405 = arith.index_cast %mul3A_404 : i32 to index
        %get3A_406 = tpu.vector_load %arg11[%get3A, %get3A_405] {strides = array<i32>} : memref<4x128xi32, #tpu.memory_space<vmem>>, vector<16xi32>,
        %add3A_407 = arith.addi %get3A_406, %broadcast_in_dim3A : vector<16xi32>
        %swap3A = arith.index_cast %select_n3A : i32 to index
        %swap3A_408 = arith.index_cast %mul3A_404 : i32 to index
        %swap3A_409 = tpu.vector_load %arg12[%swap3A, %swap3A_408] {strides = array<i32>} : memref<4x128xi32, #tpu.memory_space<vmem>>, vector<16xi32>,
        tpu.vector_store %arg12[%swap3A, %swap3A_408], %add3A_407 {strides = array<i32>} : memref<4x128xi32, #tpu.memory_space<vmem>>, vector<16xi32>,
        %get3A_410 = arith.index_cast %select_n3A : i32 to index
        %get3A_411 = arith.index_cast %mul3A_404 : i32 to index
        %get3A_412 = tpu.vector_load %arg13[%get3A_410, %get3A_411] {strides = array<i32>} : memref<4x128xi32, #tpu.memory_space<vmem>>, vector<16xi32>,
        %add3A_413 = arith.addi %get3A_412, %broadcast_in_dim3A : vector<16xi32>
        %swap3A_414 = arith.index_cast %select_n3A : i32 to index
        %swap3A_415 = arith.index_cast %mul3A_404 : i32 to index
        %swap3A_416 = tpu.vector_load %arg13[%swap3A_414, %swap3A_415] {strides = array<i32>} : memref<4x128xi32, #tpu.memory_space<vmem>>, vector<16xi32>,
        tpu.vector_store %arg13[%swap3A_414, %swap3A_415], %add3A_413 {strides = array<i32>} : memref<4x128xi32, #tpu.memory_space<vmem>>, vector<16xi32>,
        %scan3A_417 = arith.constant 0 : i32
        %scan3A_418 = arith.constant 1 : i32
        %scan3A_419 = arith.addi %scan3A_372, %scan3A_418 : i32
        %jit3A_420 = arith.constant 8 : i32
        %div3A_421 = arith.divsi %scan3A_419, %jit3A_420 : i32
        %sign3A_422 = arith.constant 0 : i32
        %sign3A_423 = arith.cmpi sgt, %scan3A_419, %sign3A_422 : i32
        %sign3A_424 = arith.extui %sign3A_423 : i1 to i32
        %sign3A_425 = arith.constant 0 : i32
        %sign3A_426 = arith.cmpi slt, %scan3A_419, %sign3A_425 : i32
        %sign3A_427 = arith.extui %sign3A_426 : i1 to i32
        %sign3A_428 = arith.subi %sign3A_424, %sign3A_427 : i32
        %sign3A_429 = arith.constant 0 : i32
        %sign3A_430 = arith.cmpi sgt, %jit3A_420, %sign3A_429 : i32
        %sign3A_431 = arith.extui %sign3A_430 : i1 to i32
        %sign3A_432 = arith.constant 0 : i32
        %sign3A_433 = arith.cmpi slt, %jit3A_420, %sign3A_432 : i32
        %sign3A_434 = arith.extui %sign3A_433 : i1 to i32
        %sign3A_435 = arith.subi %sign3A_431, %sign3A_434 : i32
        %ne3A_436 = arith.cmpi ne, %sign3A_428, %sign3A_435 : i32
        %rem3A_437 = arith.remsi %scan3A_419, %jit3A_420 : i32
        %ne3A_438 = arith.constant 0 : i32
        %ne3A_439 = arith.cmpi ne, %rem3A_437, %ne3A_438 : i32
        %and3A_440 = arith.andi %ne3A_436, %ne3A_439 : i1
        %sub3A_441 = arith.constant 1 : i32
        %sub3A_442 = arith.subi %div3A_421, %sub3A_441 : i32
        %select_n3A_443 = arith.select %and3A_440, %sub3A_442, %div3A_421 : i32
        %jit3A_444 = arith.constant 8 : i32
        %eq3A_445 = arith.constant 0 : i32
        %eq3A_446 = arith.cmpi eq, %jit3A_444, %eq3A_445 : i32
        %jit3A_447 = arith.constant 1 : i32
        %select_n3A_448 = arith.select %eq3A_446, %jit3A_447, %jit3A_444 : i32
        %rem3A_449 = arith.remsi %scan3A_419, %select_n3A_448 : i32
        %ne3A_450 = arith.constant 0 : i32
        %ne3A_451 = arith.cmpi ne, %rem3A_449, %ne3A_450 : i32
        %lt3A_452 = arith.constant 0 : i32
        %lt3A_453 = arith.cmpi slt, %rem3A_449, %lt3A_452 : i32
        %lt3A_454 = arith.constant 0 : i32
        %lt3A_455 = arith.cmpi slt, %select_n3A_448, %lt3A_454 : i32
        %ne3A_456 = arith.xori %lt3A_453, %lt3A_455 : i1
        %and3A_457 = arith.andi %ne3A_456, %ne3A_451 : i1
        %add3A_458 = arith.addi %rem3A_449, %select_n3A_448 : i32
        %select_n3A_459 = arith.select %and3A_457, %add3A_458, %rem3A_449 : i32
        %mul3A_460 = arith.constant 16 : i32
        %mul3A_461 = arith.muli %select_n3A_459, %mul3A_460 : i32
        %get3A_462 = arith.index_cast %select_n3A_443 : i32 to index
        %get3A_463 = arith.index_cast %mul3A_461 : i32 to index
        %get3A_464 = tpu.vector_load %arg11[%get3A_462, %get3A_463] {strides = array<i32>} : memref<4x128xi32, #tpu.memory_space<vmem>>, vector<16xi32>,
        %add3A_465 = arith.addi %get3A_464, %broadcast_in_dim3A : vector<16xi32>
        %swap3A_466 = arith.index_cast %select_n3A_443 : i32 to index
        %swap3A_467 = arith.index_cast %mul3A_461 : i32 to index
        %swap3A_468 = tpu.vector_load %arg12[%swap3A_466, %swap3A_467] {strides = array<i32>} : memref<4x128xi32, #tpu.memory_space<vmem>>, vector<16xi32>,
        tpu.vector_store %arg12[%swap3A_466, %swap3A_467], %add3A_465 {strides = array<i32>} : memref<4x128xi32, #tpu.memory_space<vmem>>, vector<16xi32>,
        %get3A_469 = arith.index_cast %select_n3A_443 : i32 to index
        %get3A_470 = arith.index_cast %mul3A_461 : i32 to index
        %get3A_471 = tpu.vector_load %arg13[%get3A_469, %get3A_470] {strides = array<i32>} : memref<4x128xi32, #tpu.memory_space<vmem>>, vector<16xi32>,
        %add3A_472 = arith.addi %get3A_471, %broadcast_in_dim3A : vector<16xi32>
        %swap3A_473 = arith.index_cast %select_n3A_443 : i32 to index
        %swap3A_474 = arith.index_cast %mul3A_461 : i32 to index
        %swap3A_475 = tpu.vector_load %arg13[%swap3A_473, %swap3A_474] {strides = array<i32>} : memref<4x128xi32, #tpu.memory_space<vmem>>, vector<16xi32>,
        tpu.vector_store %arg13[%swap3A_473, %swap3A_474], %add3A_472 {strides = array<i32>} : memref<4x128xi32, #tpu.memory_space<vmem>>, vector<16xi32>,
        %scan3A_476 = arith.constant 0 : i32
        %scan3A_477 = arith.constant 2 : i32
        %scan3A_478 = arith.addi %scan3A_372, %scan3A_477 : i32
        %jit3A_479 = arith.constant 8 : i32
        %div3A_480 = arith.divsi %scan3A_478, %jit3A_479 : i32
        %sign3A_481 = arith.constant 0 : i32
        %sign3A_482 = arith.cmpi sgt, %scan3A_478, %sign3A_481 : i32
        %sign3A_483 = arith.extui %sign3A_482 : i1 to i32
        %sign3A_484 = arith.constant 0 : i32
        %sign3A_485 = arith.cmpi slt, %scan3A_478, %sign3A_484 : i32
        %sign3A_486 = arith.extui %sign3A_485 : i1 to i32
        %sign3A_487 = arith.subi %sign3A_483, %sign3A_486 : i32
        %sign3A_488 = arith.constant 0 : i32
        %sign3A_489 = arith.cmpi sgt, %jit3A_479, %sign3A_488 : i32
        %sign3A_490 = arith.extui %sign3A_489 : i1 to i32
        %sign3A_491 = arith.constant 0 : i32
        %sign3A_492 = arith.cmpi slt, %jit3A_479, %sign3A_491 : i32
        %sign3A_493 = arith.extui %sign3A_492 : i1 to i32
        %sign3A_494 = arith.subi %sign3A_490, %sign3A_493 : i32
        %ne3A_495 = arith.cmpi ne, %sign3A_487, %sign3A_494 : i32
        %rem3A_496 = arith.remsi %scan3A_478, %jit3A_479 : i32
        %ne3A_497 = arith.constant 0 : i32
        %ne3A_498 = arith.cmpi ne, %rem3A_496, %ne3A_497 : i32
        %and3A_499 = arith.andi %ne3A_495, %ne3A_498 : i1
        %sub3A_500 = arith.constant 1 : i32
        %sub3A_501 = arith.subi %div3A_480, %sub3A_500 : i32
        %select_n3A_502 = arith.select %and3A_499, %sub3A_501, %div3A_480 : i32
        %jit3A_503 = arith.constant 8 : i32
        %eq3A_504 = arith.constant 0 : i32
        %eq3A_505 = arith.cmpi eq, %jit3A_503, %eq3A_504 : i32
        %jit3A_506 = arith.constant 1 : i32
        %select_n3A_507 = arith.select %eq3A_505, %jit3A_506, %jit3A_503 : i32
        %rem3A_508 = arith.remsi %scan3A_478, %select_n3A_507 : i32
        %ne3A_509 = arith.constant 0 : i32
        %ne3A_510 = arith.cmpi ne, %rem3A_508, %ne3A_509 : i32
        %lt3A_511 = arith.constant 0 : i32
        %lt3A_512 = arith.cmpi slt, %rem3A_508, %lt3A_511 : i32
        %lt3A_513 = arith.constant 0 : i32
        %lt3A_514 = arith.cmpi slt, %select_n3A_507, %lt3A_513 : i32
        %ne3A_515 = arith.xori %lt3A_512, %lt3A_514 : i1
        %and3A_516 = arith.andi %ne3A_515, %ne3A_510 : i1
        %add3A_517 = arith.addi %rem3A_508, %select_n3A_507 : i32
        %select_n3A_518 = arith.select %and3A_516, %add3A_517, %rem3A_508 : i32
        %mul3A_519 = arith.constant 16 : i32
        %mul3A_520 = arith.muli %select_n3A_518, %mul3A_519 : i32
        %get3A_521 = arith.index_cast %select_n3A_502 : i32 to index
        %get3A_522 = arith.index_cast %mul3A_520 : i32 to index
        %get3A_523 = tpu.vector_load %arg11[%get3A_521, %get3A_522] {strides = array<i32>} : memref<4x128xi32, #tpu.memory_space<vmem>>, vector<16xi32>,
        %add3A_524 = arith.addi %get3A_523, %broadcast_in_dim3A : vector<16xi32>
        %swap3A_525 = arith.index_cast %select_n3A_502 : i32 to index
        %swap3A_526 = arith.index_cast %mul3A_520 : i32 to index
        %swap3A_527 = tpu.vector_load %arg12[%swap3A_525, %swap3A_526] {strides = array<i32>} : memref<4x128xi32, #tpu.memory_space<vmem>>, vector<16xi32>,
        tpu.vector_store %arg12[%swap3A_525, %swap3A_526], %add3A_524 {strides = array<i32>} : memref<4x128xi32, #tpu.memory_space<vmem>>, vector<16xi32>,
        %get3A_528 = arith.index_cast %select_n3A_502 : i32 to index
        %get3A_529 = arith.index_cast %mul3A_520 : i32 to index
        %get3A_530 = tpu.vector_load %arg13[%get3A_528, %get3A_529] {strides = array<i32>} : memref<4x128xi32, #tpu.memory_space<vmem>>, vector<16xi32>,
        %add3A_531 = arith.addi %get3A_530, %broadcast_in_dim3A : vector<16xi32>
        %swap3A_532 = arith.index_cast %select_n3A_502 : i32 to index
        %swap3A_533 = arith.index_cast %mul3A_520 : i32 to index
        %swap3A_534 = tpu.vector_load %arg13[%swap3A_532, %swap3A_533] {strides = array<i32>} : memref<4x128xi32, #tpu.memory_space<vmem>>, vector<16xi32>,
        tpu.vector_store %arg13[%swap3A_532, %swap3A_533], %add3A_531 {strides = array<i32>} : memref<4x128xi32, #tpu.memory_space<vmem>>, vector<16xi32>,
        %scan3A_535 = arith.constant 0 : i32
        %scan3A_536 = arith.constant 3 : i32
        %scan3A_537 = arith.addi %scan3A_372, %scan3A_536 : i32
        %jit3A_538 = arith.constant 8 : i32
        %div3A_539 = arith.divsi %scan3A_537, %jit3A_538 : i32
        %sign3A_540 = arith.constant 0 : i32
        %sign3A_541 = arith.cmpi sgt, %scan3A_537, %sign3A_540 : i32
        %sign3A_542 = arith.extui %sign3A_541 : i1 to i32
        %sign3A_543 = arith.constant 0 : i32
        %sign3A_544 = arith.cmpi slt, %scan3A_537, %sign3A_543 : i32
        %sign3A_545 = arith.extui %sign3A_544 : i1 to i32
        %sign3A_546 = arith.subi %sign3A_542, %sign3A_545 : i32
        %sign3A_547 = arith.constant 0 : i32
        %sign3A_548 = arith.cmpi sgt, %jit3A_538, %sign3A_547 : i32
        %sign3A_549 = arith.extui %sign3A_548 : i1 to i32
        %sign3A_550 = arith.constant 0 : i32
        %sign3A_551 = arith.cmpi slt, %jit3A_538, %sign3A_550 : i32
        %sign3A_552 = arith.extui %sign3A_551 : i1 to i32
        %sign3A_553 = arith.subi %sign3A_549, %sign3A_552 : i32
        %ne3A_554 = arith.cmpi ne, %sign3A_546, %sign3A_553 : i32
        %rem3A_555 = arith.remsi %scan3A_537, %jit3A_538 : i32
        %ne3A_556 = arith.constant 0 : i32
        %ne3A_557 = arith.cmpi ne, %rem3A_555, %ne3A_556 : i32
        %and3A_558 = arith.andi %ne3A_554, %ne3A_557 : i1
        %sub3A_559 = arith.constant 1 : i32
        %sub3A_560 = arith.subi %div3A_539, %sub3A_559 : i32
        %select_n3A_561 = arith.select %and3A_558, %sub3A_560, %div3A_539 : i32
        %jit3A_562 = arith.constant 8 : i32
        %eq3A_563 = arith.constant 0 : i32
        %eq3A_564 = arith.cmpi eq, %jit3A_562, %eq3A_563 : i32
        %jit3A_565 = arith.constant 1 : i32
        %select_n3A_566 = arith.select %eq3A_564, %jit3A_565, %jit3A_562 : i32
        %rem3A_567 = arith.remsi %scan3A_537, %select_n3A_566 : i32
        %ne3A_568 = arith.constant 0 : i32
        %ne3A_569 = arith.cmpi ne, %rem3A_567, %ne3A_568 : i32
        %lt3A_570 = arith.constant 0 : i32
        %lt3A_571 = arith.cmpi slt, %rem3A_567, %lt3A_570 : i32
        %lt3A_572 = arith.constant 0 : i32
        %lt3A_573 = arith.cmpi slt, %select_n3A_566, %lt3A_572 : i32
        %ne3A_574 = arith.xori %lt3A_571, %lt3A_573 : i1
        %and3A_575 = arith.andi %ne3A_574, %ne3A_569 : i1
        %add3A_576 = arith.addi %rem3A_567, %select_n3A_566 : i32
        %select_n3A_577 = arith.select %and3A_575, %add3A_576, %rem3A_567 : i32
        %mul3A_578 = arith.constant 16 : i32
        %mul3A_579 = arith.muli %select_n3A_577, %mul3A_578 : i32
        %get3A_580 = arith.index_cast %select_n3A_561 : i32 to index
        %get3A_581 = arith.index_cast %mul3A_579 : i32 to index
        %get3A_582 = tpu.vector_load %arg11[%get3A_580, %get3A_581] {strides = array<i32>} : memref<4x128xi32, #tpu.memory_space<vmem>>, vector<16xi32>,
        %add3A_583 = arith.addi %get3A_582, %broadcast_in_dim3A : vector<16xi32>
        %swap3A_584 = arith.index_cast %select_n3A_561 : i32 to index
        %swap3A_585 = arith.index_cast %mul3A_579 : i32 to index
        %swap3A_586 = tpu.vector_load %arg12[%swap3A_584, %swap3A_585] {strides = array<i32>} : memref<4x128xi32, #tpu.memory_space<vmem>>, vector<16xi32>,
        tpu.vector_store %arg12[%swap3A_584, %swap3A_585], %add3A_583 {strides = array<i32>} : memref<4x128xi32, #tpu.memory_space<vmem>>, vector<16xi32>,
        %get3A_587 = arith.index_cast %select_n3A_561 : i32 to index
        %get3A_588 = arith.index_cast %mul3A_579 : i32 to index
        %get3A_589 = tpu.vector_load %arg13[%get3A_587, %get3A_588] {strides = array<i32>} : memref<4x128xi32, #tpu.memory_space<vmem>>, vector<16xi32>,
        %add3A_590 = arith.addi %get3A_589, %broadcast_in_dim3A : vector<16xi32>
        %swap3A_591 = arith.index_cast %select_n3A_561 : i32 to index
        %swap3A_592 = arith.index_cast %mul3A_579 : i32 to index
        %swap3A_593 = tpu.vector_load %arg13[%swap3A_591, %swap3A_592] {strides = array<i32>} : memref<4x128xi32, #tpu.memory_space<vmem>>, vector<16xi32>,
        tpu.vector_store %arg13[%swap3A_591, %swap3A_592], %add3A_590 {strides = array<i32>} : memref<4x128xi32, #tpu.memory_space<vmem>>, vector<16xi32>,
        %scan3A_594 = arith.constant 0 : i32
        scf.yield %scan3A_594 : i32
      }
      %scan3A_75 = arith.constant 32 : i32
      %dma_start3A_76 = arith.constant 0 : i32
      %dma_start3A_77 = arith.constant 0 : i32
      %dma_start3A_78 = arith.constant 0 : i32
      %dma_start3A_79 = tpu.memref_slice %arg14[%dma_start3A_77, %dma_start3A_78] : memref<512x32xf32, #tpu.memory_space<vmem>> -> memref<128x32xf32, #tpu.memory_space<vmem>>
      %dma_start3A_80 = arith.constant 0 : i32
      %dma_start3A_81 = tpu.memref_slice %arg12[%dma_start3A_76, %dma_start3A_80] : memref<4x128xi32, #tpu.memory_space<vmem>> -> memref<1x128xi32, #tpu.memory_space<vmem>>
      %dma_start3A_82 = tpu.memref_squeeze %dma_start3A_81 : memref<1x128xi32, #tpu.memory_space<vmem>> -> memref<128xi32, #tpu.memory_space<vmem>>
      %dma_start3A_83 = arith.constant 0 : i32
      %dma_start3A_84 = arith.constant 0 : i32
      %dma_start3A_85 = tpu.memref_slice %arg2[%dma_start3A_83, %dma_start3A_84] : memref<20480x32xf32, #tpu.memory_space<hbm>> -> memref<20480x32xf32, #tpu.memory_space<hbm>>
      tpu.enqueue_indirect_dma source(%dma_start3A_85 : memref<20480x32xf32, #tpu.memory_space<hbm>>) target(%dma_start3A_79 : memref<128x32xf32, #tpu.memory_space<vmem>>) offsets(%dma_start3A_82 : memref<128xi32, #tpu.memory_space<vmem>>) semaphore(%arg20 : memref<!tpu.dma_semaphore, #tpu.memory_space<semaphore_mem>>)
      %dma_start3A_86 = arith.constant 0 : i32
      %dma_start3A_87 = arith.constant 0 : i32
      %dma_start3A_88 = arith.constant 0 : i32
      %dma_start3A_89 = tpu.memref_slice %arg15[%dma_start3A_87, %dma_start3A_88] : memref<512x32xf32, #tpu.memory_space<vmem>> -> memref<128x32xf32, #tpu.memory_space<vmem>>
      %dma_start3A_90 = arith.constant 0 : i32
      %dma_start3A_91 = tpu.memref_slice %arg13[%dma_start3A_86, %dma_start3A_90] : memref<4x128xi32, #tpu.memory_space<vmem>> -> memref<1x128xi32, #tpu.memory_space<vmem>>
      %dma_start3A_92 = tpu.memref_squeeze %dma_start3A_91 : memref<1x128xi32, #tpu.memory_space<vmem>> -> memref<128xi32, #tpu.memory_space<vmem>>
      %dma_start3A_93 = arith.constant 0 : i32
      %dma_start3A_94 = arith.constant 0 : i32
      %dma_start3A_95 = tpu.memref_slice %arg3[%dma_start3A_93, %dma_start3A_94] : memref<20480x32xf32, #tpu.memory_space<hbm>> -> memref<20480x32xf32, #tpu.memory_space<hbm>>
      tpu.enqueue_indirect_dma source(%dma_start3A_95 : memref<20480x32xf32, #tpu.memory_space<hbm>>) target(%dma_start3A_89 : memref<128x32xf32, #tpu.memory_space<vmem>>) offsets(%dma_start3A_92 : memref<128xi32, #tpu.memory_space<vmem>>) semaphore(%arg20 : memref<!tpu.dma_semaphore, #tpu.memory_space<semaphore_mem>>)
      %dma_start3A_96 = arith.constant 1 : i32
      %dma_start3A_97 = arith.constant 128 : i32
      %dma_start3A_98 = arith.constant 0 : i32
      %dma_start3A_99 = tpu.memref_slice %arg14[%dma_start3A_97, %dma_start3A_98] : memref<512x32xf32, #tpu.memory_space<vmem>> -> memref<128x32xf32, #tpu.memory_space<vmem>>
      %dma_start3A_100 = arith.constant 0 : i32
      %dma_start3A_101 = tpu.memref_slice %arg12[%dma_start3A_96, %dma_start3A_100] : memref<4x128xi32, #tpu.memory_space<vmem>> -> memref<1x128xi32, #tpu.memory_space<vmem>>
      %dma_start3A_102 = tpu.memref_squeeze %dma_start3A_101 : memref<1x128xi32, #tpu.memory_space<vmem>> -> memref<128xi32, #tpu.memory_space<vmem>>
      %dma_start3A_103 = arith.constant 0 : i32
      %dma_start3A_104 = arith.constant 0 : i32
      %dma_start3A_105 = tpu.memref_slice %arg2[%dma_start3A_103, %dma_start3A_104] : memref<20480x32xf32, #tpu.memory_space<hbm>> -> memref<20480x32xf32, #tpu.memory_space<hbm>>
      tpu.enqueue_indirect_dma source(%dma_start3A_105 : memref<20480x32xf32, #tpu.memory_space<hbm>>) target(%dma_start3A_99 : memref<128x32xf32, #tpu.memory_space<vmem>>) offsets(%dma_start3A_102 : memref<128xi32, #tpu.memory_space<vmem>>) semaphore(%arg20 : memref<!tpu.dma_semaphore, #tpu.memory_space<semaphore_mem>>)
      %dma_start3A_106 = arith.constant 1 : i32
      %dma_start3A_107 = arith.constant 128 : i32
      %dma_start3A_108 = arith.constant 0 : i32
      %dma_start3A_109 = tpu.memref_slice %arg15[%dma_start3A_107, %dma_start3A_108] : memref<512x32xf32, #tpu.memory_space<vmem>> -> memref<128x32xf32, #tpu.memory_space<vmem>>
      %dma_start3A_110 = arith.constant 0 : i32
      %dma_start3A_111 = tpu.memref_slice %arg13[%dma_start3A_106, %dma_start3A_110] : memref<4x128xi32, #tpu.memory_space<vmem>> -> memref<1x128xi32, #tpu.memory_space<vmem>>
      %dma_start3A_112 = tpu.memref_squeeze %dma_start3A_111 : memref<1x128xi32, #tpu.memory_space<vmem>> -> memref<128xi32, #tpu.memory_space<vmem>>
      %dma_start3A_113 = arith.constant 0 : i32
      %dma_start3A_114 = arith.constant 0 : i32
      %dma_start3A_115 = tpu.memref_slice %arg3[%dma_start3A_113, %dma_start3A_114] : memref<20480x32xf32, #tpu.memory_space<hbm>> -> memref<20480x32xf32, #tpu.memory_space<hbm>>
      tpu.enqueue_indirect_dma source(%dma_start3A_115 : memref<20480x32xf32, #tpu.memory_space<hbm>>) target(%dma_start3A_109 : memref<128x32xf32, #tpu.memory_space<vmem>>) offsets(%dma_start3A_112 : memref<128xi32, #tpu.memory_space<vmem>>) semaphore(%arg20 : memref<!tpu.dma_semaphore, #tpu.memory_space<semaphore_mem>>)
      %dma_start3A_116 = arith.constant 2 : i32
      %dma_start3A_117 = arith.constant 256 : i32
      %dma_start3A_118 = arith.constant 0 : i32
      %dma_start3A_119 = tpu.memref_slice %arg14[%dma_start3A_117, %dma_start3A_118] : memref<512x32xf32, #tpu.memory_space<vmem>> -> memref<128x32xf32, #tpu.memory_space<vmem>>
      %dma_start3A_120 = arith.constant 0 : i32
      %dma_start3A_121 = tpu.memref_slice %arg12[%dma_start3A_116, %dma_start3A_120] : memref<4x128xi32, #tpu.memory_space<vmem>> -> memref<1x128xi32, #tpu.memory_space<vmem>>
      %dma_start3A_122 = tpu.memref_squeeze %dma_start3A_121 : memref<1x128xi32, #tpu.memory_space<vmem>> -> memref<128xi32, #tpu.memory_space<vmem>>
      %dma_start3A_123 = arith.constant 0 : i32
      %dma_start3A_124 = arith.constant 0 : i32
      %dma_start3A_125 = tpu.memref_slice %arg2[%dma_start3A_123, %dma_start3A_124] : memref<20480x32xf32, #tpu.memory_space<hbm>> -> memref<20480x32xf32, #tpu.memory_space<hbm>>
      tpu.enqueue_indirect_dma source(%dma_start3A_125 : memref<20480x32xf32, #tpu.memory_space<hbm>>) target(%dma_start3A_119 : memref<128x32xf32, #tpu.memory_space<vmem>>) offsets(%dma_start3A_122 : memref<128xi32, #tpu.memory_space<vmem>>) semaphore(%arg20 : memref<!tpu.dma_semaphore, #tpu.memory_space<semaphore_mem>>)
      %dma_start3A_126 = arith.constant 2 : i32
      %dma_start3A_127 = arith.constant 256 : i32
      %dma_start3A_128 = arith.constant 0 : i32
      %dma_start3A_129 = tpu.memref_slice %arg15[%dma_start3A_127, %dma_start3A_128] : memref<512x32xf32, #tpu.memory_space<vmem>> -> memref<128x32xf32, #tpu.memory_space<vmem>>
      %dma_start3A_130 = arith.constant 0 : i32
      %dma_start3A_131 = tpu.memref_slice %arg13[%dma_start3A_126, %dma_start3A_130] : memref<4x128xi32, #tpu.memory_space<vmem>> -> memref<1x128xi32, #tpu.memory_space<vmem>>
      %dma_start3A_132 = tpu.memref_squeeze %dma_start3A_131 : memref<1x128xi32, #tpu.memory_space<vmem>> -> memref<128xi32, #tpu.memory_space<vmem>>
      %dma_start3A_133 = arith.constant 0 : i32
      %dma_start3A_134 = arith.constant 0 : i32
      %dma_start3A_135 = tpu.memref_slice %arg3[%dma_start3A_133, %dma_start3A_134] : memref<20480x32xf32, #tpu.memory_space<hbm>> -> memref<20480x32xf32, #tpu.memory_space<hbm>>
      tpu.enqueue_indirect_dma source(%dma_start3A_135 : memref<20480x32xf32, #tpu.memory_space<hbm>>) target(%dma_start3A_129 : memref<128x32xf32, #tpu.memory_space<vmem>>) offsets(%dma_start3A_132 : memref<128xi32, #tpu.memory_space<vmem>>) semaphore(%arg20 : memref<!tpu.dma_semaphore, #tpu.memory_space<semaphore_mem>>)
      %dma_start3A_136 = arith.constant 3 : i32
      %dma_start3A_137 = arith.constant 384 : i32
      %dma_start3A_138 = arith.constant 0 : i32
      %dma_start3A_139 = tpu.memref_slice %arg14[%dma_start3A_137, %dma_start3A_138] : memref<512x32xf32, #tpu.memory_space<vmem>> -> memref<128x32xf32, #tpu.memory_space<vmem>>
      %dma_start3A_140 = arith.constant 0 : i32
      %dma_start3A_141 = tpu.memref_slice %arg12[%dma_start3A_136, %dma_start3A_140] : memref<4x128xi32, #tpu.memory_space<vmem>> -> memref<1x128xi32, #tpu.memory_space<vmem>>
      %dma_start3A_142 = tpu.memref_squeeze %dma_start3A_141 : memref<1x128xi32, #tpu.memory_space<vmem>> -> memref<128xi32, #tpu.memory_space<vmem>>
      %dma_start3A_143 = arith.constant 0 : i32
      %dma_start3A_144 = arith.constant 0 : i32
      %dma_start3A_145 = tpu.memref_slice %arg2[%dma_start3A_143, %dma_start3A_144] : memref<20480x32xf32, #tpu.memory_space<hbm>> -> memref<20480x32xf32, #tpu.memory_space<hbm>>
      tpu.enqueue_indirect_dma source(%dma_start3A_145 : memref<20480x32xf32, #tpu.memory_space<hbm>>) target(%dma_start3A_139 : memref<128x32xf32, #tpu.memory_space<vmem>>) offsets(%dma_start3A_142 : memref<128xi32, #tpu.memory_space<vmem>>) semaphore(%arg20 : memref<!tpu.dma_semaphore, #tpu.memory_space<semaphore_mem>>)
      %dma_start3A_146 = arith.constant 3 : i32
      %dma_start3A_147 = arith.constant 384 : i32
      %dma_start3A_148 = arith.constant 0 : i32
      %dma_start3A_149 = tpu.memref_slice %arg15[%dma_start3A_147, %dma_start3A_148] : memref<512x32xf32, #tpu.memory_space<vmem>> -> memref<128x32xf32, #tpu.memory_space<vmem>>
      %dma_start3A_150 = arith.constant 0 : i32
      %dma_start3A_151 = tpu.memref_slice %arg13[%dma_start3A_146, %dma_start3A_150] : memref<4x128xi32, #tpu.memory_space<vmem>> -> memref<1x128xi32, #tpu.memory_space<vmem>>
      %dma_start3A_152 = tpu.memref_squeeze %dma_start3A_151 : memref<1x128xi32, #tpu.memory_space<vmem>> -> memref<128xi32, #tpu.memory_space<vmem>>
      %dma_start3A_153 = arith.constant 0 : i32
      %dma_start3A_154 = arith.constant 0 : i32
      %dma_start3A_155 = tpu.memref_slice %arg3[%dma_start3A_153, %dma_start3A_154] : memref<20480x32xf32, #tpu.memory_space<hbm>> -> memref<20480x32xf32, #tpu.memory_space<hbm>>
      tpu.enqueue_indirect_dma source(%dma_start3A_155 : memref<20480x32xf32, #tpu.memory_space<hbm>>) target(%dma_start3A_149 : memref<128x32xf32, #tpu.memory_space<vmem>>) offsets(%dma_start3A_152 : memref<128xi32, #tpu.memory_space<vmem>>) semaphore(%arg20 : memref<!tpu.dma_semaphore, #tpu.memory_space<semaphore_mem>>)
      %dma_wait3A_156 = arith.constant 0 : i32
      %dma_wait3A_157 = arith.constant 0 : i32
      %dma_wait3A_158 = arith.constant 0 : i32
      %dma_wait3A_159 = tpu.memref_slice %arg14[%dma_wait3A_157, %dma_wait3A_158] : memref<512x32xf32, #tpu.memory_space<vmem>> -> memref<128x32xf32, #tpu.memory_space<vmem>>
      %dma_wait3A_160 = arith.constant 0 : i32
      %dma_wait3A_161 = tpu.memref_slice %arg12[%dma_wait3A_156, %dma_wait3A_160] : memref<4x128xi32, #tpu.memory_space<vmem>> -> memref<1x128xi32, #tpu.memory_space<vmem>>
      %dma_wait3A_162 = tpu.memref_squeeze %dma_wait3A_161 : memref<1x128xi32, #tpu.memory_space<vmem>> -> memref<128xi32, #tpu.memory_space<vmem>>
      %dma_wait3A_163 = arith.constant 0 : i32
      %dma_wait3A_164 = arith.constant 0 : i32
      %dma_wait3A_165 = tpu.memref_slice %arg2[%dma_wait3A_163, %dma_wait3A_164] : memref<20480x32xf32, #tpu.memory_space<hbm>> -> memref<20480x32xf32, #tpu.memory_space<hbm>>
      tpu.wait_indirect_dma semaphore(%arg20 : memref<!tpu.dma_semaphore, #tpu.memory_space<semaphore_mem>>) src(%dma_wait3A_165 : memref<20480x32xf32, #tpu.memory_space<hbm>>) dst(%dma_wait3A_159 : memref<128x32xf32, #tpu.memory_space<vmem>>)
      %dma_wait3A_166 = arith.constant 0 : i32
      %dma_wait3A_167 = arith.constant 0 : i32
      %dma_wait3A_168 = arith.constant 0 : i32
      %dma_wait3A_169 = tpu.memref_slice %arg15[%dma_wait3A_167, %dma_wait3A_168] : memref<512x32xf32, #tpu.memory_space<vmem>> -> memref<128x32xf32, #tpu.memory_space<vmem>>
      %dma_wait3A_170 = arith.constant 0 : i32
      %dma_wait3A_171 = tpu.memref_slice %arg13[%dma_wait3A_166, %dma_wait3A_170] : memref<4x128xi32, #tpu.memory_space<vmem>> -> memref<1x128xi32, #tpu.memory_space<vmem>>
      %dma_wait3A_172 = tpu.memref_squeeze %dma_wait3A_171 : memref<1x128xi32, #tpu.memory_space<vmem>> -> memref<128xi32, #tpu.memory_space<vmem>>
      %dma_wait3A_173 = arith.constant 0 : i32
      %dma_wait3A_174 = arith.constant 0 : i32
      %dma_wait3A_175 = tpu.memref_slice %arg3[%dma_wait3A_173, %dma_wait3A_174] : memref<20480x32xf32, #tpu.memory_space<hbm>> -> memref<20480x32xf32, #tpu.memory_space<hbm>>
      tpu.wait_indirect_dma semaphore(%arg20 : memref<!tpu.dma_semaphore, #tpu.memory_space<semaphore_mem>>) src(%dma_wait3A_175 : memref<20480x32xf32, #tpu.memory_space<hbm>>) dst(%dma_wait3A_169 : memref<128x32xf32, #tpu.memory_space<vmem>>)
      %dma_wait3A_176 = arith.constant 1 : i32
      %dma_wait3A_177 = arith.constant 128 : i32
      %dma_wait3A_178 = arith.constant 0 : i32
      %dma_wait3A_179 = tpu.memref_slice %arg14[%dma_wait3A_177, %dma_wait3A_178] : memref<512x32xf32, #tpu.memory_space<vmem>> -> memref<128x32xf32, #tpu.memory_space<vmem>>
      %dma_wait3A_180 = arith.constant 0 : i32
      %dma_wait3A_181 = tpu.memref_slice %arg12[%dma_wait3A_176, %dma_wait3A_180] : memref<4x128xi32, #tpu.memory_space<vmem>> -> memref<1x128xi32, #tpu.memory_space<vmem>>
      %dma_wait3A_182 = tpu.memref_squeeze %dma_wait3A_181 : memref<1x128xi32, #tpu.memory_space<vmem>> -> memref<128xi32, #tpu.memory_space<vmem>>
      %dma_wait3A_183 = arith.constant 0 : i32
      %dma_wait3A_184 = arith.constant 0 : i32
      %dma_wait3A_185 = tpu.memref_slice %arg2[%dma_wait3A_183, %dma_wait3A_184] : memref<20480x32xf32, #tpu.memory_space<hbm>> -> memref<20480x32xf32, #tpu.memory_space<hbm>>
      tpu.wait_indirect_dma semaphore(%arg20 : memref<!tpu.dma_semaphore, #tpu.memory_space<semaphore_mem>>) src(%dma_wait3A_185 : memref<20480x32xf32, #tpu.memory_space<hbm>>) dst(%dma_wait3A_179 : memref<128x32xf32, #tpu.memory_space<vmem>>)
      %dma_wait3A_186 = arith.constant 1 : i32
      %dma_wait3A_187 = arith.constant 128 : i32
      %dma_wait3A_188 = arith.constant 0 : i32
      %dma_wait3A_189 = tpu.memref_slice %arg15[%dma_wait3A_187, %dma_wait3A_188] : memref<512x32xf32, #tpu.memory_space<vmem>> -> memref<128x32xf32, #tpu.memory_space<vmem>>
      %dma_wait3A_190 = arith.constant 0 : i32
      %dma_wait3A_191 = tpu.memref_slice %arg13[%dma_wait3A_186, %dma_wait3A_190] : memref<4x128xi32, #tpu.memory_space<vmem>> -> memref<1x128xi32, #tpu.memory_space<vmem>>
      %dma_wait3A_192 = tpu.memref_squeeze %dma_wait3A_191 : memref<1x128xi32, #tpu.memory_space<vmem>> -> memref<128xi32, #tpu.memory_space<vmem>>
      %dma_wait3A_193 = arith.constant 0 : i32
      %dma_wait3A_194 = arith.constant 0 : i32
      %dma_wait3A_195 = tpu.memref_slice %arg3[%dma_wait3A_193, %dma_wait3A_194] : memref<20480x32xf32, #tpu.memory_space<hbm>> -> memref<20480x32xf32, #tpu.memory_space<hbm>>
      tpu.wait_indirect_dma semaphore(%arg20 : memref<!tpu.dma_semaphore, #tpu.memory_space<semaphore_mem>>) src(%dma_wait3A_195 : memref<20480x32xf32, #tpu.memory_space<hbm>>) dst(%dma_wait3A_189 : memref<128x32xf32, #tpu.memory_space<vmem>>)
      %dma_wait3A_196 = arith.constant 2 : i32
      %dma_wait3A_197 = arith.constant 256 : i32
      %dma_wait3A_198 = arith.constant 0 : i32
      %dma_wait3A_199 = tpu.memref_slice %arg14[%dma_wait3A_197, %dma_wait3A_198] : memref<512x32xf32, #tpu.memory_space<vmem>> -> memref<128x32xf32, #tpu.memory_space<vmem>>
      %dma_wait3A_200 = arith.constant 0 : i32
      %dma_wait3A_201 = tpu.memref_slice %arg12[%dma_wait3A_196, %dma_wait3A_200] : memref<4x128xi32, #tpu.memory_space<vmem>> -> memref<1x128xi32, #tpu.memory_space<vmem>>
      %dma_wait3A_202 = tpu.memref_squeeze %dma_wait3A_201 : memref<1x128xi32, #tpu.memory_space<vmem>> -> memref<128xi32, #tpu.memory_space<vmem>>
      %dma_wait3A_203 = arith.constant 0 : i32
      %dma_wait3A_204 = arith.constant 0 : i32
      %dma_wait3A_205 = tpu.memref_slice %arg2[%dma_wait3A_203, %dma_wait3A_204] : memref<20480x32xf32, #tpu.memory_space<hbm>> -> memref<20480x32xf32, #tpu.memory_space<hbm>>
      tpu.wait_indirect_dma semaphore(%arg20 : memref<!tpu.dma_semaphore, #tpu.memory_space<semaphore_mem>>) src(%dma_wait3A_205 : memref<20480x32xf32, #tpu.memory_space<hbm>>) dst(%dma_wait3A_199 : memref<128x32xf32, #tpu.memory_space<vmem>>)
      %dma_wait3A_206 = arith.constant 2 : i32
      %dma_wait3A_207 = arith.constant 256 : i32
      %dma_wait3A_208 = arith.constant 0 : i32
      %dma_wait3A_209 = tpu.memref_slice %arg15[%dma_wait3A_207, %dma_wait3A_208] : memref<512x32xf32, #tpu.memory_space<vmem>> -> memref<128x32xf32, #tpu.memory_space<vmem>>
      %dma_wait3A_210 = arith.constant 0 : i32
      %dma_wait3A_211 = tpu.memref_slice %arg13[%dma_wait3A_206, %dma_wait3A_210] : memref<4x128xi32, #tpu.memory_space<vmem>> -> memref<1x128xi32, #tpu.memory_space<vmem>>
      %dma_wait3A_212 = tpu.memref_squeeze %dma_wait3A_211 : memref<1x128xi32, #tpu.memory_space<vmem>> -> memref<128xi32, #tpu.memory_space<vmem>>
      %dma_wait3A_213 = arith.constant 0 : i32
      %dma_wait3A_214 = arith.constant 0 : i32
      %dma_wait3A_215 = tpu.memref_slice %arg3[%dma_wait3A_213, %dma_wait3A_214] : memref<20480x32xf32, #tpu.memory_space<hbm>> -> memref<20480x32xf32, #tpu.memory_space<hbm>>
      tpu.wait_indirect_dma semaphore(%arg20 : memref<!tpu.dma_semaphore, #tpu.memory_space<semaphore_mem>>) src(%dma_wait3A_215 : memref<20480x32xf32, #tpu.memory_space<hbm>>) dst(%dma_wait3A_209 : memref<128x32xf32, #tpu.memory_space<vmem>>)
      %dma_wait3A_216 = arith.constant 3 : i32
      %dma_wait3A_217 = arith.constant 384 : i32
      %dma_wait3A_218 = arith.constant 0 : i32
      %dma_wait3A_219 = tpu.memref_slice %arg14[%dma_wait3A_217, %dma_wait3A_218] : memref<512x32xf32, #tpu.memory_space<vmem>> -> memref<128x32xf32, #tpu.memory_space<vmem>>
      %dma_wait3A_220 = arith.constant 0 : i32
      %dma_wait3A_221 = tpu.memref_slice %arg12[%dma_wait3A_216, %dma_wait3A_220] : memref<4x128xi32, #tpu.memory_space<vmem>> -> memref<1x128xi32, #tpu.memory_space<vmem>>
      %dma_wait3A_222 = tpu.memref_squeeze %dma_wait3A_221 : memref<1x128xi32, #tpu.memory_space<vmem>> -> memref<128xi32, #tpu.memory_space<vmem>>
      %dma_wait3A_223 = arith.constant 0 : i32
      %dma_wait3A_224 = arith.constant 0 : i32
      %dma_wait3A_225 = tpu.memref_slice %arg2[%dma_wait3A_223, %dma_wait3A_224] : memref<20480x32xf32, #tpu.memory_space<hbm>> -> memref<20480x32xf32, #tpu.memory_space<hbm>>
      tpu.wait_indirect_dma semaphore(%arg20 : memref<!tpu.dma_semaphore, #tpu.memory_space<semaphore_mem>>) src(%dma_wait3A_225 : memref<20480x32xf32, #tpu.memory_space<hbm>>) dst(%dma_wait3A_219 : memref<128x32xf32, #tpu.memory_space<vmem>>)
      %dma_wait3A_226 = arith.constant 3 : i32
      %dma_wait3A_227 = arith.constant 384 : i32
      %dma_wait3A_228 = arith.constant 0 : i32
      %dma_wait3A_229 = tpu.memref_slice %arg15[%dma_wait3A_227, %dma_wait3A_228] : memref<512x32xf32, #tpu.memory_space<vmem>> -> memref<128x32xf32, #tpu.memory_space<vmem>>
      %dma_wait3A_230 = arith.constant 0 : i32
      %dma_wait3A_231 = tpu.memref_slice %arg13[%dma_wait3A_226, %dma_wait3A_230] : memref<4x128xi32, #tpu.memory_space<vmem>> -> memref<1x128xi32, #tpu.memory_space<vmem>>
      %dma_wait3A_232 = tpu.memref_squeeze %dma_wait3A_231 : memref<1x128xi32, #tpu.memory_space<vmem>> -> memref<128xi32, #tpu.memory_space<vmem>>
      %dma_wait3A_233 = arith.constant 0 : i32
      %dma_wait3A_234 = arith.constant 0 : i32
      %dma_wait3A_235 = tpu.memref_slice %arg3[%dma_wait3A_233, %dma_wait3A_234] : memref<20480x32xf32, #tpu.memory_space<hbm>> -> memref<20480x32xf32, #tpu.memory_space<hbm>>
      tpu.wait_indirect_dma semaphore(%arg20 : memref<!tpu.dma_semaphore, #tpu.memory_space<semaphore_mem>>) src(%dma_wait3A_235 : memref<20480x32xf32, #tpu.memory_space<hbm>>) dst(%dma_wait3A_229 : memref<128x32xf32, #tpu.memory_space<vmem>>)
      %scan3A_236 = arith.constant 0 : i32
      %scan3A_237 = arith.constant 0 : i32
      %scan3A_238 = arith.constant 512 : i32
      %scan3A_239 = arith.addi %scan3A_237, %scan3A_238 : i32
      %scan3A_240 = arith.constant 8 : i32
      %scan3A_241 = scf.for %scan3A_372 = %scan3A_237 to %scan3A_239 step %scan3A_240 iter_args(%scan3A_373 = %scan3A_236) -> (i32)  : i32 {
        %get3A = arith.index_cast %scan3A_372 : i32 to index
        %get3A_374 = arith.constant 0 : index
        %get3A_375 = tpu.vector_load %arg14[%get3A, %get3A_374] {strides = array<i32>} : memref<512x32xf32, #tpu.memory_space<vmem>>, vector<16xf32>,
        %get3A_376 = arith.index_cast %scan3A_372 : i32 to index
        %get3A_377 = arith.constant 0 : index
        %get3A_378 = tpu.vector_load %arg15[%get3A_376, %get3A_377] {strides = array<i32>} : memref<512x32xf32, #tpu.memory_space<vmem>>, vector<16xf32>,
        %add3A = arith.addf %get3A_375, %get3A_378 : vector<16xf32>
        %get3A_379 = arith.index_cast %scan3A_372 : i32 to index
        %get3A_380 = arith.constant 0 : index
        %get3A_381 = tpu.vector_load %arg16[%get3A_379, %get3A_380] {strides = array<i32>} : memref<512x32xf32, #tpu.memory_space<vmem>>, vector<16xf32>,
        %add3A_382 = arith.addf %add3A, %get3A_381 : vector<16xf32>
        %mul3A_383 = arith.constant 0.00999999977 : f32
        %mul3A_384 = vector.broadcast %mul3A_383 : f32 to vector<16xf32>
        %mul3A_385 = arith.mulf %mul3A_384, %add3A_382 : vector<16xf32>
        %max3A = arith.maximumf %add3A_382, %mul3A_385 : vector<16xf32>
        %mul3A_386 = arith.constant 6.553700e+04 : f32
        %mul3A_387 = vector.broadcast %mul3A_386 : f32 to vector<16xf32>
        %mul3A_388 = arith.mulf %max3A, %mul3A_387 : vector<16xf32>
        %sub3A = arith.subf %mul3A_388, %max3A : vector<16xf32>
        %sub3A_389 = arith.subf %mul3A_388, %sub3A : vector<16xf32>
        %swap3A = arith.index_cast %scan3A_372 : i32 to index
        %swap3A_390 = arith.constant 0 : index
        %swap3A_391 = tpu.vector_load %arg14[%swap3A, %swap3A_390] {strides = array<i32>} : memref<512x32xf32, #tpu.memory_space<vmem>>, vector<16xf32>,
        tpu.vector_store %arg14[%swap3A, %swap3A_390], %sub3A_389 {strides = array<i32>} : memref<512x32xf32, #tpu.memory_space<vmem>>, vector<16xf32>,
        %get3A_392 = arith.index_cast %scan3A_372 : i32 to index
        %get3A_393 = arith.constant 16 : index
        %get3A_394 = tpu.vector_load %arg14[%get3A_392, %get3A_393] {strides = array<i32>} : memref<512x32xf32, #tpu.memory_space<vmem>>, vector<16xf32>,
        %get3A_395 = arith.index_cast %scan3A_372 : i32 to index
        %get3A_396 = arith.constant 16 : index
        %get3A_397 = tpu.vector_load %arg15[%get3A_395, %get3A_396] {strides = array<i32>} : memref<512x32xf32, #tpu.memory_space<vmem>>, vector<16xf32>,
        %add3A_398 = arith.addf %get3A_394, %get3A_397 : vector<16xf32>
        %get3A_399 = arith.index_cast %scan3A_372 : i32 to index
        %get3A_400 = arith.constant 16 : index
        %get3A_401 = tpu.vector_load %arg16[%get3A_399, %get3A_400] {strides = array<i32>} : memref<512x32xf32, #tpu.memory_space<vmem>>, vector<16xf32>,
        %add3A_402 = arith.addf %add3A_398, %get3A_401 : vector<16xf32>
        %mul3A_403 = arith.constant 0.00999999977 : f32
        %mul3A_404 = vector.broadcast %mul3A_403 : f32 to vector<16xf32>
        %mul3A_405 = arith.mulf %mul3A_404, %add3A_402 : vector<16xf32>
        %max3A_406 = arith.maximumf %add3A_402, %mul3A_405 : vector<16xf32>
        %mul3A_407 = arith.constant 6.553700e+04 : f32
        %mul3A_408 = vector.broadcast %mul3A_407 : f32 to vector<16xf32>
        %mul3A_409 = arith.mulf %max3A_406, %mul3A_408 : vector<16xf32>
        %sub3A_410 = arith.subf %mul3A_409, %max3A_406 : vector<16xf32>
        %sub3A_411 = arith.subf %mul3A_409, %sub3A_410 : vector<16xf32>
        %swap3A_412 = arith.index_cast %scan3A_372 : i32 to index
        %swap3A_413 = arith.constant 16 : index
        %swap3A_414 = tpu.vector_load %arg14[%swap3A_412, %swap3A_413] {strides = array<i32>} : memref<512x32xf32, #tpu.memory_space<vmem>>, vector<16xf32>,
        tpu.vector_store %arg14[%swap3A_412, %swap3A_413], %sub3A_411 {strides = array<i32>} : memref<512x32xf32, #tpu.memory_space<vmem>>, vector<16xf32>,
        %scan3A_415 = arith.constant 0 : i32
        %scan3A_416 = arith.constant 1 : i32
        %scan3A_417 = arith.addi %scan3A_372, %scan3A_416 : i32
        %get3A_418 = arith.index_cast %scan3A_417 : i32 to index
        %get3A_419 = arith.constant 0 : index
        %get3A_420 = tpu.vector_load %arg14[%get3A_418, %get3A_419] {strides = array<i32>} : memref<512x32xf32, #tpu.memory_space<vmem>>, vector<16xf32>,
        %get3A_421 = arith.index_cast %scan3A_417 : i32 to index
        %get3A_422 = arith.constant 0 : index
        %get3A_423 = tpu.vector_load %arg15[%get3A_421, %get3A_422] {strides = array<i32>} : memref<512x32xf32, #tpu.memory_space<vmem>>, vector<16xf32>,
        %add3A_424 = arith.addf %get3A_420, %get3A_423 : vector<16xf32>
        %get3A_425 = arith.index_cast %scan3A_417 : i32 to index
        %get3A_426 = arith.constant 0 : index
        %get3A_427 = tpu.vector_load %arg16[%get3A_425, %get3A_426] {strides = array<i32>} : memref<512x32xf32, #tpu.memory_space<vmem>>, vector<16xf32>,
        %add3A_428 = arith.addf %add3A_424, %get3A_427 : vector<16xf32>
        %mul3A_429 = arith.constant 0.00999999977 : f32
        %mul3A_430 = vector.broadcast %mul3A_429 : f32 to vector<16xf32>
        %mul3A_431 = arith.mulf %mul3A_430, %add3A_428 : vector<16xf32>
        %max3A_432 = arith.maximumf %add3A_428, %mul3A_431 : vector<16xf32>
        %mul3A_433 = arith.constant 6.553700e+04 : f32
        %mul3A_434 = vector.broadcast %mul3A_433 : f32 to vector<16xf32>
        %mul3A_435 = arith.mulf %max3A_432, %mul3A_434 : vector<16xf32>
        %sub3A_436 = arith.subf %mul3A_435, %max3A_432 : vector<16xf32>
        %sub3A_437 = arith.subf %mul3A_435, %sub3A_436 : vector<16xf32>
        %swap3A_438 = arith.index_cast %scan3A_417 : i32 to index
        %swap3A_439 = arith.constant 0 : index
        %swap3A_440 = tpu.vector_load %arg14[%swap3A_438, %swap3A_439] {strides = array<i32>} : memref<512x32xf32, #tpu.memory_space<vmem>>, vector<16xf32>,
        tpu.vector_store %arg14[%swap3A_438, %swap3A_439], %sub3A_437 {strides = array<i32>} : memref<512x32xf32, #tpu.memory_space<vmem>>, vector<16xf32>,
        %get3A_441 = arith.index_cast %scan3A_417 : i32 to index
        %get3A_442 = arith.constant 16 : index
        %get3A_443 = tpu.vector_load %arg14[%get3A_441, %get3A_442] {strides = array<i32>} : memref<512x32xf32, #tpu.memory_space<vmem>>, vector<16xf32>,
        %get3A_444 = arith.index_cast %scan3A_417 : i32 to index
        %get3A_445 = arith.constant 16 : index
        %get3A_446 = tpu.vector_load %arg15[%get3A_444, %get3A_445] {strides = array<i32>} : memref<512x32xf32, #tpu.memory_space<vmem>>, vector<16xf32>,
        %add3A_447 = arith.addf %get3A_443, %get3A_446 : vector<16xf32>
        %get3A_448 = arith.index_cast %scan3A_417 : i32 to index
        %get3A_449 = arith.constant 16 : index
        %get3A_450 = tpu.vector_load %arg16[%get3A_448, %get3A_449] {strides = array<i32>} : memref<512x32xf32, #tpu.memory_space<vmem>>, vector<16xf32>,
        %add3A_451 = arith.addf %add3A_447, %get3A_450 : vector<16xf32>
        %mul3A_452 = arith.constant 0.00999999977 : f32
        %mul3A_453 = vector.broadcast %mul3A_452 : f32 to vector<16xf32>
        %mul3A_454 = arith.mulf %mul3A_453, %add3A_451 : vector<16xf32>
        %max3A_455 = arith.maximumf %add3A_451, %mul3A_454 : vector<16xf32>
        %mul3A_456 = arith.constant 6.553700e+04 : f32
        %mul3A_457 = vector.broadcast %mul3A_456 : f32 to vector<16xf32>
        %mul3A_458 = arith.mulf %max3A_455, %mul3A_457 : vector<16xf32>
        %sub3A_459 = arith.subf %mul3A_458, %max3A_455 : vector<16xf32>
        %sub3A_460 = arith.subf %mul3A_458, %sub3A_459 : vector<16xf32>
        %swap3A_461 = arith.index_cast %scan3A_417 : i32 to index
        %swap3A_462 = arith.constant 16 : index
        %swap3A_463 = tpu.vector_load %arg14[%swap3A_461, %swap3A_462] {strides = array<i32>} : memref<512x32xf32, #tpu.memory_space<vmem>>, vector<16xf32>,
        tpu.vector_store %arg14[%swap3A_461, %swap3A_462], %sub3A_460 {strides = array<i32>} : memref<512x32xf32, #tpu.memory_space<vmem>>, vector<16xf32>,
        %scan3A_464 = arith.constant 0 : i32
        %scan3A_465 = arith.constant 2 : i32
        %scan3A_466 = arith.addi %scan3A_372, %scan3A_465 : i32
        %get3A_467 = arith.index_cast %scan3A_466 : i32 to index
        %get3A_468 = arith.constant 0 : index
        %get3A_469 = tpu.vector_load %arg14[%get3A_467, %get3A_468] {strides = array<i32>} : memref<512x32xf32, #tpu.memory_space<vmem>>, vector<16xf32>,
        %get3A_470 = arith.index_cast %scan3A_466 : i32 to index
        %get3A_471 = arith.constant 0 : index
        %get3A_472 = tpu.vector_load %arg15[%get3A_470, %get3A_471] {strides = array<i32>} : memref<512x32xf32, #tpu.memory_space<vmem>>, vector<16xf32>,
        %add3A_473 = arith.addf %get3A_469, %get3A_472 : vector<16xf32>
        %get3A_474 = arith.index_cast %scan3A_466 : i32 to index
        %get3A_475 = arith.constant 0 : index
        %get3A_476 = tpu.vector_load %arg16[%get3A_474, %get3A_475] {strides = array<i32>} : memref<512x32xf32, #tpu.memory_space<vmem>>, vector<16xf32>,
        %add3A_477 = arith.addf %add3A_473, %get3A_476 : vector<16xf32>
        %mul3A_478 = arith.constant 0.00999999977 : f32
        %mul3A_479 = vector.broadcast %mul3A_478 : f32 to vector<16xf32>
        %mul3A_480 = arith.mulf %mul3A_479, %add3A_477 : vector<16xf32>
        %max3A_481 = arith.maximumf %add3A_477, %mul3A_480 : vector<16xf32>
        %mul3A_482 = arith.constant 6.553700e+04 : f32
        %mul3A_483 = vector.broadcast %mul3A_482 : f32 to vector<16xf32>
        %mul3A_484 = arith.mulf %max3A_481, %mul3A_483 : vector<16xf32>
        %sub3A_485 = arith.subf %mul3A_484, %max3A_481 : vector<16xf32>
        %sub3A_486 = arith.subf %mul3A_484, %sub3A_485 : vector<16xf32>
        %swap3A_487 = arith.index_cast %scan3A_466 : i32 to index
        %swap3A_488 = arith.constant 0 : index
        %swap3A_489 = tpu.vector_load %arg14[%swap3A_487, %swap3A_488] {strides = array<i32>} : memref<512x32xf32, #tpu.memory_space<vmem>>, vector<16xf32>,
        tpu.vector_store %arg14[%swap3A_487, %swap3A_488], %sub3A_486 {strides = array<i32>} : memref<512x32xf32, #tpu.memory_space<vmem>>, vector<16xf32>,
        %get3A_490 = arith.index_cast %scan3A_466 : i32 to index
        %get3A_491 = arith.constant 16 : index
        %get3A_492 = tpu.vector_load %arg14[%get3A_490, %get3A_491] {strides = array<i32>} : memref<512x32xf32, #tpu.memory_space<vmem>>, vector<16xf32>,
        %get3A_493 = arith.index_cast %scan3A_466 : i32 to index
        %get3A_494 = arith.constant 16 : index
        %get3A_495 = tpu.vector_load %arg15[%get3A_493, %get3A_494] {strides = array<i32>} : memref<512x32xf32, #tpu.memory_space<vmem>>, vector<16xf32>,
        %add3A_496 = arith.addf %get3A_492, %get3A_495 : vector<16xf32>
        %get3A_497 = arith.index_cast %scan3A_466 : i32 to index
        %get3A_498 = arith.constant 16 : index
        %get3A_499 = tpu.vector_load %arg16[%get3A_497, %get3A_498] {strides = array<i32>} : memref<512x32xf32, #tpu.memory_space<vmem>>, vector<16xf32>,
        %add3A_500 = arith.addf %add3A_496, %get3A_499 : vector<16xf32>
        %mul3A_501 = arith.constant 0.00999999977 : f32
        %mul3A_502 = vector.broadcast %mul3A_501 : f32 to vector<16xf32>
        %mul3A_503 = arith.mulf %mul3A_502, %add3A_500 : vector<16xf32>
        %max3A_504 = arith.maximumf %add3A_500, %mul3A_503 : vector<16xf32>
        %mul3A_505 = arith.constant 6.553700e+04 : f32
        %mul3A_506 = vector.broadcast %mul3A_505 : f32 to vector<16xf32>
        %mul3A_507 = arith.mulf %max3A_504, %mul3A_506 : vector<16xf32>
        %sub3A_508 = arith.subf %mul3A_507, %max3A_504 : vector<16xf32>
        %sub3A_509 = arith.subf %mul3A_507, %sub3A_508 : vector<16xf32>
        %swap3A_510 = arith.index_cast %scan3A_466 : i32 to index
        %swap3A_511 = arith.constant 16 : index
        %swap3A_512 = tpu.vector_load %arg14[%swap3A_510, %swap3A_511] {strides = array<i32>} : memref<512x32xf32, #tpu.memory_space<vmem>>, vector<16xf32>,
        tpu.vector_store %arg14[%swap3A_510, %swap3A_511], %sub3A_509 {strides = array<i32>} : memref<512x32xf32, #tpu.memory_space<vmem>>, vector<16xf32>,
        %scan3A_513 = arith.constant 0 : i32
        %scan3A_514 = arith.constant 3 : i32
        %scan3A_515 = arith.addi %scan3A_372, %scan3A_514 : i32
        %get3A_516 = arith.index_cast %scan3A_515 : i32 to index
        %get3A_517 = arith.constant 0 : index
        %get3A_518 = tpu.vector_load %arg14[%get3A_516, %get3A_517] {strides = array<i32>} : memref<512x32xf32, #tpu.memory_space<vmem>>, vector<16xf32>,
        %get3A_519 = arith.index_cast %scan3A_515 : i32 to index
        %get3A_520 = arith.constant 0 : index
        %get3A_521 = tpu.vector_load %arg15[%get3A_519, %get3A_520] {strides = array<i32>} : memref<512x32xf32, #tpu.memory_space<vmem>>, vector<16xf32>,
        %add3A_522 = arith.addf %get3A_518, %get3A_521 : vector<16xf32>
        %get3A_523 = arith.index_cast %scan3A_515 : i32 to index
        %get3A_524 = arith.constant 0 : index
        %get3A_525 = tpu.vector_load %arg16[%get3A_523, %get3A_524] {strides = array<i32>} : memref<512x32xf32, #tpu.memory_space<vmem>>, vector<16xf32>,
        %add3A_526 = arith.addf %add3A_522, %get3A_525 : vector<16xf32>
        %mul3A_527 = arith.constant 0.00999999977 : f32
        %mul3A_528 = vector.broadcast %mul3A_527 : f32 to vector<16xf32>
        %mul3A_529 = arith.mulf %mul3A_528, %add3A_526 : vector<16xf32>
        %max3A_530 = arith.maximumf %add3A_526, %mul3A_529 : vector<16xf32>
        %mul3A_531 = arith.constant 6.553700e+04 : f32
        %mul3A_532 = vector.broadcast %mul3A_531 : f32 to vector<16xf32>
        %mul3A_533 = arith.mulf %max3A_530, %mul3A_532 : vector<16xf32>
        %sub3A_534 = arith.subf %mul3A_533, %max3A_530 : vector<16xf32>
        %sub3A_535 = arith.subf %mul3A_533, %sub3A_534 : vector<16xf32>
        %swap3A_536 = arith.index_cast %scan3A_515 : i32 to index
        %swap3A_537 = arith.constant 0 : index
        %swap3A_538 = tpu.vector_load %arg14[%swap3A_536, %swap3A_537] {strides = array<i32>} : memref<512x32xf32, #tpu.memory_space<vmem>>, vector<16xf32>,
        tpu.vector_store %arg14[%swap3A_536, %swap3A_537], %sub3A_535 {strides = array<i32>} : memref<512x32xf32, #tpu.memory_space<vmem>>, vector<16xf32>,
        %get3A_539 = arith.index_cast %scan3A_515 : i32 to index
        %get3A_540 = arith.constant 16 : index
        %get3A_541 = tpu.vector_load %arg14[%get3A_539, %get3A_540] {strides = array<i32>} : memref<512x32xf32, #tpu.memory_space<vmem>>, vector<16xf32>,
        %get3A_542 = arith.index_cast %scan3A_515 : i32 to index
        %get3A_543 = arith.constant 16 : index
        %get3A_544 = tpu.vector_load %arg15[%get3A_542, %get3A_543] {strides = array<i32>} : memref<512x32xf32, #tpu.memory_space<vmem>>, vector<16xf32>,
        %add3A_545 = arith.addf %get3A_541, %get3A_544 : vector<16xf32>
        %get3A_546 = arith.index_cast %scan3A_515 : i32 to index
        %get3A_547 = arith.constant 16 : index
        %get3A_548 = tpu.vector_load %arg16[%get3A_546, %get3A_547] {strides = array<i32>} : memref<512x32xf32, #tpu.memory_space<vmem>>, vector<16xf32>,
        %add3A_549 = arith.addf %add3A_545, %get3A_548 : vector<16xf32>
        %mul3A_550 = arith.constant 0.00999999977 : f32
        %mul3A_551 = vector.broadcast %mul3A_550 : f32 to vector<16xf32>
        %mul3A_552 = arith.mulf %mul3A_551, %add3A_549 : vector<16xf32>
        %max3A_553 = arith.maximumf %add3A_549, %mul3A_552 : vector<16xf32>
        %mul3A_554 = arith.constant 6.553700e+04 : f32
        %mul3A_555 = vector.broadcast %mul3A_554 : f32 to vector<16xf32>
        %mul3A_556 = arith.mulf %max3A_553, %mul3A_555 : vector<16xf32>
        %sub3A_557 = arith.subf %mul3A_556, %max3A_553 : vector<16xf32>
        %sub3A_558 = arith.subf %mul3A_556, %sub3A_557 : vector<16xf32>
        %swap3A_559 = arith.index_cast %scan3A_515 : i32 to index
        %swap3A_560 = arith.constant 16 : index
        %swap3A_561 = tpu.vector_load %arg14[%swap3A_559, %swap3A_560] {strides = array<i32>} : memref<512x32xf32, #tpu.memory_space<vmem>>, vector<16xf32>,
        tpu.vector_store %arg14[%swap3A_559, %swap3A_560], %sub3A_558 {strides = array<i32>} : memref<512x32xf32, #tpu.memory_space<vmem>>, vector<16xf32>,
        %scan3A_562 = arith.constant 0 : i32
        %scan3A_563 = arith.constant 4 : i32
        %scan3A_564 = arith.addi %scan3A_372, %scan3A_563 : i32
        %get3A_565 = arith.index_cast %scan3A_564 : i32 to index
        %get3A_566 = arith.constant 0 : index
        %get3A_567 = tpu.vector_load %arg14[%get3A_565, %get3A_566] {strides = array<i32>} : memref<512x32xf32, #tpu.memory_space<vmem>>, vector<16xf32>,
        %get3A_568 = arith.index_cast %scan3A_564 : i32 to index
        %get3A_569 = arith.constant 0 : index
        %get3A_570 = tpu.vector_load %arg15[%get3A_568, %get3A_569] {strides = array<i32>} : memref<512x32xf32, #tpu.memory_space<vmem>>, vector<16xf32>,
        %add3A_571 = arith.addf %get3A_567, %get3A_570 : vector<16xf32>
        %get3A_572 = arith.index_cast %scan3A_564 : i32 to index
        %get3A_573 = arith.constant 0 : index
        %get3A_574 = tpu.vector_load %arg16[%get3A_572, %get3A_573] {strides = array<i32>} : memref<512x32xf32, #tpu.memory_space<vmem>>, vector<16xf32>,
        %add3A_575 = arith.addf %add3A_571, %get3A_574 : vector<16xf32>
        %mul3A_576 = arith.constant 0.00999999977 : f32
        %mul3A_577 = vector.broadcast %mul3A_576 : f32 to vector<16xf32>
        %mul3A_578 = arith.mulf %mul3A_577, %add3A_575 : vector<16xf32>
        %max3A_579 = arith.maximumf %add3A_575, %mul3A_578 : vector<16xf32>
        %mul3A_580 = arith.constant 6.553700e+04 : f32
        %mul3A_581 = vector.broadcast %mul3A_580 : f32 to vector<16xf32>
        %mul3A_582 = arith.mulf %max3A_579, %mul3A_581 : vector<16xf32>
        %sub3A_583 = arith.subf %mul3A_582, %max3A_579 : vector<16xf32>
        %sub3A_584 = arith.subf %mul3A_582, %sub3A_583 : vector<16xf32>
        %swap3A_585 = arith.index_cast %scan3A_564 : i32 to index
        %swap3A_586 = arith.constant 0 : index
        %swap3A_587 = tpu.vector_load %arg14[%swap3A_585, %swap3A_586] {strides = array<i32>} : memref<512x32xf32, #tpu.memory_space<vmem>>, vector<16xf32>,
        tpu.vector_store %arg14[%swap3A_585, %swap3A_586], %sub3A_584 {strides = array<i32>} : memref<512x32xf32, #tpu.memory_space<vmem>>, vector<16xf32>,
        %get3A_588 = arith.index_cast %scan3A_564 : i32 to index
        %get3A_589 = arith.constant 16 : index
        %get3A_590 = tpu.vector_load %arg14[%get3A_588, %get3A_589] {strides = array<i32>} : memref<512x32xf32, #tpu.memory_space<vmem>>, vector<16xf32>,
        %get3A_591 = arith.index_cast %scan3A_564 : i32 to index
        %get3A_592 = arith.constant 16 : index
        %get3A_593 = tpu.vector_load %arg15[%get3A_591, %get3A_592] {strides = array<i32>} : memref<512x32xf32, #tpu.memory_space<vmem>>, vector<16xf32>,
        %add3A_594 = arith.addf %get3A_590, %get3A_593 : vector<16xf32>
        %get3A_595 = arith.index_cast %scan3A_564 : i32 to index
        %get3A_596 = arith.constant 16 : index
        %get3A_597 = tpu.vector_load %arg16[%get3A_595, %get3A_596] {strides = array<i32>} : memref<512x32xf32, #tpu.memory_space<vmem>>, vector<16xf32>,
        %add3A_598 = arith.addf %add3A_594, %get3A_597 : vector<16xf32>
        %mul3A_599 = arith.constant 0.00999999977 : f32
        %mul3A_600 = vector.broadcast %mul3A_599 : f32 to vector<16xf32>
        %mul3A_601 = arith.mulf %mul3A_600, %add3A_598 : vector<16xf32>
        %max3A_602 = arith.maximumf %add3A_598, %mul3A_601 : vector<16xf32>
        %mul3A_603 = arith.constant 6.553700e+04 : f32
        %mul3A_604 = vector.broadcast %mul3A_603 : f32 to vector<16xf32>
        %mul3A_605 = arith.mulf %max3A_602, %mul3A_604 : vector<16xf32>
        %sub3A_606 = arith.subf %mul3A_605, %max3A_602 : vector<16xf32>
        %sub3A_607 = arith.subf %mul3A_605, %sub3A_606 : vector<16xf32>
        %swap3A_608 = arith.index_cast %scan3A_564 : i32 to index
        %swap3A_609 = arith.constant 16 : index
        %swap3A_610 = tpu.vector_load %arg14[%swap3A_608, %swap3A_609] {strides = array<i32>} : memref<512x32xf32, #tpu.memory_space<vmem>>, vector<16xf32>,
        tpu.vector_store %arg14[%swap3A_608, %swap3A_609], %sub3A_607 {strides = array<i32>} : memref<512x32xf32, #tpu.memory_space<vmem>>, vector<16xf32>,
        %scan3A_611 = arith.constant 0 : i32
        %scan3A_612 = arith.constant 5 : i32
        %scan3A_613 = arith.addi %scan3A_372, %scan3A_612 : i32
        %get3A_614 = arith.index_cast %scan3A_613 : i32 to index
        %get3A_615 = arith.constant 0 : index
        %get3A_616 = tpu.vector_load %arg14[%get3A_614, %get3A_615] {strides = array<i32>} : memref<512x32xf32, #tpu.memory_space<vmem>>, vector<16xf32>,
        %get3A_617 = arith.index_cast %scan3A_613 : i32 to index
        %get3A_618 = arith.constant 0 : index
        %get3A_619 = tpu.vector_load %arg15[%get3A_617, %get3A_618] {strides = array<i32>} : memref<512x32xf32, #tpu.memory_space<vmem>>, vector<16xf32>,
        %add3A_620 = arith.addf %get3A_616, %get3A_619 : vector<16xf32>
        %get3A_621 = arith.index_cast %scan3A_613 : i32 to index
        %get3A_622 = arith.constant 0 : index
        %get3A_623 = tpu.vector_load %arg16[%get3A_621, %get3A_622] {strides = array<i32>} : memref<512x32xf32, #tpu.memory_space<vmem>>, vector<16xf32>,
        %add3A_624 = arith.addf %add3A_620, %get3A_623 : vector<16xf32>
        %mul3A_625 = arith.constant 0.00999999977 : f32
        %mul3A_626 = vector.broadcast %mul3A_625 : f32 to vector<16xf32>
        %mul3A_627 = arith.mulf %mul3A_626, %add3A_624 : vector<16xf32>
        %max3A_628 = arith.maximumf %add3A_624, %mul3A_627 : vector<16xf32>
        %mul3A_629 = arith.constant 6.553700e+04 : f32
        %mul3A_630 = vector.broadcast %mul3A_629 : f32 to vector<16xf32>
        %mul3A_631 = arith.mulf %max3A_628, %mul3A_630 : vector<16xf32>
        %sub3A_632 = arith.subf %mul3A_631, %max3A_628 : vector<16xf32>
        %sub3A_633 = arith.subf %mul3A_631, %sub3A_632 : vector<16xf32>
        %swap3A_634 = arith.index_cast %scan3A_613 : i32 to index
        %swap3A_635 = arith.constant 0 : index
        %swap3A_636 = tpu.vector_load %arg14[%swap3A_634, %swap3A_635] {strides = array<i32>} : memref<512x32xf32, #tpu.memory_space<vmem>>, vector<16xf32>,
        tpu.vector_store %arg14[%swap3A_634, %swap3A_635], %sub3A_633 {strides = array<i32>} : memref<512x32xf32, #tpu.memory_space<vmem>>, vector<16xf32>,
        %get3A_637 = arith.index_cast %scan3A_613 : i32 to index
        %get3A_638 = arith.constant 16 : index
        %get3A_639 = tpu.vector_load %arg14[%get3A_637, %get3A_638] {strides = array<i32>} : memref<512x32xf32, #tpu.memory_space<vmem>>, vector<16xf32>,
        %get3A_640 = arith.index_cast %scan3A_613 : i32 to index
        %get3A_641 = arith.constant 16 : index
        %get3A_642 = tpu.vector_load %arg15[%get3A_640, %get3A_641] {strides = array<i32>} : memref<512x32xf32, #tpu.memory_space<vmem>>, vector<16xf32>,
        %add3A_643 = arith.addf %get3A_639, %get3A_642 : vector<16xf32>
        %get3A_644 = arith.index_cast %scan3A_613 : i32 to index
        %get3A_645 = arith.constant 16 : index
        %get3A_646 = tpu.vector_load %arg16[%get3A_644, %get3A_645] {strides = array<i32>} : memref<512x32xf32, #tpu.memory_space<vmem>>, vector<16xf32>,
        %add3A_647 = arith.addf %add3A_643, %get3A_646 : vector<16xf32>
        %mul3A_648 = arith.constant 0.00999999977 : f32
        %mul3A_649 = vector.broadcast %mul3A_648 : f32 to vector<16xf32>
        %mul3A_650 = arith.mulf %mul3A_649, %add3A_647 : vector<16xf32>
        %max3A_651 = arith.maximumf %add3A_647, %mul3A_650 : vector<16xf32>
        %mul3A_652 = arith.constant 6.553700e+04 : f32
        %mul3A_653 = vector.broadcast %mul3A_652 : f32 to vector<16xf32>
        %mul3A_654 = arith.mulf %max3A_651, %mul3A_653 : vector<16xf32>
        %sub3A_655 = arith.subf %mul3A_654, %max3A_651 : vector<16xf32>
        %sub3A_656 = arith.subf %mul3A_654, %sub3A_655 : vector<16xf32>
        %swap3A_657 = arith.index_cast %scan3A_613 : i32 to index
        %swap3A_658 = arith.constant 16 : index
        %swap3A_659 = tpu.vector_load %arg14[%swap3A_657, %swap3A_658] {strides = array<i32>} : memref<512x32xf32, #tpu.memory_space<vmem>>, vector<16xf32>,
        tpu.vector_store %arg14[%swap3A_657, %swap3A_658], %sub3A_656 {strides = array<i32>} : memref<512x32xf32, #tpu.memory_space<vmem>>, vector<16xf32>,
        %scan3A_660 = arith.constant 0 : i32
        %scan3A_661 = arith.constant 6 : i32
        %scan3A_662 = arith.addi %scan3A_372, %scan3A_661 : i32
        %get3A_663 = arith.index_cast %scan3A_662 : i32 to index
        %get3A_664 = arith.constant 0 : index
        %get3A_665 = tpu.vector_load %arg14[%get3A_663, %get3A_664] {strides = array<i32>} : memref<512x32xf32, #tpu.memory_space<vmem>>, vector<16xf32>,
        %get3A_666 = arith.index_cast %scan3A_662 : i32 to index
        %get3A_667 = arith.constant 0 : index
        %get3A_668 = tpu.vector_load %arg15[%get3A_666, %get3A_667] {strides = array<i32>} : memref<512x32xf32, #tpu.memory_space<vmem>>, vector<16xf32>,
        %add3A_669 = arith.addf %get3A_665, %get3A_668 : vector<16xf32>
        %get3A_670 = arith.index_cast %scan3A_662 : i32 to index
        %get3A_671 = arith.constant 0 : index
        %get3A_672 = tpu.vector_load %arg16[%get3A_670, %get3A_671] {strides = array<i32>} : memref<512x32xf32, #tpu.memory_space<vmem>>, vector<16xf32>,
        %add3A_673 = arith.addf %add3A_669, %get3A_672 : vector<16xf32>
        %mul3A_674 = arith.constant 0.00999999977 : f32
        %mul3A_675 = vector.broadcast %mul3A_674 : f32 to vector<16xf32>
        %mul3A_676 = arith.mulf %mul3A_675, %add3A_673 : vector<16xf32>
        %max3A_677 = arith.maximumf %add3A_673, %mul3A_676 : vector<16xf32>
        %mul3A_678 = arith.constant 6.553700e+04 : f32
        %mul3A_679 = vector.broadcast %mul3A_678 : f32 to vector<16xf32>
        %mul3A_680 = arith.mulf %max3A_677, %mul3A_679 : vector<16xf32>
        %sub3A_681 = arith.subf %mul3A_680, %max3A_677 : vector<16xf32>
        %sub3A_682 = arith.subf %mul3A_680, %sub3A_681 : vector<16xf32>
        %swap3A_683 = arith.index_cast %scan3A_662 : i32 to index
        %swap3A_684 = arith.constant 0 : index
        %swap3A_685 = tpu.vector_load %arg14[%swap3A_683, %swap3A_684] {strides = array<i32>} : memref<512x32xf32, #tpu.memory_space<vmem>>, vector<16xf32>,
        tpu.vector_store %arg14[%swap3A_683, %swap3A_684], %sub3A_682 {strides = array<i32>} : memref<512x32xf32, #tpu.memory_space<vmem>>, vector<16xf32>,
        %get3A_686 = arith.index_cast %scan3A_662 : i32 to index
        %get3A_687 = arith.constant 16 : index
        %get3A_688 = tpu.vector_load %arg14[%get3A_686, %get3A_687] {strides = array<i32>} : memref<512x32xf32, #tpu.memory_space<vmem>>, vector<16xf32>,
        %get3A_689 = arith.index_cast %scan3A_662 : i32 to index
        %get3A_690 = arith.constant 16 : index
        %get3A_691 = tpu.vector_load %arg15[%get3A_689, %get3A_690] {strides = array<i32>} : memref<512x32xf32, #tpu.memory_space<vmem>>, vector<16xf32>,
        %add3A_692 = arith.addf %get3A_688, %get3A_691 : vector<16xf32>
        %get3A_693 = arith.index_cast %scan3A_662 : i32 to index
        %get3A_694 = arith.constant 16 : index
        %get3A_695 = tpu.vector_load %arg16[%get3A_693, %get3A_694] {strides = array<i32>} : memref<512x32xf32, #tpu.memory_space<vmem>>, vector<16xf32>,
        %add3A_696 = arith.addf %add3A_692, %get3A_695 : vector<16xf32>
        %mul3A_697 = arith.constant 0.00999999977 : f32
        %mul3A_698 = vector.broadcast %mul3A_697 : f32 to vector<16xf32>
        %mul3A_699 = arith.mulf %mul3A_698, %add3A_696 : vector<16xf32>
        %max3A_700 = arith.maximumf %add3A_696, %mul3A_699 : vector<16xf32>
        %mul3A_701 = arith.constant 6.553700e+04 : f32
        %mul3A_702 = vector.broadcast %mul3A_701 : f32 to vector<16xf32>
        %mul3A_703 = arith.mulf %max3A_700, %mul3A_702 : vector<16xf32>
        %sub3A_704 = arith.subf %mul3A_703, %max3A_700 : vector<16xf32>
        %sub3A_705 = arith.subf %mul3A_703, %sub3A_704 : vector<16xf32>
        %swap3A_706 = arith.index_cast %scan3A_662 : i32 to index
        %swap3A_707 = arith.constant 16 : index
        %swap3A_708 = tpu.vector_load %arg14[%swap3A_706, %swap3A_707] {strides = array<i32>} : memref<512x32xf32, #tpu.memory_space<vmem>>, vector<16xf32>,
        tpu.vector_store %arg14[%swap3A_706, %swap3A_707], %sub3A_705 {strides = array<i32>} : memref<512x32xf32, #tpu.memory_space<vmem>>, vector<16xf32>,
        %scan3A_709 = arith.constant 0 : i32
        %scan3A_710 = arith.constant 7 : i32
        %scan3A_711 = arith.addi %scan3A_372, %scan3A_710 : i32
        %get3A_712 = arith.index_cast %scan3A_711 : i32 to index
        %get3A_713 = arith.constant 0 : index
        %get3A_714 = tpu.vector_load %arg14[%get3A_712, %get3A_713] {strides = array<i32>} : memref<512x32xf32, #tpu.memory_space<vmem>>, vector<16xf32>,
        %get3A_715 = arith.index_cast %scan3A_711 : i32 to index
        %get3A_716 = arith.constant 0 : index
        %get3A_717 = tpu.vector_load %arg15[%get3A_715, %get3A_716] {strides = array<i32>} : memref<512x32xf32, #tpu.memory_space<vmem>>, vector<16xf32>,
        %add3A_718 = arith.addf %get3A_714, %get3A_717 : vector<16xf32>
        %get3A_719 = arith.index_cast %scan3A_711 : i32 to index
        %get3A_720 = arith.constant 0 : index
        %get3A_721 = tpu.vector_load %arg16[%get3A_719, %get3A_720] {strides = array<i32>} : memref<512x32xf32, #tpu.memory_space<vmem>>, vector<16xf32>,
        %add3A_722 = arith.addf %add3A_718, %get3A_721 : vector<16xf32>
        %mul3A_723 = arith.constant 0.00999999977 : f32
        %mul3A_724 = vector.broadcast %mul3A_723 : f32 to vector<16xf32>
        %mul3A_725 = arith.mulf %mul3A_724, %add3A_722 : vector<16xf32>
        %max3A_726 = arith.maximumf %add3A_722, %mul3A_725 : vector<16xf32>
        %mul3A_727 = arith.constant 6.553700e+04 : f32
        %mul3A_728 = vector.broadcast %mul3A_727 : f32 to vector<16xf32>
        %mul3A_729 = arith.mulf %max3A_726, %mul3A_728 : vector<16xf32>
        %sub3A_730 = arith.subf %mul3A_729, %max3A_726 : vector<16xf32>
        %sub3A_731 = arith.subf %mul3A_729, %sub3A_730 : vector<16xf32>
        %swap3A_732 = arith.index_cast %scan3A_711 : i32 to index
        %swap3A_733 = arith.constant 0 : index
        %swap3A_734 = tpu.vector_load %arg14[%swap3A_732, %swap3A_733] {strides = array<i32>} : memref<512x32xf32, #tpu.memory_space<vmem>>, vector<16xf32>,
        tpu.vector_store %arg14[%swap3A_732, %swap3A_733], %sub3A_731 {strides = array<i32>} : memref<512x32xf32, #tpu.memory_space<vmem>>, vector<16xf32>,
        %get3A_735 = arith.index_cast %scan3A_711 : i32 to index
        %get3A_736 = arith.constant 16 : index
        %get3A_737 = tpu.vector_load %arg14[%get3A_735, %get3A_736] {strides = array<i32>} : memref<512x32xf32, #tpu.memory_space<vmem>>, vector<16xf32>,
        %get3A_738 = arith.index_cast %scan3A_711 : i32 to index
        %get3A_739 = arith.constant 16 : index
        %get3A_740 = tpu.vector_load %arg15[%get3A_738, %get3A_739] {strides = array<i32>} : memref<512x32xf32, #tpu.memory_space<vmem>>, vector<16xf32>,
        %add3A_741 = arith.addf %get3A_737, %get3A_740 : vector<16xf32>
        %get3A_742 = arith.index_cast %scan3A_711 : i32 to index
        %get3A_743 = arith.constant 16 : index
        %get3A_744 = tpu.vector_load %arg16[%get3A_742, %get3A_743] {strides = array<i32>} : memref<512x32xf32, #tpu.memory_space<vmem>>, vector<16xf32>,
        %add3A_745 = arith.addf %add3A_741, %get3A_744 : vector<16xf32>
        %mul3A_746 = arith.constant 0.00999999977 : f32
        %mul3A_747 = vector.broadcast %mul3A_746 : f32 to vector<16xf32>
        %mul3A_748 = arith.mulf %mul3A_747, %add3A_745 : vector<16xf32>
        %max3A_749 = arith.maximumf %add3A_745, %mul3A_748 : vector<16xf32>
        %mul3A_750 = arith.constant 6.553700e+04 : f32
        %mul3A_751 = vector.broadcast %mul3A_750 : f32 to vector<16xf32>
        %mul3A_752 = arith.mulf %max3A_749, %mul3A_751 : vector<16xf32>
        %sub3A_753 = arith.subf %mul3A_752, %max3A_749 : vector<16xf32>
        %sub3A_754 = arith.subf %mul3A_752, %sub3A_753 : vector<16xf32>
        %swap3A_755 = arith.index_cast %scan3A_711 : i32 to index
        %swap3A_756 = arith.constant 16 : index
        %swap3A_757 = tpu.vector_load %arg14[%swap3A_755, %swap3A_756] {strides = array<i32>} : memref<512x32xf32, #tpu.memory_space<vmem>>, vector<16xf32>,
        tpu.vector_store %arg14[%swap3A_755, %swap3A_756], %sub3A_754 {strides = array<i32>} : memref<512x32xf32, #tpu.memory_space<vmem>>, vector<16xf32>,
        %scan3A_758 = arith.constant 0 : i32
        scf.yield %scan3A_758 : i32
      }
      %scan3A_242 = arith.constant 512 : i32
      %dma_start3A_243 = arith.constant 0 : i32
      %dma_start3A_244 = arith.constant 0 : i32
      %dma_start3A_245 = arith.constant 0 : i32
      %dma_start3A_246 = tpu.memref_slice %arg14[%dma_start3A_244, %dma_start3A_245] : memref<512x32xf32, #tpu.memory_space<vmem>> -> memref<128x32xf32, #tpu.memory_space<vmem>>
      %dma_start3A_247 = arith.constant 0 : i32
      %dma_start3A_248 = tpu.memref_slice %arg11[%dma_start3A_243, %dma_start3A_247] : memref<4x128xi32, #tpu.memory_space<vmem>> -> memref<1x128xi32, #tpu.memory_space<vmem>>
      %dma_start3A_249 = tpu.memref_squeeze %dma_start3A_248 : memref<1x128xi32, #tpu.memory_space<vmem>> -> memref<128xi32, #tpu.memory_space<vmem>>
      %dma_start3A_250 = arith.constant 0 : i32
      %dma_start3A_251 = arith.constant 0 : i32
      %dma_start3A_252 = tpu.memref_slice %arg18[%dma_start3A_250, %dma_start3A_251] : memref<10240x32xf32, #tpu.memory_space<vmem_shared>> -> memref<10240x32xf32, #tpu.memory_space<vmem_shared>>
      tpu.enqueue_indirect_dma source(%dma_start3A_246 : memref<128x32xf32, #tpu.memory_space<vmem>>) target(%dma_start3A_252 : memref<10240x32xf32, #tpu.memory_space<vmem_shared>>) offsets(%dma_start3A_249 : memref<128xi32, #tpu.memory_space<vmem>>) semaphore(%arg20 : memref<!tpu.dma_semaphore, #tpu.memory_space<semaphore_mem>>) {add = true}
      %dma_start3A_253 = arith.constant 0 : i32
      %dma_start3A_254 = arith.constant 0 : i32
      %dma_start3A_255 = tpu.memref_slice %arg11[%dma_start3A_253, %dma_start3A_254] : memref<4x128xi32, #tpu.memory_space<vmem>> -> memref<1x128xi32, #tpu.memory_space<vmem>>
      %dma_start3A_256 = tpu.memref_squeeze %dma_start3A_255 : memref<1x128xi32, #tpu.memory_space<vmem>> -> memref<128xi32, #tpu.memory_space<vmem>>
      %dma_start3A_257 = arith.constant 0 : i32
      %dma_start3A_258 = tpu.memref_slice %arg19[%dma_start3A_257] : memref<10240xf32, #tpu.memory_space<vmem_shared>> -> memref<10240xf32, #tpu.memory_space<vmem_shared>>
      tpu.enqueue_indirect_dma source(%arg17 : memref<128xf32, #tpu.memory_space<vmem>>) target(%dma_start3A_258 : memref<10240xf32, #tpu.memory_space<vmem_shared>>) offsets(%dma_start3A_256 : memref<128xi32, #tpu.memory_space<vmem>>) semaphore(%arg20 : memref<!tpu.dma_semaphore, #tpu.memory_space<semaphore_mem>>) {add = true}
      %dma_start3A_259 = arith.constant 1 : i32
      %dma_start3A_260 = arith.constant 128 : i32
      %dma_start3A_261 = arith.constant 0 : i32
      %dma_start3A_262 = tpu.memref_slice %arg14[%dma_start3A_260, %dma_start3A_261] : memref<512x32xf32, #tpu.memory_space<vmem>> -> memref<128x32xf32, #tpu.memory_space<vmem>>
      %dma_start3A_263 = arith.constant 0 : i32
      %dma_start3A_264 = tpu.memref_slice %arg11[%dma_start3A_259, %dma_start3A_263] : memref<4x128xi32, #tpu.memory_space<vmem>> -> memref<1x128xi32, #tpu.memory_space<vmem>>
      %dma_start3A_265 = tpu.memref_squeeze %dma_start3A_264 : memref<1x128xi32, #tpu.memory_space<vmem>> -> memref<128xi32, #tpu.memory_space<vmem>>
      %dma_start3A_266 = arith.constant 0 : i32
      %dma_start3A_267 = arith.constant 0 : i32
      %dma_start3A_268 = tpu.memref_slice %arg18[%dma_start3A_266, %dma_start3A_267] : memref<10240x32xf32, #tpu.memory_space<vmem_shared>> -> memref<10240x32xf32, #tpu.memory_space<vmem_shared>>
      tpu.enqueue_indirect_dma source(%dma_start3A_262 : memref<128x32xf32, #tpu.memory_space<vmem>>) target(%dma_start3A_268 : memref<10240x32xf32, #tpu.memory_space<vmem_shared>>) offsets(%dma_start3A_265 : memref<128xi32, #tpu.memory_space<vmem>>) semaphore(%arg20 : memref<!tpu.dma_semaphore, #tpu.memory_space<semaphore_mem>>) {add = true}
      %dma_start3A_269 = arith.constant 1 : i32
      %dma_start3A_270 = arith.constant 0 : i32
      %dma_start3A_271 = tpu.memref_slice %arg11[%dma_start3A_269, %dma_start3A_270] : memref<4x128xi32, #tpu.memory_space<vmem>> -> memref<1x128xi32, #tpu.memory_space<vmem>>
      %dma_start3A_272 = tpu.memref_squeeze %dma_start3A_271 : memref<1x128xi32, #tpu.memory_space<vmem>> -> memref<128xi32, #tpu.memory_space<vmem>>
      %dma_start3A_273 = arith.constant 0 : i32
      %dma_start3A_274 = tpu.memref_slice %arg19[%dma_start3A_273] : memref<10240xf32, #tpu.memory_space<vmem_shared>> -> memref<10240xf32, #tpu.memory_space<vmem_shared>>
      tpu.enqueue_indirect_dma source(%arg17 : memref<128xf32, #tpu.memory_space<vmem>>) target(%dma_start3A_274 : memref<10240xf32, #tpu.memory_space<vmem_shared>>) offsets(%dma_start3A_272 : memref<128xi32, #tpu.memory_space<vmem>>) semaphore(%arg20 : memref<!tpu.dma_semaphore, #tpu.memory_space<semaphore_mem>>) {add = true}
      %dma_start3A_275 = arith.constant 2 : i32
      %dma_start3A_276 = arith.constant 256 : i32
      %dma_start3A_277 = arith.constant 0 : i32
      %dma_start3A_278 = tpu.memref_slice %arg14[%dma_start3A_276, %dma_start3A_277] : memref<512x32xf32, #tpu.memory_space<vmem>> -> memref<128x32xf32, #tpu.memory_space<vmem>>
      %dma_start3A_279 = arith.constant 0 : i32
      %dma_start3A_280 = tpu.memref_slice %arg11[%dma_start3A_275, %dma_start3A_279] : memref<4x128xi32, #tpu.memory_space<vmem>> -> memref<1x128xi32, #tpu.memory_space<vmem>>
      %dma_start3A_281 = tpu.memref_squeeze %dma_start3A_280 : memref<1x128xi32, #tpu.memory_space<vmem>> -> memref<128xi32, #tpu.memory_space<vmem>>
      %dma_start3A_282 = arith.constant 0 : i32
      %dma_start3A_283 = arith.constant 0 : i32
      %dma_start3A_284 = tpu.memref_slice %arg18[%dma_start3A_282, %dma_start3A_283] : memref<10240x32xf32, #tpu.memory_space<vmem_shared>> -> memref<10240x32xf32, #tpu.memory_space<vmem_shared>>
      tpu.enqueue_indirect_dma source(%dma_start3A_278 : memref<128x32xf32, #tpu.memory_space<vmem>>) target(%dma_start3A_284 : memref<10240x32xf32, #tpu.memory_space<vmem_shared>>) offsets(%dma_start3A_281 : memref<128xi32, #tpu.memory_space<vmem>>) semaphore(%arg20 : memref<!tpu.dma_semaphore, #tpu.memory_space<semaphore_mem>>) {add = true}
      %dma_start3A_285 = arith.constant 2 : i32
      %dma_start3A_286 = arith.constant 0 : i32
      %dma_start3A_287 = tpu.memref_slice %arg11[%dma_start3A_285, %dma_start3A_286] : memref<4x128xi32, #tpu.memory_space<vmem>> -> memref<1x128xi32, #tpu.memory_space<vmem>>
      %dma_start3A_288 = tpu.memref_squeeze %dma_start3A_287 : memref<1x128xi32, #tpu.memory_space<vmem>> -> memref<128xi32, #tpu.memory_space<vmem>>
      %dma_start3A_289 = arith.constant 0 : i32
      %dma_start3A_290 = tpu.memref_slice %arg19[%dma_start3A_289] : memref<10240xf32, #tpu.memory_space<vmem_shared>> -> memref<10240xf32, #tpu.memory_space<vmem_shared>>
      tpu.enqueue_indirect_dma source(%arg17 : memref<128xf32, #tpu.memory_space<vmem>>) target(%dma_start3A_290 : memref<10240xf32, #tpu.memory_space<vmem_shared>>) offsets(%dma_start3A_288 : memref<128xi32, #tpu.memory_space<vmem>>) semaphore(%arg20 : memref<!tpu.dma_semaphore, #tpu.memory_space<semaphore_mem>>) {add = true}
      %dma_start3A_291 = arith.constant 3 : i32
      %dma_start3A_292 = arith.constant 384 : i32
      %dma_start3A_293 = arith.constant 0 : i32
      %dma_start3A_294 = tpu.memref_slice %arg14[%dma_start3A_292, %dma_start3A_293] : memref<512x32xf32, #tpu.memory_space<vmem>> -> memref<128x32xf32, #tpu.memory_space<vmem>>
      %dma_start3A_295 = arith.constant 0 : i32
      %dma_start3A_296 = tpu.memref_slice %arg11[%dma_start3A_291, %dma_start3A_295] : memref<4x128xi32, #tpu.memory_space<vmem>> -> memref<1x128xi32, #tpu.memory_space<vmem>>
      %dma_start3A_297 = tpu.memref_squeeze %dma_start3A_296 : memref<1x128xi32, #tpu.memory_space<vmem>> -> memref<128xi32, #tpu.memory_space<vmem>>
      %dma_start3A_298 = arith.constant 0 : i32
      %dma_start3A_299 = arith.constant 0 : i32
      %dma_start3A_300 = tpu.memref_slice %arg18[%dma_start3A_298, %dma_start3A_299] : memref<10240x32xf32, #tpu.memory_space<vmem_shared>> -> memref<10240x32xf32, #tpu.memory_space<vmem_shared>>
      tpu.enqueue_indirect_dma source(%dma_start3A_294 : memref<128x32xf32, #tpu.memory_space<vmem>>) target(%dma_start3A_300 : memref<10240x32xf32, #tpu.memory_space<vmem_shared>>) offsets(%dma_start3A_297 : memref<128xi32, #tpu.memory_space<vmem>>) semaphore(%arg20 : memref<!tpu.dma_semaphore, #tpu.memory_space<semaphore_mem>>) {add = true}
      %dma_start3A_301 = arith.constant 3 : i32
      %dma_start3A_302 = arith.constant 0 : i32
      %dma_start3A_303 = tpu.memref_slice %arg11[%dma_start3A_301, %dma_start3A_302] : memref<4x128xi32, #tpu.memory_space<vmem>> -> memref<1x128xi32, #tpu.memory_space<vmem>>
      %dma_start3A_304 = tpu.memref_squeeze %dma_start3A_303 : memref<1x128xi32, #tpu.memory_space<vmem>> -> memref<128xi32, #tpu.memory_space<vmem>>
      %dma_start3A_305 = arith.constant 0 : i32
      %dma_start3A_306 = tpu.memref_slice %arg19[%dma_start3A_305] : memref<10240xf32, #tpu.memory_space<vmem_shared>> -> memref<10240xf32, #tpu.memory_space<vmem_shared>>
      tpu.enqueue_indirect_dma source(%arg17 : memref<128xf32, #tpu.memory_space<vmem>>) target(%dma_start3A_306 : memref<10240xf32, #tpu.memory_space<vmem_shared>>) offsets(%dma_start3A_304 : memref<128xi32, #tpu.memory_space<vmem>>) semaphore(%arg20 : memref<!tpu.dma_semaphore, #tpu.memory_space<semaphore_mem>>) {add = true}
      %dma_wait3A_307 = arith.constant 0 : i32
      %dma_wait3A_308 = arith.constant 0 : i32
      %dma_wait3A_309 = arith.constant 0 : i32
      %dma_wait3A_310 = tpu.memref_slice %arg14[%dma_wait3A_308, %dma_wait3A_309] : memref<512x32xf32, #tpu.memory_space<vmem>> -> memref<128x32xf32, #tpu.memory_space<vmem>>
      %dma_wait3A_311 = arith.constant 0 : i32
      %dma_wait3A_312 = tpu.memref_slice %arg11[%dma_wait3A_307, %dma_wait3A_311] : memref<4x128xi32, #tpu.memory_space<vmem>> -> memref<1x128xi32, #tpu.memory_space<vmem>>
      %dma_wait3A_313 = tpu.memref_squeeze %dma_wait3A_312 : memref<1x128xi32, #tpu.memory_space<vmem>> -> memref<128xi32, #tpu.memory_space<vmem>>
      %dma_wait3A_314 = arith.constant 0 : i32
      %dma_wait3A_315 = arith.constant 0 : i32
      %dma_wait3A_316 = tpu.memref_slice %arg18[%dma_wait3A_314, %dma_wait3A_315] : memref<10240x32xf32, #tpu.memory_space<vmem_shared>> -> memref<10240x32xf32, #tpu.memory_space<vmem_shared>>
      tpu.wait_indirect_dma semaphore(%arg20 : memref<!tpu.dma_semaphore, #tpu.memory_space<semaphore_mem>>) src(%dma_wait3A_310 : memref<128x32xf32, #tpu.memory_space<vmem>>) dst(%dma_wait3A_316 : memref<10240x32xf32, #tpu.memory_space<vmem_shared>>)
      %dma_wait3A_317 = arith.constant 0 : i32
      %dma_wait3A_318 = arith.constant 0 : i32
      %dma_wait3A_319 = tpu.memref_slice %arg11[%dma_wait3A_317, %dma_wait3A_318] : memref<4x128xi32, #tpu.memory_space<vmem>> -> memref<1x128xi32, #tpu.memory_space<vmem>>
      %dma_wait3A_320 = tpu.memref_squeeze %dma_wait3A_319 : memref<1x128xi32, #tpu.memory_space<vmem>> -> memref<128xi32, #tpu.memory_space<vmem>>
      %dma_wait3A_321 = arith.constant 0 : i32
      %dma_wait3A_322 = tpu.memref_slice %arg19[%dma_wait3A_321] : memref<10240xf32, #tpu.memory_space<vmem_shared>> -> memref<10240xf32, #tpu.memory_space<vmem_shared>>
      tpu.wait_indirect_dma semaphore(%arg20 : memref<!tpu.dma_semaphore, #tpu.memory_space<semaphore_mem>>) src(%arg17 : memref<128xf32, #tpu.memory_space<vmem>>) dst(%dma_wait3A_322 : memref<10240xf32, #tpu.memory_space<vmem_shared>>)
      %dma_wait3A_323 = arith.constant 1 : i32
      %dma_wait3A_324 = arith.constant 128 : i32
      %dma_wait3A_325 = arith.constant 0 : i32
      %dma_wait3A_326 = tpu.memref_slice %arg14[%dma_wait3A_324, %dma_wait3A_325] : memref<512x32xf32, #tpu.memory_space<vmem>> -> memref<128x32xf32, #tpu.memory_space<vmem>>
      %dma_wait3A_327 = arith.constant 0 : i32
      %dma_wait3A_328 = tpu.memref_slice %arg11[%dma_wait3A_323, %dma_wait3A_327] : memref<4x128xi32, #tpu.memory_space<vmem>> -> memref<1x128xi32, #tpu.memory_space<vmem>>
      %dma_wait3A_329 = tpu.memref_squeeze %dma_wait3A_328 : memref<1x128xi32, #tpu.memory_space<vmem>> -> memref<128xi32, #tpu.memory_space<vmem>>
      %dma_wait3A_330 = arith.constant 0 : i32
      %dma_wait3A_331 = arith.constant 0 : i32
      %dma_wait3A_332 = tpu.memref_slice %arg18[%dma_wait3A_330, %dma_wait3A_331] : memref<10240x32xf32, #tpu.memory_space<vmem_shared>> -> memref<10240x32xf32, #tpu.memory_space<vmem_shared>>
      tpu.wait_indirect_dma semaphore(%arg20 : memref<!tpu.dma_semaphore, #tpu.memory_space<semaphore_mem>>) src(%dma_wait3A_326 : memref<128x32xf32, #tpu.memory_space<vmem>>) dst(%dma_wait3A_332 : memref<10240x32xf32, #tpu.memory_space<vmem_shared>>)
      %dma_wait3A_333 = arith.constant 1 : i32
      %dma_wait3A_334 = arith.constant 0 : i32
      %dma_wait3A_335 = tpu.memref_slice %arg11[%dma_wait3A_333, %dma_wait3A_334] : memref<4x128xi32, #tpu.memory_space<vmem>> -> memref<1x128xi32, #tpu.memory_space<vmem>>
      %dma_wait3A_336 = tpu.memref_squeeze %dma_wait3A_335 : memref<1x128xi32, #tpu.memory_space<vmem>> -> memref<128xi32, #tpu.memory_space<vmem>>
      %dma_wait3A_337 = arith.constant 0 : i32
      %dma_wait3A_338 = tpu.memref_slice %arg19[%dma_wait3A_337] : memref<10240xf32, #tpu.memory_space<vmem_shared>> -> memref<10240xf32, #tpu.memory_space<vmem_shared>>
      tpu.wait_indirect_dma semaphore(%arg20 : memref<!tpu.dma_semaphore, #tpu.memory_space<semaphore_mem>>) src(%arg17 : memref<128xf32, #tpu.memory_space<vmem>>) dst(%dma_wait3A_338 : memref<10240xf32, #tpu.memory_space<vmem_shared>>)
      %dma_wait3A_339 = arith.constant 2 : i32
      %dma_wait3A_340 = arith.constant 256 : i32
      %dma_wait3A_341 = arith.constant 0 : i32
      %dma_wait3A_342 = tpu.memref_slice %arg14[%dma_wait3A_340, %dma_wait3A_341] : memref<512x32xf32, #tpu.memory_space<vmem>> -> memref<128x32xf32, #tpu.memory_space<vmem>>
      %dma_wait3A_343 = arith.constant 0 : i32
      %dma_wait3A_344 = tpu.memref_slice %arg11[%dma_wait3A_339, %dma_wait3A_343] : memref<4x128xi32, #tpu.memory_space<vmem>> -> memref<1x128xi32, #tpu.memory_space<vmem>>
      %dma_wait3A_345 = tpu.memref_squeeze %dma_wait3A_344 : memref<1x128xi32, #tpu.memory_space<vmem>> -> memref<128xi32, #tpu.memory_space<vmem>>
      %dma_wait3A_346 = arith.constant 0 : i32
      %dma_wait3A_347 = arith.constant 0 : i32
      %dma_wait3A_348 = tpu.memref_slice %arg18[%dma_wait3A_346, %dma_wait3A_347] : memref<10240x32xf32, #tpu.memory_space<vmem_shared>> -> memref<10240x32xf32, #tpu.memory_space<vmem_shared>>
      tpu.wait_indirect_dma semaphore(%arg20 : memref<!tpu.dma_semaphore, #tpu.memory_space<semaphore_mem>>) src(%dma_wait3A_342 : memref<128x32xf32, #tpu.memory_space<vmem>>) dst(%dma_wait3A_348 : memref<10240x32xf32, #tpu.memory_space<vmem_shared>>)
      %dma_wait3A_349 = arith.constant 2 : i32
      %dma_wait3A_350 = arith.constant 0 : i32
      %dma_wait3A_351 = tpu.memref_slice %arg11[%dma_wait3A_349, %dma_wait3A_350] : memref<4x128xi32, #tpu.memory_space<vmem>> -> memref<1x128xi32, #tpu.memory_space<vmem>>
      %dma_wait3A_352 = tpu.memref_squeeze %dma_wait3A_351 : memref<1x128xi32, #tpu.memory_space<vmem>> -> memref<128xi32, #tpu.memory_space<vmem>>
      %dma_wait3A_353 = arith.constant 0 : i32
      %dma_wait3A_354 = tpu.memref_slice %arg19[%dma_wait3A_353] : memref<10240xf32, #tpu.memory_space<vmem_shared>> -> memref<10240xf32, #tpu.memory_space<vmem_shared>>
      tpu.wait_indirect_dma semaphore(%arg20 : memref<!tpu.dma_semaphore, #tpu.memory_space<semaphore_mem>>) src(%arg17 : memref<128xf32, #tpu.memory_space<vmem>>) dst(%dma_wait3A_354 : memref<10240xf32, #tpu.memory_space<vmem_shared>>)
      %dma_wait3A_355 = arith.constant 3 : i32
      %dma_wait3A_356 = arith.constant 384 : i32
      %dma_wait3A_357 = arith.constant 0 : i32
      %dma_wait3A_358 = tpu.memref_slice %arg14[%dma_wait3A_356, %dma_wait3A_357] : memref<512x32xf32, #tpu.memory_space<vmem>> -> memref<128x32xf32, #tpu.memory_space<vmem>>
      %dma_wait3A_359 = arith.constant 0 : i32
      %dma_wait3A_360 = tpu.memref_slice %arg11[%dma_wait3A_355, %dma_wait3A_359] : memref<4x128xi32, #tpu.memory_space<vmem>> -> memref<1x128xi32, #tpu.memory_space<vmem>>
      %dma_wait3A_361 = tpu.memref_squeeze %dma_wait3A_360 : memref<1x128xi32, #tpu.memory_space<vmem>> -> memref<128xi32, #tpu.memory_space<vmem>>
      %dma_wait3A_362 = arith.constant 0 : i32
      %dma_wait3A_363 = arith.constant 0 : i32
      %dma_wait3A_364 = tpu.memref_slice %arg18[%dma_wait3A_362, %dma_wait3A_363] : memref<10240x32xf32, #tpu.memory_space<vmem_shared>> -> memref<10240x32xf32, #tpu.memory_space<vmem_shared>>
      tpu.wait_indirect_dma semaphore(%arg20 : memref<!tpu.dma_semaphore, #tpu.memory_space<semaphore_mem>>) src(%dma_wait3A_358 : memref<128x32xf32, #tpu.memory_space<vmem>>) dst(%dma_wait3A_364 : memref<10240x32xf32, #tpu.memory_space<vmem_shared>>)
      %dma_wait3A_365 = arith.constant 3 : i32
      %dma_wait3A_366 = arith.constant 0 : i32
      %dma_wait3A_367 = tpu.memref_slice %arg11[%dma_wait3A_365, %dma_wait3A_366] : memref<4x128xi32, #tpu.memory_space<vmem>> -> memref<1x128xi32, #tpu.memory_space<vmem>>
      %dma_wait3A_368 = tpu.memref_squeeze %dma_wait3A_367 : memref<1x128xi32, #tpu.memory_space<vmem>> -> memref<128xi32, #tpu.memory_space<vmem>>
      %dma_wait3A_369 = arith.constant 0 : i32
      %dma_wait3A_370 = tpu.memref_slice %arg19[%dma_wait3A_369] : memref<10240xf32, #tpu.memory_space<vmem_shared>> -> memref<10240xf32, #tpu.memory_space<vmem_shared>>
      tpu.wait_indirect_dma semaphore(%arg20 : memref<!tpu.dma_semaphore, #tpu.memory_space<semaphore_mem>>) src(%arg17 : memref<128xf32, #tpu.memory_space<vmem>>) dst(%dma_wait3A_370 : memref<10240xf32, #tpu.memory_space<vmem_shared>>)
      %scan3A_371 = arith.constant 0 : i32
      scf.yield %scan3A_371 : i32
    }
    %scan3A_17 = arith.constant 40 : i32
    %barrier3A_18 = arith.constant 0 : index
    tpu.barrier barrier_id(%barrier3A_18)
    %mul3A_19 = arith.constant 640 : i32
    %mul3A_20 = arith.muli %arg1, %mul3A_19 : i32
    "tpu.region"() ({
      %run_scoped3A = tpu.sem_alloc : memref<!tpu.dma_semaphore, #tpu.memory_space<semaphore_mem>>
      %dma_start3A = arith.constant 0 : i32
      %dma_start3A_21 = tpu.memref_slice %arg9[%arg0, %mul3A_20, %dma_start3A] : memref<2x10240x32xf32, #tpu.memory_space<hbm>> -> memref<1x640x32xf32, #tpu.memory_space<hbm>>
      %dma_start3A_22 = tpu.memref_squeeze %dma_start3A_21 : memref<1x640x32xf32, #tpu.memory_space<hbm>> -> memref<640x32xf32, #tpu.memory_space<hbm>>
      %dma_start3A_23 = arith.constant 0 : i32
      %dma_start3A_24 = tpu.memref_slice %arg18[%mul3A_20, %dma_start3A_23] : memref<10240x32xf32, #tpu.memory_space<vmem_shared>> -> memref<640x32xf32, #tpu.memory_space<vmem_shared>>
      tpu.enqueue_dma source(%dma_start3A_24 : memref<640x32xf32, #tpu.memory_space<vmem_shared>>) target(%dma_start3A_22 : memref<640x32xf32, #tpu.memory_space<hbm>>) target_semaphore(%run_scoped3A : memref<!tpu.dma_semaphore, #tpu.memory_space<semaphore_mem>>)
      %dma_wait3A = arith.constant 0 : i32
      %dma_wait3A_25 = tpu.memref_slice %arg9[%arg0, %mul3A_20, %dma_wait3A] : memref<2x10240x32xf32, #tpu.memory_space<hbm>> -> memref<1x640x32xf32, #tpu.memory_space<hbm>>
      %dma_wait3A_26 = tpu.memref_squeeze %dma_wait3A_25 : memref<1x640x32xf32, #tpu.memory_space<hbm>> -> memref<640x32xf32, #tpu.memory_space<hbm>>
      %dma_wait3A_27 = arith.constant 0 : i32
      %dma_wait3A_28 = tpu.memref_slice %arg18[%mul3A_20, %dma_wait3A_27] : memref<10240x32xf32, #tpu.memory_space<vmem_shared>> -> memref<640x32xf32, #tpu.memory_space<vmem_shared>>
      tpu.wait_dma2 semaphore(%run_scoped3A : memref<!tpu.dma_semaphore, #tpu.memory_space<semaphore_mem>>) src(%dma_wait3A_28 : memref<640x32xf32, #tpu.memory_space<vmem_shared>>) dst(%dma_wait3A_26 : memref<640x32xf32, #tpu.memory_space<hbm>>)
      tpu.yield
    }) : () -> ()
    "tpu.region"() ({
      %run_scoped3A = tpu.sem_alloc : memref<!tpu.dma_semaphore, #tpu.memory_space<semaphore_mem>>
      %dma_start3A = tpu.memref_slice %arg10[%arg0, %mul3A_20] : memref<2x10240xf32, #tpu.memory_space<hbm>> -> memref<1x640xf32, #tpu.memory_space<hbm>>
      %dma_start3A_21 = tpu.memref_squeeze %dma_start3A : memref<1x640xf32, #tpu.memory_space<hbm>> -> memref<640xf32, #tpu.memory_space<hbm>>
      %dma_start3A_22 = tpu.memref_slice %arg19[%mul3A_20] : memref<10240xf32, #tpu.memory_space<vmem_shared>> -> memref<640xf32, #tpu.memory_space<vmem_shared>>
      tpu.enqueue_dma source(%dma_start3A_22 : memref<640xf32, #tpu.memory_space<vmem_shared>>) target(%dma_start3A_21 : memref<640xf32, #tpu.memory_space<hbm>>) target_semaphore(%run_scoped3A : memref<!tpu.dma_semaphore, #tpu.memory_space<semaphore_mem>>)
      %dma_wait3A = tpu.memref_slice %arg10[%arg0, %mul3A_20] : memref<2x10240xf32, #tpu.memory_space<hbm>> -> memref<1x640xf32, #tpu.memory_space<hbm>>
      %dma_wait3A_23 = tpu.memref_squeeze %dma_wait3A : memref<1x640xf32, #tpu.memory_space<hbm>> -> memref<640xf32, #tpu.memory_space<hbm>>
      %dma_wait3A_24 = tpu.memref_slice %arg19[%mul3A_20] : memref<10240xf32, #tpu.memory_space<vmem_shared>> -> memref<640xf32, #tpu.memory_space<vmem_shared>>
      tpu.wait_dma2 semaphore(%run_scoped3A : memref<!tpu.dma_semaphore, #tpu.memory_space<semaphore_mem>>) src(%dma_wait3A_24 : memref<640xf32, #tpu.memory_space<vmem_shared>>) dst(%dma_wait3A_23 : memref<640xf32, #tpu.memory_space<hbm>>)
      tpu.yield
    }) : () -> ()
    return
  }
}

#map = affine_map<(d0, d1) -> (0, 0)>
#map1 = affine_map<(d0, d1) -> (0, 0, 0, 0, 0)>
#map2 = affine_map<(d0, d1) -> (0)>
#map3 = affine_map<(d0, d1) -> (0, 0, 0)>
module attributes {stable_mosaic.version = 14 : i64} {
  func.func @_sc_gat_body(%arg0: i32, %arg1: i32, %arg2: memref<2x10240xf32, #tpu.memory_space<hbm>>, %arg3: memref<2x10240xf32, #tpu.memory_space<hbm>>, %arg4: memref<20480x64xf32, #tpu.memory_space<hbm>>, %arg5: memref<2x16x40x4x128xi32, #tpu.memory_space<hbm>>, %arg6: memref<2x16x40x4x128xi32, #tpu.memory_space<hbm>>, %arg7: memref<2x16x40x4x128xf32, #tpu.memory_space<hbm>>, %arg8: memref<2x16xf32, #tpu.memory_space<hbm>>, %arg9: memref<640x64xf32, #tpu.memory_space<hbm>>, %arg10: memref<640xf32, #tpu.memory_space<hbm>>, %arg11: memref<2x10240x64xf32, #tpu.memory_space<hbm>>, %arg12: memref<2x10240xf32, #tpu.memory_space<hbm>>, %arg13: memref<10240xf32, #tpu.memory_space<vmem>>, %arg14: memref<10240xf32, #tpu.memory_space<vmem>>, %arg15: memref<4x128xi32, #tpu.memory_space<vmem>>, %arg16: memref<4x128xi32, #tpu.memory_space<vmem>>, %arg17: memref<4x128xi32, #tpu.memory_space<vmem>>, %arg18: memref<4x128xf32, #tpu.memory_space<vmem>>, %arg19: memref<4x128xf32, #tpu.memory_space<vmem>>, %arg20: memref<512x64xf32, #tpu.memory_space<vmem>>, %arg21: memref<16xf32, #tpu.memory_space<vmem>>, %arg22: memref<10240x64xf32, #tpu.memory_space<vmem_shared>>, %arg23: memref<10240xf32, #tpu.memory_space<vmem_shared>>, %arg24: memref<!tpu.dma_semaphore, #tpu.memory_space<semaphore_mem>>) attributes {dimension_semantics = [#tpu.dimension_semantics<core_parallel>, #tpu.dimension_semantics<subcore_parallel>], iteration_bounds = array<i64: 2, 16>, scalar_prefetch = 0 : i64, scratch_operands = 12 : i64, tpu.core_type = #tpu.core_type<sc_vector_subcore>, window_params = [{transform_indices = #map}, {transform_indices = #map}, {transform_indices = #map}, {transform_indices = #map1}, {transform_indices = #map1}, {transform_indices = #map1}, {transform_indices = #map}, {transform_indices = #map}, {transform_indices = #map2}, {transform_indices = #map3}, {transform_indices = #map}]} {
    %mul3A = arith.constant 10240 : i32
    %mul3A_0 = arith.muli %arg0, %mul3A : i32
    %broadcast_in_dim3A = vector.broadcast %mul3A_0 : i32 to vector<16xi32>
    %mul3A_1 = arith.constant 640 : i32
    %mul3A_2 = arith.muli %arg1, %mul3A_1 : i32
    "tpu.region"() ({
      %run_scoped3A = tpu.sem_alloc : memref<!tpu.dma_semaphore, #tpu.memory_space<semaphore_mem>>
      %dma_start3A = arith.constant 0 : i32
      %dma_start3A_15 = tpu.memref_slice %arg22[%mul3A_2, %dma_start3A] : memref<10240x64xf32, #tpu.memory_space<vmem_shared>> -> memref<640x64xf32, #tpu.memory_space<vmem_shared>>
      tpu.enqueue_dma source(%arg9 : memref<640x64xf32, #tpu.memory_space<hbm>>) target(%dma_start3A_15 : memref<640x64xf32, #tpu.memory_space<vmem_shared>>) target_semaphore(%run_scoped3A : memref<!tpu.dma_semaphore, #tpu.memory_space<semaphore_mem>>)
      %dma_wait3A = arith.constant 0 : i32
      %dma_wait3A_16 = tpu.memref_slice %arg22[%mul3A_2, %dma_wait3A] : memref<10240x64xf32, #tpu.memory_space<vmem_shared>> -> memref<640x64xf32, #tpu.memory_space<vmem_shared>>
      tpu.wait_dma2 semaphore(%run_scoped3A : memref<!tpu.dma_semaphore, #tpu.memory_space<semaphore_mem>>) src(%arg9 : memref<640x64xf32, #tpu.memory_space<hbm>>) dst(%dma_wait3A_16 : memref<640x64xf32, #tpu.memory_space<vmem_shared>>)
      tpu.yield
    }) : () -> ()
    %mul3A_3 = arith.constant 640 : i32
    %mul3A_4 = arith.muli %arg1, %mul3A_3 : i32
    "tpu.region"() ({
      %run_scoped3A = tpu.sem_alloc : memref<!tpu.dma_semaphore, #tpu.memory_space<semaphore_mem>>
      %dma_start3A = tpu.memref_slice %arg23[%mul3A_4] : memref<10240xf32, #tpu.memory_space<vmem_shared>> -> memref<640xf32, #tpu.memory_space<vmem_shared>>
      tpu.enqueue_dma source(%arg10 : memref<640xf32, #tpu.memory_space<hbm>>) target(%dma_start3A : memref<640xf32, #tpu.memory_space<vmem_shared>>) target_semaphore(%run_scoped3A : memref<!tpu.dma_semaphore, #tpu.memory_space<semaphore_mem>>)
      %dma_wait3A = tpu.memref_slice %arg23[%mul3A_4] : memref<10240xf32, #tpu.memory_space<vmem_shared>> -> memref<640xf32, #tpu.memory_space<vmem_shared>>
      tpu.wait_dma2 semaphore(%run_scoped3A : memref<!tpu.dma_semaphore, #tpu.memory_space<semaphore_mem>>) src(%arg10 : memref<640xf32, #tpu.memory_space<hbm>>) dst(%dma_wait3A : memref<640xf32, #tpu.memory_space<vmem_shared>>)
      tpu.yield
    }) : () -> ()
    "tpu.region"() ({
      %run_scoped3A = tpu.sem_alloc : memref<!tpu.dma_semaphore, #tpu.memory_space<semaphore_mem>>
      %dma_start3A = arith.constant 0 : i32
      %dma_start3A_15 = tpu.memref_slice %arg2[%arg0, %dma_start3A] : memref<2x10240xf32, #tpu.memory_space<hbm>> -> memref<1x10240xf32, #tpu.memory_space<hbm>>
      %dma_start3A_16 = tpu.memref_squeeze %dma_start3A_15 : memref<1x10240xf32, #tpu.memory_space<hbm>> -> memref<10240xf32, #tpu.memory_space<hbm>>
      %dma_start3A_17 = arith.constant 0 : i32
      %dma_start3A_18 = tpu.memref_slice %arg2[%arg0, %dma_start3A_17] : memref<2x10240xf32, #tpu.memory_space<hbm>> -> memref<1x10240xf32, #tpu.memory_space<hbm>>
      %dma_start3A_19 = tpu.memref_squeeze %dma_start3A_18 : memref<1x10240xf32, #tpu.memory_space<hbm>> -> memref<10240xf32, #tpu.memory_space<hbm>>
      tpu.enqueue_dma source(%dma_start3A_19 : memref<10240xf32, #tpu.memory_space<hbm>>) target(%arg13 : memref<10240xf32, #tpu.memory_space<vmem>>) target_semaphore(%run_scoped3A : memref<!tpu.dma_semaphore, #tpu.memory_space<semaphore_mem>>)
      %dma_wait3A = arith.constant 0 : i32
      %dma_wait3A_20 = tpu.memref_slice %arg2[%arg0, %dma_wait3A] : memref<2x10240xf32, #tpu.memory_space<hbm>> -> memref<1x10240xf32, #tpu.memory_space<hbm>>
      %dma_wait3A_21 = tpu.memref_squeeze %dma_wait3A_20 : memref<1x10240xf32, #tpu.memory_space<hbm>> -> memref<10240xf32, #tpu.memory_space<hbm>>
      %dma_wait3A_22 = arith.constant 0 : i32
      %dma_wait3A_23 = tpu.memref_slice %arg2[%arg0, %dma_wait3A_22] : memref<2x10240xf32, #tpu.memory_space<hbm>> -> memref<1x10240xf32, #tpu.memory_space<hbm>>
      %dma_wait3A_24 = tpu.memref_squeeze %dma_wait3A_23 : memref<1x10240xf32, #tpu.memory_space<hbm>> -> memref<10240xf32, #tpu.memory_space<hbm>>
      tpu.wait_dma2 semaphore(%run_scoped3A : memref<!tpu.dma_semaphore, #tpu.memory_space<semaphore_mem>>) src(%dma_wait3A_24 : memref<10240xf32, #tpu.memory_space<hbm>>) dst(%arg13 : memref<10240xf32, #tpu.memory_space<vmem>>)
      tpu.yield
    }) : () -> ()
    "tpu.region"() ({
      %run_scoped3A = tpu.sem_alloc : memref<!tpu.dma_semaphore, #tpu.memory_space<semaphore_mem>>
      %dma_start3A = arith.constant 0 : i32
      %dma_start3A_15 = tpu.memref_slice %arg3[%arg0, %dma_start3A] : memref<2x10240xf32, #tpu.memory_space<hbm>> -> memref<1x10240xf32, #tpu.memory_space<hbm>>
      %dma_start3A_16 = tpu.memref_squeeze %dma_start3A_15 : memref<1x10240xf32, #tpu.memory_space<hbm>> -> memref<10240xf32, #tpu.memory_space<hbm>>
      %dma_start3A_17 = arith.constant 0 : i32
      %dma_start3A_18 = tpu.memref_slice %arg3[%arg0, %dma_start3A_17] : memref<2x10240xf32, #tpu.memory_space<hbm>> -> memref<1x10240xf32, #tpu.memory_space<hbm>>
      %dma_start3A_19 = tpu.memref_squeeze %dma_start3A_18 : memref<1x10240xf32, #tpu.memory_space<hbm>> -> memref<10240xf32, #tpu.memory_space<hbm>>
      tpu.enqueue_dma source(%dma_start3A_19 : memref<10240xf32, #tpu.memory_space<hbm>>) target(%arg14 : memref<10240xf32, #tpu.memory_space<vmem>>) target_semaphore(%run_scoped3A : memref<!tpu.dma_semaphore, #tpu.memory_space<semaphore_mem>>)
      %dma_wait3A = arith.constant 0 : i32
      %dma_wait3A_20 = tpu.memref_slice %arg3[%arg0, %dma_wait3A] : memref<2x10240xf32, #tpu.memory_space<hbm>> -> memref<1x10240xf32, #tpu.memory_space<hbm>>
      %dma_wait3A_21 = tpu.memref_squeeze %dma_wait3A_20 : memref<1x10240xf32, #tpu.memory_space<hbm>> -> memref<10240xf32, #tpu.memory_space<hbm>>
      %dma_wait3A_22 = arith.constant 0 : i32
      %dma_wait3A_23 = tpu.memref_slice %arg3[%arg0, %dma_wait3A_22] : memref<2x10240xf32, #tpu.memory_space<hbm>> -> memref<1x10240xf32, #tpu.memory_space<hbm>>
      %dma_wait3A_24 = tpu.memref_squeeze %dma_wait3A_23 : memref<1x10240xf32, #tpu.memory_space<hbm>> -> memref<10240xf32, #tpu.memory_space<hbm>>
      tpu.wait_dma2 semaphore(%run_scoped3A : memref<!tpu.dma_semaphore, #tpu.memory_space<semaphore_mem>>) src(%dma_wait3A_24 : memref<10240xf32, #tpu.memory_space<hbm>>) dst(%arg14 : memref<10240xf32, #tpu.memory_space<vmem>>)
      tpu.yield
    }) : () -> ()
    "tpu.region"() ({
      %run_scoped3A = tpu.sem_alloc : memref<!tpu.dma_semaphore, #tpu.memory_space<semaphore_mem>>
      %dma_start3A = arith.constant 0 : i32
      %dma_start3A_15 = tpu.memref_slice %arg8[%arg0, %dma_start3A] : memref<2x16xf32, #tpu.memory_space<hbm>> -> memref<1x16xf32, #tpu.memory_space<hbm>>
      %dma_start3A_16 = tpu.memref_squeeze %dma_start3A_15 : memref<1x16xf32, #tpu.memory_space<hbm>> -> memref<16xf32, #tpu.memory_space<hbm>>
      %dma_start3A_17 = arith.constant 0 : i32
      %dma_start3A_18 = tpu.memref_slice %arg8[%arg0, %dma_start3A_17] : memref<2x16xf32, #tpu.memory_space<hbm>> -> memref<1x16xf32, #tpu.memory_space<hbm>>
      %dma_start3A_19 = tpu.memref_squeeze %dma_start3A_18 : memref<1x16xf32, #tpu.memory_space<hbm>> -> memref<16xf32, #tpu.memory_space<hbm>>
      tpu.enqueue_dma source(%dma_start3A_19 : memref<16xf32, #tpu.memory_space<hbm>>) target(%arg21 : memref<16xf32, #tpu.memory_space<vmem>>) target_semaphore(%run_scoped3A : memref<!tpu.dma_semaphore, #tpu.memory_space<semaphore_mem>>)
      %dma_wait3A = arith.constant 0 : i32
      %dma_wait3A_20 = tpu.memref_slice %arg8[%arg0, %dma_wait3A] : memref<2x16xf32, #tpu.memory_space<hbm>> -> memref<1x16xf32, #tpu.memory_space<hbm>>
      %dma_wait3A_21 = tpu.memref_squeeze %dma_wait3A_20 : memref<1x16xf32, #tpu.memory_space<hbm>> -> memref<16xf32, #tpu.memory_space<hbm>>
      %dma_wait3A_22 = arith.constant 0 : i32
      %dma_wait3A_23 = tpu.memref_slice %arg8[%arg0, %dma_wait3A_22] : memref<2x16xf32, #tpu.memory_space<hbm>> -> memref<1x16xf32, #tpu.memory_space<hbm>>
      %dma_wait3A_24 = tpu.memref_squeeze %dma_wait3A_23 : memref<1x16xf32, #tpu.memory_space<hbm>> -> memref<16xf32, #tpu.memory_space<hbm>>
      tpu.wait_dma2 semaphore(%run_scoped3A : memref<!tpu.dma_semaphore, #tpu.memory_space<semaphore_mem>>) src(%dma_wait3A_24 : memref<16xf32, #tpu.memory_space<hbm>>) dst(%arg21 : memref<16xf32, #tpu.memory_space<vmem>>)
      tpu.yield
    }) : () -> ()
    %barrier3A = arith.constant 0 : index
    tpu.barrier barrier_id(%barrier3A)
    %get3A = arith.constant 0 : index
    %get3A_5 = tpu.vector_load %arg21[%get3A] {strides = array<i32>} : memref<16xf32, #tpu.memory_space<vmem>>, vector<16xf32>,
    %scan3A = arith.constant 0 : i32
    %scan3A_6 = arith.constant 0 : i32
    %scan3A_7 = arith.constant 40 : i32
    %scan3A_8 = arith.addi %scan3A_6, %scan3A_7 : i32
    %scan3A_9 = arith.constant 1 : i32
    %scan3A_10 = scf.for %scan3A_15 = %scan3A_6 to %scan3A_8 step %scan3A_9 iter_args(%scan3A_16 = %scan3A) -> (i32)  : i32 {
      %dma_start3A = arith.constant 0 : i32
      %dma_start3A_17 = arith.constant 0 : i32
      %dma_start3A_18 = tpu.memref_slice %arg5[%arg0, %arg1, %scan3A_15, %dma_start3A, %dma_start3A_17] : memref<2x16x40x4x128xi32, #tpu.memory_space<hbm>> -> memref<1x1x1x4x128xi32, #tpu.memory_space<hbm>>
      %dma_start3A_19 = tpu.memref_squeeze %dma_start3A_18 : memref<1x1x1x4x128xi32, #tpu.memory_space<hbm>> -> memref<4x128xi32, #tpu.memory_space<hbm>>
      %dma_start3A_20 = arith.constant 0 : i32
      %dma_start3A_21 = arith.constant 0 : i32
      %dma_start3A_22 = tpu.memref_slice %arg5[%arg0, %arg1, %scan3A_15, %dma_start3A_20, %dma_start3A_21] : memref<2x16x40x4x128xi32, #tpu.memory_space<hbm>> -> memref<1x1x1x4x128xi32, #tpu.memory_space<hbm>>
      %dma_start3A_23 = tpu.memref_squeeze %dma_start3A_22 : memref<1x1x1x4x128xi32, #tpu.memory_space<hbm>> -> memref<4x128xi32, #tpu.memory_space<hbm>>
      tpu.enqueue_dma source(%dma_start3A_23 : memref<4x128xi32, #tpu.memory_space<hbm>>) target(%arg15 : memref<4x128xi32, #tpu.memory_space<vmem>>) target_semaphore(%arg24 : memref<!tpu.dma_semaphore, #tpu.memory_space<semaphore_mem>>)
      %dma_start3A_24 = arith.constant 0 : i32
      %dma_start3A_25 = arith.constant 0 : i32
      %dma_start3A_26 = tpu.memref_slice %arg6[%arg0, %arg1, %scan3A_15, %dma_start3A_24, %dma_start3A_25] : memref<2x16x40x4x128xi32, #tpu.memory_space<hbm>> -> memref<1x1x1x4x128xi32, #tpu.memory_space<hbm>>
      %dma_start3A_27 = tpu.memref_squeeze %dma_start3A_26 : memref<1x1x1x4x128xi32, #tpu.memory_space<hbm>> -> memref<4x128xi32, #tpu.memory_space<hbm>>
      %dma_start3A_28 = arith.constant 0 : i32
      %dma_start3A_29 = arith.constant 0 : i32
      %dma_start3A_30 = tpu.memref_slice %arg6[%arg0, %arg1, %scan3A_15, %dma_start3A_28, %dma_start3A_29] : memref<2x16x40x4x128xi32, #tpu.memory_space<hbm>> -> memref<1x1x1x4x128xi32, #tpu.memory_space<hbm>>
      %dma_start3A_31 = tpu.memref_squeeze %dma_start3A_30 : memref<1x1x1x4x128xi32, #tpu.memory_space<hbm>> -> memref<4x128xi32, #tpu.memory_space<hbm>>
      tpu.enqueue_dma source(%dma_start3A_31 : memref<4x128xi32, #tpu.memory_space<hbm>>) target(%arg16 : memref<4x128xi32, #tpu.memory_space<vmem>>) target_semaphore(%arg24 : memref<!tpu.dma_semaphore, #tpu.memory_space<semaphore_mem>>)
      %dma_start3A_32 = arith.constant 0 : i32
      %dma_start3A_33 = arith.constant 0 : i32
      %dma_start3A_34 = tpu.memref_slice %arg7[%arg0, %arg1, %scan3A_15, %dma_start3A_32, %dma_start3A_33] : memref<2x16x40x4x128xf32, #tpu.memory_space<hbm>> -> memref<1x1x1x4x128xf32, #tpu.memory_space<hbm>>
      %dma_start3A_35 = tpu.memref_squeeze %dma_start3A_34 : memref<1x1x1x4x128xf32, #tpu.memory_space<hbm>> -> memref<4x128xf32, #tpu.memory_space<hbm>>
      %dma_start3A_36 = arith.constant 0 : i32
      %dma_start3A_37 = arith.constant 0 : i32
      %dma_start3A_38 = tpu.memref_slice %arg7[%arg0, %arg1, %scan3A_15, %dma_start3A_36, %dma_start3A_37] : memref<2x16x40x4x128xf32, #tpu.memory_space<hbm>> -> memref<1x1x1x4x128xf32, #tpu.memory_space<hbm>>
      %dma_start3A_39 = tpu.memref_squeeze %dma_start3A_38 : memref<1x1x1x4x128xf32, #tpu.memory_space<hbm>> -> memref<4x128xf32, #tpu.memory_space<hbm>>
      tpu.enqueue_dma source(%dma_start3A_39 : memref<4x128xf32, #tpu.memory_space<hbm>>) target(%arg18 : memref<4x128xf32, #tpu.memory_space<vmem>>) target_semaphore(%arg24 : memref<!tpu.dma_semaphore, #tpu.memory_space<semaphore_mem>>)
      %dma_wait3A = arith.constant 0 : i32
      %dma_wait3A_40 = arith.constant 0 : i32
      %dma_wait3A_41 = tpu.memref_slice %arg5[%arg0, %arg1, %scan3A_15, %dma_wait3A, %dma_wait3A_40] : memref<2x16x40x4x128xi32, #tpu.memory_space<hbm>> -> memref<1x1x1x4x128xi32, #tpu.memory_space<hbm>>
      %dma_wait3A_42 = tpu.memref_squeeze %dma_wait3A_41 : memref<1x1x1x4x128xi32, #tpu.memory_space<hbm>> -> memref<4x128xi32, #tpu.memory_space<hbm>>
      %dma_wait3A_43 = arith.constant 0 : i32
      %dma_wait3A_44 = arith.constant 0 : i32
      %dma_wait3A_45 = tpu.memref_slice %arg5[%arg0, %arg1, %scan3A_15, %dma_wait3A_43, %dma_wait3A_44] : memref<2x16x40x4x128xi32, #tpu.memory_space<hbm>> -> memref<1x1x1x4x128xi32, #tpu.memory_space<hbm>>
      %dma_wait3A_46 = tpu.memref_squeeze %dma_wait3A_45 : memref<1x1x1x4x128xi32, #tpu.memory_space<hbm>> -> memref<4x128xi32, #tpu.memory_space<hbm>>
      tpu.wait_dma2 semaphore(%arg24 : memref<!tpu.dma_semaphore, #tpu.memory_space<semaphore_mem>>) src(%dma_wait3A_46 : memref<4x128xi32, #tpu.memory_space<hbm>>) dst(%arg15 : memref<4x128xi32, #tpu.memory_space<vmem>>)
      %dma_wait3A_47 = arith.constant 0 : i32
      %dma_wait3A_48 = arith.constant 0 : i32
      %dma_wait3A_49 = tpu.memref_slice %arg6[%arg0, %arg1, %scan3A_15, %dma_wait3A_47, %dma_wait3A_48] : memref<2x16x40x4x128xi32, #tpu.memory_space<hbm>> -> memref<1x1x1x4x128xi32, #tpu.memory_space<hbm>>
      %dma_wait3A_50 = tpu.memref_squeeze %dma_wait3A_49 : memref<1x1x1x4x128xi32, #tpu.memory_space<hbm>> -> memref<4x128xi32, #tpu.memory_space<hbm>>
      %dma_wait3A_51 = arith.constant 0 : i32
      %dma_wait3A_52 = arith.constant 0 : i32
      %dma_wait3A_53 = tpu.memref_slice %arg6[%arg0, %arg1, %scan3A_15, %dma_wait3A_51, %dma_wait3A_52] : memref<2x16x40x4x128xi32, #tpu.memory_space<hbm>> -> memref<1x1x1x4x128xi32, #tpu.memory_space<hbm>>
      %dma_wait3A_54 = tpu.memref_squeeze %dma_wait3A_53 : memref<1x1x1x4x128xi32, #tpu.memory_space<hbm>> -> memref<4x128xi32, #tpu.memory_space<hbm>>
      tpu.wait_dma2 semaphore(%arg24 : memref<!tpu.dma_semaphore, #tpu.memory_space<semaphore_mem>>) src(%dma_wait3A_54 : memref<4x128xi32, #tpu.memory_space<hbm>>) dst(%arg16 : memref<4x128xi32, #tpu.memory_space<vmem>>)
      %dma_wait3A_55 = arith.constant 0 : i32
      %dma_wait3A_56 = arith.constant 0 : i32
      %dma_wait3A_57 = tpu.memref_slice %arg7[%arg0, %arg1, %scan3A_15, %dma_wait3A_55, %dma_wait3A_56] : memref<2x16x40x4x128xf32, #tpu.memory_space<hbm>> -> memref<1x1x1x4x128xf32, #tpu.memory_space<hbm>>
      %dma_wait3A_58 = tpu.memref_squeeze %dma_wait3A_57 : memref<1x1x1x4x128xf32, #tpu.memory_space<hbm>> -> memref<4x128xf32, #tpu.memory_space<hbm>>
      %dma_wait3A_59 = arith.constant 0 : i32
      %dma_wait3A_60 = arith.constant 0 : i32
      %dma_wait3A_61 = tpu.memref_slice %arg7[%arg0, %arg1, %scan3A_15, %dma_wait3A_59, %dma_wait3A_60] : memref<2x16x40x4x128xf32, #tpu.memory_space<hbm>> -> memref<1x1x1x4x128xf32, #tpu.memory_space<hbm>>
      %dma_wait3A_62 = tpu.memref_squeeze %dma_wait3A_61 : memref<1x1x1x4x128xf32, #tpu.memory_space<hbm>> -> memref<4x128xf32, #tpu.memory_space<hbm>>
      tpu.wait_dma2 semaphore(%arg24 : memref<!tpu.dma_semaphore, #tpu.memory_space<semaphore_mem>>) src(%dma_wait3A_62 : memref<4x128xf32, #tpu.memory_space<hbm>>) dst(%arg18 : memref<4x128xf32, #tpu.memory_space<vmem>>)
      %scan3A_63 = arith.constant 0 : i32
      %scan3A_64 = arith.constant 0 : i32
      %scan3A_65 = arith.constant 32 : i32
      %scan3A_66 = arith.addi %scan3A_64, %scan3A_65 : i32
      %scan3A_67 = arith.constant 4 : i32
      %scan3A_68 = scf.for %scan3A_325 = %scan3A_64 to %scan3A_66 step %scan3A_67 iter_args(%scan3A_326 = %scan3A_63) -> (i32)  : i32 {
        %jit3A = arith.constant 8 : i32
        %div3A = arith.divsi %scan3A_325, %jit3A : i32
        %sign3A = arith.constant 0 : i32
        %sign3A_327 = arith.cmpi sgt, %scan3A_325, %sign3A : i32
        %sign3A_328 = arith.extui %sign3A_327 : i1 to i32
        %sign3A_329 = arith.constant 0 : i32
        %sign3A_330 = arith.cmpi slt, %scan3A_325, %sign3A_329 : i32
        %sign3A_331 = arith.extui %sign3A_330 : i1 to i32
        %sign3A_332 = arith.subi %sign3A_328, %sign3A_331 : i32
        %sign3A_333 = arith.constant 0 : i32
        %sign3A_334 = arith.cmpi sgt, %jit3A, %sign3A_333 : i32
        %sign3A_335 = arith.extui %sign3A_334 : i1 to i32
        %sign3A_336 = arith.constant 0 : i32
        %sign3A_337 = arith.cmpi slt, %jit3A, %sign3A_336 : i32
        %sign3A_338 = arith.extui %sign3A_337 : i1 to i32
        %sign3A_339 = arith.subi %sign3A_335, %sign3A_338 : i32
        %ne3A = arith.cmpi ne, %sign3A_332, %sign3A_339 : i32
        %rem3A = arith.remsi %scan3A_325, %jit3A : i32
        %ne3A_340 = arith.constant 0 : i32
        %ne3A_341 = arith.cmpi ne, %rem3A, %ne3A_340 : i32
        %and3A = arith.andi %ne3A, %ne3A_341 : i1
        %sub3A = arith.constant 1 : i32
        %sub3A_342 = arith.subi %div3A, %sub3A : i32
        %select_n3A = arith.select %and3A, %sub3A_342, %div3A : i32
        %jit3A_343 = arith.constant 8 : i32
        %eq3A = arith.constant 0 : i32
        %eq3A_344 = arith.cmpi eq, %jit3A_343, %eq3A : i32
        %jit3A_345 = arith.constant 1 : i32
        %select_n3A_346 = arith.select %eq3A_344, %jit3A_345, %jit3A_343 : i32
        %rem3A_347 = arith.remsi %scan3A_325, %select_n3A_346 : i32
        %ne3A_348 = arith.constant 0 : i32
        %ne3A_349 = arith.cmpi ne, %rem3A_347, %ne3A_348 : i32
        %lt3A = arith.constant 0 : i32
        %lt3A_350 = arith.cmpi slt, %rem3A_347, %lt3A : i32
        %lt3A_351 = arith.constant 0 : i32
        %lt3A_352 = arith.cmpi slt, %select_n3A_346, %lt3A_351 : i32
        %ne3A_353 = arith.xori %lt3A_350, %lt3A_352 : i1
        %and3A_354 = arith.andi %ne3A_353, %ne3A_349 : i1
        %add3A = arith.addi %rem3A_347, %select_n3A_346 : i32
        %select_n3A_355 = arith.select %and3A_354, %add3A, %rem3A_347 : i32
        %mul3A_356 = arith.constant 16 : i32
        %mul3A_357 = arith.muli %select_n3A_355, %mul3A_356 : i32
        %get3A_358 = arith.index_cast %select_n3A : i32 to index
        %get3A_359 = arith.index_cast %mul3A_357 : i32 to index
        %get3A_360 = tpu.vector_load %arg15[%get3A_358, %get3A_359] {strides = array<i32>} : memref<4x128xi32, #tpu.memory_space<vmem>>, vector<16xi32>,
        %add3A_361 = arith.addi %get3A_360, %broadcast_in_dim3A : vector<16xi32>
        %swap3A = arith.index_cast %select_n3A : i32 to index
        %swap3A_362 = arith.index_cast %mul3A_357 : i32 to index
        %swap3A_363 = tpu.vector_load %arg17[%swap3A, %swap3A_362] {strides = array<i32>} : memref<4x128xi32, #tpu.memory_space<vmem>>, vector<16xi32>,
        tpu.vector_store %arg17[%swap3A, %swap3A_362], %add3A_361 {strides = array<i32>} : memref<4x128xi32, #tpu.memory_space<vmem>>, vector<16xi32>,
        %scan3A_364 = arith.constant 0 : i32
        %scan3A_365 = arith.constant 1 : i32
        %scan3A_366 = arith.addi %scan3A_325, %scan3A_365 : i32
        %jit3A_367 = arith.constant 8 : i32
        %div3A_368 = arith.divsi %scan3A_366, %jit3A_367 : i32
        %sign3A_369 = arith.constant 0 : i32
        %sign3A_370 = arith.cmpi sgt, %scan3A_366, %sign3A_369 : i32
        %sign3A_371 = arith.extui %sign3A_370 : i1 to i32
        %sign3A_372 = arith.constant 0 : i32
        %sign3A_373 = arith.cmpi slt, %scan3A_366, %sign3A_372 : i32
        %sign3A_374 = arith.extui %sign3A_373 : i1 to i32
        %sign3A_375 = arith.subi %sign3A_371, %sign3A_374 : i32
        %sign3A_376 = arith.constant 0 : i32
        %sign3A_377 = arith.cmpi sgt, %jit3A_367, %sign3A_376 : i32
        %sign3A_378 = arith.extui %sign3A_377 : i1 to i32
        %sign3A_379 = arith.constant 0 : i32
        %sign3A_380 = arith.cmpi slt, %jit3A_367, %sign3A_379 : i32
        %sign3A_381 = arith.extui %sign3A_380 : i1 to i32
        %sign3A_382 = arith.subi %sign3A_378, %sign3A_381 : i32
        %ne3A_383 = arith.cmpi ne, %sign3A_375, %sign3A_382 : i32
        %rem3A_384 = arith.remsi %scan3A_366, %jit3A_367 : i32
        %ne3A_385 = arith.constant 0 : i32
        %ne3A_386 = arith.cmpi ne, %rem3A_384, %ne3A_385 : i32
        %and3A_387 = arith.andi %ne3A_383, %ne3A_386 : i1
        %sub3A_388 = arith.constant 1 : i32
        %sub3A_389 = arith.subi %div3A_368, %sub3A_388 : i32
        %select_n3A_390 = arith.select %and3A_387, %sub3A_389, %div3A_368 : i32
        %jit3A_391 = arith.constant 8 : i32
        %eq3A_392 = arith.constant 0 : i32
        %eq3A_393 = arith.cmpi eq, %jit3A_391, %eq3A_392 : i32
        %jit3A_394 = arith.constant 1 : i32
        %select_n3A_395 = arith.select %eq3A_393, %jit3A_394, %jit3A_391 : i32
        %rem3A_396 = arith.remsi %scan3A_366, %select_n3A_395 : i32
        %ne3A_397 = arith.constant 0 : i32
        %ne3A_398 = arith.cmpi ne, %rem3A_396, %ne3A_397 : i32
        %lt3A_399 = arith.constant 0 : i32
        %lt3A_400 = arith.cmpi slt, %rem3A_396, %lt3A_399 : i32
        %lt3A_401 = arith.constant 0 : i32
        %lt3A_402 = arith.cmpi slt, %select_n3A_395, %lt3A_401 : i32
        %ne3A_403 = arith.xori %lt3A_400, %lt3A_402 : i1
        %and3A_404 = arith.andi %ne3A_403, %ne3A_398 : i1
        %add3A_405 = arith.addi %rem3A_396, %select_n3A_395 : i32
        %select_n3A_406 = arith.select %and3A_404, %add3A_405, %rem3A_396 : i32
        %mul3A_407 = arith.constant 16 : i32
        %mul3A_408 = arith.muli %select_n3A_406, %mul3A_407 : i32
        %get3A_409 = arith.index_cast %select_n3A_390 : i32 to index
        %get3A_410 = arith.index_cast %mul3A_408 : i32 to index
        %get3A_411 = tpu.vector_load %arg15[%get3A_409, %get3A_410] {strides = array<i32>} : memref<4x128xi32, #tpu.memory_space<vmem>>, vector<16xi32>,
        %add3A_412 = arith.addi %get3A_411, %broadcast_in_dim3A : vector<16xi32>
        %swap3A_413 = arith.index_cast %select_n3A_390 : i32 to index
        %swap3A_414 = arith.index_cast %mul3A_408 : i32 to index
        %swap3A_415 = tpu.vector_load %arg17[%swap3A_413, %swap3A_414] {strides = array<i32>} : memref<4x128xi32, #tpu.memory_space<vmem>>, vector<16xi32>,
        tpu.vector_store %arg17[%swap3A_413, %swap3A_414], %add3A_412 {strides = array<i32>} : memref<4x128xi32, #tpu.memory_space<vmem>>, vector<16xi32>,
        %scan3A_416 = arith.constant 0 : i32
        %scan3A_417 = arith.constant 2 : i32
        %scan3A_418 = arith.addi %scan3A_325, %scan3A_417 : i32
        %jit3A_419 = arith.constant 8 : i32
        %div3A_420 = arith.divsi %scan3A_418, %jit3A_419 : i32
        %sign3A_421 = arith.constant 0 : i32
        %sign3A_422 = arith.cmpi sgt, %scan3A_418, %sign3A_421 : i32
        %sign3A_423 = arith.extui %sign3A_422 : i1 to i32
        %sign3A_424 = arith.constant 0 : i32
        %sign3A_425 = arith.cmpi slt, %scan3A_418, %sign3A_424 : i32
        %sign3A_426 = arith.extui %sign3A_425 : i1 to i32
        %sign3A_427 = arith.subi %sign3A_423, %sign3A_426 : i32
        %sign3A_428 = arith.constant 0 : i32
        %sign3A_429 = arith.cmpi sgt, %jit3A_419, %sign3A_428 : i32
        %sign3A_430 = arith.extui %sign3A_429 : i1 to i32
        %sign3A_431 = arith.constant 0 : i32
        %sign3A_432 = arith.cmpi slt, %jit3A_419, %sign3A_431 : i32
        %sign3A_433 = arith.extui %sign3A_432 : i1 to i32
        %sign3A_434 = arith.subi %sign3A_430, %sign3A_433 : i32
        %ne3A_435 = arith.cmpi ne, %sign3A_427, %sign3A_434 : i32
        %rem3A_436 = arith.remsi %scan3A_418, %jit3A_419 : i32
        %ne3A_437 = arith.constant 0 : i32
        %ne3A_438 = arith.cmpi ne, %rem3A_436, %ne3A_437 : i32
        %and3A_439 = arith.andi %ne3A_435, %ne3A_438 : i1
        %sub3A_440 = arith.constant 1 : i32
        %sub3A_441 = arith.subi %div3A_420, %sub3A_440 : i32
        %select_n3A_442 = arith.select %and3A_439, %sub3A_441, %div3A_420 : i32
        %jit3A_443 = arith.constant 8 : i32
        %eq3A_444 = arith.constant 0 : i32
        %eq3A_445 = arith.cmpi eq, %jit3A_443, %eq3A_444 : i32
        %jit3A_446 = arith.constant 1 : i32
        %select_n3A_447 = arith.select %eq3A_445, %jit3A_446, %jit3A_443 : i32
        %rem3A_448 = arith.remsi %scan3A_418, %select_n3A_447 : i32
        %ne3A_449 = arith.constant 0 : i32
        %ne3A_450 = arith.cmpi ne, %rem3A_448, %ne3A_449 : i32
        %lt3A_451 = arith.constant 0 : i32
        %lt3A_452 = arith.cmpi slt, %rem3A_448, %lt3A_451 : i32
        %lt3A_453 = arith.constant 0 : i32
        %lt3A_454 = arith.cmpi slt, %select_n3A_447, %lt3A_453 : i32
        %ne3A_455 = arith.xori %lt3A_452, %lt3A_454 : i1
        %and3A_456 = arith.andi %ne3A_455, %ne3A_450 : i1
        %add3A_457 = arith.addi %rem3A_448, %select_n3A_447 : i32
        %select_n3A_458 = arith.select %and3A_456, %add3A_457, %rem3A_448 : i32
        %mul3A_459 = arith.constant 16 : i32
        %mul3A_460 = arith.muli %select_n3A_458, %mul3A_459 : i32
        %get3A_461 = arith.index_cast %select_n3A_442 : i32 to index
        %get3A_462 = arith.index_cast %mul3A_460 : i32 to index
        %get3A_463 = tpu.vector_load %arg15[%get3A_461, %get3A_462] {strides = array<i32>} : memref<4x128xi32, #tpu.memory_space<vmem>>, vector<16xi32>,
        %add3A_464 = arith.addi %get3A_463, %broadcast_in_dim3A : vector<16xi32>
        %swap3A_465 = arith.index_cast %select_n3A_442 : i32 to index
        %swap3A_466 = arith.index_cast %mul3A_460 : i32 to index
        %swap3A_467 = tpu.vector_load %arg17[%swap3A_465, %swap3A_466] {strides = array<i32>} : memref<4x128xi32, #tpu.memory_space<vmem>>, vector<16xi32>,
        tpu.vector_store %arg17[%swap3A_465, %swap3A_466], %add3A_464 {strides = array<i32>} : memref<4x128xi32, #tpu.memory_space<vmem>>, vector<16xi32>,
        %scan3A_468 = arith.constant 0 : i32
        %scan3A_469 = arith.constant 3 : i32
        %scan3A_470 = arith.addi %scan3A_325, %scan3A_469 : i32
        %jit3A_471 = arith.constant 8 : i32
        %div3A_472 = arith.divsi %scan3A_470, %jit3A_471 : i32
        %sign3A_473 = arith.constant 0 : i32
        %sign3A_474 = arith.cmpi sgt, %scan3A_470, %sign3A_473 : i32
        %sign3A_475 = arith.extui %sign3A_474 : i1 to i32
        %sign3A_476 = arith.constant 0 : i32
        %sign3A_477 = arith.cmpi slt, %scan3A_470, %sign3A_476 : i32
        %sign3A_478 = arith.extui %sign3A_477 : i1 to i32
        %sign3A_479 = arith.subi %sign3A_475, %sign3A_478 : i32
        %sign3A_480 = arith.constant 0 : i32
        %sign3A_481 = arith.cmpi sgt, %jit3A_471, %sign3A_480 : i32
        %sign3A_482 = arith.extui %sign3A_481 : i1 to i32
        %sign3A_483 = arith.constant 0 : i32
        %sign3A_484 = arith.cmpi slt, %jit3A_471, %sign3A_483 : i32
        %sign3A_485 = arith.extui %sign3A_484 : i1 to i32
        %sign3A_486 = arith.subi %sign3A_482, %sign3A_485 : i32
        %ne3A_487 = arith.cmpi ne, %sign3A_479, %sign3A_486 : i32
        %rem3A_488 = arith.remsi %scan3A_470, %jit3A_471 : i32
        %ne3A_489 = arith.constant 0 : i32
        %ne3A_490 = arith.cmpi ne, %rem3A_488, %ne3A_489 : i32
        %and3A_491 = arith.andi %ne3A_487, %ne3A_490 : i1
        %sub3A_492 = arith.constant 1 : i32
        %sub3A_493 = arith.subi %div3A_472, %sub3A_492 : i32
        %select_n3A_494 = arith.select %and3A_491, %sub3A_493, %div3A_472 : i32
        %jit3A_495 = arith.constant 8 : i32
        %eq3A_496 = arith.constant 0 : i32
        %eq3A_497 = arith.cmpi eq, %jit3A_495, %eq3A_496 : i32
        %jit3A_498 = arith.constant 1 : i32
        %select_n3A_499 = arith.select %eq3A_497, %jit3A_498, %jit3A_495 : i32
        %rem3A_500 = arith.remsi %scan3A_470, %select_n3A_499 : i32
        %ne3A_501 = arith.constant 0 : i32
        %ne3A_502 = arith.cmpi ne, %rem3A_500, %ne3A_501 : i32
        %lt3A_503 = arith.constant 0 : i32
        %lt3A_504 = arith.cmpi slt, %rem3A_500, %lt3A_503 : i32
        %lt3A_505 = arith.constant 0 : i32
        %lt3A_506 = arith.cmpi slt, %select_n3A_499, %lt3A_505 : i32
        %ne3A_507 = arith.xori %lt3A_504, %lt3A_506 : i1
        %and3A_508 = arith.andi %ne3A_507, %ne3A_502 : i1
        %add3A_509 = arith.addi %rem3A_500, %select_n3A_499 : i32
        %select_n3A_510 = arith.select %and3A_508, %add3A_509, %rem3A_500 : i32
        %mul3A_511 = arith.constant 16 : i32
        %mul3A_512 = arith.muli %select_n3A_510, %mul3A_511 : i32
        %get3A_513 = arith.index_cast %select_n3A_494 : i32 to index
        %get3A_514 = arith.index_cast %mul3A_512 : i32 to index
        %get3A_515 = tpu.vector_load %arg15[%get3A_513, %get3A_514] {strides = array<i32>} : memref<4x128xi32, #tpu.memory_space<vmem>>, vector<16xi32>,
        %add3A_516 = arith.addi %get3A_515, %broadcast_in_dim3A : vector<16xi32>
        %swap3A_517 = arith.index_cast %select_n3A_494 : i32 to index
        %swap3A_518 = arith.index_cast %mul3A_512 : i32 to index
        %swap3A_519 = tpu.vector_load %arg17[%swap3A_517, %swap3A_518] {strides = array<i32>} : memref<4x128xi32, #tpu.memory_space<vmem>>, vector<16xi32>,
        tpu.vector_store %arg17[%swap3A_517, %swap3A_518], %add3A_516 {strides = array<i32>} : memref<4x128xi32, #tpu.memory_space<vmem>>, vector<16xi32>,
        %scan3A_520 = arith.constant 0 : i32
        scf.yield %scan3A_520 : i32
      }
      %scan3A_69 = arith.constant 32 : i32
      %dma_start3A_70 = arith.constant 0 : i32
      %dma_start3A_71 = arith.constant 0 : i32
      %dma_start3A_72 = arith.constant 0 : i32
      %dma_start3A_73 = tpu.memref_slice %arg20[%dma_start3A_71, %dma_start3A_72] : memref<512x64xf32, #tpu.memory_space<vmem>> -> memref<128x64xf32, #tpu.memory_space<vmem>>
      %dma_start3A_74 = arith.constant 0 : i32
      %dma_start3A_75 = tpu.memref_slice %arg17[%dma_start3A_70, %dma_start3A_74] : memref<4x128xi32, #tpu.memory_space<vmem>> -> memref<1x128xi32, #tpu.memory_space<vmem>>
      %dma_start3A_76 = tpu.memref_squeeze %dma_start3A_75 : memref<1x128xi32, #tpu.memory_space<vmem>> -> memref<128xi32, #tpu.memory_space<vmem>>
      %dma_start3A_77 = arith.constant 0 : i32
      %dma_start3A_78 = arith.constant 0 : i32
      %dma_start3A_79 = tpu.memref_slice %arg4[%dma_start3A_77, %dma_start3A_78] : memref<20480x64xf32, #tpu.memory_space<hbm>> -> memref<20480x64xf32, #tpu.memory_space<hbm>>
      tpu.enqueue_indirect_dma source(%dma_start3A_79 : memref<20480x64xf32, #tpu.memory_space<hbm>>) target(%dma_start3A_73 : memref<128x64xf32, #tpu.memory_space<vmem>>) offsets(%dma_start3A_76 : memref<128xi32, #tpu.memory_space<vmem>>) semaphore(%arg24 : memref<!tpu.dma_semaphore, #tpu.memory_space<semaphore_mem>>)
      %dma_start3A_80 = arith.constant 1 : i32
      %dma_start3A_81 = arith.constant 128 : i32
      %dma_start3A_82 = arith.constant 0 : i32
      %dma_start3A_83 = tpu.memref_slice %arg20[%dma_start3A_81, %dma_start3A_82] : memref<512x64xf32, #tpu.memory_space<vmem>> -> memref<128x64xf32, #tpu.memory_space<vmem>>
      %dma_start3A_84 = arith.constant 0 : i32
      %dma_start3A_85 = tpu.memref_slice %arg17[%dma_start3A_80, %dma_start3A_84] : memref<4x128xi32, #tpu.memory_space<vmem>> -> memref<1x128xi32, #tpu.memory_space<vmem>>
      %dma_start3A_86 = tpu.memref_squeeze %dma_start3A_85 : memref<1x128xi32, #tpu.memory_space<vmem>> -> memref<128xi32, #tpu.memory_space<vmem>>
      %dma_start3A_87 = arith.constant 0 : i32
      %dma_start3A_88 = arith.constant 0 : i32
      %dma_start3A_89 = tpu.memref_slice %arg4[%dma_start3A_87, %dma_start3A_88] : memref<20480x64xf32, #tpu.memory_space<hbm>> -> memref<20480x64xf32, #tpu.memory_space<hbm>>
      tpu.enqueue_indirect_dma source(%dma_start3A_89 : memref<20480x64xf32, #tpu.memory_space<hbm>>) target(%dma_start3A_83 : memref<128x64xf32, #tpu.memory_space<vmem>>) offsets(%dma_start3A_86 : memref<128xi32, #tpu.memory_space<vmem>>) semaphore(%arg24 : memref<!tpu.dma_semaphore, #tpu.memory_space<semaphore_mem>>)
      %dma_start3A_90 = arith.constant 2 : i32
      %dma_start3A_91 = arith.constant 256 : i32
      %dma_start3A_92 = arith.constant 0 : i32
      %dma_start3A_93 = tpu.memref_slice %arg20[%dma_start3A_91, %dma_start3A_92] : memref<512x64xf32, #tpu.memory_space<vmem>> -> memref<128x64xf32, #tpu.memory_space<vmem>>
      %dma_start3A_94 = arith.constant 0 : i32
      %dma_start3A_95 = tpu.memref_slice %arg17[%dma_start3A_90, %dma_start3A_94] : memref<4x128xi32, #tpu.memory_space<vmem>> -> memref<1x128xi32, #tpu.memory_space<vmem>>
      %dma_start3A_96 = tpu.memref_squeeze %dma_start3A_95 : memref<1x128xi32, #tpu.memory_space<vmem>> -> memref<128xi32, #tpu.memory_space<vmem>>
      %dma_start3A_97 = arith.constant 0 : i32
      %dma_start3A_98 = arith.constant 0 : i32
      %dma_start3A_99 = tpu.memref_slice %arg4[%dma_start3A_97, %dma_start3A_98] : memref<20480x64xf32, #tpu.memory_space<hbm>> -> memref<20480x64xf32, #tpu.memory_space<hbm>>
      tpu.enqueue_indirect_dma source(%dma_start3A_99 : memref<20480x64xf32, #tpu.memory_space<hbm>>) target(%dma_start3A_93 : memref<128x64xf32, #tpu.memory_space<vmem>>) offsets(%dma_start3A_96 : memref<128xi32, #tpu.memory_space<vmem>>) semaphore(%arg24 : memref<!tpu.dma_semaphore, #tpu.memory_space<semaphore_mem>>)
      %dma_start3A_100 = arith.constant 3 : i32
      %dma_start3A_101 = arith.constant 384 : i32
      %dma_start3A_102 = arith.constant 0 : i32
      %dma_start3A_103 = tpu.memref_slice %arg20[%dma_start3A_101, %dma_start3A_102] : memref<512x64xf32, #tpu.memory_space<vmem>> -> memref<128x64xf32, #tpu.memory_space<vmem>>
      %dma_start3A_104 = arith.constant 0 : i32
      %dma_start3A_105 = tpu.memref_slice %arg17[%dma_start3A_100, %dma_start3A_104] : memref<4x128xi32, #tpu.memory_space<vmem>> -> memref<1x128xi32, #tpu.memory_space<vmem>>
      %dma_start3A_106 = tpu.memref_squeeze %dma_start3A_105 : memref<1x128xi32, #tpu.memory_space<vmem>> -> memref<128xi32, #tpu.memory_space<vmem>>
      %dma_start3A_107 = arith.constant 0 : i32
      %dma_start3A_108 = arith.constant 0 : i32
      %dma_start3A_109 = tpu.memref_slice %arg4[%dma_start3A_107, %dma_start3A_108] : memref<20480x64xf32, #tpu.memory_space<hbm>> -> memref<20480x64xf32, #tpu.memory_space<hbm>>
      tpu.enqueue_indirect_dma source(%dma_start3A_109 : memref<20480x64xf32, #tpu.memory_space<hbm>>) target(%dma_start3A_103 : memref<128x64xf32, #tpu.memory_space<vmem>>) offsets(%dma_start3A_106 : memref<128xi32, #tpu.memory_space<vmem>>) semaphore(%arg24 : memref<!tpu.dma_semaphore, #tpu.memory_space<semaphore_mem>>)
      %scan3A_110 = arith.constant 0 : i32
      %scan3A_111 = arith.constant 0 : i32
      %scan3A_112 = arith.constant 32 : i32
      %scan3A_113 = arith.addi %scan3A_111, %scan3A_112 : i32
      %scan3A_114 = arith.constant 4 : i32
      %scan3A_115 = scf.for %scan3A_325 = %scan3A_111 to %scan3A_113 step %scan3A_114 iter_args(%scan3A_326 = %scan3A_110) -> (i32)  : i32 {
        %jit3A = arith.constant 8 : i32
        %div3A = arith.divsi %scan3A_325, %jit3A : i32
        %sign3A = arith.constant 0 : i32
        %sign3A_327 = arith.cmpi sgt, %scan3A_325, %sign3A : i32
        %sign3A_328 = arith.extui %sign3A_327 : i1 to i32
        %sign3A_329 = arith.constant 0 : i32
        %sign3A_330 = arith.cmpi slt, %scan3A_325, %sign3A_329 : i32
        %sign3A_331 = arith.extui %sign3A_330 : i1 to i32
        %sign3A_332 = arith.subi %sign3A_328, %sign3A_331 : i32
        %sign3A_333 = arith.constant 0 : i32
        %sign3A_334 = arith.cmpi sgt, %jit3A, %sign3A_333 : i32
        %sign3A_335 = arith.extui %sign3A_334 : i1 to i32
        %sign3A_336 = arith.constant 0 : i32
        %sign3A_337 = arith.cmpi slt, %jit3A, %sign3A_336 : i32
        %sign3A_338 = arith.extui %sign3A_337 : i1 to i32
        %sign3A_339 = arith.subi %sign3A_335, %sign3A_338 : i32
        %ne3A = arith.cmpi ne, %sign3A_332, %sign3A_339 : i32
        %rem3A = arith.remsi %scan3A_325, %jit3A : i32
        %ne3A_340 = arith.constant 0 : i32
        %ne3A_341 = arith.cmpi ne, %rem3A, %ne3A_340 : i32
        %and3A = arith.andi %ne3A, %ne3A_341 : i1
        %sub3A = arith.constant 1 : i32
        %sub3A_342 = arith.subi %div3A, %sub3A : i32
        %select_n3A = arith.select %and3A, %sub3A_342, %div3A : i32
        %jit3A_343 = arith.constant 8 : i32
        %eq3A = arith.constant 0 : i32
        %eq3A_344 = arith.cmpi eq, %jit3A_343, %eq3A : i32
        %jit3A_345 = arith.constant 1 : i32
        %select_n3A_346 = arith.select %eq3A_344, %jit3A_345, %jit3A_343 : i32
        %rem3A_347 = arith.remsi %scan3A_325, %select_n3A_346 : i32
        %ne3A_348 = arith.constant 0 : i32
        %ne3A_349 = arith.cmpi ne, %rem3A_347, %ne3A_348 : i32
        %lt3A = arith.constant 0 : i32
        %lt3A_350 = arith.cmpi slt, %rem3A_347, %lt3A : i32
        %lt3A_351 = arith.constant 0 : i32
        %lt3A_352 = arith.cmpi slt, %select_n3A_346, %lt3A_351 : i32
        %ne3A_353 = arith.xori %lt3A_350, %lt3A_352 : i1
        %and3A_354 = arith.andi %ne3A_353, %ne3A_349 : i1
        %add3A = arith.addi %rem3A_347, %select_n3A_346 : i32
        %select_n3A_355 = arith.select %and3A_354, %add3A, %rem3A_347 : i32
        %mul3A_356 = arith.constant 16 : i32
        %mul3A_357 = arith.muli %select_n3A_355, %mul3A_356 : i32
        %get3A_358 = arith.index_cast %select_n3A : i32 to index
        %get3A_359 = arith.index_cast %mul3A_357 : i32 to index
        %get3A_360 = tpu.vector_load %arg15[%get3A_358, %get3A_359] {strides = array<i32>} : memref<4x128xi32, #tpu.memory_space<vmem>>, vector<16xi32>,
        %gather3A = tpu.vector_load_idx %arg13[%get3A_360] : memref<10240xf32, #tpu.memory_space<vmem>>[vector<16xi32>], vector<16xf32>,
        %get3A_361 = arith.index_cast %select_n3A : i32 to index
        %get3A_362 = arith.index_cast %mul3A_357 : i32 to index
        %get3A_363 = tpu.vector_load %arg16[%get3A_361, %get3A_362] {strides = array<i32>} : memref<4x128xi32, #tpu.memory_space<vmem>>, vector<16xi32>,
        %gather3A_364 = tpu.vector_load_idx %arg14[%get3A_363] : memref<10240xf32, #tpu.memory_space<vmem>>[vector<16xi32>], vector<16xf32>,
        %add3A_365 = arith.addf %gather3A, %gather3A_364 : vector<16xf32>
        %get3A_366 = arith.index_cast %select_n3A : i32 to index
        %get3A_367 = arith.index_cast %mul3A_357 : i32 to index
        %get3A_368 = tpu.vector_load %arg18[%get3A_366, %get3A_367] {strides = array<i32>} : memref<4x128xf32, #tpu.memory_space<vmem>>, vector<16xf32>,
        %add3A_369 = arith.addf %add3A_365, %get3A_368 : vector<16xf32>
        %mul3A_370 = arith.constant 2.000000e-01 : f32
        %mul3A_371 = vector.broadcast %mul3A_370 : f32 to vector<16xf32>
        %mul3A_372 = arith.mulf %mul3A_371, %add3A_369 : vector<16xf32>
        %max3A = arith.maximumf %add3A_369, %mul3A_372 : vector<16xf32>
        %sub3A_373 = arith.subf %max3A, %get3A_5 : vector<16xf32>
        %exp3A = math.exp %sub3A_373 : vector<16xf32>
        %swap3A = arith.index_cast %select_n3A : i32 to index
        %swap3A_374 = arith.index_cast %mul3A_357 : i32 to index
        %swap3A_375 = tpu.vector_load %arg19[%swap3A, %swap3A_374] {strides = array<i32>} : memref<4x128xf32, #tpu.memory_space<vmem>>, vector<16xf32>,
        tpu.vector_store %arg19[%swap3A, %swap3A_374], %exp3A {strides = array<i32>} : memref<4x128xf32, #tpu.memory_space<vmem>>, vector<16xf32>,
        %scan3A_376 = arith.constant 0 : i32
        %scan3A_377 = arith.constant 1 : i32
        %scan3A_378 = arith.addi %scan3A_325, %scan3A_377 : i32
        %jit3A_379 = arith.constant 8 : i32
        %div3A_380 = arith.divsi %scan3A_378, %jit3A_379 : i32
        %sign3A_381 = arith.constant 0 : i32
        %sign3A_382 = arith.cmpi sgt, %scan3A_378, %sign3A_381 : i32
        %sign3A_383 = arith.extui %sign3A_382 : i1 to i32
        %sign3A_384 = arith.constant 0 : i32
        %sign3A_385 = arith.cmpi slt, %scan3A_378, %sign3A_384 : i32
        %sign3A_386 = arith.extui %sign3A_385 : i1 to i32
        %sign3A_387 = arith.subi %sign3A_383, %sign3A_386 : i32
        %sign3A_388 = arith.constant 0 : i32
        %sign3A_389 = arith.cmpi sgt, %jit3A_379, %sign3A_388 : i32
        %sign3A_390 = arith.extui %sign3A_389 : i1 to i32
        %sign3A_391 = arith.constant 0 : i32
        %sign3A_392 = arith.cmpi slt, %jit3A_379, %sign3A_391 : i32
        %sign3A_393 = arith.extui %sign3A_392 : i1 to i32
        %sign3A_394 = arith.subi %sign3A_390, %sign3A_393 : i32
        %ne3A_395 = arith.cmpi ne, %sign3A_387, %sign3A_394 : i32
        %rem3A_396 = arith.remsi %scan3A_378, %jit3A_379 : i32
        %ne3A_397 = arith.constant 0 : i32
        %ne3A_398 = arith.cmpi ne, %rem3A_396, %ne3A_397 : i32
        %and3A_399 = arith.andi %ne3A_395, %ne3A_398 : i1
        %sub3A_400 = arith.constant 1 : i32
        %sub3A_401 = arith.subi %div3A_380, %sub3A_400 : i32
        %select_n3A_402 = arith.select %and3A_399, %sub3A_401, %div3A_380 : i32
        %jit3A_403 = arith.constant 8 : i32
        %eq3A_404 = arith.constant 0 : i32
        %eq3A_405 = arith.cmpi eq, %jit3A_403, %eq3A_404 : i32
        %jit3A_406 = arith.constant 1 : i32
        %select_n3A_407 = arith.select %eq3A_405, %jit3A_406, %jit3A_403 : i32
        %rem3A_408 = arith.remsi %scan3A_378, %select_n3A_407 : i32
        %ne3A_409 = arith.constant 0 : i32
        %ne3A_410 = arith.cmpi ne, %rem3A_408, %ne3A_409 : i32
        %lt3A_411 = arith.constant 0 : i32
        %lt3A_412 = arith.cmpi slt, %rem3A_408, %lt3A_411 : i32
        %lt3A_413 = arith.constant 0 : i32
        %lt3A_414 = arith.cmpi slt, %select_n3A_407, %lt3A_413 : i32
        %ne3A_415 = arith.xori %lt3A_412, %lt3A_414 : i1
        %and3A_416 = arith.andi %ne3A_415, %ne3A_410 : i1
        %add3A_417 = arith.addi %rem3A_408, %select_n3A_407 : i32
        %select_n3A_418 = arith.select %and3A_416, %add3A_417, %rem3A_408 : i32
        %mul3A_419 = arith.constant 16 : i32
        %mul3A_420 = arith.muli %select_n3A_418, %mul3A_419 : i32
        %get3A_421 = arith.index_cast %select_n3A_402 : i32 to index
        %get3A_422 = arith.index_cast %mul3A_420 : i32 to index
        %get3A_423 = tpu.vector_load %arg15[%get3A_421, %get3A_422] {strides = array<i32>} : memref<4x128xi32, #tpu.memory_space<vmem>>, vector<16xi32>,
        %gather3A_424 = tpu.vector_load_idx %arg13[%get3A_423] : memref<10240xf32, #tpu.memory_space<vmem>>[vector<16xi32>], vector<16xf32>,
        %get3A_425 = arith.index_cast %select_n3A_402 : i32 to index
        %get3A_426 = arith.index_cast %mul3A_420 : i32 to index
        %get3A_427 = tpu.vector_load %arg16[%get3A_425, %get3A_426] {strides = array<i32>} : memref<4x128xi32, #tpu.memory_space<vmem>>, vector<16xi32>,
        %gather3A_428 = tpu.vector_load_idx %arg14[%get3A_427] : memref<10240xf32, #tpu.memory_space<vmem>>[vector<16xi32>], vector<16xf32>,
        %add3A_429 = arith.addf %gather3A_424, %gather3A_428 : vector<16xf32>
        %get3A_430 = arith.index_cast %select_n3A_402 : i32 to index
        %get3A_431 = arith.index_cast %mul3A_420 : i32 to index
        %get3A_432 = tpu.vector_load %arg18[%get3A_430, %get3A_431] {strides = array<i32>} : memref<4x128xf32, #tpu.memory_space<vmem>>, vector<16xf32>,
        %add3A_433 = arith.addf %add3A_429, %get3A_432 : vector<16xf32>
        %mul3A_434 = arith.constant 2.000000e-01 : f32
        %mul3A_435 = vector.broadcast %mul3A_434 : f32 to vector<16xf32>
        %mul3A_436 = arith.mulf %mul3A_435, %add3A_433 : vector<16xf32>
        %max3A_437 = arith.maximumf %add3A_433, %mul3A_436 : vector<16xf32>
        %sub3A_438 = arith.subf %max3A_437, %get3A_5 : vector<16xf32>
        %exp3A_439 = math.exp %sub3A_438 : vector<16xf32>
        %swap3A_440 = arith.index_cast %select_n3A_402 : i32 to index
        %swap3A_441 = arith.index_cast %mul3A_420 : i32 to index
        %swap3A_442 = tpu.vector_load %arg19[%swap3A_440, %swap3A_441] {strides = array<i32>} : memref<4x128xf32, #tpu.memory_space<vmem>>, vector<16xf32>,
        tpu.vector_store %arg19[%swap3A_440, %swap3A_441], %exp3A_439 {strides = array<i32>} : memref<4x128xf32, #tpu.memory_space<vmem>>, vector<16xf32>,
        %scan3A_443 = arith.constant 0 : i32
        %scan3A_444 = arith.constant 2 : i32
        %scan3A_445 = arith.addi %scan3A_325, %scan3A_444 : i32
        %jit3A_446 = arith.constant 8 : i32
        %div3A_447 = arith.divsi %scan3A_445, %jit3A_446 : i32
        %sign3A_448 = arith.constant 0 : i32
        %sign3A_449 = arith.cmpi sgt, %scan3A_445, %sign3A_448 : i32
        %sign3A_450 = arith.extui %sign3A_449 : i1 to i32
        %sign3A_451 = arith.constant 0 : i32
        %sign3A_452 = arith.cmpi slt, %scan3A_445, %sign3A_451 : i32
        %sign3A_453 = arith.extui %sign3A_452 : i1 to i32
        %sign3A_454 = arith.subi %sign3A_450, %sign3A_453 : i32
        %sign3A_455 = arith.constant 0 : i32
        %sign3A_456 = arith.cmpi sgt, %jit3A_446, %sign3A_455 : i32
        %sign3A_457 = arith.extui %sign3A_456 : i1 to i32
        %sign3A_458 = arith.constant 0 : i32
        %sign3A_459 = arith.cmpi slt, %jit3A_446, %sign3A_458 : i32
        %sign3A_460 = arith.extui %sign3A_459 : i1 to i32
        %sign3A_461 = arith.subi %sign3A_457, %sign3A_460 : i32
        %ne3A_462 = arith.cmpi ne, %sign3A_454, %sign3A_461 : i32
        %rem3A_463 = arith.remsi %scan3A_445, %jit3A_446 : i32
        %ne3A_464 = arith.constant 0 : i32
        %ne3A_465 = arith.cmpi ne, %rem3A_463, %ne3A_464 : i32
        %and3A_466 = arith.andi %ne3A_462, %ne3A_465 : i1
        %sub3A_467 = arith.constant 1 : i32
        %sub3A_468 = arith.subi %div3A_447, %sub3A_467 : i32
        %select_n3A_469 = arith.select %and3A_466, %sub3A_468, %div3A_447 : i32
        %jit3A_470 = arith.constant 8 : i32
        %eq3A_471 = arith.constant 0 : i32
        %eq3A_472 = arith.cmpi eq, %jit3A_470, %eq3A_471 : i32
        %jit3A_473 = arith.constant 1 : i32
        %select_n3A_474 = arith.select %eq3A_472, %jit3A_473, %jit3A_470 : i32
        %rem3A_475 = arith.remsi %scan3A_445, %select_n3A_474 : i32
        %ne3A_476 = arith.constant 0 : i32
        %ne3A_477 = arith.cmpi ne, %rem3A_475, %ne3A_476 : i32
        %lt3A_478 = arith.constant 0 : i32
        %lt3A_479 = arith.cmpi slt, %rem3A_475, %lt3A_478 : i32
        %lt3A_480 = arith.constant 0 : i32
        %lt3A_481 = arith.cmpi slt, %select_n3A_474, %lt3A_480 : i32
        %ne3A_482 = arith.xori %lt3A_479, %lt3A_481 : i1
        %and3A_483 = arith.andi %ne3A_482, %ne3A_477 : i1
        %add3A_484 = arith.addi %rem3A_475, %select_n3A_474 : i32
        %select_n3A_485 = arith.select %and3A_483, %add3A_484, %rem3A_475 : i32
        %mul3A_486 = arith.constant 16 : i32
        %mul3A_487 = arith.muli %select_n3A_485, %mul3A_486 : i32
        %get3A_488 = arith.index_cast %select_n3A_469 : i32 to index
        %get3A_489 = arith.index_cast %mul3A_487 : i32 to index
        %get3A_490 = tpu.vector_load %arg15[%get3A_488, %get3A_489] {strides = array<i32>} : memref<4x128xi32, #tpu.memory_space<vmem>>, vector<16xi32>,
        %gather3A_491 = tpu.vector_load_idx %arg13[%get3A_490] : memref<10240xf32, #tpu.memory_space<vmem>>[vector<16xi32>], vector<16xf32>,
        %get3A_492 = arith.index_cast %select_n3A_469 : i32 to index
        %get3A_493 = arith.index_cast %mul3A_487 : i32 to index
        %get3A_494 = tpu.vector_load %arg16[%get3A_492, %get3A_493] {strides = array<i32>} : memref<4x128xi32, #tpu.memory_space<vmem>>, vector<16xi32>,
        %gather3A_495 = tpu.vector_load_idx %arg14[%get3A_494] : memref<10240xf32, #tpu.memory_space<vmem>>[vector<16xi32>], vector<16xf32>,
        %add3A_496 = arith.addf %gather3A_491, %gather3A_495 : vector<16xf32>
        %get3A_497 = arith.index_cast %select_n3A_469 : i32 to index
        %get3A_498 = arith.index_cast %mul3A_487 : i32 to index
        %get3A_499 = tpu.vector_load %arg18[%get3A_497, %get3A_498] {strides = array<i32>} : memref<4x128xf32, #tpu.memory_space<vmem>>, vector<16xf32>,
        %add3A_500 = arith.addf %add3A_496, %get3A_499 : vector<16xf32>
        %mul3A_501 = arith.constant 2.000000e-01 : f32
        %mul3A_502 = vector.broadcast %mul3A_501 : f32 to vector<16xf32>
        %mul3A_503 = arith.mulf %mul3A_502, %add3A_500 : vector<16xf32>
        %max3A_504 = arith.maximumf %add3A_500, %mul3A_503 : vector<16xf32>
        %sub3A_505 = arith.subf %max3A_504, %get3A_5 : vector<16xf32>
        %exp3A_506 = math.exp %sub3A_505 : vector<16xf32>
        %swap3A_507 = arith.index_cast %select_n3A_469 : i32 to index
        %swap3A_508 = arith.index_cast %mul3A_487 : i32 to index
        %swap3A_509 = tpu.vector_load %arg19[%swap3A_507, %swap3A_508] {strides = array<i32>} : memref<4x128xf32, #tpu.memory_space<vmem>>, vector<16xf32>,
        tpu.vector_store %arg19[%swap3A_507, %swap3A_508], %exp3A_506 {strides = array<i32>} : memref<4x128xf32, #tpu.memory_space<vmem>>, vector<16xf32>,
        %scan3A_510 = arith.constant 0 : i32
        %scan3A_511 = arith.constant 3 : i32
        %scan3A_512 = arith.addi %scan3A_325, %scan3A_511 : i32
        %jit3A_513 = arith.constant 8 : i32
        %div3A_514 = arith.divsi %scan3A_512, %jit3A_513 : i32
        %sign3A_515 = arith.constant 0 : i32
        %sign3A_516 = arith.cmpi sgt, %scan3A_512, %sign3A_515 : i32
        %sign3A_517 = arith.extui %sign3A_516 : i1 to i32
        %sign3A_518 = arith.constant 0 : i32
        %sign3A_519 = arith.cmpi slt, %scan3A_512, %sign3A_518 : i32
        %sign3A_520 = arith.extui %sign3A_519 : i1 to i32
        %sign3A_521 = arith.subi %sign3A_517, %sign3A_520 : i32
        %sign3A_522 = arith.constant 0 : i32
        %sign3A_523 = arith.cmpi sgt, %jit3A_513, %sign3A_522 : i32
        %sign3A_524 = arith.extui %sign3A_523 : i1 to i32
        %sign3A_525 = arith.constant 0 : i32
        %sign3A_526 = arith.cmpi slt, %jit3A_513, %sign3A_525 : i32
        %sign3A_527 = arith.extui %sign3A_526 : i1 to i32
        %sign3A_528 = arith.subi %sign3A_524, %sign3A_527 : i32
        %ne3A_529 = arith.cmpi ne, %sign3A_521, %sign3A_528 : i32
        %rem3A_530 = arith.remsi %scan3A_512, %jit3A_513 : i32
        %ne3A_531 = arith.constant 0 : i32
        %ne3A_532 = arith.cmpi ne, %rem3A_530, %ne3A_531 : i32
        %and3A_533 = arith.andi %ne3A_529, %ne3A_532 : i1
        %sub3A_534 = arith.constant 1 : i32
        %sub3A_535 = arith.subi %div3A_514, %sub3A_534 : i32
        %select_n3A_536 = arith.select %and3A_533, %sub3A_535, %div3A_514 : i32
        %jit3A_537 = arith.constant 8 : i32
        %eq3A_538 = arith.constant 0 : i32
        %eq3A_539 = arith.cmpi eq, %jit3A_537, %eq3A_538 : i32
        %jit3A_540 = arith.constant 1 : i32
        %select_n3A_541 = arith.select %eq3A_539, %jit3A_540, %jit3A_537 : i32
        %rem3A_542 = arith.remsi %scan3A_512, %select_n3A_541 : i32
        %ne3A_543 = arith.constant 0 : i32
        %ne3A_544 = arith.cmpi ne, %rem3A_542, %ne3A_543 : i32
        %lt3A_545 = arith.constant 0 : i32
        %lt3A_546 = arith.cmpi slt, %rem3A_542, %lt3A_545 : i32
        %lt3A_547 = arith.constant 0 : i32
        %lt3A_548 = arith.cmpi slt, %select_n3A_541, %lt3A_547 : i32
        %ne3A_549 = arith.xori %lt3A_546, %lt3A_548 : i1
        %and3A_550 = arith.andi %ne3A_549, %ne3A_544 : i1
        %add3A_551 = arith.addi %rem3A_542, %select_n3A_541 : i32
        %select_n3A_552 = arith.select %and3A_550, %add3A_551, %rem3A_542 : i32
        %mul3A_553 = arith.constant 16 : i32
        %mul3A_554 = arith.muli %select_n3A_552, %mul3A_553 : i32
        %get3A_555 = arith.index_cast %select_n3A_536 : i32 to index
        %get3A_556 = arith.index_cast %mul3A_554 : i32 to index
        %get3A_557 = tpu.vector_load %arg15[%get3A_555, %get3A_556] {strides = array<i32>} : memref<4x128xi32, #tpu.memory_space<vmem>>, vector<16xi32>,
        %gather3A_558 = tpu.vector_load_idx %arg13[%get3A_557] : memref<10240xf32, #tpu.memory_space<vmem>>[vector<16xi32>], vector<16xf32>,
        %get3A_559 = arith.index_cast %select_n3A_536 : i32 to index
        %get3A_560 = arith.index_cast %mul3A_554 : i32 to index
        %get3A_561 = tpu.vector_load %arg16[%get3A_559, %get3A_560] {strides = array<i32>} : memref<4x128xi32, #tpu.memory_space<vmem>>, vector<16xi32>,
        %gather3A_562 = tpu.vector_load_idx %arg14[%get3A_561] : memref<10240xf32, #tpu.memory_space<vmem>>[vector<16xi32>], vector<16xf32>,
        %add3A_563 = arith.addf %gather3A_558, %gather3A_562 : vector<16xf32>
        %get3A_564 = arith.index_cast %select_n3A_536 : i32 to index
        %get3A_565 = arith.index_cast %mul3A_554 : i32 to index
        %get3A_566 = tpu.vector_load %arg18[%get3A_564, %get3A_565] {strides = array<i32>} : memref<4x128xf32, #tpu.memory_space<vmem>>, vector<16xf32>,
        %add3A_567 = arith.addf %add3A_563, %get3A_566 : vector<16xf32>
        %mul3A_568 = arith.constant 2.000000e-01 : f32
        %mul3A_569 = vector.broadcast %mul3A_568 : f32 to vector<16xf32>
        %mul3A_570 = arith.mulf %mul3A_569, %add3A_567 : vector<16xf32>
        %max3A_571 = arith.maximumf %add3A_567, %mul3A_570 : vector<16xf32>
        %sub3A_572 = arith.subf %max3A_571, %get3A_5 : vector<16xf32>
        %exp3A_573 = math.exp %sub3A_572 : vector<16xf32>
        %swap3A_574 = arith.index_cast %select_n3A_536 : i32 to index
        %swap3A_575 = arith.index_cast %mul3A_554 : i32 to index
        %swap3A_576 = tpu.vector_load %arg19[%swap3A_574, %swap3A_575] {strides = array<i32>} : memref<4x128xf32, #tpu.memory_space<vmem>>, vector<16xf32>,
        tpu.vector_store %arg19[%swap3A_574, %swap3A_575], %exp3A_573 {strides = array<i32>} : memref<4x128xf32, #tpu.memory_space<vmem>>, vector<16xf32>,
        %scan3A_577 = arith.constant 0 : i32
        scf.yield %scan3A_577 : i32
      }
      %scan3A_116 = arith.constant 32 : i32
      %dma_wait3A_117 = arith.constant 0 : i32
      %dma_wait3A_118 = arith.constant 0 : i32
      %dma_wait3A_119 = arith.constant 0 : i32
      %dma_wait3A_120 = tpu.memref_slice %arg20[%dma_wait3A_118, %dma_wait3A_119] : memref<512x64xf32, #tpu.memory_space<vmem>> -> memref<128x64xf32, #tpu.memory_space<vmem>>
      %dma_wait3A_121 = arith.constant 0 : i32
      %dma_wait3A_122 = tpu.memref_slice %arg17[%dma_wait3A_117, %dma_wait3A_121] : memref<4x128xi32, #tpu.memory_space<vmem>> -> memref<1x128xi32, #tpu.memory_space<vmem>>
      %dma_wait3A_123 = tpu.memref_squeeze %dma_wait3A_122 : memref<1x128xi32, #tpu.memory_space<vmem>> -> memref<128xi32, #tpu.memory_space<vmem>>
      %dma_wait3A_124 = arith.constant 0 : i32
      %dma_wait3A_125 = arith.constant 0 : i32
      %dma_wait3A_126 = tpu.memref_slice %arg4[%dma_wait3A_124, %dma_wait3A_125] : memref<20480x64xf32, #tpu.memory_space<hbm>> -> memref<20480x64xf32, #tpu.memory_space<hbm>>
      tpu.wait_indirect_dma semaphore(%arg24 : memref<!tpu.dma_semaphore, #tpu.memory_space<semaphore_mem>>) src(%dma_wait3A_126 : memref<20480x64xf32, #tpu.memory_space<hbm>>) dst(%dma_wait3A_120 : memref<128x64xf32, #tpu.memory_space<vmem>>)
      %dma_wait3A_127 = arith.constant 1 : i32
      %dma_wait3A_128 = arith.constant 128 : i32
      %dma_wait3A_129 = arith.constant 0 : i32
      %dma_wait3A_130 = tpu.memref_slice %arg20[%dma_wait3A_128, %dma_wait3A_129] : memref<512x64xf32, #tpu.memory_space<vmem>> -> memref<128x64xf32, #tpu.memory_space<vmem>>
      %dma_wait3A_131 = arith.constant 0 : i32
      %dma_wait3A_132 = tpu.memref_slice %arg17[%dma_wait3A_127, %dma_wait3A_131] : memref<4x128xi32, #tpu.memory_space<vmem>> -> memref<1x128xi32, #tpu.memory_space<vmem>>
      %dma_wait3A_133 = tpu.memref_squeeze %dma_wait3A_132 : memref<1x128xi32, #tpu.memory_space<vmem>> -> memref<128xi32, #tpu.memory_space<vmem>>
      %dma_wait3A_134 = arith.constant 0 : i32
      %dma_wait3A_135 = arith.constant 0 : i32
      %dma_wait3A_136 = tpu.memref_slice %arg4[%dma_wait3A_134, %dma_wait3A_135] : memref<20480x64xf32, #tpu.memory_space<hbm>> -> memref<20480x64xf32, #tpu.memory_space<hbm>>
      tpu.wait_indirect_dma semaphore(%arg24 : memref<!tpu.dma_semaphore, #tpu.memory_space<semaphore_mem>>) src(%dma_wait3A_136 : memref<20480x64xf32, #tpu.memory_space<hbm>>) dst(%dma_wait3A_130 : memref<128x64xf32, #tpu.memory_space<vmem>>)
      %dma_wait3A_137 = arith.constant 2 : i32
      %dma_wait3A_138 = arith.constant 256 : i32
      %dma_wait3A_139 = arith.constant 0 : i32
      %dma_wait3A_140 = tpu.memref_slice %arg20[%dma_wait3A_138, %dma_wait3A_139] : memref<512x64xf32, #tpu.memory_space<vmem>> -> memref<128x64xf32, #tpu.memory_space<vmem>>
      %dma_wait3A_141 = arith.constant 0 : i32
      %dma_wait3A_142 = tpu.memref_slice %arg17[%dma_wait3A_137, %dma_wait3A_141] : memref<4x128xi32, #tpu.memory_space<vmem>> -> memref<1x128xi32, #tpu.memory_space<vmem>>
      %dma_wait3A_143 = tpu.memref_squeeze %dma_wait3A_142 : memref<1x128xi32, #tpu.memory_space<vmem>> -> memref<128xi32, #tpu.memory_space<vmem>>
      %dma_wait3A_144 = arith.constant 0 : i32
      %dma_wait3A_145 = arith.constant 0 : i32
      %dma_wait3A_146 = tpu.memref_slice %arg4[%dma_wait3A_144, %dma_wait3A_145] : memref<20480x64xf32, #tpu.memory_space<hbm>> -> memref<20480x64xf32, #tpu.memory_space<hbm>>
      tpu.wait_indirect_dma semaphore(%arg24 : memref<!tpu.dma_semaphore, #tpu.memory_space<semaphore_mem>>) src(%dma_wait3A_146 : memref<20480x64xf32, #tpu.memory_space<hbm>>) dst(%dma_wait3A_140 : memref<128x64xf32, #tpu.memory_space<vmem>>)
      %dma_wait3A_147 = arith.constant 3 : i32
      %dma_wait3A_148 = arith.constant 384 : i32
      %dma_wait3A_149 = arith.constant 0 : i32
      %dma_wait3A_150 = tpu.memref_slice %arg20[%dma_wait3A_148, %dma_wait3A_149] : memref<512x64xf32, #tpu.memory_space<vmem>> -> memref<128x64xf32, #tpu.memory_space<vmem>>
      %dma_wait3A_151 = arith.constant 0 : i32
      %dma_wait3A_152 = tpu.memref_slice %arg17[%dma_wait3A_147, %dma_wait3A_151] : memref<4x128xi32, #tpu.memory_space<vmem>> -> memref<1x128xi32, #tpu.memory_space<vmem>>
      %dma_wait3A_153 = tpu.memref_squeeze %dma_wait3A_152 : memref<1x128xi32, #tpu.memory_space<vmem>> -> memref<128xi32, #tpu.memory_space<vmem>>
      %dma_wait3A_154 = arith.constant 0 : i32
      %dma_wait3A_155 = arith.constant 0 : i32
      %dma_wait3A_156 = tpu.memref_slice %arg4[%dma_wait3A_154, %dma_wait3A_155] : memref<20480x64xf32, #tpu.memory_space<hbm>> -> memref<20480x64xf32, #tpu.memory_space<hbm>>
      tpu.wait_indirect_dma semaphore(%arg24 : memref<!tpu.dma_semaphore, #tpu.memory_space<semaphore_mem>>) src(%dma_wait3A_156 : memref<20480x64xf32, #tpu.memory_space<hbm>>) dst(%dma_wait3A_150 : memref<128x64xf32, #tpu.memory_space<vmem>>)
      %scan3A_157 = arith.constant 0 : i32
      %scan3A_158 = arith.constant 0 : i32
      %scan3A_159 = arith.constant 512 : i32
      %scan3A_160 = arith.addi %scan3A_158, %scan3A_159 : i32
      %scan3A_161 = arith.constant 8 : i32
      %scan3A_162 = scf.for %scan3A_325 = %scan3A_158 to %scan3A_160 step %scan3A_161 iter_args(%scan3A_326 = %scan3A_157) -> (i32)  : i32 {
        %jit3A = arith.constant 128 : i32
        %div3A = arith.divsi %scan3A_325, %jit3A : i32
        %sign3A = arith.constant 0 : i32
        %sign3A_327 = arith.cmpi sgt, %scan3A_325, %sign3A : i32
        %sign3A_328 = arith.extui %sign3A_327 : i1 to i32
        %sign3A_329 = arith.constant 0 : i32
        %sign3A_330 = arith.cmpi slt, %scan3A_325, %sign3A_329 : i32
        %sign3A_331 = arith.extui %sign3A_330 : i1 to i32
        %sign3A_332 = arith.subi %sign3A_328, %sign3A_331 : i32
        %sign3A_333 = arith.constant 0 : i32
        %sign3A_334 = arith.cmpi sgt, %jit3A, %sign3A_333 : i32
        %sign3A_335 = arith.extui %sign3A_334 : i1 to i32
        %sign3A_336 = arith.constant 0 : i32
        %sign3A_337 = arith.cmpi slt, %jit3A, %sign3A_336 : i32
        %sign3A_338 = arith.extui %sign3A_337 : i1 to i32
        %sign3A_339 = arith.subi %sign3A_335, %sign3A_338 : i32
        %ne3A = arith.cmpi ne, %sign3A_332, %sign3A_339 : i32
        %rem3A = arith.remsi %scan3A_325, %jit3A : i32
        %ne3A_340 = arith.constant 0 : i32
        %ne3A_341 = arith.cmpi ne, %rem3A, %ne3A_340 : i32
        %and3A = arith.andi %ne3A, %ne3A_341 : i1
        %sub3A = arith.constant 1 : i32
        %sub3A_342 = arith.subi %div3A, %sub3A : i32
        %select_n3A = arith.select %and3A, %sub3A_342, %div3A : i32
        %jit3A_343 = arith.constant 128 : i32
        %eq3A = arith.constant 0 : i32
        %eq3A_344 = arith.cmpi eq, %jit3A_343, %eq3A : i32
        %jit3A_345 = arith.constant 1 : i32
        %select_n3A_346 = arith.select %eq3A_344, %jit3A_345, %jit3A_343 : i32
        %rem3A_347 = arith.remsi %scan3A_325, %select_n3A_346 : i32
        %ne3A_348 = arith.constant 0 : i32
        %ne3A_349 = arith.cmpi ne, %rem3A_347, %ne3A_348 : i32
        %lt3A = arith.constant 0 : i32
        %lt3A_350 = arith.cmpi slt, %rem3A_347, %lt3A : i32
        %lt3A_351 = arith.constant 0 : i32
        %lt3A_352 = arith.cmpi slt, %select_n3A_346, %lt3A_351 : i32
        %ne3A_353 = arith.xori %lt3A_350, %lt3A_352 : i1
        %and3A_354 = arith.andi %ne3A_353, %ne3A_349 : i1
        %add3A = arith.addi %rem3A_347, %select_n3A_346 : i32
        %select_n3A_355 = arith.select %and3A_354, %add3A, %rem3A_347 : i32
        %broadcast_in_dim3A_356 = vector.broadcast %select_n3A : i32 to vector<16xi32>
        %broadcast_in_dim3A_357 = vector.broadcast %select_n3A_355 : i32 to vector<16xi32>
        %gather3A = tpu.vector_load_idx %arg19[%broadcast_in_dim3A_356, %broadcast_in_dim3A_357] : memref<4x128xf32, #tpu.memory_space<vmem>>[vector<16xi32>, vector<16xi32>], vector<16xf32>,
        %get3A_358 = arith.index_cast %scan3A_325 : i32 to index
        %get3A_359 = arith.constant 0 : index
        %get3A_360 = tpu.vector_load %arg20[%get3A_358, %get3A_359] {strides = array<i32>} : memref<512x64xf32, #tpu.memory_space<vmem>>, vector<16xf32>,
        %mul3A_361 = arith.mulf %get3A_360, %gather3A : vector<16xf32>
        %swap3A = arith.index_cast %scan3A_325 : i32 to index
        %swap3A_362 = arith.constant 0 : index
        %swap3A_363 = tpu.vector_load %arg20[%swap3A, %swap3A_362] {strides = array<i32>} : memref<512x64xf32, #tpu.memory_space<vmem>>, vector<16xf32>,
        tpu.vector_store %arg20[%swap3A, %swap3A_362], %mul3A_361 {strides = array<i32>} : memref<512x64xf32, #tpu.memory_space<vmem>>, vector<16xf32>,
        %get3A_364 = arith.index_cast %scan3A_325 : i32 to index
        %get3A_365 = arith.constant 16 : index
        %get3A_366 = tpu.vector_load %arg20[%get3A_364, %get3A_365] {strides = array<i32>} : memref<512x64xf32, #tpu.memory_space<vmem>>, vector<16xf32>,
        %mul3A_367 = arith.mulf %get3A_366, %gather3A : vector<16xf32>
        %swap3A_368 = arith.index_cast %scan3A_325 : i32 to index
        %swap3A_369 = arith.constant 16 : index
        %swap3A_370 = tpu.vector_load %arg20[%swap3A_368, %swap3A_369] {strides = array<i32>} : memref<512x64xf32, #tpu.memory_space<vmem>>, vector<16xf32>,
        tpu.vector_store %arg20[%swap3A_368, %swap3A_369], %mul3A_367 {strides = array<i32>} : memref<512x64xf32, #tpu.memory_space<vmem>>, vector<16xf32>,
        %get3A_371 = arith.index_cast %scan3A_325 : i32 to index
        %get3A_372 = arith.constant 32 : index
        %get3A_373 = tpu.vector_load %arg20[%get3A_371, %get3A_372] {strides = array<i32>} : memref<512x64xf32, #tpu.memory_space<vmem>>, vector<16xf32>,
        %mul3A_374 = arith.mulf %get3A_373, %gather3A : vector<16xf32>
        %swap3A_375 = arith.index_cast %scan3A_325 : i32 to index
        %swap3A_376 = arith.constant 32 : index
        %swap3A_377 = tpu.vector_load %arg20[%swap3A_375, %swap3A_376] {strides = array<i32>} : memref<512x64xf32, #tpu.memory_space<vmem>>, vector<16xf32>,
        tpu.vector_store %arg20[%swap3A_375, %swap3A_376], %mul3A_374 {strides = array<i32>} : memref<512x64xf32, #tpu.memory_space<vmem>>, vector<16xf32>,
        %get3A_378 = arith.index_cast %scan3A_325 : i32 to index
        %get3A_379 = arith.constant 48 : index
        %get3A_380 = tpu.vector_load %arg20[%get3A_378, %get3A_379] {strides = array<i32>} : memref<512x64xf32, #tpu.memory_space<vmem>>, vector<16xf32>,
        %mul3A_381 = arith.mulf %get3A_380, %gather3A : vector<16xf32>
        %swap3A_382 = arith.index_cast %scan3A_325 : i32 to index
        %swap3A_383 = arith.constant 48 : index
        %swap3A_384 = tpu.vector_load %arg20[%swap3A_382, %swap3A_383] {strides = array<i32>} : memref<512x64xf32, #tpu.memory_space<vmem>>, vector<16xf32>,
        tpu.vector_store %arg20[%swap3A_382, %swap3A_383], %mul3A_381 {strides = array<i32>} : memref<512x64xf32, #tpu.memory_space<vmem>>, vector<16xf32>,
        %scan3A_385 = arith.constant 0 : i32
        %scan3A_386 = arith.constant 1 : i32
        %scan3A_387 = arith.addi %scan3A_325, %scan3A_386 : i32
        %jit3A_388 = arith.constant 128 : i32
        %div3A_389 = arith.divsi %scan3A_387, %jit3A_388 : i32
        %sign3A_390 = arith.constant 0 : i32
        %sign3A_391 = arith.cmpi sgt, %scan3A_387, %sign3A_390 : i32
        %sign3A_392 = arith.extui %sign3A_391 : i1 to i32
        %sign3A_393 = arith.constant 0 : i32
        %sign3A_394 = arith.cmpi slt, %scan3A_387, %sign3A_393 : i32
        %sign3A_395 = arith.extui %sign3A_394 : i1 to i32
        %sign3A_396 = arith.subi %sign3A_392, %sign3A_395 : i32
        %sign3A_397 = arith.constant 0 : i32
        %sign3A_398 = arith.cmpi sgt, %jit3A_388, %sign3A_397 : i32
        %sign3A_399 = arith.extui %sign3A_398 : i1 to i32
        %sign3A_400 = arith.constant 0 : i32
        %sign3A_401 = arith.cmpi slt, %jit3A_388, %sign3A_400 : i32
        %sign3A_402 = arith.extui %sign3A_401 : i1 to i32
        %sign3A_403 = arith.subi %sign3A_399, %sign3A_402 : i32
        %ne3A_404 = arith.cmpi ne, %sign3A_396, %sign3A_403 : i32
        %rem3A_405 = arith.remsi %scan3A_387, %jit3A_388 : i32
        %ne3A_406 = arith.constant 0 : i32
        %ne3A_407 = arith.cmpi ne, %rem3A_405, %ne3A_406 : i32
        %and3A_408 = arith.andi %ne3A_404, %ne3A_407 : i1
        %sub3A_409 = arith.constant 1 : i32
        %sub3A_410 = arith.subi %div3A_389, %sub3A_409 : i32
        %select_n3A_411 = arith.select %and3A_408, %sub3A_410, %div3A_389 : i32
        %jit3A_412 = arith.constant 128 : i32
        %eq3A_413 = arith.constant 0 : i32
        %eq3A_414 = arith.cmpi eq, %jit3A_412, %eq3A_413 : i32
        %jit3A_415 = arith.constant 1 : i32
        %select_n3A_416 = arith.select %eq3A_414, %jit3A_415, %jit3A_412 : i32
        %rem3A_417 = arith.remsi %scan3A_387, %select_n3A_416 : i32
        %ne3A_418 = arith.constant 0 : i32
        %ne3A_419 = arith.cmpi ne, %rem3A_417, %ne3A_418 : i32
        %lt3A_420 = arith.constant 0 : i32
        %lt3A_421 = arith.cmpi slt, %rem3A_417, %lt3A_420 : i32
        %lt3A_422 = arith.constant 0 : i32
        %lt3A_423 = arith.cmpi slt, %select_n3A_416, %lt3A_422 : i32
        %ne3A_424 = arith.xori %lt3A_421, %lt3A_423 : i1
        %and3A_425 = arith.andi %ne3A_424, %ne3A_419 : i1
        %add3A_426 = arith.addi %rem3A_417, %select_n3A_416 : i32
        %select_n3A_427 = arith.select %and3A_425, %add3A_426, %rem3A_417 : i32
        %broadcast_in_dim3A_428 = vector.broadcast %select_n3A_411 : i32 to vector<16xi32>
        %broadcast_in_dim3A_429 = vector.broadcast %select_n3A_427 : i32 to vector<16xi32>
        %gather3A_430 = tpu.vector_load_idx %arg19[%broadcast_in_dim3A_428, %broadcast_in_dim3A_429] : memref<4x128xf32, #tpu.memory_space<vmem>>[vector<16xi32>, vector<16xi32>], vector<16xf32>,
        %get3A_431 = arith.index_cast %scan3A_387 : i32 to index
        %get3A_432 = arith.constant 0 : index
        %get3A_433 = tpu.vector_load %arg20[%get3A_431, %get3A_432] {strides = array<i32>} : memref<512x64xf32, #tpu.memory_space<vmem>>, vector<16xf32>,
        %mul3A_434 = arith.mulf %get3A_433, %gather3A_430 : vector<16xf32>
        %swap3A_435 = arith.index_cast %scan3A_387 : i32 to index
        %swap3A_436 = arith.constant 0 : index
        %swap3A_437 = tpu.vector_load %arg20[%swap3A_435, %swap3A_436] {strides = array<i32>} : memref<512x64xf32, #tpu.memory_space<vmem>>, vector<16xf32>,
        tpu.vector_store %arg20[%swap3A_435, %swap3A_436], %mul3A_434 {strides = array<i32>} : memref<512x64xf32, #tpu.memory_space<vmem>>, vector<16xf32>,
        %get3A_438 = arith.index_cast %scan3A_387 : i32 to index
        %get3A_439 = arith.constant 16 : index
        %get3A_440 = tpu.vector_load %arg20[%get3A_438, %get3A_439] {strides = array<i32>} : memref<512x64xf32, #tpu.memory_space<vmem>>, vector<16xf32>,
        %mul3A_441 = arith.mulf %get3A_440, %gather3A_430 : vector<16xf32>
        %swap3A_442 = arith.index_cast %scan3A_387 : i32 to index
        %swap3A_443 = arith.constant 16 : index
        %swap3A_444 = tpu.vector_load %arg20[%swap3A_442, %swap3A_443] {strides = array<i32>} : memref<512x64xf32, #tpu.memory_space<vmem>>, vector<16xf32>,
        tpu.vector_store %arg20[%swap3A_442, %swap3A_443], %mul3A_441 {strides = array<i32>} : memref<512x64xf32, #tpu.memory_space<vmem>>, vector<16xf32>,
        %get3A_445 = arith.index_cast %scan3A_387 : i32 to index
        %get3A_446 = arith.constant 32 : index
        %get3A_447 = tpu.vector_load %arg20[%get3A_445, %get3A_446] {strides = array<i32>} : memref<512x64xf32, #tpu.memory_space<vmem>>, vector<16xf32>,
        %mul3A_448 = arith.mulf %get3A_447, %gather3A_430 : vector<16xf32>
        %swap3A_449 = arith.index_cast %scan3A_387 : i32 to index
        %swap3A_450 = arith.constant 32 : index
        %swap3A_451 = tpu.vector_load %arg20[%swap3A_449, %swap3A_450] {strides = array<i32>} : memref<512x64xf32, #tpu.memory_space<vmem>>, vector<16xf32>,
        tpu.vector_store %arg20[%swap3A_449, %swap3A_450], %mul3A_448 {strides = array<i32>} : memref<512x64xf32, #tpu.memory_space<vmem>>, vector<16xf32>,
        %get3A_452 = arith.index_cast %scan3A_387 : i32 to index
        %get3A_453 = arith.constant 48 : index
        %get3A_454 = tpu.vector_load %arg20[%get3A_452, %get3A_453] {strides = array<i32>} : memref<512x64xf32, #tpu.memory_space<vmem>>, vector<16xf32>,
        %mul3A_455 = arith.mulf %get3A_454, %gather3A_430 : vector<16xf32>
        %swap3A_456 = arith.index_cast %scan3A_387 : i32 to index
        %swap3A_457 = arith.constant 48 : index
        %swap3A_458 = tpu.vector_load %arg20[%swap3A_456, %swap3A_457] {strides = array<i32>} : memref<512x64xf32, #tpu.memory_space<vmem>>, vector<16xf32>,
        tpu.vector_store %arg20[%swap3A_456, %swap3A_457], %mul3A_455 {strides = array<i32>} : memref<512x64xf32, #tpu.memory_space<vmem>>, vector<16xf32>,
        %scan3A_459 = arith.constant 0 : i32
        %scan3A_460 = arith.constant 2 : i32
        %scan3A_461 = arith.addi %scan3A_325, %scan3A_460 : i32
        %jit3A_462 = arith.constant 128 : i32
        %div3A_463 = arith.divsi %scan3A_461, %jit3A_462 : i32
        %sign3A_464 = arith.constant 0 : i32
        %sign3A_465 = arith.cmpi sgt, %scan3A_461, %sign3A_464 : i32
        %sign3A_466 = arith.extui %sign3A_465 : i1 to i32
        %sign3A_467 = arith.constant 0 : i32
        %sign3A_468 = arith.cmpi slt, %scan3A_461, %sign3A_467 : i32
        %sign3A_469 = arith.extui %sign3A_468 : i1 to i32
        %sign3A_470 = arith.subi %sign3A_466, %sign3A_469 : i32
        %sign3A_471 = arith.constant 0 : i32
        %sign3A_472 = arith.cmpi sgt, %jit3A_462, %sign3A_471 : i32
        %sign3A_473 = arith.extui %sign3A_472 : i1 to i32
        %sign3A_474 = arith.constant 0 : i32
        %sign3A_475 = arith.cmpi slt, %jit3A_462, %sign3A_474 : i32
        %sign3A_476 = arith.extui %sign3A_475 : i1 to i32
        %sign3A_477 = arith.subi %sign3A_473, %sign3A_476 : i32
        %ne3A_478 = arith.cmpi ne, %sign3A_470, %sign3A_477 : i32
        %rem3A_479 = arith.remsi %scan3A_461, %jit3A_462 : i32
        %ne3A_480 = arith.constant 0 : i32
        %ne3A_481 = arith.cmpi ne, %rem3A_479, %ne3A_480 : i32
        %and3A_482 = arith.andi %ne3A_478, %ne3A_481 : i1
        %sub3A_483 = arith.constant 1 : i32
        %sub3A_484 = arith.subi %div3A_463, %sub3A_483 : i32
        %select_n3A_485 = arith.select %and3A_482, %sub3A_484, %div3A_463 : i32
        %jit3A_486 = arith.constant 128 : i32
        %eq3A_487 = arith.constant 0 : i32
        %eq3A_488 = arith.cmpi eq, %jit3A_486, %eq3A_487 : i32
        %jit3A_489 = arith.constant 1 : i32
        %select_n3A_490 = arith.select %eq3A_488, %jit3A_489, %jit3A_486 : i32
        %rem3A_491 = arith.remsi %scan3A_461, %select_n3A_490 : i32
        %ne3A_492 = arith.constant 0 : i32
        %ne3A_493 = arith.cmpi ne, %rem3A_491, %ne3A_492 : i32
        %lt3A_494 = arith.constant 0 : i32
        %lt3A_495 = arith.cmpi slt, %rem3A_491, %lt3A_494 : i32
        %lt3A_496 = arith.constant 0 : i32
        %lt3A_497 = arith.cmpi slt, %select_n3A_490, %lt3A_496 : i32
        %ne3A_498 = arith.xori %lt3A_495, %lt3A_497 : i1
        %and3A_499 = arith.andi %ne3A_498, %ne3A_493 : i1
        %add3A_500 = arith.addi %rem3A_491, %select_n3A_490 : i32
        %select_n3A_501 = arith.select %and3A_499, %add3A_500, %rem3A_491 : i32
        %broadcast_in_dim3A_502 = vector.broadcast %select_n3A_485 : i32 to vector<16xi32>
        %broadcast_in_dim3A_503 = vector.broadcast %select_n3A_501 : i32 to vector<16xi32>
        %gather3A_504 = tpu.vector_load_idx %arg19[%broadcast_in_dim3A_502, %broadcast_in_dim3A_503] : memref<4x128xf32, #tpu.memory_space<vmem>>[vector<16xi32>, vector<16xi32>], vector<16xf32>,
        %get3A_505 = arith.index_cast %scan3A_461 : i32 to index
        %get3A_506 = arith.constant 0 : index
        %get3A_507 = tpu.vector_load %arg20[%get3A_505, %get3A_506] {strides = array<i32>} : memref<512x64xf32, #tpu.memory_space<vmem>>, vector<16xf32>,
        %mul3A_508 = arith.mulf %get3A_507, %gather3A_504 : vector<16xf32>
        %swap3A_509 = arith.index_cast %scan3A_461 : i32 to index
        %swap3A_510 = arith.constant 0 : index
        %swap3A_511 = tpu.vector_load %arg20[%swap3A_509, %swap3A_510] {strides = array<i32>} : memref<512x64xf32, #tpu.memory_space<vmem>>, vector<16xf32>,
        tpu.vector_store %arg20[%swap3A_509, %swap3A_510], %mul3A_508 {strides = array<i32>} : memref<512x64xf32, #tpu.memory_space<vmem>>, vector<16xf32>,
        %get3A_512 = arith.index_cast %scan3A_461 : i32 to index
        %get3A_513 = arith.constant 16 : index
        %get3A_514 = tpu.vector_load %arg20[%get3A_512, %get3A_513] {strides = array<i32>} : memref<512x64xf32, #tpu.memory_space<vmem>>, vector<16xf32>,
        %mul3A_515 = arith.mulf %get3A_514, %gather3A_504 : vector<16xf32>
        %swap3A_516 = arith.index_cast %scan3A_461 : i32 to index
        %swap3A_517 = arith.constant 16 : index
        %swap3A_518 = tpu.vector_load %arg20[%swap3A_516, %swap3A_517] {strides = array<i32>} : memref<512x64xf32, #tpu.memory_space<vmem>>, vector<16xf32>,
        tpu.vector_store %arg20[%swap3A_516, %swap3A_517], %mul3A_515 {strides = array<i32>} : memref<512x64xf32, #tpu.memory_space<vmem>>, vector<16xf32>,
        %get3A_519 = arith.index_cast %scan3A_461 : i32 to index
        %get3A_520 = arith.constant 32 : index
        %get3A_521 = tpu.vector_load %arg20[%get3A_519, %get3A_520] {strides = array<i32>} : memref<512x64xf32, #tpu.memory_space<vmem>>, vector<16xf32>,
        %mul3A_522 = arith.mulf %get3A_521, %gather3A_504 : vector<16xf32>
        %swap3A_523 = arith.index_cast %scan3A_461 : i32 to index
        %swap3A_524 = arith.constant 32 : index
        %swap3A_525 = tpu.vector_load %arg20[%swap3A_523, %swap3A_524] {strides = array<i32>} : memref<512x64xf32, #tpu.memory_space<vmem>>, vector<16xf32>,
        tpu.vector_store %arg20[%swap3A_523, %swap3A_524], %mul3A_522 {strides = array<i32>} : memref<512x64xf32, #tpu.memory_space<vmem>>, vector<16xf32>,
        %get3A_526 = arith.index_cast %scan3A_461 : i32 to index
        %get3A_527 = arith.constant 48 : index
        %get3A_528 = tpu.vector_load %arg20[%get3A_526, %get3A_527] {strides = array<i32>} : memref<512x64xf32, #tpu.memory_space<vmem>>, vector<16xf32>,
        %mul3A_529 = arith.mulf %get3A_528, %gather3A_504 : vector<16xf32>
        %swap3A_530 = arith.index_cast %scan3A_461 : i32 to index
        %swap3A_531 = arith.constant 48 : index
        %swap3A_532 = tpu.vector_load %arg20[%swap3A_530, %swap3A_531] {strides = array<i32>} : memref<512x64xf32, #tpu.memory_space<vmem>>, vector<16xf32>,
        tpu.vector_store %arg20[%swap3A_530, %swap3A_531], %mul3A_529 {strides = array<i32>} : memref<512x64xf32, #tpu.memory_space<vmem>>, vector<16xf32>,
        %scan3A_533 = arith.constant 0 : i32
        %scan3A_534 = arith.constant 3 : i32
        %scan3A_535 = arith.addi %scan3A_325, %scan3A_534 : i32
        %jit3A_536 = arith.constant 128 : i32
        %div3A_537 = arith.divsi %scan3A_535, %jit3A_536 : i32
        %sign3A_538 = arith.constant 0 : i32
        %sign3A_539 = arith.cmpi sgt, %scan3A_535, %sign3A_538 : i32
        %sign3A_540 = arith.extui %sign3A_539 : i1 to i32
        %sign3A_541 = arith.constant 0 : i32
        %sign3A_542 = arith.cmpi slt, %scan3A_535, %sign3A_541 : i32
        %sign3A_543 = arith.extui %sign3A_542 : i1 to i32
        %sign3A_544 = arith.subi %sign3A_540, %sign3A_543 : i32
        %sign3A_545 = arith.constant 0 : i32
        %sign3A_546 = arith.cmpi sgt, %jit3A_536, %sign3A_545 : i32
        %sign3A_547 = arith.extui %sign3A_546 : i1 to i32
        %sign3A_548 = arith.constant 0 : i32
        %sign3A_549 = arith.cmpi slt, %jit3A_536, %sign3A_548 : i32
        %sign3A_550 = arith.extui %sign3A_549 : i1 to i32
        %sign3A_551 = arith.subi %sign3A_547, %sign3A_550 : i32
        %ne3A_552 = arith.cmpi ne, %sign3A_544, %sign3A_551 : i32
        %rem3A_553 = arith.remsi %scan3A_535, %jit3A_536 : i32
        %ne3A_554 = arith.constant 0 : i32
        %ne3A_555 = arith.cmpi ne, %rem3A_553, %ne3A_554 : i32
        %and3A_556 = arith.andi %ne3A_552, %ne3A_555 : i1
        %sub3A_557 = arith.constant 1 : i32
        %sub3A_558 = arith.subi %div3A_537, %sub3A_557 : i32
        %select_n3A_559 = arith.select %and3A_556, %sub3A_558, %div3A_537 : i32
        %jit3A_560 = arith.constant 128 : i32
        %eq3A_561 = arith.constant 0 : i32
        %eq3A_562 = arith.cmpi eq, %jit3A_560, %eq3A_561 : i32
        %jit3A_563 = arith.constant 1 : i32
        %select_n3A_564 = arith.select %eq3A_562, %jit3A_563, %jit3A_560 : i32
        %rem3A_565 = arith.remsi %scan3A_535, %select_n3A_564 : i32
        %ne3A_566 = arith.constant 0 : i32
        %ne3A_567 = arith.cmpi ne, %rem3A_565, %ne3A_566 : i32
        %lt3A_568 = arith.constant 0 : i32
        %lt3A_569 = arith.cmpi slt, %rem3A_565, %lt3A_568 : i32
        %lt3A_570 = arith.constant 0 : i32
        %lt3A_571 = arith.cmpi slt, %select_n3A_564, %lt3A_570 : i32
        %ne3A_572 = arith.xori %lt3A_569, %lt3A_571 : i1
        %and3A_573 = arith.andi %ne3A_572, %ne3A_567 : i1
        %add3A_574 = arith.addi %rem3A_565, %select_n3A_564 : i32
        %select_n3A_575 = arith.select %and3A_573, %add3A_574, %rem3A_565 : i32
        %broadcast_in_dim3A_576 = vector.broadcast %select_n3A_559 : i32 to vector<16xi32>
        %broadcast_in_dim3A_577 = vector.broadcast %select_n3A_575 : i32 to vector<16xi32>
        %gather3A_578 = tpu.vector_load_idx %arg19[%broadcast_in_dim3A_576, %broadcast_in_dim3A_577] : memref<4x128xf32, #tpu.memory_space<vmem>>[vector<16xi32>, vector<16xi32>], vector<16xf32>,
        %get3A_579 = arith.index_cast %scan3A_535 : i32 to index
        %get3A_580 = arith.constant 0 : index
        %get3A_581 = tpu.vector_load %arg20[%get3A_579, %get3A_580] {strides = array<i32>} : memref<512x64xf32, #tpu.memory_space<vmem>>, vector<16xf32>,
        %mul3A_582 = arith.mulf %get3A_581, %gather3A_578 : vector<16xf32>
        %swap3A_583 = arith.index_cast %scan3A_535 : i32 to index
        %swap3A_584 = arith.constant 0 : index
        %swap3A_585 = tpu.vector_load %arg20[%swap3A_583, %swap3A_584] {strides = array<i32>} : memref<512x64xf32, #tpu.memory_space<vmem>>, vector<16xf32>,
        tpu.vector_store %arg20[%swap3A_583, %swap3A_584], %mul3A_582 {strides = array<i32>} : memref<512x64xf32, #tpu.memory_space<vmem>>, vector<16xf32>,
        %get3A_586 = arith.index_cast %scan3A_535 : i32 to index
        %get3A_587 = arith.constant 16 : index
        %get3A_588 = tpu.vector_load %arg20[%get3A_586, %get3A_587] {strides = array<i32>} : memref<512x64xf32, #tpu.memory_space<vmem>>, vector<16xf32>,
        %mul3A_589 = arith.mulf %get3A_588, %gather3A_578 : vector<16xf32>
        %swap3A_590 = arith.index_cast %scan3A_535 : i32 to index
        %swap3A_591 = arith.constant 16 : index
        %swap3A_592 = tpu.vector_load %arg20[%swap3A_590, %swap3A_591] {strides = array<i32>} : memref<512x64xf32, #tpu.memory_space<vmem>>, vector<16xf32>,
        tpu.vector_store %arg20[%swap3A_590, %swap3A_591], %mul3A_589 {strides = array<i32>} : memref<512x64xf32, #tpu.memory_space<vmem>>, vector<16xf32>,
        %get3A_593 = arith.index_cast %scan3A_535 : i32 to index
        %get3A_594 = arith.constant 32 : index
        %get3A_595 = tpu.vector_load %arg20[%get3A_593, %get3A_594] {strides = array<i32>} : memref<512x64xf32, #tpu.memory_space<vmem>>, vector<16xf32>,
        %mul3A_596 = arith.mulf %get3A_595, %gather3A_578 : vector<16xf32>
        %swap3A_597 = arith.index_cast %scan3A_535 : i32 to index
        %swap3A_598 = arith.constant 32 : index
        %swap3A_599 = tpu.vector_load %arg20[%swap3A_597, %swap3A_598] {strides = array<i32>} : memref<512x64xf32, #tpu.memory_space<vmem>>, vector<16xf32>,
        tpu.vector_store %arg20[%swap3A_597, %swap3A_598], %mul3A_596 {strides = array<i32>} : memref<512x64xf32, #tpu.memory_space<vmem>>, vector<16xf32>,
        %get3A_600 = arith.index_cast %scan3A_535 : i32 to index
        %get3A_601 = arith.constant 48 : index
        %get3A_602 = tpu.vector_load %arg20[%get3A_600, %get3A_601] {strides = array<i32>} : memref<512x64xf32, #tpu.memory_space<vmem>>, vector<16xf32>,
        %mul3A_603 = arith.mulf %get3A_602, %gather3A_578 : vector<16xf32>
        %swap3A_604 = arith.index_cast %scan3A_535 : i32 to index
        %swap3A_605 = arith.constant 48 : index
        %swap3A_606 = tpu.vector_load %arg20[%swap3A_604, %swap3A_605] {strides = array<i32>} : memref<512x64xf32, #tpu.memory_space<vmem>>, vector<16xf32>,
        tpu.vector_store %arg20[%swap3A_604, %swap3A_605], %mul3A_603 {strides = array<i32>} : memref<512x64xf32, #tpu.memory_space<vmem>>, vector<16xf32>,
        %scan3A_607 = arith.constant 0 : i32
        %scan3A_608 = arith.constant 4 : i32
        %scan3A_609 = arith.addi %scan3A_325, %scan3A_608 : i32
        %jit3A_610 = arith.constant 128 : i32
        %div3A_611 = arith.divsi %scan3A_609, %jit3A_610 : i32
        %sign3A_612 = arith.constant 0 : i32
        %sign3A_613 = arith.cmpi sgt, %scan3A_609, %sign3A_612 : i32
        %sign3A_614 = arith.extui %sign3A_613 : i1 to i32
        %sign3A_615 = arith.constant 0 : i32
        %sign3A_616 = arith.cmpi slt, %scan3A_609, %sign3A_615 : i32
        %sign3A_617 = arith.extui %sign3A_616 : i1 to i32
        %sign3A_618 = arith.subi %sign3A_614, %sign3A_617 : i32
        %sign3A_619 = arith.constant 0 : i32
        %sign3A_620 = arith.cmpi sgt, %jit3A_610, %sign3A_619 : i32
        %sign3A_621 = arith.extui %sign3A_620 : i1 to i32
        %sign3A_622 = arith.constant 0 : i32
        %sign3A_623 = arith.cmpi slt, %jit3A_610, %sign3A_622 : i32
        %sign3A_624 = arith.extui %sign3A_623 : i1 to i32
        %sign3A_625 = arith.subi %sign3A_621, %sign3A_624 : i32
        %ne3A_626 = arith.cmpi ne, %sign3A_618, %sign3A_625 : i32
        %rem3A_627 = arith.remsi %scan3A_609, %jit3A_610 : i32
        %ne3A_628 = arith.constant 0 : i32
        %ne3A_629 = arith.cmpi ne, %rem3A_627, %ne3A_628 : i32
        %and3A_630 = arith.andi %ne3A_626, %ne3A_629 : i1
        %sub3A_631 = arith.constant 1 : i32
        %sub3A_632 = arith.subi %div3A_611, %sub3A_631 : i32
        %select_n3A_633 = arith.select %and3A_630, %sub3A_632, %div3A_611 : i32
        %jit3A_634 = arith.constant 128 : i32
        %eq3A_635 = arith.constant 0 : i32
        %eq3A_636 = arith.cmpi eq, %jit3A_634, %eq3A_635 : i32
        %jit3A_637 = arith.constant 1 : i32
        %select_n3A_638 = arith.select %eq3A_636, %jit3A_637, %jit3A_634 : i32
        %rem3A_639 = arith.remsi %scan3A_609, %select_n3A_638 : i32
        %ne3A_640 = arith.constant 0 : i32
        %ne3A_641 = arith.cmpi ne, %rem3A_639, %ne3A_640 : i32
        %lt3A_642 = arith.constant 0 : i32
        %lt3A_643 = arith.cmpi slt, %rem3A_639, %lt3A_642 : i32
        %lt3A_644 = arith.constant 0 : i32
        %lt3A_645 = arith.cmpi slt, %select_n3A_638, %lt3A_644 : i32
        %ne3A_646 = arith.xori %lt3A_643, %lt3A_645 : i1
        %and3A_647 = arith.andi %ne3A_646, %ne3A_641 : i1
        %add3A_648 = arith.addi %rem3A_639, %select_n3A_638 : i32
        %select_n3A_649 = arith.select %and3A_647, %add3A_648, %rem3A_639 : i32
        %broadcast_in_dim3A_650 = vector.broadcast %select_n3A_633 : i32 to vector<16xi32>
        %broadcast_in_dim3A_651 = vector.broadcast %select_n3A_649 : i32 to vector<16xi32>
        %gather3A_652 = tpu.vector_load_idx %arg19[%broadcast_in_dim3A_650, %broadcast_in_dim3A_651] : memref<4x128xf32, #tpu.memory_space<vmem>>[vector<16xi32>, vector<16xi32>], vector<16xf32>,
        %get3A_653 = arith.index_cast %scan3A_609 : i32 to index
        %get3A_654 = arith.constant 0 : index
        %get3A_655 = tpu.vector_load %arg20[%get3A_653, %get3A_654] {strides = array<i32>} : memref<512x64xf32, #tpu.memory_space<vmem>>, vector<16xf32>,
        %mul3A_656 = arith.mulf %get3A_655, %gather3A_652 : vector<16xf32>
        %swap3A_657 = arith.index_cast %scan3A_609 : i32 to index
        %swap3A_658 = arith.constant 0 : index
        %swap3A_659 = tpu.vector_load %arg20[%swap3A_657, %swap3A_658] {strides = array<i32>} : memref<512x64xf32, #tpu.memory_space<vmem>>, vector<16xf32>,
        tpu.vector_store %arg20[%swap3A_657, %swap3A_658], %mul3A_656 {strides = array<i32>} : memref<512x64xf32, #tpu.memory_space<vmem>>, vector<16xf32>,
        %get3A_660 = arith.index_cast %scan3A_609 : i32 to index
        %get3A_661 = arith.constant 16 : index
        %get3A_662 = tpu.vector_load %arg20[%get3A_660, %get3A_661] {strides = array<i32>} : memref<512x64xf32, #tpu.memory_space<vmem>>, vector<16xf32>,
        %mul3A_663 = arith.mulf %get3A_662, %gather3A_652 : vector<16xf32>
        %swap3A_664 = arith.index_cast %scan3A_609 : i32 to index
        %swap3A_665 = arith.constant 16 : index
        %swap3A_666 = tpu.vector_load %arg20[%swap3A_664, %swap3A_665] {strides = array<i32>} : memref<512x64xf32, #tpu.memory_space<vmem>>, vector<16xf32>,
        tpu.vector_store %arg20[%swap3A_664, %swap3A_665], %mul3A_663 {strides = array<i32>} : memref<512x64xf32, #tpu.memory_space<vmem>>, vector<16xf32>,
        %get3A_667 = arith.index_cast %scan3A_609 : i32 to index
        %get3A_668 = arith.constant 32 : index
        %get3A_669 = tpu.vector_load %arg20[%get3A_667, %get3A_668] {strides = array<i32>} : memref<512x64xf32, #tpu.memory_space<vmem>>, vector<16xf32>,
        %mul3A_670 = arith.mulf %get3A_669, %gather3A_652 : vector<16xf32>
        %swap3A_671 = arith.index_cast %scan3A_609 : i32 to index
        %swap3A_672 = arith.constant 32 : index
        %swap3A_673 = tpu.vector_load %arg20[%swap3A_671, %swap3A_672] {strides = array<i32>} : memref<512x64xf32, #tpu.memory_space<vmem>>, vector<16xf32>,
        tpu.vector_store %arg20[%swap3A_671, %swap3A_672], %mul3A_670 {strides = array<i32>} : memref<512x64xf32, #tpu.memory_space<vmem>>, vector<16xf32>,
        %get3A_674 = arith.index_cast %scan3A_609 : i32 to index
        %get3A_675 = arith.constant 48 : index
        %get3A_676 = tpu.vector_load %arg20[%get3A_674, %get3A_675] {strides = array<i32>} : memref<512x64xf32, #tpu.memory_space<vmem>>, vector<16xf32>,
        %mul3A_677 = arith.mulf %get3A_676, %gather3A_652 : vector<16xf32>
        %swap3A_678 = arith.index_cast %scan3A_609 : i32 to index
        %swap3A_679 = arith.constant 48 : index
        %swap3A_680 = tpu.vector_load %arg20[%swap3A_678, %swap3A_679] {strides = array<i32>} : memref<512x64xf32, #tpu.memory_space<vmem>>, vector<16xf32>,
        tpu.vector_store %arg20[%swap3A_678, %swap3A_679], %mul3A_677 {strides = array<i32>} : memref<512x64xf32, #tpu.memory_space<vmem>>, vector<16xf32>,
        %scan3A_681 = arith.constant 0 : i32
        %scan3A_682 = arith.constant 5 : i32
        %scan3A_683 = arith.addi %scan3A_325, %scan3A_682 : i32
        %jit3A_684 = arith.constant 128 : i32
        %div3A_685 = arith.divsi %scan3A_683, %jit3A_684 : i32
        %sign3A_686 = arith.constant 0 : i32
        %sign3A_687 = arith.cmpi sgt, %scan3A_683, %sign3A_686 : i32
        %sign3A_688 = arith.extui %sign3A_687 : i1 to i32
        %sign3A_689 = arith.constant 0 : i32
        %sign3A_690 = arith.cmpi slt, %scan3A_683, %sign3A_689 : i32
        %sign3A_691 = arith.extui %sign3A_690 : i1 to i32
        %sign3A_692 = arith.subi %sign3A_688, %sign3A_691 : i32
        %sign3A_693 = arith.constant 0 : i32
        %sign3A_694 = arith.cmpi sgt, %jit3A_684, %sign3A_693 : i32
        %sign3A_695 = arith.extui %sign3A_694 : i1 to i32
        %sign3A_696 = arith.constant 0 : i32
        %sign3A_697 = arith.cmpi slt, %jit3A_684, %sign3A_696 : i32
        %sign3A_698 = arith.extui %sign3A_697 : i1 to i32
        %sign3A_699 = arith.subi %sign3A_695, %sign3A_698 : i32
        %ne3A_700 = arith.cmpi ne, %sign3A_692, %sign3A_699 : i32
        %rem3A_701 = arith.remsi %scan3A_683, %jit3A_684 : i32
        %ne3A_702 = arith.constant 0 : i32
        %ne3A_703 = arith.cmpi ne, %rem3A_701, %ne3A_702 : i32
        %and3A_704 = arith.andi %ne3A_700, %ne3A_703 : i1
        %sub3A_705 = arith.constant 1 : i32
        %sub3A_706 = arith.subi %div3A_685, %sub3A_705 : i32
        %select_n3A_707 = arith.select %and3A_704, %sub3A_706, %div3A_685 : i32
        %jit3A_708 = arith.constant 128 : i32
        %eq3A_709 = arith.constant 0 : i32
        %eq3A_710 = arith.cmpi eq, %jit3A_708, %eq3A_709 : i32
        %jit3A_711 = arith.constant 1 : i32
        %select_n3A_712 = arith.select %eq3A_710, %jit3A_711, %jit3A_708 : i32
        %rem3A_713 = arith.remsi %scan3A_683, %select_n3A_712 : i32
        %ne3A_714 = arith.constant 0 : i32
        %ne3A_715 = arith.cmpi ne, %rem3A_713, %ne3A_714 : i32
        %lt3A_716 = arith.constant 0 : i32
        %lt3A_717 = arith.cmpi slt, %rem3A_713, %lt3A_716 : i32
        %lt3A_718 = arith.constant 0 : i32
        %lt3A_719 = arith.cmpi slt, %select_n3A_712, %lt3A_718 : i32
        %ne3A_720 = arith.xori %lt3A_717, %lt3A_719 : i1
        %and3A_721 = arith.andi %ne3A_720, %ne3A_715 : i1
        %add3A_722 = arith.addi %rem3A_713, %select_n3A_712 : i32
        %select_n3A_723 = arith.select %and3A_721, %add3A_722, %rem3A_713 : i32
        %broadcast_in_dim3A_724 = vector.broadcast %select_n3A_707 : i32 to vector<16xi32>
        %broadcast_in_dim3A_725 = vector.broadcast %select_n3A_723 : i32 to vector<16xi32>
        %gather3A_726 = tpu.vector_load_idx %arg19[%broadcast_in_dim3A_724, %broadcast_in_dim3A_725] : memref<4x128xf32, #tpu.memory_space<vmem>>[vector<16xi32>, vector<16xi32>], vector<16xf32>,
        %get3A_727 = arith.index_cast %scan3A_683 : i32 to index
        %get3A_728 = arith.constant 0 : index
        %get3A_729 = tpu.vector_load %arg20[%get3A_727, %get3A_728] {strides = array<i32>} : memref<512x64xf32, #tpu.memory_space<vmem>>, vector<16xf32>,
        %mul3A_730 = arith.mulf %get3A_729, %gather3A_726 : vector<16xf32>
        %swap3A_731 = arith.index_cast %scan3A_683 : i32 to index
        %swap3A_732 = arith.constant 0 : index
        %swap3A_733 = tpu.vector_load %arg20[%swap3A_731, %swap3A_732] {strides = array<i32>} : memref<512x64xf32, #tpu.memory_space<vmem>>, vector<16xf32>,
        tpu.vector_store %arg20[%swap3A_731, %swap3A_732], %mul3A_730 {strides = array<i32>} : memref<512x64xf32, #tpu.memory_space<vmem>>, vector<16xf32>,
        %get3A_734 = arith.index_cast %scan3A_683 : i32 to index
        %get3A_735 = arith.constant 16 : index
        %get3A_736 = tpu.vector_load %arg20[%get3A_734, %get3A_735] {strides = array<i32>} : memref<512x64xf32, #tpu.memory_space<vmem>>, vector<16xf32>,
        %mul3A_737 = arith.mulf %get3A_736, %gather3A_726 : vector<16xf32>
        %swap3A_738 = arith.index_cast %scan3A_683 : i32 to index
        %swap3A_739 = arith.constant 16 : index
        %swap3A_740 = tpu.vector_load %arg20[%swap3A_738, %swap3A_739] {strides = array<i32>} : memref<512x64xf32, #tpu.memory_space<vmem>>, vector<16xf32>,
        tpu.vector_store %arg20[%swap3A_738, %swap3A_739], %mul3A_737 {strides = array<i32>} : memref<512x64xf32, #tpu.memory_space<vmem>>, vector<16xf32>,
        %get3A_741 = arith.index_cast %scan3A_683 : i32 to index
        %get3A_742 = arith.constant 32 : index
        %get3A_743 = tpu.vector_load %arg20[%get3A_741, %get3A_742] {strides = array<i32>} : memref<512x64xf32, #tpu.memory_space<vmem>>, vector<16xf32>,
        %mul3A_744 = arith.mulf %get3A_743, %gather3A_726 : vector<16xf32>
        %swap3A_745 = arith.index_cast %scan3A_683 : i32 to index
        %swap3A_746 = arith.constant 32 : index
        %swap3A_747 = tpu.vector_load %arg20[%swap3A_745, %swap3A_746] {strides = array<i32>} : memref<512x64xf32, #tpu.memory_space<vmem>>, vector<16xf32>,
        tpu.vector_store %arg20[%swap3A_745, %swap3A_746], %mul3A_744 {strides = array<i32>} : memref<512x64xf32, #tpu.memory_space<vmem>>, vector<16xf32>,
        %get3A_748 = arith.index_cast %scan3A_683 : i32 to index
        %get3A_749 = arith.constant 48 : index
        %get3A_750 = tpu.vector_load %arg20[%get3A_748, %get3A_749] {strides = array<i32>} : memref<512x64xf32, #tpu.memory_space<vmem>>, vector<16xf32>,
        %mul3A_751 = arith.mulf %get3A_750, %gather3A_726 : vector<16xf32>
        %swap3A_752 = arith.index_cast %scan3A_683 : i32 to index
        %swap3A_753 = arith.constant 48 : index
        %swap3A_754 = tpu.vector_load %arg20[%swap3A_752, %swap3A_753] {strides = array<i32>} : memref<512x64xf32, #tpu.memory_space<vmem>>, vector<16xf32>,
        tpu.vector_store %arg20[%swap3A_752, %swap3A_753], %mul3A_751 {strides = array<i32>} : memref<512x64xf32, #tpu.memory_space<vmem>>, vector<16xf32>,
        %scan3A_755 = arith.constant 0 : i32
        %scan3A_756 = arith.constant 6 : i32
        %scan3A_757 = arith.addi %scan3A_325, %scan3A_756 : i32
        %jit3A_758 = arith.constant 128 : i32
        %div3A_759 = arith.divsi %scan3A_757, %jit3A_758 : i32
        %sign3A_760 = arith.constant 0 : i32
        %sign3A_761 = arith.cmpi sgt, %scan3A_757, %sign3A_760 : i32
        %sign3A_762 = arith.extui %sign3A_761 : i1 to i32
        %sign3A_763 = arith.constant 0 : i32
        %sign3A_764 = arith.cmpi slt, %scan3A_757, %sign3A_763 : i32
        %sign3A_765 = arith.extui %sign3A_764 : i1 to i32
        %sign3A_766 = arith.subi %sign3A_762, %sign3A_765 : i32
        %sign3A_767 = arith.constant 0 : i32
        %sign3A_768 = arith.cmpi sgt, %jit3A_758, %sign3A_767 : i32
        %sign3A_769 = arith.extui %sign3A_768 : i1 to i32
        %sign3A_770 = arith.constant 0 : i32
        %sign3A_771 = arith.cmpi slt, %jit3A_758, %sign3A_770 : i32
        %sign3A_772 = arith.extui %sign3A_771 : i1 to i32
        %sign3A_773 = arith.subi %sign3A_769, %sign3A_772 : i32
        %ne3A_774 = arith.cmpi ne, %sign3A_766, %sign3A_773 : i32
        %rem3A_775 = arith.remsi %scan3A_757, %jit3A_758 : i32
        %ne3A_776 = arith.constant 0 : i32
        %ne3A_777 = arith.cmpi ne, %rem3A_775, %ne3A_776 : i32
        %and3A_778 = arith.andi %ne3A_774, %ne3A_777 : i1
        %sub3A_779 = arith.constant 1 : i32
        %sub3A_780 = arith.subi %div3A_759, %sub3A_779 : i32
        %select_n3A_781 = arith.select %and3A_778, %sub3A_780, %div3A_759 : i32
        %jit3A_782 = arith.constant 128 : i32
        %eq3A_783 = arith.constant 0 : i32
        %eq3A_784 = arith.cmpi eq, %jit3A_782, %eq3A_783 : i32
        %jit3A_785 = arith.constant 1 : i32
        %select_n3A_786 = arith.select %eq3A_784, %jit3A_785, %jit3A_782 : i32
        %rem3A_787 = arith.remsi %scan3A_757, %select_n3A_786 : i32
        %ne3A_788 = arith.constant 0 : i32
        %ne3A_789 = arith.cmpi ne, %rem3A_787, %ne3A_788 : i32
        %lt3A_790 = arith.constant 0 : i32
        %lt3A_791 = arith.cmpi slt, %rem3A_787, %lt3A_790 : i32
        %lt3A_792 = arith.constant 0 : i32
        %lt3A_793 = arith.cmpi slt, %select_n3A_786, %lt3A_792 : i32
        %ne3A_794 = arith.xori %lt3A_791, %lt3A_793 : i1
        %and3A_795 = arith.andi %ne3A_794, %ne3A_789 : i1
        %add3A_796 = arith.addi %rem3A_787, %select_n3A_786 : i32
        %select_n3A_797 = arith.select %and3A_795, %add3A_796, %rem3A_787 : i32
        %broadcast_in_dim3A_798 = vector.broadcast %select_n3A_781 : i32 to vector<16xi32>
        %broadcast_in_dim3A_799 = vector.broadcast %select_n3A_797 : i32 to vector<16xi32>
        %gather3A_800 = tpu.vector_load_idx %arg19[%broadcast_in_dim3A_798, %broadcast_in_dim3A_799] : memref<4x128xf32, #tpu.memory_space<vmem>>[vector<16xi32>, vector<16xi32>], vector<16xf32>,
        %get3A_801 = arith.index_cast %scan3A_757 : i32 to index
        %get3A_802 = arith.constant 0 : index
        %get3A_803 = tpu.vector_load %arg20[%get3A_801, %get3A_802] {strides = array<i32>} : memref<512x64xf32, #tpu.memory_space<vmem>>, vector<16xf32>,
        %mul3A_804 = arith.mulf %get3A_803, %gather3A_800 : vector<16xf32>
        %swap3A_805 = arith.index_cast %scan3A_757 : i32 to index
        %swap3A_806 = arith.constant 0 : index
        %swap3A_807 = tpu.vector_load %arg20[%swap3A_805, %swap3A_806] {strides = array<i32>} : memref<512x64xf32, #tpu.memory_space<vmem>>, vector<16xf32>,
        tpu.vector_store %arg20[%swap3A_805, %swap3A_806], %mul3A_804 {strides = array<i32>} : memref<512x64xf32, #tpu.memory_space<vmem>>, vector<16xf32>,
        %get3A_808 = arith.index_cast %scan3A_757 : i32 to index
        %get3A_809 = arith.constant 16 : index
        %get3A_810 = tpu.vector_load %arg20[%get3A_808, %get3A_809] {strides = array<i32>} : memref<512x64xf32, #tpu.memory_space<vmem>>, vector<16xf32>,
        %mul3A_811 = arith.mulf %get3A_810, %gather3A_800 : vector<16xf32>
        %swap3A_812 = arith.index_cast %scan3A_757 : i32 to index
        %swap3A_813 = arith.constant 16 : index
        %swap3A_814 = tpu.vector_load %arg20[%swap3A_812, %swap3A_813] {strides = array<i32>} : memref<512x64xf32, #tpu.memory_space<vmem>>, vector<16xf32>,
        tpu.vector_store %arg20[%swap3A_812, %swap3A_813], %mul3A_811 {strides = array<i32>} : memref<512x64xf32, #tpu.memory_space<vmem>>, vector<16xf32>,
        %get3A_815 = arith.index_cast %scan3A_757 : i32 to index
        %get3A_816 = arith.constant 32 : index
        %get3A_817 = tpu.vector_load %arg20[%get3A_815, %get3A_816] {strides = array<i32>} : memref<512x64xf32, #tpu.memory_space<vmem>>, vector<16xf32>,
        %mul3A_818 = arith.mulf %get3A_817, %gather3A_800 : vector<16xf32>
        %swap3A_819 = arith.index_cast %scan3A_757 : i32 to index
        %swap3A_820 = arith.constant 32 : index
        %swap3A_821 = tpu.vector_load %arg20[%swap3A_819, %swap3A_820] {strides = array<i32>} : memref<512x64xf32, #tpu.memory_space<vmem>>, vector<16xf32>,
        tpu.vector_store %arg20[%swap3A_819, %swap3A_820], %mul3A_818 {strides = array<i32>} : memref<512x64xf32, #tpu.memory_space<vmem>>, vector<16xf32>,
        %get3A_822 = arith.index_cast %scan3A_757 : i32 to index
        %get3A_823 = arith.constant 48 : index
        %get3A_824 = tpu.vector_load %arg20[%get3A_822, %get3A_823] {strides = array<i32>} : memref<512x64xf32, #tpu.memory_space<vmem>>, vector<16xf32>,
        %mul3A_825 = arith.mulf %get3A_824, %gather3A_800 : vector<16xf32>
        %swap3A_826 = arith.index_cast %scan3A_757 : i32 to index
        %swap3A_827 = arith.constant 48 : index
        %swap3A_828 = tpu.vector_load %arg20[%swap3A_826, %swap3A_827] {strides = array<i32>} : memref<512x64xf32, #tpu.memory_space<vmem>>, vector<16xf32>,
        tpu.vector_store %arg20[%swap3A_826, %swap3A_827], %mul3A_825 {strides = array<i32>} : memref<512x64xf32, #tpu.memory_space<vmem>>, vector<16xf32>,
        %scan3A_829 = arith.constant 0 : i32
        %scan3A_830 = arith.constant 7 : i32
        %scan3A_831 = arith.addi %scan3A_325, %scan3A_830 : i32
        %jit3A_832 = arith.constant 128 : i32
        %div3A_833 = arith.divsi %scan3A_831, %jit3A_832 : i32
        %sign3A_834 = arith.constant 0 : i32
        %sign3A_835 = arith.cmpi sgt, %scan3A_831, %sign3A_834 : i32
        %sign3A_836 = arith.extui %sign3A_835 : i1 to i32
        %sign3A_837 = arith.constant 0 : i32
        %sign3A_838 = arith.cmpi slt, %scan3A_831, %sign3A_837 : i32
        %sign3A_839 = arith.extui %sign3A_838 : i1 to i32
        %sign3A_840 = arith.subi %sign3A_836, %sign3A_839 : i32
        %sign3A_841 = arith.constant 0 : i32
        %sign3A_842 = arith.cmpi sgt, %jit3A_832, %sign3A_841 : i32
        %sign3A_843 = arith.extui %sign3A_842 : i1 to i32
        %sign3A_844 = arith.constant 0 : i32
        %sign3A_845 = arith.cmpi slt, %jit3A_832, %sign3A_844 : i32
        %sign3A_846 = arith.extui %sign3A_845 : i1 to i32
        %sign3A_847 = arith.subi %sign3A_843, %sign3A_846 : i32
        %ne3A_848 = arith.cmpi ne, %sign3A_840, %sign3A_847 : i32
        %rem3A_849 = arith.remsi %scan3A_831, %jit3A_832 : i32
        %ne3A_850 = arith.constant 0 : i32
        %ne3A_851 = arith.cmpi ne, %rem3A_849, %ne3A_850 : i32
        %and3A_852 = arith.andi %ne3A_848, %ne3A_851 : i1
        %sub3A_853 = arith.constant 1 : i32
        %sub3A_854 = arith.subi %div3A_833, %sub3A_853 : i32
        %select_n3A_855 = arith.select %and3A_852, %sub3A_854, %div3A_833 : i32
        %jit3A_856 = arith.constant 128 : i32
        %eq3A_857 = arith.constant 0 : i32
        %eq3A_858 = arith.cmpi eq, %jit3A_856, %eq3A_857 : i32
        %jit3A_859 = arith.constant 1 : i32
        %select_n3A_860 = arith.select %eq3A_858, %jit3A_859, %jit3A_856 : i32
        %rem3A_861 = arith.remsi %scan3A_831, %select_n3A_860 : i32
        %ne3A_862 = arith.constant 0 : i32
        %ne3A_863 = arith.cmpi ne, %rem3A_861, %ne3A_862 : i32
        %lt3A_864 = arith.constant 0 : i32
        %lt3A_865 = arith.cmpi slt, %rem3A_861, %lt3A_864 : i32
        %lt3A_866 = arith.constant 0 : i32
        %lt3A_867 = arith.cmpi slt, %select_n3A_860, %lt3A_866 : i32
        %ne3A_868 = arith.xori %lt3A_865, %lt3A_867 : i1
        %and3A_869 = arith.andi %ne3A_868, %ne3A_863 : i1
        %add3A_870 = arith.addi %rem3A_861, %select_n3A_860 : i32
        %select_n3A_871 = arith.select %and3A_869, %add3A_870, %rem3A_861 : i32
        %broadcast_in_dim3A_872 = vector.broadcast %select_n3A_855 : i32 to vector<16xi32>
        %broadcast_in_dim3A_873 = vector.broadcast %select_n3A_871 : i32 to vector<16xi32>
        %gather3A_874 = tpu.vector_load_idx %arg19[%broadcast_in_dim3A_872, %broadcast_in_dim3A_873] : memref<4x128xf32, #tpu.memory_space<vmem>>[vector<16xi32>, vector<16xi32>], vector<16xf32>,
        %get3A_875 = arith.index_cast %scan3A_831 : i32 to index
        %get3A_876 = arith.constant 0 : index
        %get3A_877 = tpu.vector_load %arg20[%get3A_875, %get3A_876] {strides = array<i32>} : memref<512x64xf32, #tpu.memory_space<vmem>>, vector<16xf32>,
        %mul3A_878 = arith.mulf %get3A_877, %gather3A_874 : vector<16xf32>
        %swap3A_879 = arith.index_cast %scan3A_831 : i32 to index
        %swap3A_880 = arith.constant 0 : index
        %swap3A_881 = tpu.vector_load %arg20[%swap3A_879, %swap3A_880] {strides = array<i32>} : memref<512x64xf32, #tpu.memory_space<vmem>>, vector<16xf32>,
        tpu.vector_store %arg20[%swap3A_879, %swap3A_880], %mul3A_878 {strides = array<i32>} : memref<512x64xf32, #tpu.memory_space<vmem>>, vector<16xf32>,
        %get3A_882 = arith.index_cast %scan3A_831 : i32 to index
        %get3A_883 = arith.constant 16 : index
        %get3A_884 = tpu.vector_load %arg20[%get3A_882, %get3A_883] {strides = array<i32>} : memref<512x64xf32, #tpu.memory_space<vmem>>, vector<16xf32>,
        %mul3A_885 = arith.mulf %get3A_884, %gather3A_874 : vector<16xf32>
        %swap3A_886 = arith.index_cast %scan3A_831 : i32 to index
        %swap3A_887 = arith.constant 16 : index
        %swap3A_888 = tpu.vector_load %arg20[%swap3A_886, %swap3A_887] {strides = array<i32>} : memref<512x64xf32, #tpu.memory_space<vmem>>, vector<16xf32>,
        tpu.vector_store %arg20[%swap3A_886, %swap3A_887], %mul3A_885 {strides = array<i32>} : memref<512x64xf32, #tpu.memory_space<vmem>>, vector<16xf32>,
        %get3A_889 = arith.index_cast %scan3A_831 : i32 to index
        %get3A_890 = arith.constant 32 : index
        %get3A_891 = tpu.vector_load %arg20[%get3A_889, %get3A_890] {strides = array<i32>} : memref<512x64xf32, #tpu.memory_space<vmem>>, vector<16xf32>,
        %mul3A_892 = arith.mulf %get3A_891, %gather3A_874 : vector<16xf32>
        %swap3A_893 = arith.index_cast %scan3A_831 : i32 to index
        %swap3A_894 = arith.constant 32 : index
        %swap3A_895 = tpu.vector_load %arg20[%swap3A_893, %swap3A_894] {strides = array<i32>} : memref<512x64xf32, #tpu.memory_space<vmem>>, vector<16xf32>,
        tpu.vector_store %arg20[%swap3A_893, %swap3A_894], %mul3A_892 {strides = array<i32>} : memref<512x64xf32, #tpu.memory_space<vmem>>, vector<16xf32>,
        %get3A_896 = arith.index_cast %scan3A_831 : i32 to index
        %get3A_897 = arith.constant 48 : index
        %get3A_898 = tpu.vector_load %arg20[%get3A_896, %get3A_897] {strides = array<i32>} : memref<512x64xf32, #tpu.memory_space<vmem>>, vector<16xf32>,
        %mul3A_899 = arith.mulf %get3A_898, %gather3A_874 : vector<16xf32>
        %swap3A_900 = arith.index_cast %scan3A_831 : i32 to index
        %swap3A_901 = arith.constant 48 : index
        %swap3A_902 = tpu.vector_load %arg20[%swap3A_900, %swap3A_901] {strides = array<i32>} : memref<512x64xf32, #tpu.memory_space<vmem>>, vector<16xf32>,
        tpu.vector_store %arg20[%swap3A_900, %swap3A_901], %mul3A_899 {strides = array<i32>} : memref<512x64xf32, #tpu.memory_space<vmem>>, vector<16xf32>,
        %scan3A_903 = arith.constant 0 : i32
        scf.yield %scan3A_903 : i32
      }
      %scan3A_163 = arith.constant 512 : i32
      %dma_start3A_164 = arith.constant 0 : i32
      %dma_start3A_165 = arith.constant 0 : i32
      %dma_start3A_166 = arith.constant 0 : i32
      %dma_start3A_167 = tpu.memref_slice %arg20[%dma_start3A_165, %dma_start3A_166] : memref<512x64xf32, #tpu.memory_space<vmem>> -> memref<128x64xf32, #tpu.memory_space<vmem>>
      %dma_start3A_168 = arith.constant 0 : i32
      %dma_start3A_169 = tpu.memref_slice %arg16[%dma_start3A_164, %dma_start3A_168] : memref<4x128xi32, #tpu.memory_space<vmem>> -> memref<1x128xi32, #tpu.memory_space<vmem>>
      %dma_start3A_170 = tpu.memref_squeeze %dma_start3A_169 : memref<1x128xi32, #tpu.memory_space<vmem>> -> memref<128xi32, #tpu.memory_space<vmem>>
      %dma_start3A_171 = arith.constant 0 : i32
      %dma_start3A_172 = arith.constant 0 : i32
      %dma_start3A_173 = tpu.memref_slice %arg22[%dma_start3A_171, %dma_start3A_172] : memref<10240x64xf32, #tpu.memory_space<vmem_shared>> -> memref<10240x64xf32, #tpu.memory_space<vmem_shared>>
      tpu.enqueue_indirect_dma source(%dma_start3A_167 : memref<128x64xf32, #tpu.memory_space<vmem>>) target(%dma_start3A_173 : memref<10240x64xf32, #tpu.memory_space<vmem_shared>>) offsets(%dma_start3A_170 : memref<128xi32, #tpu.memory_space<vmem>>) semaphore(%arg24 : memref<!tpu.dma_semaphore, #tpu.memory_space<semaphore_mem>>) {add = true}
      %dma_start3A_174 = arith.constant 0 : i32
      %dma_start3A_175 = arith.constant 0 : i32
      %dma_start3A_176 = arith.constant 0 : i32
      %dma_start3A_177 = tpu.memref_slice %arg19[%dma_start3A_174, %dma_start3A_176] : memref<4x128xf32, #tpu.memory_space<vmem>> -> memref<1x128xf32, #tpu.memory_space<vmem>>
      %dma_start3A_178 = tpu.memref_squeeze %dma_start3A_177 : memref<1x128xf32, #tpu.memory_space<vmem>> -> memref<128xf32, #tpu.memory_space<vmem>>
      %dma_start3A_179 = arith.constant 0 : i32
      %dma_start3A_180 = tpu.memref_slice %arg16[%dma_start3A_175, %dma_start3A_179] : memref<4x128xi32, #tpu.memory_space<vmem>> -> memref<1x128xi32, #tpu.memory_space<vmem>>
      %dma_start3A_181 = tpu.memref_squeeze %dma_start3A_180 : memref<1x128xi32, #tpu.memory_space<vmem>> -> memref<128xi32, #tpu.memory_space<vmem>>
      %dma_start3A_182 = arith.constant 0 : i32
      %dma_start3A_183 = tpu.memref_slice %arg23[%dma_start3A_182] : memref<10240xf32, #tpu.memory_space<vmem_shared>> -> memref<10240xf32, #tpu.memory_space<vmem_shared>>
      tpu.enqueue_indirect_dma source(%dma_start3A_178 : memref<128xf32, #tpu.memory_space<vmem>>) target(%dma_start3A_183 : memref<10240xf32, #tpu.memory_space<vmem_shared>>) offsets(%dma_start3A_181 : memref<128xi32, #tpu.memory_space<vmem>>) semaphore(%arg24 : memref<!tpu.dma_semaphore, #tpu.memory_space<semaphore_mem>>) {add = true}
      %dma_start3A_184 = arith.constant 1 : i32
      %dma_start3A_185 = arith.constant 128 : i32
      %dma_start3A_186 = arith.constant 0 : i32
      %dma_start3A_187 = tpu.memref_slice %arg20[%dma_start3A_185, %dma_start3A_186] : memref<512x64xf32, #tpu.memory_space<vmem>> -> memref<128x64xf32, #tpu.memory_space<vmem>>
      %dma_start3A_188 = arith.constant 0 : i32
      %dma_start3A_189 = tpu.memref_slice %arg16[%dma_start3A_184, %dma_start3A_188] : memref<4x128xi32, #tpu.memory_space<vmem>> -> memref<1x128xi32, #tpu.memory_space<vmem>>
      %dma_start3A_190 = tpu.memref_squeeze %dma_start3A_189 : memref<1x128xi32, #tpu.memory_space<vmem>> -> memref<128xi32, #tpu.memory_space<vmem>>
      %dma_start3A_191 = arith.constant 0 : i32
      %dma_start3A_192 = arith.constant 0 : i32
      %dma_start3A_193 = tpu.memref_slice %arg22[%dma_start3A_191, %dma_start3A_192] : memref<10240x64xf32, #tpu.memory_space<vmem_shared>> -> memref<10240x64xf32, #tpu.memory_space<vmem_shared>>
      tpu.enqueue_indirect_dma source(%dma_start3A_187 : memref<128x64xf32, #tpu.memory_space<vmem>>) target(%dma_start3A_193 : memref<10240x64xf32, #tpu.memory_space<vmem_shared>>) offsets(%dma_start3A_190 : memref<128xi32, #tpu.memory_space<vmem>>) semaphore(%arg24 : memref<!tpu.dma_semaphore, #tpu.memory_space<semaphore_mem>>) {add = true}
      %dma_start3A_194 = arith.constant 1 : i32
      %dma_start3A_195 = arith.constant 1 : i32
      %dma_start3A_196 = arith.constant 0 : i32
      %dma_start3A_197 = tpu.memref_slice %arg19[%dma_start3A_194, %dma_start3A_196] : memref<4x128xf32, #tpu.memory_space<vmem>> -> memref<1x128xf32, #tpu.memory_space<vmem>>
      %dma_start3A_198 = tpu.memref_squeeze %dma_start3A_197 : memref<1x128xf32, #tpu.memory_space<vmem>> -> memref<128xf32, #tpu.memory_space<vmem>>
      %dma_start3A_199 = arith.constant 0 : i32
      %dma_start3A_200 = tpu.memref_slice %arg16[%dma_start3A_195, %dma_start3A_199] : memref<4x128xi32, #tpu.memory_space<vmem>> -> memref<1x128xi32, #tpu.memory_space<vmem>>
      %dma_start3A_201 = tpu.memref_squeeze %dma_start3A_200 : memref<1x128xi32, #tpu.memory_space<vmem>> -> memref<128xi32, #tpu.memory_space<vmem>>
      %dma_start3A_202 = arith.constant 0 : i32
      %dma_start3A_203 = tpu.memref_slice %arg23[%dma_start3A_202] : memref<10240xf32, #tpu.memory_space<vmem_shared>> -> memref<10240xf32, #tpu.memory_space<vmem_shared>>
      tpu.enqueue_indirect_dma source(%dma_start3A_198 : memref<128xf32, #tpu.memory_space<vmem>>) target(%dma_start3A_203 : memref<10240xf32, #tpu.memory_space<vmem_shared>>) offsets(%dma_start3A_201 : memref<128xi32, #tpu.memory_space<vmem>>) semaphore(%arg24 : memref<!tpu.dma_semaphore, #tpu.memory_space<semaphore_mem>>) {add = true}
      %dma_start3A_204 = arith.constant 2 : i32
      %dma_start3A_205 = arith.constant 256 : i32
      %dma_start3A_206 = arith.constant 0 : i32
      %dma_start3A_207 = tpu.memref_slice %arg20[%dma_start3A_205, %dma_start3A_206] : memref<512x64xf32, #tpu.memory_space<vmem>> -> memref<128x64xf32, #tpu.memory_space<vmem>>
      %dma_start3A_208 = arith.constant 0 : i32
      %dma_start3A_209 = tpu.memref_slice %arg16[%dma_start3A_204, %dma_start3A_208] : memref<4x128xi32, #tpu.memory_space<vmem>> -> memref<1x128xi32, #tpu.memory_space<vmem>>
      %dma_start3A_210 = tpu.memref_squeeze %dma_start3A_209 : memref<1x128xi32, #tpu.memory_space<vmem>> -> memref<128xi32, #tpu.memory_space<vmem>>
      %dma_start3A_211 = arith.constant 0 : i32
      %dma_start3A_212 = arith.constant 0 : i32
      %dma_start3A_213 = tpu.memref_slice %arg22[%dma_start3A_211, %dma_start3A_212] : memref<10240x64xf32, #tpu.memory_space<vmem_shared>> -> memref<10240x64xf32, #tpu.memory_space<vmem_shared>>
      tpu.enqueue_indirect_dma source(%dma_start3A_207 : memref<128x64xf32, #tpu.memory_space<vmem>>) target(%dma_start3A_213 : memref<10240x64xf32, #tpu.memory_space<vmem_shared>>) offsets(%dma_start3A_210 : memref<128xi32, #tpu.memory_space<vmem>>) semaphore(%arg24 : memref<!tpu.dma_semaphore, #tpu.memory_space<semaphore_mem>>) {add = true}
      %dma_start3A_214 = arith.constant 2 : i32
      %dma_start3A_215 = arith.constant 2 : i32
      %dma_start3A_216 = arith.constant 0 : i32
      %dma_start3A_217 = tpu.memref_slice %arg19[%dma_start3A_214, %dma_start3A_216] : memref<4x128xf32, #tpu.memory_space<vmem>> -> memref<1x128xf32, #tpu.memory_space<vmem>>
      %dma_start3A_218 = tpu.memref_squeeze %dma_start3A_217 : memref<1x128xf32, #tpu.memory_space<vmem>> -> memref<128xf32, #tpu.memory_space<vmem>>
      %dma_start3A_219 = arith.constant 0 : i32
      %dma_start3A_220 = tpu.memref_slice %arg16[%dma_start3A_215, %dma_start3A_219] : memref<4x128xi32, #tpu.memory_space<vmem>> -> memref<1x128xi32, #tpu.memory_space<vmem>>
      %dma_start3A_221 = tpu.memref_squeeze %dma_start3A_220 : memref<1x128xi32, #tpu.memory_space<vmem>> -> memref<128xi32, #tpu.memory_space<vmem>>
      %dma_start3A_222 = arith.constant 0 : i32
      %dma_start3A_223 = tpu.memref_slice %arg23[%dma_start3A_222] : memref<10240xf32, #tpu.memory_space<vmem_shared>> -> memref<10240xf32, #tpu.memory_space<vmem_shared>>
      tpu.enqueue_indirect_dma source(%dma_start3A_218 : memref<128xf32, #tpu.memory_space<vmem>>) target(%dma_start3A_223 : memref<10240xf32, #tpu.memory_space<vmem_shared>>) offsets(%dma_start3A_221 : memref<128xi32, #tpu.memory_space<vmem>>) semaphore(%arg24 : memref<!tpu.dma_semaphore, #tpu.memory_space<semaphore_mem>>) {add = true}
      %dma_start3A_224 = arith.constant 3 : i32
      %dma_start3A_225 = arith.constant 384 : i32
      %dma_start3A_226 = arith.constant 0 : i32
      %dma_start3A_227 = tpu.memref_slice %arg20[%dma_start3A_225, %dma_start3A_226] : memref<512x64xf32, #tpu.memory_space<vmem>> -> memref<128x64xf32, #tpu.memory_space<vmem>>
      %dma_start3A_228 = arith.constant 0 : i32
      %dma_start3A_229 = tpu.memref_slice %arg16[%dma_start3A_224, %dma_start3A_228] : memref<4x128xi32, #tpu.memory_space<vmem>> -> memref<1x128xi32, #tpu.memory_space<vmem>>
      %dma_start3A_230 = tpu.memref_squeeze %dma_start3A_229 : memref<1x128xi32, #tpu.memory_space<vmem>> -> memref<128xi32, #tpu.memory_space<vmem>>
      %dma_start3A_231 = arith.constant 0 : i32
      %dma_start3A_232 = arith.constant 0 : i32
      %dma_start3A_233 = tpu.memref_slice %arg22[%dma_start3A_231, %dma_start3A_232] : memref<10240x64xf32, #tpu.memory_space<vmem_shared>> -> memref<10240x64xf32, #tpu.memory_space<vmem_shared>>
      tpu.enqueue_indirect_dma source(%dma_start3A_227 : memref<128x64xf32, #tpu.memory_space<vmem>>) target(%dma_start3A_233 : memref<10240x64xf32, #tpu.memory_space<vmem_shared>>) offsets(%dma_start3A_230 : memref<128xi32, #tpu.memory_space<vmem>>) semaphore(%arg24 : memref<!tpu.dma_semaphore, #tpu.memory_space<semaphore_mem>>) {add = true}
      %dma_start3A_234 = arith.constant 3 : i32
      %dma_start3A_235 = arith.constant 3 : i32
      %dma_start3A_236 = arith.constant 0 : i32
      %dma_start3A_237 = tpu.memref_slice %arg19[%dma_start3A_234, %dma_start3A_236] : memref<4x128xf32, #tpu.memory_space<vmem>> -> memref<1x128xf32, #tpu.memory_space<vmem>>
      %dma_start3A_238 = tpu.memref_squeeze %dma_start3A_237 : memref<1x128xf32, #tpu.memory_space<vmem>> -> memref<128xf32, #tpu.memory_space<vmem>>
      %dma_start3A_239 = arith.constant 0 : i32
      %dma_start3A_240 = tpu.memref_slice %arg16[%dma_start3A_235, %dma_start3A_239] : memref<4x128xi32, #tpu.memory_space<vmem>> -> memref<1x128xi32, #tpu.memory_space<vmem>>
      %dma_start3A_241 = tpu.memref_squeeze %dma_start3A_240 : memref<1x128xi32, #tpu.memory_space<vmem>> -> memref<128xi32, #tpu.memory_space<vmem>>
      %dma_start3A_242 = arith.constant 0 : i32
      %dma_start3A_243 = tpu.memref_slice %arg23[%dma_start3A_242] : memref<10240xf32, #tpu.memory_space<vmem_shared>> -> memref<10240xf32, #tpu.memory_space<vmem_shared>>
      tpu.enqueue_indirect_dma source(%dma_start3A_238 : memref<128xf32, #tpu.memory_space<vmem>>) target(%dma_start3A_243 : memref<10240xf32, #tpu.memory_space<vmem_shared>>) offsets(%dma_start3A_241 : memref<128xi32, #tpu.memory_space<vmem>>) semaphore(%arg24 : memref<!tpu.dma_semaphore, #tpu.memory_space<semaphore_mem>>) {add = true}
      %dma_wait3A_244 = arith.constant 0 : i32
      %dma_wait3A_245 = arith.constant 0 : i32
      %dma_wait3A_246 = arith.constant 0 : i32
      %dma_wait3A_247 = tpu.memref_slice %arg20[%dma_wait3A_245, %dma_wait3A_246] : memref<512x64xf32, #tpu.memory_space<vmem>> -> memref<128x64xf32, #tpu.memory_space<vmem>>
      %dma_wait3A_248 = arith.constant 0 : i32
      %dma_wait3A_249 = tpu.memref_slice %arg16[%dma_wait3A_244, %dma_wait3A_248] : memref<4x128xi32, #tpu.memory_space<vmem>> -> memref<1x128xi32, #tpu.memory_space<vmem>>
      %dma_wait3A_250 = tpu.memref_squeeze %dma_wait3A_249 : memref<1x128xi32, #tpu.memory_space<vmem>> -> memref<128xi32, #tpu.memory_space<vmem>>
      %dma_wait3A_251 = arith.constant 0 : i32
      %dma_wait3A_252 = arith.constant 0 : i32
      %dma_wait3A_253 = tpu.memref_slice %arg22[%dma_wait3A_251, %dma_wait3A_252] : memref<10240x64xf32, #tpu.memory_space<vmem_shared>> -> memref<10240x64xf32, #tpu.memory_space<vmem_shared>>
      tpu.wait_indirect_dma semaphore(%arg24 : memref<!tpu.dma_semaphore, #tpu.memory_space<semaphore_mem>>) src(%dma_wait3A_247 : memref<128x64xf32, #tpu.memory_space<vmem>>) dst(%dma_wait3A_253 : memref<10240x64xf32, #tpu.memory_space<vmem_shared>>)
      %dma_wait3A_254 = arith.constant 0 : i32
      %dma_wait3A_255 = arith.constant 0 : i32
      %dma_wait3A_256 = arith.constant 0 : i32
      %dma_wait3A_257 = tpu.memref_slice %arg19[%dma_wait3A_254, %dma_wait3A_256] : memref<4x128xf32, #tpu.memory_space<vmem>> -> memref<1x128xf32, #tpu.memory_space<vmem>>
      %dma_wait3A_258 = tpu.memref_squeeze %dma_wait3A_257 : memref<1x128xf32, #tpu.memory_space<vmem>> -> memref<128xf32, #tpu.memory_space<vmem>>
      %dma_wait3A_259 = arith.constant 0 : i32
      %dma_wait3A_260 = tpu.memref_slice %arg16[%dma_wait3A_255, %dma_wait3A_259] : memref<4x128xi32, #tpu.memory_space<vmem>> -> memref<1x128xi32, #tpu.memory_space<vmem>>
      %dma_wait3A_261 = tpu.memref_squeeze %dma_wait3A_260 : memref<1x128xi32, #tpu.memory_space<vmem>> -> memref<128xi32, #tpu.memory_space<vmem>>
      %dma_wait3A_262 = arith.constant 0 : i32
      %dma_wait3A_263 = tpu.memref_slice %arg23[%dma_wait3A_262] : memref<10240xf32, #tpu.memory_space<vmem_shared>> -> memref<10240xf32, #tpu.memory_space<vmem_shared>>
      tpu.wait_indirect_dma semaphore(%arg24 : memref<!tpu.dma_semaphore, #tpu.memory_space<semaphore_mem>>) src(%dma_wait3A_258 : memref<128xf32, #tpu.memory_space<vmem>>) dst(%dma_wait3A_263 : memref<10240xf32, #tpu.memory_space<vmem_shared>>)
      %dma_wait3A_264 = arith.constant 1 : i32
      %dma_wait3A_265 = arith.constant 128 : i32
      %dma_wait3A_266 = arith.constant 0 : i32
      %dma_wait3A_267 = tpu.memref_slice %arg20[%dma_wait3A_265, %dma_wait3A_266] : memref<512x64xf32, #tpu.memory_space<vmem>> -> memref<128x64xf32, #tpu.memory_space<vmem>>
      %dma_wait3A_268 = arith.constant 0 : i32
      %dma_wait3A_269 = tpu.memref_slice %arg16[%dma_wait3A_264, %dma_wait3A_268] : memref<4x128xi32, #tpu.memory_space<vmem>> -> memref<1x128xi32, #tpu.memory_space<vmem>>
      %dma_wait3A_270 = tpu.memref_squeeze %dma_wait3A_269 : memref<1x128xi32, #tpu.memory_space<vmem>> -> memref<128xi32, #tpu.memory_space<vmem>>
      %dma_wait3A_271 = arith.constant 0 : i32
      %dma_wait3A_272 = arith.constant 0 : i32
      %dma_wait3A_273 = tpu.memref_slice %arg22[%dma_wait3A_271, %dma_wait3A_272] : memref<10240x64xf32, #tpu.memory_space<vmem_shared>> -> memref<10240x64xf32, #tpu.memory_space<vmem_shared>>
      tpu.wait_indirect_dma semaphore(%arg24 : memref<!tpu.dma_semaphore, #tpu.memory_space<semaphore_mem>>) src(%dma_wait3A_267 : memref<128x64xf32, #tpu.memory_space<vmem>>) dst(%dma_wait3A_273 : memref<10240x64xf32, #tpu.memory_space<vmem_shared>>)
      %dma_wait3A_274 = arith.constant 1 : i32
      %dma_wait3A_275 = arith.constant 1 : i32
      %dma_wait3A_276 = arith.constant 0 : i32
      %dma_wait3A_277 = tpu.memref_slice %arg19[%dma_wait3A_274, %dma_wait3A_276] : memref<4x128xf32, #tpu.memory_space<vmem>> -> memref<1x128xf32, #tpu.memory_space<vmem>>
      %dma_wait3A_278 = tpu.memref_squeeze %dma_wait3A_277 : memref<1x128xf32, #tpu.memory_space<vmem>> -> memref<128xf32, #tpu.memory_space<vmem>>
      %dma_wait3A_279 = arith.constant 0 : i32
      %dma_wait3A_280 = tpu.memref_slice %arg16[%dma_wait3A_275, %dma_wait3A_279] : memref<4x128xi32, #tpu.memory_space<vmem>> -> memref<1x128xi32, #tpu.memory_space<vmem>>
      %dma_wait3A_281 = tpu.memref_squeeze %dma_wait3A_280 : memref<1x128xi32, #tpu.memory_space<vmem>> -> memref<128xi32, #tpu.memory_space<vmem>>
      %dma_wait3A_282 = arith.constant 0 : i32
      %dma_wait3A_283 = tpu.memref_slice %arg23[%dma_wait3A_282] : memref<10240xf32, #tpu.memory_space<vmem_shared>> -> memref<10240xf32, #tpu.memory_space<vmem_shared>>
      tpu.wait_indirect_dma semaphore(%arg24 : memref<!tpu.dma_semaphore, #tpu.memory_space<semaphore_mem>>) src(%dma_wait3A_278 : memref<128xf32, #tpu.memory_space<vmem>>) dst(%dma_wait3A_283 : memref<10240xf32, #tpu.memory_space<vmem_shared>>)
      %dma_wait3A_284 = arith.constant 2 : i32
      %dma_wait3A_285 = arith.constant 256 : i32
      %dma_wait3A_286 = arith.constant 0 : i32
      %dma_wait3A_287 = tpu.memref_slice %arg20[%dma_wait3A_285, %dma_wait3A_286] : memref<512x64xf32, #tpu.memory_space<vmem>> -> memref<128x64xf32, #tpu.memory_space<vmem>>
      %dma_wait3A_288 = arith.constant 0 : i32
      %dma_wait3A_289 = tpu.memref_slice %arg16[%dma_wait3A_284, %dma_wait3A_288] : memref<4x128xi32, #tpu.memory_space<vmem>> -> memref<1x128xi32, #tpu.memory_space<vmem>>
      %dma_wait3A_290 = tpu.memref_squeeze %dma_wait3A_289 : memref<1x128xi32, #tpu.memory_space<vmem>> -> memref<128xi32, #tpu.memory_space<vmem>>
      %dma_wait3A_291 = arith.constant 0 : i32
      %dma_wait3A_292 = arith.constant 0 : i32
      %dma_wait3A_293 = tpu.memref_slice %arg22[%dma_wait3A_291, %dma_wait3A_292] : memref<10240x64xf32, #tpu.memory_space<vmem_shared>> -> memref<10240x64xf32, #tpu.memory_space<vmem_shared>>
      tpu.wait_indirect_dma semaphore(%arg24 : memref<!tpu.dma_semaphore, #tpu.memory_space<semaphore_mem>>) src(%dma_wait3A_287 : memref<128x64xf32, #tpu.memory_space<vmem>>) dst(%dma_wait3A_293 : memref<10240x64xf32, #tpu.memory_space<vmem_shared>>)
      %dma_wait3A_294 = arith.constant 2 : i32
      %dma_wait3A_295 = arith.constant 2 : i32
      %dma_wait3A_296 = arith.constant 0 : i32
      %dma_wait3A_297 = tpu.memref_slice %arg19[%dma_wait3A_294, %dma_wait3A_296] : memref<4x128xf32, #tpu.memory_space<vmem>> -> memref<1x128xf32, #tpu.memory_space<vmem>>
      %dma_wait3A_298 = tpu.memref_squeeze %dma_wait3A_297 : memref<1x128xf32, #tpu.memory_space<vmem>> -> memref<128xf32, #tpu.memory_space<vmem>>
      %dma_wait3A_299 = arith.constant 0 : i32
      %dma_wait3A_300 = tpu.memref_slice %arg16[%dma_wait3A_295, %dma_wait3A_299] : memref<4x128xi32, #tpu.memory_space<vmem>> -> memref<1x128xi32, #tpu.memory_space<vmem>>
      %dma_wait3A_301 = tpu.memref_squeeze %dma_wait3A_300 : memref<1x128xi32, #tpu.memory_space<vmem>> -> memref<128xi32, #tpu.memory_space<vmem>>
      %dma_wait3A_302 = arith.constant 0 : i32
      %dma_wait3A_303 = tpu.memref_slice %arg23[%dma_wait3A_302] : memref<10240xf32, #tpu.memory_space<vmem_shared>> -> memref<10240xf32, #tpu.memory_space<vmem_shared>>
      tpu.wait_indirect_dma semaphore(%arg24 : memref<!tpu.dma_semaphore, #tpu.memory_space<semaphore_mem>>) src(%dma_wait3A_298 : memref<128xf32, #tpu.memory_space<vmem>>) dst(%dma_wait3A_303 : memref<10240xf32, #tpu.memory_space<vmem_shared>>)
      %dma_wait3A_304 = arith.constant 3 : i32
      %dma_wait3A_305 = arith.constant 384 : i32
      %dma_wait3A_306 = arith.constant 0 : i32
      %dma_wait3A_307 = tpu.memref_slice %arg20[%dma_wait3A_305, %dma_wait3A_306] : memref<512x64xf32, #tpu.memory_space<vmem>> -> memref<128x64xf32, #tpu.memory_space<vmem>>
      %dma_wait3A_308 = arith.constant 0 : i32
      %dma_wait3A_309 = tpu.memref_slice %arg16[%dma_wait3A_304, %dma_wait3A_308] : memref<4x128xi32, #tpu.memory_space<vmem>> -> memref<1x128xi32, #tpu.memory_space<vmem>>
      %dma_wait3A_310 = tpu.memref_squeeze %dma_wait3A_309 : memref<1x128xi32, #tpu.memory_space<vmem>> -> memref<128xi32, #tpu.memory_space<vmem>>
      %dma_wait3A_311 = arith.constant 0 : i32
      %dma_wait3A_312 = arith.constant 0 : i32
      %dma_wait3A_313 = tpu.memref_slice %arg22[%dma_wait3A_311, %dma_wait3A_312] : memref<10240x64xf32, #tpu.memory_space<vmem_shared>> -> memref<10240x64xf32, #tpu.memory_space<vmem_shared>>
      tpu.wait_indirect_dma semaphore(%arg24 : memref<!tpu.dma_semaphore, #tpu.memory_space<semaphore_mem>>) src(%dma_wait3A_307 : memref<128x64xf32, #tpu.memory_space<vmem>>) dst(%dma_wait3A_313 : memref<10240x64xf32, #tpu.memory_space<vmem_shared>>)
      %dma_wait3A_314 = arith.constant 3 : i32
      %dma_wait3A_315 = arith.constant 3 : i32
      %dma_wait3A_316 = arith.constant 0 : i32
      %dma_wait3A_317 = tpu.memref_slice %arg19[%dma_wait3A_314, %dma_wait3A_316] : memref<4x128xf32, #tpu.memory_space<vmem>> -> memref<1x128xf32, #tpu.memory_space<vmem>>
      %dma_wait3A_318 = tpu.memref_squeeze %dma_wait3A_317 : memref<1x128xf32, #tpu.memory_space<vmem>> -> memref<128xf32, #tpu.memory_space<vmem>>
      %dma_wait3A_319 = arith.constant 0 : i32
      %dma_wait3A_320 = tpu.memref_slice %arg16[%dma_wait3A_315, %dma_wait3A_319] : memref<4x128xi32, #tpu.memory_space<vmem>> -> memref<1x128xi32, #tpu.memory_space<vmem>>
      %dma_wait3A_321 = tpu.memref_squeeze %dma_wait3A_320 : memref<1x128xi32, #tpu.memory_space<vmem>> -> memref<128xi32, #tpu.memory_space<vmem>>
      %dma_wait3A_322 = arith.constant 0 : i32
      %dma_wait3A_323 = tpu.memref_slice %arg23[%dma_wait3A_322] : memref<10240xf32, #tpu.memory_space<vmem_shared>> -> memref<10240xf32, #tpu.memory_space<vmem_shared>>
      tpu.wait_indirect_dma semaphore(%arg24 : memref<!tpu.dma_semaphore, #tpu.memory_space<semaphore_mem>>) src(%dma_wait3A_318 : memref<128xf32, #tpu.memory_space<vmem>>) dst(%dma_wait3A_323 : memref<10240xf32, #tpu.memory_space<vmem_shared>>)
      %scan3A_324 = arith.constant 0 : i32
      scf.yield %scan3A_324 : i32
    }
    %scan3A_11 = arith.constant 40 : i32
    %barrier3A_12 = arith.constant 0 : index
    tpu.barrier barrier_id(%barrier3A_12)
    %mul3A_13 = arith.constant 640 : i32
    %mul3A_14 = arith.muli %arg1, %mul3A_13 : i32
    "tpu.region"() ({
      %run_scoped3A = tpu.sem_alloc : memref<!tpu.dma_semaphore, #tpu.memory_space<semaphore_mem>>
      %dma_start3A = arith.constant 0 : i32
      %dma_start3A_15 = tpu.memref_slice %arg11[%arg0, %mul3A_14, %dma_start3A] : memref<2x10240x64xf32, #tpu.memory_space<hbm>> -> memref<1x640x64xf32, #tpu.memory_space<hbm>>
      %dma_start3A_16 = tpu.memref_squeeze %dma_start3A_15 : memref<1x640x64xf32, #tpu.memory_space<hbm>> -> memref<640x64xf32, #tpu.memory_space<hbm>>
      %dma_start3A_17 = arith.constant 0 : i32
      %dma_start3A_18 = tpu.memref_slice %arg22[%mul3A_14, %dma_start3A_17] : memref<10240x64xf32, #tpu.memory_space<vmem_shared>> -> memref<640x64xf32, #tpu.memory_space<vmem_shared>>
      tpu.enqueue_dma source(%dma_start3A_18 : memref<640x64xf32, #tpu.memory_space<vmem_shared>>) target(%dma_start3A_16 : memref<640x64xf32, #tpu.memory_space<hbm>>) target_semaphore(%run_scoped3A : memref<!tpu.dma_semaphore, #tpu.memory_space<semaphore_mem>>)
      %dma_wait3A = arith.constant 0 : i32
      %dma_wait3A_19 = tpu.memref_slice %arg11[%arg0, %mul3A_14, %dma_wait3A] : memref<2x10240x64xf32, #tpu.memory_space<hbm>> -> memref<1x640x64xf32, #tpu.memory_space<hbm>>
      %dma_wait3A_20 = tpu.memref_squeeze %dma_wait3A_19 : memref<1x640x64xf32, #tpu.memory_space<hbm>> -> memref<640x64xf32, #tpu.memory_space<hbm>>
      %dma_wait3A_21 = arith.constant 0 : i32
      %dma_wait3A_22 = tpu.memref_slice %arg22[%mul3A_14, %dma_wait3A_21] : memref<10240x64xf32, #tpu.memory_space<vmem_shared>> -> memref<640x64xf32, #tpu.memory_space<vmem_shared>>
      tpu.wait_dma2 semaphore(%run_scoped3A : memref<!tpu.dma_semaphore, #tpu.memory_space<semaphore_mem>>) src(%dma_wait3A_22 : memref<640x64xf32, #tpu.memory_space<vmem_shared>>) dst(%dma_wait3A_20 : memref<640x64xf32, #tpu.memory_space<hbm>>)
      tpu.yield
    }) : () -> ()
    "tpu.region"() ({
      %run_scoped3A = tpu.sem_alloc : memref<!tpu.dma_semaphore, #tpu.memory_space<semaphore_mem>>
      %dma_start3A = tpu.memref_slice %arg12[%arg0, %mul3A_14] : memref<2x10240xf32, #tpu.memory_space<hbm>> -> memref<1x640xf32, #tpu.memory_space<hbm>>
      %dma_start3A_15 = tpu.memref_squeeze %dma_start3A : memref<1x640xf32, #tpu.memory_space<hbm>> -> memref<640xf32, #tpu.memory_space<hbm>>
      %dma_start3A_16 = tpu.memref_slice %arg23[%mul3A_14] : memref<10240xf32, #tpu.memory_space<vmem_shared>> -> memref<640xf32, #tpu.memory_space<vmem_shared>>
      tpu.enqueue_dma source(%dma_start3A_16 : memref<640xf32, #tpu.memory_space<vmem_shared>>) target(%dma_start3A_15 : memref<640xf32, #tpu.memory_space<hbm>>) target_semaphore(%run_scoped3A : memref<!tpu.dma_semaphore, #tpu.memory_space<semaphore_mem>>)
      %dma_wait3A = tpu.memref_slice %arg12[%arg0, %mul3A_14] : memref<2x10240xf32, #tpu.memory_space<hbm>> -> memref<1x640xf32, #tpu.memory_space<hbm>>
      %dma_wait3A_17 = tpu.memref_squeeze %dma_wait3A : memref<1x640xf32, #tpu.memory_space<hbm>> -> memref<640xf32, #tpu.memory_space<hbm>>
      %dma_wait3A_18 = tpu.memref_slice %arg23[%mul3A_14] : memref<10240xf32, #tpu.memory_space<vmem_shared>> -> memref<640xf32, #tpu.memory_space<vmem_shared>>
      tpu.wait_dma2 semaphore(%run_scoped3A : memref<!tpu.dma_semaphore, #tpu.memory_space<semaphore_mem>>) src(%dma_wait3A_18 : memref<640xf32, #tpu.memory_space<vmem_shared>>) dst(%dma_wait3A_17 : memref<640xf32, #tpu.memory_space<hbm>>)
      tpu.yield
    }) : () -> ()
    return
  }
}

module attributes {stable_mosaic.version = 14 : i64} {
  func.func @_pre_e_body(%arg0: i32, %arg1: memref<2048x1xf32, #tpu.memory_space<vmem>>, %arg2: memref<1x64xf32, #tpu.memory_space<vmem>>, %arg3: memref<1x64xf32, #tpu.memory_space<vmem>>, %arg4: memref<64x32xf32, #tpu.memory_space<vmem>>, %arg5: memref<1x32xf32, #tpu.memory_space<vmem>>, %arg6: memref<2048x32xf32, #tpu.memory_space<vmem>>) attributes {dimension_semantics = [#tpu.dimension_semantics<arbitrary>], iteration_bounds = array<i64: 320>, scalar_prefetch = 0 : i64, scratch_operands = 0 : i64, tpu.core_type = #tpu.core_type<tc>, window_params = [{transform_indices = @transform_0, window_bounds = array<i64: 2048, 1>}, {pipeline_mode = #tpu.pipeline_mode<synchronous>, transform_indices = @transform_1, window_bounds = array<i64: 1, 64>}, {pipeline_mode = #tpu.pipeline_mode<synchronous>, transform_indices = @transform_2, window_bounds = array<i64: 1, 64>}, {pipeline_mode = #tpu.pipeline_mode<synchronous>, transform_indices = @transform_3, window_bounds = array<i64: 64, 32>}, {pipeline_mode = #tpu.pipeline_mode<synchronous>, transform_indices = @transform_4, window_bounds = array<i64: 1, 32>}, {transform_indices = @transform_5, window_bounds = array<i64: 2048, 32>}]} {
    %get3A = arith.constant 0 : index
    %get3A_0 = arith.constant 0 : index
    %get3A_1 = vector.load %arg1[%get3A, %get3A_0] : memref<2048x1xf32, #tpu.memory_space<vmem>>, vector<2048x1xf32>
    %get3A_2 = arith.constant 0 : index
    %get3A_3 = arith.constant 0 : index
    %get3A_4 = vector.load %arg2[%get3A_2, %get3A_3] : memref<1x64xf32, #tpu.memory_space<vmem>>, vector<1x64xf32>
    %mul3A = vector.broadcast %get3A_1 : vector<2048x1xf32> to vector<2048x64xf32>
    %mul3A_5 = vector.broadcast %get3A_4 : vector<1x64xf32> to vector<2048x64xf32>
    %mul3A_6 = arith.mulf %mul3A, %mul3A_5 : vector<2048x64xf32>
    %get3A_7 = arith.constant 0 : index
    %get3A_8 = arith.constant 0 : index
    %get3A_9 = vector.load %arg3[%get3A_7, %get3A_8] : memref<1x64xf32, #tpu.memory_space<vmem>>, vector<1x64xf32>
    %add3A = vector.broadcast %get3A_9 : vector<1x64xf32> to vector<2048x64xf32>
    %add3A_10 = arith.addf %mul3A_6, %add3A : vector<2048x64xf32>
    %ge3A = arith.constant 0.000000e+00 : f32
    %ge3A_11 = vector.broadcast %ge3A : f32 to vector<2048x64xf32>
    %ge3A_12 = arith.cmpf oge, %add3A_10, %ge3A_11 : vector<2048x64xf32>
    %mul3A_13 = arith.constant 0.00999999977 : f32
    %mul3A_14 = vector.broadcast %mul3A_13 : f32 to vector<2048x64xf32>
    %mul3A_15 = arith.mulf %mul3A_14, %add3A_10 : vector<2048x64xf32>
    %select_n3A = arith.select %ge3A_12, %add3A_10, %mul3A_15 : vector<2048x64xi1>, vector<2048x64xf32>
    %convert_element_type3A = arith.truncf %select_n3A : vector<2048x64xf32> to vector<2048x64xbf16>
    %convert_element_type3A_16 = arith.extf %convert_element_type3A : vector<2048x64xbf16> to vector<2048x64xf32>
    %get3A_17 = arith.constant 0 : index
    %get3A_18 = arith.constant 0 : index
    %get3A_19 = vector.load %arg4[%get3A_17, %get3A_18] : memref<64x32xf32, #tpu.memory_space<vmem>>, vector<64x32xf32>
    %dot_general3A = arith.constant dense<0.000000e+00> : vector<2048x32xf32>
    %dot_general3A_20 = tpu.matmul %convert_element_type3A_16, %get3A_19, %dot_general3A {dimension_numbers = #tpu.dot_dimension_numbers<[1], [0], [0], [1], [0, 0, 1, 1], [], []>, precision = #tpu.contract_precision<fp32>, transpose_lhs_hint = false} : vector<2048x64xf32>, vector<64x32xf32>, vector<2048x32xf32> -> vector<2048x32xf32>
    %get3A_21 = arith.constant 0 : index
    %get3A_22 = arith.constant 0 : index
    %get3A_23 = vector.load %arg5[%get3A_21, %get3A_22] : memref<1x32xf32, #tpu.memory_space<vmem>>, vector<1x32xf32>
    %add3A_24 = vector.broadcast %get3A_23 : vector<1x32xf32> to vector<2048x32xf32>
    %add3A_25 = arith.addf %dot_general3A_20, %add3A_24 : vector<2048x32xf32>
    %swap3A = arith.constant 0 : index
    %swap3A_26 = arith.constant 0 : index
    %swap3A_27 = vector.load %arg6[%swap3A, %swap3A_26] : memref<2048x32xf32, #tpu.memory_space<vmem>>, vector<2048x32xf32>
    tpu.vector_store %arg6[%swap3A, %swap3A_26], %add3A_25 {strides = array<i32>} : memref<2048x32xf32, #tpu.memory_space<vmem>>, vector<2048x32xf32>,
    return
  }
  func.func @transform_0(%arg0: i32) -> (i32, i32) {
    %c0_i32 = arith.constant 0 : i32
    %c0_i32_0 = arith.constant 0 : i32
    return %arg0, %c0_i32 : i32, i32
  }
  func.func @transform_1(%arg0: i32) -> (i32, i32) {
    %c0_i32 = arith.constant 0 : i32
    %c0_i32_0 = arith.constant 0 : i32
    %c0_i32_1 = arith.constant 0 : i32
    return %c0_i32, %c0_i32_0 : i32, i32
  }
  func.func @transform_2(%arg0: i32) -> (i32, i32) {
    %c0_i32 = arith.constant 0 : i32
    %c0_i32_0 = arith.constant 0 : i32
    %c0_i32_1 = arith.constant 0 : i32
    return %c0_i32, %c0_i32_0 : i32, i32
  }
  func.func @transform_3(%arg0: i32) -> (i32, i32) {
    %c0_i32 = arith.constant 0 : i32
    %c0_i32_0 = arith.constant 0 : i32
    %c0_i32_1 = arith.constant 0 : i32
    return %c0_i32, %c0_i32_0 : i32, i32
  }
  func.func @transform_4(%arg0: i32) -> (i32, i32) {
    %c0_i32 = arith.constant 0 : i32
    %c0_i32_0 = arith.constant 0 : i32
    %c0_i32_1 = arith.constant 0 : i32
    return %c0_i32, %c0_i32_0 : i32, i32
  }
  func.func @transform_5(%arg0: i32) -> (i32, i32) {
    %c0_i32 = arith.constant 0 : i32
    %c0_i32_0 = arith.constant 0 : i32
    return %arg0, %c0_i32 : i32, i32
  }
}

</mosaic_0001>

<sc_bundles>
// kernel: kernel.5.cloned.1.call-start
scs
__scs_entry_jumppad:
0x0: {  	(pc) =	sbr.rel $0x88, $3  }
0x1: {  	(tag) =	ssettag $0x0;
	lr =	simm.s32 $0x1  }
0x2: {  	[smem:$0x3F74] =	sst lr;
	_ =	strace $0xD0000000  }
0x3: {  	_ = 	snop  }
0x4: {  	_ = 	snop  }
0x5: {  	_ = 	snop  }
0x6: {  	_ = 	snop  }
0x7: {  	_ = 	snop  }
__scs_overlays_trampoline_lowered:
0x8: {  	[smem:$0x3F83] =	sst s0  }
0x9: {  	[smem:$0x3F84] =	sst s1  }
0xa: {  	[smem:$0x3F85] =	sst s2  }
0xb: {  	[smem:$0x3F86] =	sst s3  }
0xc: {  	[smem:$0x3F87] =	sst s4  }
0xd: {  	[smem:$0x3F88] =	sst s5  }
0xe: {  	[smem:$0x3F89] =	sst s6  }
0xf: {  	[smem:$0x3F8A] =	sst s7  }
0x10: {  	[smem:$0x3F8B] =	sst s8  }
0x11: {  	[smem:$0x3F8C] =	sst s9;
	s0 =	simm.s32 @!p0 $0x0  }
0x12: {  	s1 =	sld [smem:$0x3F72];
	s0 =	simm.s32 @p0 $0x1  }
0x13: {  	[smem:$0x3F8D] =	sst s0;
	s0 =	simm.s32 @!p1 $0x0  }
0x14: {  	s2 =	sld [smem:$0x3F71];
	s0 =	simm.s32 @p1 $0x1  }
0x15: {  	[smem:$0x3F8E] =	sst s0;
	s0 =	simm.s32 @!p2 $0x0  }
0x16: {  	s3 =	sld [smem:$0x3FDB];
	s0 =	simm.s32 @p2 $0x1  }
0x17: {  	s4 =	simm.s32 $0x1BF5;
	[smem:$0x3F90] =	sst s0  }
0x18: {  	s0 =	sld [smem:$0x3F73];
	_ =	swait.ge [sflag:s4], $0x0  }
0x19: {  	s7 =	sld [smem:$0x3F74]  }
0x1a: {  	s8 =	sadd.s32 $0xFFFFE003, lr  }
0x1b: {  	s9 =	sadd.s32 $0xFFFFFEF7, lr;
	s5 =	simm.s32 $0xFFFFFFFF;
	p2 =	slt.u32 s8, $0xFFFFF086  }
0x1c: {  	p1 =	slt.u32 s9, $0xF7A;
	s5 =	simm.s32 @!p2 $0x0  }
0x1d: {  	s5 =	simm.s32 @p1 $0x1;
	p0 =	seq.s32 s7, s2  }
0x1e: {  	s7 =	smul.u32 @!p0 $0xF7A, s2;
	p2 =	seq.s32 @!p0 s5, $0x0  }
0x1f: {  	s9 =	smul.u32 $0xF7A, s1;
	s8 =	simm.s32 @!p0 $0x1BF5;
	p2 =	por !p2, p0  }
0x20: {  	[sflag:s8] =	ssyncset.s32 @!p0 $0xFFFFF086;
	s6 =	sadd.s32 @!p0 s3, s7;
	s7 =	simm.s32 @!p0 $0x108  }
0x21: {  	s3 =	sadd.s32 s3, s9;
	s6 =	sadd.s32 @!p0 $0x88, s6;
	s7 =	simm.s32 @p2 $0x1082  }
0x22: {  	[simem:s7], [sflag:s8] =	dma.local @!p0 [hbm:s6], $0xF7A  }
0x23: {  	s9 =	sor.u32 $0xD0000000, s2;
	s6 =	simm.s32 $0x108;
	_ =	swait.ge @!p0 [sflag:s8], $0x0  }
0x24: {  	s3 =	sadd.s32 $0x88, s3;
	s6 =	simm.s32 @!p1 $0x1082;
	[sflag:s4] =	ssyncset.s32 $0xFFFFF086  }
0x25: {  	[simem:s6], [sflag:s4] =	dma.local [hbm:s3], $0xF7A  }
0x26: {  	[smem:$0x3F74] =	sst s1;
	(tag) =	ssettag s2;
	_ =	strace s9  }
0x27: {  	s1 =	sld [smem:$0x3F84]  }
0x28: {  	s2 =	sld [smem:$0x3F85]  }
0x29: {  	s4 =	sld [smem:$0x3F87]  }
0x2a: {  	p0 =	seq.s32 s5, $0x0;
	s5 =	sld [smem:$0x3F88]  }
0x2b: {  	s6 =	sld [smem:$0x3F89]  }
0x2c: {  	s7 =	sld [smem:$0x3F8A]  }
0x2d: {  	s3 =	simm.s32 $0x108;
	s8 =	sld [smem:$0x3F8B]  }
0x2e: {  	s3 =	simm.s32 @!p0 $0x1082;
	s9 =	sld [smem:$0x3F8C]  }
0x2f: {  	lr =	sadd.s32 s0, s3;
	s0 =	sld [smem:$0x3F83]  }
0x30: {  	s3 =	sld [smem:$0x3F86]  }
0x31: {  	[smem:$0x3F8F] =	sst s10  }
0x32: {  	s10 =	sld [smem:$0x3F8D];
	_ =	sdelay $0x3  }
0x33: {  	p0 =	seq.s32 s10, $0x1;
	s10 =	sld [smem:$0x3F8F];
	_ =	sdelay $0x3  }
0x34: {  	[smem:$0x3F8F] =	sst s10  }
0x35: {  	s10 =	sld [smem:$0x3F8E];
	_ =	sdelay $0x3  }
0x36: {  	p1 =	seq.s32 s10, $0x1;
	s10 =	sld [smem:$0x3F8F];
	_ =	sdelay $0x3  }
0x37: {  	[smem:$0x3F8F] =	sst s10  }
0x38: {  	s10 =	sld [smem:$0x3F90]  }
0x39: {  	_ = 	snop;
	(pc) =	sbr.ind lr, $3  }
0x3a: {  	_ = 	snop  }
0x3b: {  	_ = 	snop  }
0x3c: {  	p2 =	seq.s32 s10, $0x1;
	s10 =	sld [smem:$0x3F8F]  }
0x3d: {  	_ =	shalt  }
0x3e: {  	_ =	shalt  }
0x3f: {  	_ =	shalt  }
0x40: {  	_ =	shalt  }
0x41: {  	_ =	shalt  }
0x42: {  	_ =	shalt  }
0x43: {  	_ =	shalt  }
0x44: {  	_ =	shalt  }
0x45: {  	_ =	shalt  }
0x46: {  	_ =	shalt  }
0x47: {  	_ =	shalt  }
0x48: {  	_ =	shalt  }
0x49: {  	_ =	shalt  }
0x4a: {  	_ =	shalt  }
0x4b: {  	_ =	shalt  }
0x4c: {  	_ =	shalt  }
0x4d: {  	_ =	shalt  }
0x4e: {  	_ =	shalt  }
0x4f: {  	_ =	shalt  }
0x50: {  	_ =	shalt  }
0x51: {  	_ =	shalt  }
0x52: {  	_ =	shalt  }
0x53: {  	_ =	shalt  }
0x54: {  	_ =	shalt  }
0x55: {  	_ =	shalt  }
0x56: {  	_ =	shalt  }
0x57: {  	_ =	shalt  }
0x58: {  	_ =	shalt  }
0x59: {  	_ =	shalt  }
0x5a: {  	_ =	shalt  }
0x5b: {  	_ =	shalt  }
0x5c: {  	_ =	shalt  }
0x5d: {  	_ =	shalt  }
0x5e: {  	_ =	shalt  }
0x5f: {  	_ =	shalt  }
0x60: {  	_ =	shalt  }
0x61: {  	_ =	shalt  }
0x62: {  	_ =	shalt  }
0x63: {  	_ =	shalt  }
0x64: {  	_ =	shalt  }
0x65: {  	_ =	shalt  }
0x66: {  	_ =	shalt  }
0x67: {  	_ =	shalt  }
0x68: {  	_ =	shalt  }
0x69: {  	_ =	shalt  }
0x6a: {  	_ =	shalt  }
0x6b: {  	_ =	shalt  }
0x6c: {  	_ =	shalt  }
0x6d: {  	_ =	shalt  }
0x6e: {  	_ =	shalt  }
0x6f: {  	_ =	shalt  }
0x70: {  	_ =	shalt  }
0x71: {  	_ =	shalt  }
0x72: {  	_ =	shalt  }
0x73: {  	_ =	shalt  }
0x74: {  	_ =	shalt  }
0x75: {  	_ =	shalt  }
0x76: {  	_ =	shalt  }
0x77: {  	_ =	shalt  }
0x78: {  	_ =	shalt  }
0x79: {  	_ =	shalt  }
0x7a: {  	_ =	shalt  }
0x7b: {  	_ =	shalt  }
0x7c: {  	_ =	shalt  }
0x7d: {  	_ =	shalt  }
0x7e: {  	_ =	shalt  }
0x7f: {  	_ =	shalt  }
0x80: {  	_ =	shalt  }
0x81: {  	_ =	shalt  }
0x82: {  	_ =	shalt  }
0x83: {  	_ =	shalt  }
0x84: {  	_ =	shalt  }
0x85: {  	_ =	shalt  }
0x86: {  	_ =	shalt  }
0x87: {  	_ =	shalt  }
.Lfunc_end0:
.L_simem_size_0:
called_computation_lowered:
.L_overlay_start_0:
0x88: {  	s2 =	sld [smem:$0x3FD9]  }
0x89: {  	s3 =	sld [smem:$0x3FFE];
	_ =	sdelay $0x1  }
0x8a: {  	s1 =	srdreg.scid  }
0x8b: {  	s0 =	sand.u32 $0x1, s1  }
0x8c: {  	s16 =	sshll.u32 s0, $0xA;
	s2 =	sadd.s32 s3, s2  }
0x8d: {  	s2 =	sadd.s32 s2, s16  }
0x8e: {  	[smem:$0x3F9B] =	sst s2  }
0x8f: {  	_ = 	snop  }
0x90: {  	(tm) =	ssettm $0x1  }
0x91: {  	s17 =	sld [smem:$0x3FFB];
	_ =	sdelay $0x3  }
0x92: {  	_ =	strace s17  }
0x93: {  	s2 =	sld [smem:$0x3FFC];
	_ =	sdelay $0x3  }
0x94: {  	_ =	strace s2  }
0x95: {  	s2 =	sld [smem:$0x3FFD];
	_ =	sdelay $0x3  }
0x96: {  	_ =	strace s2  }
0x97: {  	_ =	strace $0x8FFFFFFF  }
0x98: {  	s18 =	sld [smem:$0x3FDB];
	_ =	sdelay $0x1  }
0x99: {  	s19 =	simm.s32 $_scs_section_size  }
0x9a: {  	s4 =	simm.s32 $_size__tile_overlayer_lowered;
	s5 =	simm.s32 $_tile_overlayer_lowered  }
0x9b: {  	s22 =	simm.s32 $0x1BFF;
	s21 =	sshll.u32 s5, $0x1;
	s2 =	sadd.s32 s19, s18  }
0x9c: {  	s6 =	simm.s32 $0x0;
	s20 =	sshll.u32 s4, $0x1;
	s4 =	sadd.s32 s21, s2  }
0x9d: {  	[timem:s6], [sflag:s22] =	dma.local [hbm:s4], s20  }
0x9e: {  	_ =	swait.ge [sflag:s22], s20  }
0x9f: {  	s3 =	ssub.s32 $0x0, s20;
	[sflag:s22] =	ssyncset.done $0x0  }
0xa0: {  	[sflag:s22] =	ssyncadd.s32 s3;
	_ =	sdelay $0x1  }
0xa1: {  	s23 =	simm.s32 $0x1B8B  }
0xa2: {  	_ =	swait.ge [sflag:s23], $0x1  }
0xa3: {  	[sflag:s23] =	ssyncset.done $0x0  }
0xa4: {  	s25 =	simm.s32 $0x1B8E;
	s24 =	sld [smem:$0x3FFE];
	[sflag:s23] =	ssyncadd.s32 $0xFFFFFFFF  }
0xa5: {  	s26 =	simm.s32 $execute0_lowered;
	[smem:$0x3FD2] =	sst s25  }
0xa6: {  	s4 =	sshll.u32 s26, $0x1;
	_ =	strace $0x80000046;
	[dreg:$0x1] =	wrdreg $0xFFFFFFFF  }
0xa7: {  	s28 =	simm.s32 $_size_execute0_lowered;
	s2 =	sadd.s32 s2, s4;
	[dreg:$0x0] =	wrdreg $0x0  }
0xa8: {  	s4 =	sshll.u32 s28, $0x1;
	[dreg:$0x2] =	wrdreg s2  }
0xa9: {  	[dreg:$0x3] =	wrdreg s4  }
0xaa: {  	[dreg:$0x4] =	wrdreg $0xC0  }
0xab: {  	_ =	task [dreg:s6], $0x5FFFF  }
0xac: {  	[dreg:$0x1] =	wrdreg $0xFFFFFFFF  }
0xad: {  	[dreg:$0x0] =	wrdreg $0x60  }
0xae: {  	[dreg:$0x2] =	wrdreg s24  }
0xaf: {  	[dreg:$0x3] =	wrdreg $0xC6800  }
0xb0: {  	[dreg:$0x4] =	wrdreg $0x116800  }
0xb1: {  	[dreg:$0x5] =	wrdreg $0x9  }
0xb2: {  	_ =	task.clear_ibuf [dreg:s6], $0x6FFFF;
	_ =	strace $0x90000046  }
0xb3: {  	s29 =	simm.s32 $0x9;
	_ =	strace $0x80000048  }
0xb4: {  	_ =	swait.ge [sflag:s29], $0x1  }
0xb5: {  	[sflag:s29] =	ssyncadd.s32 $0xFFFFFFFF  }
0xb6: {  	_ =	strace $0x90000048  }
0xb7: {  	_ =	sfence  }
0xb8: {  	s30 =	sld [smem:$0x0];
	_ =	sdelay $0x2  }
0xb9: {  	s31 =	sshll.u32 s1, $0xD;
	s1 =	sshrl.u32 s1, $0x2  }
0xba: {  	s3 =	sand.u32 $0x4000, s31;
	s1 =	sadd.s32 s1, s30  }
0xbb: {  	s0 =	sor.u32 s3, s0;
	s1 =	sshll.u32 s1, $0x11  }
0xbc: {  	s0 =	sor.u32 s1, s0  }
0xbd: {  	s0 =	sadd.s32 $0x8F2B, s0  }
0xbe: {  	[sflag:s0] =	ssyncadd.remote.s32 $0x1  }
0xbf: {  	_ =	sfence.sel $0xFFFF  }
0xc0: {  	[dreg:$0x0] =	wrdreg $0xFFFFFFFF;
	(pc) =	sbr.abs _section_cstart, $3  }
0xc1: {  	[dreg:$0x1] =	wrdreg $0xFFFFFFFF  }
0xc2: {  	_ =	task.clear_ibuf [dreg:s6], $0x2FFFF;
	_ =	strace $0x9FFFFFFF  }
0xc3: {  	(tm) =	ssettm $0x7FFFFFFF  }
tec
execute0_lowered:
.L_overlay_start_1:
0x0: {  	(tag) =	ssettag $0x1  }
0x1: {  	s1 =	rddreg [dreg:$0x0]  }
0x2: {  	s3 =	rddreg [dreg:$0x1]  }
0x3: {  	s4 =	rddreg [dreg:$0x2];
	s0 =	srdreg.scid  }
0x4: {  	s16 =	stileid.u32;
	s5 =	simm.s32 $0x0;
	s29 =	simm.s32 $0x2  }
0x5: {  	s30 =	simm.s32 $0x1600;
	s17 =	simm.s32 $0x3600;
	s18 =	simm.s32 $0x580  }
0x6: {  	s0 =	sand.u32 $0x1, s0;
	s2 =	smul.u32 $0x5000, s16;
	[smem:$0x7FF] =	sst s5  }
0x7: {  	s6 =	sadd.s32 $0x14000, s1;
	s7 =	sadd.s32 $0x28000, s1;
	s8 =	sadd.s32 $0x3C000, s1  }
0x8: {  	s12 =	smul.u32 $0x280, s16;
	s9 =	sadd.s32 $0x50000, s1;
	s11 =	sadd.s32 $0x2D0000, s1  }
0x9: {  	s20 =	sadd.s32 $0x2D0A00, s1;
	s22 =	sshll.u32 s16, $0x6;
	s16 =	smul.u32 $0xA0000, s16  }
0xa: {  	s10 =	smul.u32 $0x50000, s0;
	_ =	strace $0x80000047;
	[dreg:$0x4] =	wrdreg s11  }
0xb: {  	s19 =	smul.u32 $0x2800, s0;
	[dreg:$0x5] =	wrdreg s20;
	s14 =	ssub.s32 $0x2, s0  }
0xc: {  	s0 =	smul.u32 $0xA00000, s0;
	s25 =	sor.u32 $0x1C02, s22;
	s20 =	simm.s32 $0x7600  }
0xd: {  	s22 =	simm.s32 $0x180;
	s15 =	sshrl.u32 s14, $0x1;
	[dreg:$0x6] =	wrdreg s25  }
0xe: {  	s11 =	sadd.s32 s2, s10;
	s13 =	sadd.s32 s12, s19;
	s15 =	ssub.s32 s14, s15  }
0xf: {  	s2 =	sadd.s32 s2, s3;
	s12 =	sadd.s32 s12, s4;
	s14 =	sadd.s32 s16, s0  }
0x10: {  	s16 =	simm.s32 $0x380;
	v0 =	vmov s19;
	s19 =	simm.s32 $0x100;
	s0 =	simm.s32 $0x0  }
0x11: {  	s21 =	sshrl.u32 s11, $0x3;
	s13 =	sshrl.u32 s13, $0x3;
	s26 =	smax.u32 s15, $0x1  }
0x12: {  	s28 =	sshrl.u32 s2, $0x3;
	s31 =	sshrl.u32 s12, $0x3;
	s2 =	simm.s32 $0x300  }
0x13: {  	s12 =	simm.s32 $0x500;
	s15 =	simm.s32 $0x6600;
	[dreg:$0xc] =	wrdreg s0  }
0x14: {  	s10 =	sadd.s32 s21, s1;
	s13 =	sadd.s32 s13, s1;
	[dreg:$0x9] =	wrdreg s26  }
0x15: {  	s21 =	simm.s32 $0x400;
	s26 =	simm.s32 $0x600;
	[dreg:$0xa] =	wrdreg s28  }
0x16: {  	[dreg:$0xb] =	wrdreg s31;
	s23 =	sadd.s32 $0x2D0C00, s10;
	s24 =	sadd.s32 $0x2E4C00, s13  }
0x17: {  	s10 =	simm.s32 $0x2600;
	s13 =	simm.s32 $0xC600;
	[dreg:$0x7] =	wrdreg s23  }
0x18: {  	v1 =	vimm.f32 $1.000000000e+00;
	[dreg:$0x8] =	wrdreg s24;
	s23 =	simm.s32 $0x1;
	s24 =	simm.s32 $0x80  }
.LBB2_1:
0x19: {  	s0 =	rddreg [dreg:$0x4]  }
0x1a: {  	[spmem:s28], [sflag:s25] =	dma.local [hbm:s0], $0xA00  }
0x1b: {  	_ =	swait.ge [sflag:s29], $0xA00  }
0x1c: {  	[sflag:s29] =	ssyncset.done $0x0  }
0x1d: {  	s28 =	rddreg [dreg:$0x5];
	[sflag:s29] =	ssyncadd.s32 $0xFFFFF600  }
0x1e: {  	[spmem:s31], [sflag:s25] =	dma.local [hbm:s28], $0x50  }
0x1f: {  	_ =	swait.ge [sflag:s29], $0x50  }
0x20: {  	[sflag:s29] =	ssyncset.done $0x0  }
0x21: {  	[sflag:s29] =	ssyncadd.s32 $0xFFFFFFB0  }
0x22: {  	[tilespmem:$0xC600] =	vst v1  }
0x23: {  	[tilespmem:$0xC610] =	vst v1  }
0x24: {  	[tilespmem:$0xC620] =	vst v1  }
0x25: {  	[tilespmem:$0xC630] =	vst v1  }
0x26: {  	[tilespmem:$0xC640] =	vst v1  }
0x27: {  	[tilespmem:$0xC650] =	vst v1  }
0x28: {  	[tilespmem:$0xC660] =	vst v1  }
0x29: {  	[tilespmem:$0xC670] =	vst v1  }
0x2a: {  	s25 =	simm.s32 $0x0;
	[bflag:$0x0] =	sbarrier.arrive $0xFFFF  }
.LBB2_2:
0x2b: {  	s0 =	sshll.u32 s25, $0x9  }
0x2c: {  	s0 =	sadd.s32 s0, s11  }
0x2d: {  	s0 =	sshrl.u32 s0, $0x3  }
0x2e: {  	s28 =	sadd.s32 s8, s0  }
0x2f: {  	[tilespmem:s5], [sflag:$0x1] =	stream.linear.gather [hbm4b:s28+s5], $0x200, $0x38;
	[tilespmem:$0x11900] =	vst v63  }
0x30: {  	s0 =	sadd.s32 s7, s0  }
0x31: {  	[tilespmem:s21], [sflag:$0x1] =	stream.linear.gather [hbm4b:s0+s5], $0x200, $0x38;
	[tilespmem:$0x11900] =	vst v63  }
0x32: {  	s0 =	sshll.u32 s25, $0xE  }
0x33: {  	s0 =	sadd.s32 s0, s14  }
0x34: {  	s0 =	sshrl.u32 s0, $0x3  }
0x35: {  	s28 =	simm.s32 $0x8600;
	s0 =	sadd.s32 s9, s0  }
0x36: {  	[tilespmem:s28], [sflag:$0x1] =	stream.linear.gather [hbm4b:s0+s5], $0x4000, $0x38;
	[tilespmem:$0x11900] =	vst v63  }
0x37: {  	_ =	swait.ge [sflag:s23], $0x200  }
0x38: {  	[sflag:s23] =	ssyncset.done $0x0  }
0x39: {  	[sflag:s23] =	ssyncadd.s32 $0xFFFFFE00  }
0x3a: {  	_ =	swait.ge [sflag:s23], $0x200  }
0x3b: {  	[sflag:s23] =	ssyncset.done $0x0  }
0x3c: {  	[sflag:s23] =	ssyncadd.s32 $0xFFFFFE00  }
0x3d: {  	_ =	swait.ge [sflag:s23], $0x4000  }
0x3e: {  	[sflag:s23] =	ssyncset.done $0x0  }
0x3f: {  	[sflag:s23] =	ssyncadd.s32 $0xFFFFC000  }
0x40: {  	v2 =	vld [tilespmem:$0x0]  }
0x41: {  	v3 =	vld [tilespmem:$0x400]  }
0x42: {  	v4 =	vld [tilespmem:$0x10]  }
0x43: {  	v5 =	vld [tilespmem:$0x410]  }
0x44: {  	v6 =	vld [tilespmem:$0x20]  }
0x45: {  	v7 =	vld [tilespmem:$0x420];
	v2 =	vadd.s32 v0, v2  }
0x46: {  	[tilespmem:$0x200] =	vst v2;
	v2 =	vadd.s32 v0, v3;
	v3 =	vld [tilespmem:$0x30]  }
0x47: {  	v18 =	vld [tilespmem:$0x430];
	[tilespmem:$0x400] =	vst v2;
	v2 =	vadd.s32 v0, v4  }
0x48: {  	v19 =	vld [tilespmem:$0x40];
	[tilespmem:$0x210] =	vst v2;
	v2 =	vadd.s32 v0, v5  }
0x49: {  	v20 =	vld [tilespmem:$0x440];
	[tilespmem:$0x410] =	vst v2;
	v2 =	vadd.s32 v0, v6  }
0x4a: {  	v21 =	vld [tilespmem:$0x50];
	[tilespmem:$0x220] =	vst v2;
	v2 =	vadd.s32 v0, v7  }
0x4b: {  	[tilespmem:$0x420] =	vst v2;
	v2 =	vadd.s32 v0, v3;
	v3 =	vld [tilespmem:$0x450]  }
0x4c: {  	v22 =	vld [tilespmem:$0x60];
	[tilespmem:$0x230] =	vst v2;
	v2 =	vadd.s32 v0, v18  }
0x4d: {  	v23 =	vld [tilespmem:$0x460];
	[tilespmem:$0x430] =	vst v2;
	v2 =	vadd.s32 v0, v19  }
0x4e: {  	v24 =	vld [tilespmem:$0x70];
	[tilespmem:$0x240] =	vst v2;
	v2 =	vadd.s32 v0, v20  }
0x4f: {  	v25 =	vld [tilespmem:$0x470];
	[tilespmem:$0x440] =	vst v2;
	v2 =	vadd.s32 v0, v21  }
0x50: {  	[tilespmem:$0x250] =	vst v2;
	v2 =	vadd.s32 v0, v3;
	v3 =	vld [tilespmem:$0x80]  }
0x51: {  	v26 =	vld [tilespmem:$0x480];
	[tilespmem:$0x450] =	vst v2;
	v2 =	vadd.s32 v0, v22  }
0x52: {  	v27 =	vld [tilespmem:$0x90];
	[tilespmem:$0x260] =	vst v2;
	v2 =	vadd.s32 v0, v23  }
0x53: {  	v28 =	vld [tilespmem:$0x490];
	[tilespmem:$0x460] =	vst v2;
	v2 =	vadd.s32 v0, v24  }
0x54: {  	v29 =	vld [tilespmem:$0xA0];
	[tilespmem:$0x270] =	vst v2;
	v2 =	vadd.s32 v0, v25  }
0x55: {  	[tilespmem:$0x470] =	vst v2;
	v2 =	vadd.s32 v0, v3;
	v3 =	vld [tilespmem:$0x4A0]  }
0x56: {  	v30 =	vld [tilespmem:$0xB0];
	[tilespmem:$0x280] =	vst v2;
	v2 =	vadd.s32 v0, v26  }
0x57: {  	v31 =	vld [tilespmem:$0x4B0];
	[tilespmem:$0x480] =	vst v2;
	v2 =	vadd.s32 v0, v27  }
0x58: {  	v32 =	vld [tilespmem:$0xC0];
	[tilespmem:$0x290] =	vst v2;
	v2 =	vadd.s32 v0, v28  }
0x59: {  	v33 =	vld [tilespmem:$0x4C0];
	[tilespmem:$0x490] =	vst v2;
	v2 =	vadd.s32 v0, v29  }
0x5a: {  	[tilespmem:$0x2A0] =	vst v2;
	v2 =	vadd.s32 v0, v3;
	v3 =	vld [tilespmem:$0xD0]  }
0x5b: {  	v34 =	vld [tilespmem:$0x4D0];
	[tilespmem:$0x4A0] =	vst v2;
	v2 =	vadd.s32 v0, v30  }
0x5c: {  	v35 =	vld [tilespmem:$0xE0];
	[tilespmem:$0x2B0] =	vst v2;
	v2 =	vadd.s32 v0, v31  }
0x5d: {  	v36 =	vld [tilespmem:$0x4E0];
	[tilespmem:$0x4B0] =	vst v2;
	v2 =	vadd.s32 v0, v32  }
0x5e: {  	v37 =	vld [tilespmem:$0xF0];
	[tilespmem:$0x2C0] =	vst v2;
	v2 =	vadd.s32 v0, v33  }
0x5f: {  	[tilespmem:$0x4C0] =	vst v2;
	v2 =	vadd.s32 v0, v3;
	v3 =	vld [tilespmem:$0x4F0]  }
0x60: {  	v38 =	vld [tilespmem:$0x100];
	[tilespmem:$0x2D0] =	vst v2;
	v2 =	vadd.s32 v0, v34  }
0x61: {  	v39 =	vld [tilespmem:$0x500];
	[tilespmem:$0x4D0] =	vst v2;
	v2 =	vadd.s32 v0, v35  }
0x62: {  	v40 =	vld [tilespmem:$0x110];
	[tilespmem:$0x2E0] =	vst v2;
	v2 =	vadd.s32 v0, v36  }
0x63: {  	v41 =	vld [tilespmem:$0x510];
	[tilespmem:$0x4E0] =	vst v2;
	v2 =	vadd.s32 v0, v37  }
0x64: {  	[tilespmem:$0x2F0] =	vst v2;
	v2 =	vadd.s32 v0, v3;
	v3 =	vld [tilespmem:$0x120]  }
0x65: {  	v42 =	vld [tilespmem:$0x520];
	[tilespmem:$0x4F0] =	vst v2;
	v2 =	vadd.s32 v0, v38  }
0x66: {  	v43 =	vld [tilespmem:$0x130];
	[tilespmem:$0x300] =	vst v2;
	v2 =	vadd.s32 v0, v39  }
0x67: {  	v44 =	vld [tilespmem:$0x530];
	[tilespmem:$0x500] =	vst v2;
	v2 =	vadd.s32 v0, v40  }
0x68: {  	v45 =	vld [tilespmem:$0x140];
	[tilespmem:$0x310] =	vst v2;
	v2 =	vadd.s32 v0, v41  }
0x69: {  	[tilespmem:$0x510] =	vst v2;
	v2 =	vadd.s32 v0, v3;
	v3 =	vld [tilespmem:$0x540]  }
0x6a: {  	v46 =	vld [tilespmem:$0x150];
	[tilespmem:$0x320] =	vst v2;
	v2 =	vadd.s32 v0, v42  }
0x6b: {  	v47 =	vld [tilespmem:$0x550];
	[tilespmem:$0x520] =	vst v2;
	v2 =	vadd.s32 v0, v43  }
0x6c: {  	v48 =	vld [tilespmem:$0x160];
	[tilespmem:$0x330] =	vst v2;
	v2 =	vadd.s32 v0, v44  }
0x6d: {  	v49 =	vld [tilespmem:$0x560];
	[tilespmem:$0x530] =	vst v2;
	v2 =	vadd.s32 v0, v45  }
0x6e: {  	[tilespmem:$0x340] =	vst v2;
	v2 =	vadd.s32 v0, v3;
	v3 =	vld [tilespmem:$0x170]  }
0x6f: {  	v50 =	vld [tilespmem:$0x570];
	[tilespmem:$0x540] =	vst v2;
	v2 =	vadd.s32 v0, v46  }
0x70: {  	v51 =	vld [tilespmem:$0x180];
	[tilespmem:$0x350] =	vst v2;
	v2 =	vadd.s32 v0, v47  }
0x71: {  	v52 =	vld [tilespmem:$0x580];
	[tilespmem:$0x550] =	vst v2;
	v2 =	vadd.s32 v0, v48  }
0x72: {  	v53 =	vld [tilespmem:$0x190];
	[tilespmem:$0x360] =	vst v2;
	v2 =	vadd.s32 v0, v49  }
0x73: {  	[tilespmem:$0x560] =	vst v2;
	v2 =	vadd.s32 v0, v3;
	v3 =	vld [tilespmem:$0x590]  }
0x74: {  	v54 =	vld [tilespmem:$0x1A0];
	[tilespmem:$0x370] =	vst v2;
	v2 =	vadd.s32 v0, v50  }
0x75: {  	v55 =	vld [tilespmem:$0x5A0];
	[tilespmem:$0x570] =	vst v2;
	v2 =	vadd.s32 v0, v51  }
0x76: {  	v56 =	vld [tilespmem:$0x1B0];
	[tilespmem:$0x380] =	vst v2;
	v2 =	vadd.s32 v0, v52  }
0x77: {  	v57 =	vld [tilespmem:$0x5B0];
	[tilespmem:$0x580] =	vst v2;
	v2 =	vadd.s32 v0, v53  }
0x78: {  	[tilespmem:$0x390] =	vst v2;
	v2 =	vadd.s32 v0, v3;
	v3 =	vld [tilespmem:$0x1C0]  }
0x79: {  	v58 =	vld [tilespmem:$0x5C0];
	[tilespmem:$0x590] =	vst v2;
	v2 =	vadd.s32 v0, v54  }
0x7a: {  	v59 =	vld [tilespmem:$0x1D0];
	[tilespmem:$0x3A0] =	vst v2;
	v2 =	vadd.s32 v0, v55  }
0x7b: {  	v60 =	vld [tilespmem:$0x5D0];
	[tilespmem:$0x5A0] =	vst v2;
	v2 =	vadd.s32 v0, v56  }
0x7c: {  	v61 =	vld [tilespmem:$0x1E0];
	[tilespmem:$0x3B0] =	vst v2;
	v2 =	vadd.s32 v0, v57  }
0x7d: {  	[tilespmem:$0x5B0] =	vst v2;
	v2 =	vadd.s32 v0, v3;
	v3 =	vld [tilespmem:$0x5E0]  }
0x7e: {  	v62 =	vld [tilespmem:$0x1F0];
	[tilespmem:$0x3C0] =	vst v2;
	v2 =	vadd.s32 v0, v58  }
0x7f: {  	v63 =	vld [tilespmem:$0x5F0];
	[tilespmem:$0x5C0] =	vst v2;
	v2 =	vadd.s32 v0, v59  }
0x80: {  	[tilespmem:$0x3D0] =	vst v2;
	v2 =	vadd.s32 v0, v60  }
0x81: {  	[tilespmem:$0x5D0] =	vst v2;
	v2 =	vadd.s32 v0, v61  }
0x82: {  	[tilespmem:$0x3E0] =	vst v2;
	v2 =	vadd.s32 v0, v3  }
0x83: {  	[tilespmem:$0x5E0] =	vst v2;
	v2 =	vadd.s32 v0, v62  }
0x84: {  	[tilespmem:$0x3F0] =	vst v2;
	v2 =	vadd.s32 v0, v63  }
0x85: {  	s0 =	simm.s32 $0x200;
	[tilespmem:$0x5F0] =	vst v2  }
0x86: {  	[tilespmem:s26], [sflag:$0x1] =	stream.indirect.gather [hbm4b:s1+s24], $0x20, s0, s24, $0xb8;
	[tilespmem:$0x11900] =	vst v63  }
0x87: {  	s0 =	simm.s32 $0x4600  }
0x88: {  	[tilespmem:s0], [sflag:$0x1] =	stream.indirect.gather [hbm4b:s6+s24], $0x20, s21, s24, $0xb8;
	[tilespmem:$0x11900] =	vst v63  }
0x89: {  	s0 =	simm.s32 $0x280  }
0x8a: {  	[tilespmem:s30], [sflag:$0x1] =	stream.indirect.gather [hbm4b:s1+s24], $0x20, s0, s24, $0xb8;
	[tilespmem:$0x11900] =	vst v63  }
0x8b: {  	s28 =	simm.s32 $0x5600;
	s0 =	simm.s32 $0x480  }
0x8c: {  	[tilespmem:s28], [sflag:$0x1] =	stream.indirect.gather [hbm4b:s6+s24], $0x20, s0, s24, $0xb8;
	[tilespmem:$0x11900] =	vst v63  }
0x8d: {  	_ = 	snop  }
0x8e: {  	[tilespmem:s10], [sflag:$0x1] =	stream.indirect.gather [hbm4b:s1+s24], $0x20, s2, s24, $0xb8;
	[tilespmem:$0x11900] =	vst v63  }
0x8f: {  	_ = 	snop  }
0x90: {  	[tilespmem:s15], [sflag:$0x1] =	stream.indirect.gather [hbm4b:s6+s24], $0x20, s12, s24, $0xb8;
	[tilespmem:$0x11900] =	vst v63  }
0x91: {  	_ = 	snop  }
0x92: {  	[tilespmem:s17], [sflag:$0x1] =	stream.indirect.gather [hbm4b:s1+s24], $0x20, s16, s24, $0xb8;
	[tilespmem:$0x11900] =	vst v63  }
0x93: {  	_ = 	snop  }
0x94: {  	[tilespmem:s20], [sflag:$0x1] =	stream.indirect.gather [hbm4b:s6+s24], $0x20, s18, s24, $0xb8;
	[tilespmem:$0x11900] =	vst v63  }
0x95: {  	_ =	swait.ge [sflag:s23], $0x1000  }
0x96: {  	[sflag:s23] =	ssyncset.done $0x0  }
0x97: {  	[sflag:s23] =	ssyncadd.s32 $0xFFFFF000  }
0x98: {  	_ =	swait.ge [sflag:s23], $0x1000  }
0x99: {  	[sflag:s23] =	ssyncset.done $0x0  }
0x9a: {  	[sflag:s23] =	ssyncadd.s32 $0xFFFFF000  }
0x9b: {  	_ =	swait.ge [sflag:s23], $0x1000  }
0x9c: {  	[sflag:s23] =	ssyncset.done $0x0  }
0x9d: {  	[sflag:s23] =	ssyncadd.s32 $0xFFFFF000  }
0x9e: {  	_ =	swait.ge [sflag:s23], $0x1000  }
0x9f: {  	[sflag:s23] =	ssyncset.done $0x0  }
0xa0: {  	[sflag:s23] =	ssyncadd.s32 $0xFFFFF000  }
0xa1: {  	_ =	swait.ge [sflag:s23], $0x1000  }
0xa2: {  	[sflag:s23] =	ssyncset.done $0x0  }
0xa3: {  	[sflag:s23] =	ssyncadd.s32 $0xFFFFF000  }
0xa4: {  	_ =	swait.ge [sflag:s23], $0x1000  }
0xa5: {  	[sflag:s23] =	ssyncset.done $0x0  }
0xa6: {  	[sflag:s23] =	ssyncadd.s32 $0xFFFFF000  }
0xa7: {  	_ =	swait.ge [sflag:s23], $0x1000  }
0xa8: {  	[sflag:s23] =	ssyncset.done $0x0  }
0xa9: {  	[sflag:s23] =	ssyncadd.s32 $0xFFFFF000  }
0xaa: {  	_ =	swait.ge [sflag:s23], $0x1000  }
0xab: {  	s29 =	simm.s32 $0x680;
	s31 =	simm.s32 $0x4680;
	[sflag:s23] =	ssyncset.done $0x0  }
0xac: {  	s28 =	simm.s32 $0xFFFFFFF8;
	s0 =	simm.s32 $0x8680;
	[sflag:s23] =	ssyncadd.s32 $0xFFFFF000  }
.LBB2_3:
0xad: {  	v2 =	vld [tilespmem:s29+$0xFFFFFF80]  }
0xae: {  	v3 =	vld [tilespmem:s31+$0xFFFFFF80];
	_ =	sdelay $0x1  }
0xaf: {  	v4 =	vld [tilespmem:s0+$0xFFFFFF80];
	_ =	sdelay $0x2  }
0xb0: {  	v2 =	vadd.f32 v3, v2;
	_ =	sdelay $0x1  }
0xb1: {  	v2 =	vadd.f32 v4, v2;
	_ =	sdelay $0x1  }
0xb2: {  	v3 =	vmul.f32 $9.999999770e-03, v2;
	_ =	sdelay $0x1  }
0xb3: {  	v2 =	vmax.f32 v2, v3  }
0xb4: {  	v3 =	vmul.f32 $6.553700000e+04, v2;
	_ =	sdelay $0x1  }
0xb5: {  	v2 =	vsub.f32 v3, v2;
	_ =	sdelay $0x1  }
0xb6: {  	v2 =	vsub.f32 v3, v2;
	_ =	sdelay $0x1  }
0xb7: {  	[tilespmem:s29+$0xFFFFFF80] =	vst v2;
	v2 =	vld [tilespmem:s29+$0xFFFFFF90]  }
0xb8: {  	v3 =	vld [tilespmem:s31+$0xFFFFFF90];
	_ =	sdelay $0x1  }
0xb9: {  	v49 =	vld [tilespmem:s0+$0xFFFFFF90];
	_ =	sdelay $0x2  }
0xba: {  	v2 =	vadd.f32 v3, v2;
	_ =	sdelay $0x1  }
0xbb: {  	v2 =	vadd.f32 v49, v2;
	_ =	sdelay $0x1  }
0xbc: {  	v3 =	vmul.f32 $9.999999770e-03, v2;
	_ =	sdelay $0x1  }
0xbd: {  	v2 =	vmax.f32 v2, v3  }
0xbe: {  	v3 =	vmul.f32 $6.553700000e+04, v2;
	_ =	sdelay $0x1  }
0xbf: {  	v2 =	vsub.f32 v3, v2;
	_ =	sdelay $0x1  }
0xc0: {  	v2 =	vsub.f32 v3, v2;
	_ =	sdelay $0x1  }
0xc1: {  	[tilespmem:s29+$0xFFFFFF90] =	vst v2;
	v2 =	vld [tilespmem:s29+$0xFFFFFFA0]  }
0xc2: {  	v3 =	vld [tilespmem:s31+$0xFFFFFFA0];
	_ =	sdelay $0x1  }
0xc3: {  	v50 =	vld [tilespmem:s0+$0xFFFFFFA0];
	_ =	sdelay $0x2  }
0xc4: {  	v2 =	vadd.f32 v3, v2;
	_ =	sdelay $0x1  }
0xc5: {  	v2 =	vadd.f32 v50, v2;
	_ =	sdelay $0x1  }
0xc6: {  	v3 =	vmul.f32 $9.999999770e-03, v2;
	_ =	sdelay $0x1  }
0xc7: {  	v2 =	vmax.f32 v2, v3  }
0xc8: {  	v3 =	vmul.f32 $6.553700000e+04, v2;
	_ =	sdelay $0x1  }
0xc9: {  	v2 =	vsub.f32 v3, v2;
	_ =	sdelay $0x1  }
0xca: {  	v2 =	vsub.f32 v3, v2;
	_ =	sdelay $0x1  }
0xcb: {  	[tilespmem:s29+$0xFFFFFFA0] =	vst v2;
	v2 =	vld [tilespmem:s29+$0xFFFFFFB0]  }
0xcc: {  	v3 =	vld [tilespmem:s31+$0xFFFFFFB0];
	_ =	sdelay $0x1  }
0xcd: {  	v51 =	vld [tilespmem:s0+$0xFFFFFFB0];
	_ =	sdelay $0x2  }
0xce: {  	v2 =	vadd.f32 v3, v2;
	_ =	sdelay $0x1  }
0xcf: {  	v2 =	vadd.f32 v51, v2;
	_ =	sdelay $0x1  }
0xd0: {  	v3 =	vmul.f32 $9.999999770e-03, v2;
	_ =	sdelay $0x1  }
0xd1: {  	v2 =	vmax.f32 v2, v3  }
0xd2: {  	v3 =	vmul.f32 $6.553700000e+04, v2;
	_ =	sdelay $0x1  }
0xd3: {  	v2 =	vsub.f32 v3, v2;
	_ =	sdelay $0x1  }
0xd4: {  	v2 =	vsub.f32 v3, v2;
	_ =	sdelay $0x1  }
0xd5: {  	[tilespmem:s29+$0xFFFFFFB0] =	vst v2;
	v2 =	vld [tilespmem:s29+$0xFFFFFFC0]  }
0xd6: {  	v3 =	vld [tilespmem:s31+$0xFFFFFFC0];
	_ =	sdelay $0x1  }
0xd7: {  	v52 =	vld [tilespmem:s0+$0xFFFFFFC0];
	_ =	sdelay $0x2  }
0xd8: {  	v2 =	vadd.f32 v3, v2;
	_ =	sdelay $0x1  }
0xd9: {  	v2 =	vadd.f32 v52, v2;
	_ =	sdelay $0x1  }
0xda: {  	v3 =	vmul.f32 $9.999999770e-03, v2;
	_ =	sdelay $0x1  }
0xdb: {  	v2 =	vmax.f32 v2, v3  }
0xdc: {  	v3 =	vmul.f32 $6.553700000e+04, v2;
	_ =	sdelay $0x1  }
0xdd: {  	v2 =	vsub.f32 v3, v2;
	_ =	sdelay $0x1  }
0xde: {  	v2 =	vsub.f32 v3, v2;
	_ =	sdelay $0x1  }
0xdf: {  	[tilespmem:s29+$0xFFFFFFC0] =	vst v2;
	v2 =	vld [tilespmem:s29+$0xFFFFFFD0]  }
0xe0: {  	v3 =	vld [tilespmem:s31+$0xFFFFFFD0];
	_ =	sdelay $0x1  }
0xe1: {  	v53 =	vld [tilespmem:s0+$0xFFFFFFD0];
	_ =	sdelay $0x2  }
0xe2: {  	v2 =	vadd.f32 v3, v2;
	_ =	sdelay $0x1  }
0xe3: {  	v2 =	vadd.f32 v53, v2;
	_ =	sdelay $0x1  }
0xe4: {  	v3 =	vmul.f32 $9.999999770e-03, v2;
	_ =	sdelay $0x1  }
0xe5: {  	v2 =	vmax.f32 v2, v3  }
0xe6: {  	v3 =	vmul.f32 $6.553700000e+04, v2;
	_ =	sdelay $0x1  }
0xe7: {  	v2 =	vsub.f32 v3, v2;
	_ =	sdelay $0x1  }
0xe8: {  	v2 =	vsub.f32 v3, v2;
	_ =	sdelay $0x1  }
0xe9: {  	[tilespmem:s29+$0xFFFFFFD0] =	vst v2;
	v2 =	vld [tilespmem:s29+$0xFFFFFFE0]  }
0xea: {  	v3 =	vld [tilespmem:s31+$0xFFFFFFE0];
	_ =	sdelay $0x1  }
0xeb: {  	v54 =	vld [tilespmem:s0+$0xFFFFFFE0];
	_ =	sdelay $0x2  }
0xec: {  	v2 =	vadd.f32 v3, v2;
	_ =	sdelay $0x1  }
0xed: {  	v2 =	vadd.f32 v54, v2;
	_ =	sdelay $0x1  }
0xee: {  	v3 =	vmul.f32 $9.999999770e-03, v2;
	_ =	sdelay $0x1  }
0xef: {  	v2 =	vmax.f32 v2, v3  }
0xf0: {  	v3 =	vmul.f32 $6.553700000e+04, v2;
	_ =	sdelay $0x1  }
0xf1: {  	v2 =	vsub.f32 v3, v2;
	_ =	sdelay $0x1  }
0xf2: {  	v2 =	vsub.f32 v3, v2;
	_ =	sdelay $0x1  }
0xf3: {  	[tilespmem:s29+$0xFFFFFFE0] =	vst v2;
	v2 =	vld [tilespmem:s29+$0xFFFFFFF0]  }
0xf4: {  	v3 =	vld [tilespmem:s31+$0xFFFFFFF0];
	_ =	sdelay $0x1  }
0xf5: {  	v55 =	vld [tilespmem:s0+$0xFFFFFFF0];
	_ =	sdelay $0x2  }
0xf6: {  	v2 =	vadd.f32 v3, v2;
	_ =	sdelay $0x1  }
0xf7: {  	v2 =	vadd.f32 v55, v2;
	_ =	sdelay $0x1  }
0xf8: {  	v3 =	vmul.f32 $9.999999770e-03, v2;
	_ =	sdelay $0x1  }
0xf9: {  	v2 =	vmax.f32 v2, v3  }
0xfa: {  	v3 =	vmul.f32 $6.553700000e+04, v2;
	_ =	sdelay $0x1  }
0xfb: {  	v2 =	vsub.f32 v3, v2;
	_ =	sdelay $0x1  }
0xfc: {  	v2 =	vsub.f32 v3, v2;
	_ =	sdelay $0x1  }
0xfd: {  	[tilespmem:s29+$0xFFFFFFF0] =	vst v2;
	v2 =	vld [tilespmem:s29+$0x0]  }
0xfe: {  	v3 =	vld [tilespmem:s31+$0x0];
	_ =	sdelay $0x1  }
0xff: {  	v56 =	vld [tilespmem:s0+$0x0];
	_ =	sdelay $0x2  }
0x100: {  	v2 =	vadd.f32 v3, v2;
	_ =	sdelay $0x1  }
0x101: {  	v2 =	vadd.f32 v56, v2;
	_ =	sdelay $0x1  }
0x102: {  	v3 =	vmul.f32 $9.999999770e-03, v2;
	_ =	sdelay $0x1  }
0x103: {  	v2 =	vmax.f32 v2, v3  }
0x104: {  	v3 =	vmul.f32 $6.553700000e+04, v2;
	_ =	sdelay $0x1  }
0x105: {  	v2 =	vsub.f32 v3, v2;
	_ =	sdelay $0x1  }
0x106: {  	v2 =	vsub.f32 v3, v2;
	_ =	sdelay $0x1  }
0x107: {  	[tilespmem:s29+$0x0] =	vst v2;
	v2 =	vld [tilespmem:s29+$0x10]  }
0x108: {  	v3 =	vld [tilespmem:s31+$0x10];
	_ =	sdelay $0x1  }
0x109: {  	v57 =	vld [tilespmem:s0+$0x10];
	_ =	sdelay $0x2  }
0x10a: {  	v2 =	vadd.f32 v3, v2;
	_ =	sdelay $0x1  }
0x10b: {  	v2 =	vadd.f32 v57, v2;
	_ =	sdelay $0x1  }
0x10c: {  	v3 =	vmul.f32 $9.999999770e-03, v2;
	_ =	sdelay $0x1  }
0x10d: {  	v2 =	vmax.f32 v2, v3  }
0x10e: {  	v3 =	vmul.f32 $6.553700000e+04, v2;
	_ =	sdelay $0x1  }
0x10f: {  	v2 =	vsub.f32 v3, v2;
	_ =	sdelay $0x1  }
0x110: {  	v2 =	vsub.f32 v3, v2;
	_ =	sdelay $0x1  }
0x111: {  	[tilespmem:s29+$0x10] =	vst v2;
	v2 =	vld [tilespmem:s29+$0x20]  }
0x112: {  	v3 =	vld [tilespmem:s31+$0x20];
	_ =	sdelay $0x1  }
0x113: {  	v58 =	vld [tilespmem:s0+$0x20];
	_ =	sdelay $0x2  }
0x114: {  	v2 =	vadd.f32 v3, v2;
	_ =	sdelay $0x1  }
0x115: {  	v2 =	vadd.f32 v58, v2;
	_ =	sdelay $0x1  }
0x116: {  	v3 =	vmul.f32 $9.999999770e-03, v2;
	_ =	sdelay $0x1  }
0x117: {  	v2 =	vmax.f32 v2, v3  }
0x118: {  	v3 =	vmul.f32 $6.553700000e+04, v2;
	_ =	sdelay $0x1  }
0x119: {  	v2 =	vsub.f32 v3, v2;
	_ =	sdelay $0x1  }
0x11a: {  	v2 =	vsub.f32 v3, v2;
	_ =	sdelay $0x1  }
0x11b: {  	[tilespmem:s29+$0x20] =	vst v2;
	v2 =	vld [tilespmem:s29+$0x30]  }
0x11c: {  	v3 =	vld [tilespmem:s31+$0x30];
	_ =	sdelay $0x1  }
0x11d: {  	v59 =	vld [tilespmem:s0+$0x30];
	_ =	sdelay $0x2  }
0x11e: {  	v2 =	vadd.f32 v3, v2;
	_ =	sdelay $0x1  }
0x11f: {  	v2 =	vadd.f32 v59, v2;
	_ =	sdelay $0x1  }
0x120: {  	v3 =	vmul.f32 $9.999999770e-03, v2;
	_ =	sdelay $0x1  }
0x121: {  	v2 =	vmax.f32 v2, v3  }
0x122: {  	v3 =	vmul.f32 $6.553700000e+04, v2;
	_ =	sdelay $0x1  }
0x123: {  	v2 =	vsub.f32 v3, v2;
	_ =	sdelay $0x1  }
0x124: {  	v2 =	vsub.f32 v3, v2;
	_ =	sdelay $0x1  }
0x125: {  	[tilespmem:s29+$0x30] =	vst v2;
	v2 =	vld [tilespmem:s29+$0x40]  }
0x126: {  	v3 =	vld [tilespmem:s31+$0x40];
	_ =	sdelay $0x1  }
0x127: {  	v60 =	vld [tilespmem:s0+$0x40];
	_ =	sdelay $0x2  }
0x128: {  	v2 =	vadd.f32 v3, v2;
	_ =	sdelay $0x1  }
0x129: {  	v2 =	vadd.f32 v60, v2;
	_ =	sdelay $0x1  }
0x12a: {  	v3 =	vmul.f32 $9.999999770e-03, v2;
	_ =	sdelay $0x1  }
0x12b: {  	v2 =	vmax.f32 v2, v3  }
0x12c: {  	v3 =	vmul.f32 $6.553700000e+04, v2;
	_ =	sdelay $0x1  }
0x12d: {  	v2 =	vsub.f32 v3, v2;
	_ =	sdelay $0x1  }
0x12e: {  	v2 =	vsub.f32 v3, v2;
	_ =	sdelay $0x1  }
0x12f: {  	[tilespmem:s29+$0x40] =	vst v2;
	v2 =	vld [tilespmem:s29+$0x50]  }
0x130: {  	v3 =	vld [tilespmem:s31+$0x50];
	_ =	sdelay $0x1  }
0x131: {  	v61 =	vld [tilespmem:s0+$0x50];
	_ =	sdelay $0x2  }
0x132: {  	v2 =	vadd.f32 v3, v2;
	_ =	sdelay $0x1  }
0x133: {  	v2 =	vadd.f32 v61, v2;
	_ =	sdelay $0x1  }
0x134: {  	v3 =	vmul.f32 $9.999999770e-03, v2;
	_ =	sdelay $0x1  }
0x135: {  	v2 =	vmax.f32 v2, v3  }
0x136: {  	v3 =	vmul.f32 $6.553700000e+04, v2;
	_ =	sdelay $0x1  }
0x137: {  	v2 =	vsub.f32 v3, v2;
	_ =	sdelay $0x1  }
0x138: {  	v2 =	vsub.f32 v3, v2;
	_ =	sdelay $0x1  }
0x139: {  	[tilespmem:s29+$0x50] =	vst v2;
	v2 =	vld [tilespmem:s29+$0x60]  }
0x13a: {  	v3 =	vld [tilespmem:s31+$0x60];
	_ =	sdelay $0x1  }
0x13b: {  	v62 =	vld [tilespmem:s0+$0x60];
	_ =	sdelay $0x2  }
0x13c: {  	v2 =	vadd.f32 v3, v2;
	_ =	sdelay $0x1  }
0x13d: {  	v2 =	vadd.f32 v62, v2;
	_ =	sdelay $0x1  }
0x13e: {  	v3 =	vmul.f32 $9.999999770e-03, v2;
	_ =	sdelay $0x1  }
0x13f: {  	v2 =	vmax.f32 v2, v3  }
0x140: {  	v3 =	vmul.f32 $6.553700000e+04, v2;
	_ =	sdelay $0x1  }
0x141: {  	v2 =	vsub.f32 v3, v2;
	_ =	sdelay $0x1  }
0x142: {  	v2 =	vsub.f32 v3, v2;
	_ =	sdelay $0x1  }
0x143: {  	[tilespmem:s29+$0x60] =	vst v2;
	v2 =	vld [tilespmem:s29+$0x70]  }
0x144: {  	v3 =	vld [tilespmem:s31+$0x70];
	_ =	sdelay $0x1  }
0x145: {  	v63 =	vld [tilespmem:s0+$0x70];
	_ =	sdelay $0x2  }
0x146: {  	v2 =	vadd.f32 v3, v2;
	_ =	sdelay $0x1  }
0x147: {  	v2 =	vadd.f32 v63, v2;
	_ =	sdelay $0x1  }
0x148: {  	v3 =	vmul.f32 $9.999999770e-03, v2;
	_ =	sdelay $0x1  }
0x149: {  	v2 =	vmax.f32 v2, v3  }
0x14a: {  	s28 =	sadd.s32 $0x8, s28;
	v3 =	vmul.f32 $6.553700000e+04, v2  }
0x14b: {  	p0 =	slt.u32 s28, $0x1F8  }
.Ltmp0:
0x14c: {  	v2 =	vsub.f32 v3, v2;
	(pc) =	sbr.rel @p0 .LBB2_3-.Ltmp0, $3  }
0x14d: {  	_ = 	snop  }
0x14e: {  	v2 =	vsub.f32 v3, v2;
	_ =	sdelay $0x1  }
0x14f: {  	s31 =	sadd.s32 $0x100, s31;
	s0 =	sadd.s32 $0x100, s0;
	[tilespmem:s29+$0x70] =	vst v2;
	s29 =	sadd.s32 $0x100, s29  }
0x150: {  	[spmem:s3] =	stream.indirect.scatter.add.f32 [tilespmem:s26], [sflag:$0x1], $0x20, s5, s24, $0xb8;
	[tilespmem:$0x11900] =	vst v63  }
0x151: {  	_ = 	snop  }
0x152: {  	[spmem:s4] =	stream.indirect.scatter.add.f32 [tilespmem:s13], [sflag:$0x1], $0x1, s5, s24, $0xb8;
	[tilespmem:$0x11900] =	vst v63  }
0x153: {  	_ = 	snop  }
0x154: {  	[spmem:s3] =	stream.indirect.scatter.add.f32 [tilespmem:s30], [sflag:$0x1], $0x20, s24, s24, $0xb8;
	[tilespmem:$0x11900] =	vst v63  }
0x155: {  	_ = 	snop  }
0x156: {  	[spmem:s4] =	stream.indirect.scatter.add.f32 [tilespmem:s13], [sflag:$0x1], $0x1, s24, s24, $0xb8;
	[tilespmem:$0x11900] =	vst v63  }
0x157: {  	_ = 	snop  }
0x158: {  	[spmem:s3] =	stream.indirect.scatter.add.f32 [tilespmem:s10], [sflag:$0x1], $0x20, s19, s24, $0xb8;
	[tilespmem:$0x11900] =	vst v63  }
0x159: {  	_ = 	snop  }
0x15a: {  	[spmem:s4] =	stream.indirect.scatter.add.f32 [tilespmem:s13], [sflag:$0x1], $0x1, s19, s24, $0xb8;
	[tilespmem:$0x11900] =	vst v63  }
0x15b: {  	_ = 	snop  }
0x15c: {  	[spmem:s3] =	stream.indirect.scatter.add.f32 [tilespmem:s17], [sflag:$0x1], $0x20, s22, s24, $0xb8;
	[tilespmem:$0x11900] =	vst v63  }
0x15d: {  	_ = 	snop  }
0x15e: {  	[spmem:s4] =	stream.indirect.scatter.add.f32 [tilespmem:s13], [sflag:$0x1], $0x1, s22, s24, $0xb8;
	[tilespmem:$0x11900] =	vst v63  }
0x15f: {  	_ =	swait.ge [sflag:s23], $0x1000  }
0x160: {  	[sflag:s23] =	ssyncset.done $0x0  }
0x161: {  	[sflag:s23] =	ssyncadd.s32 $0xFFFFF000  }
0x162: {  	_ =	swait.ge [sflag:s23], $0x80  }
0x163: {  	[sflag:s23] =	ssyncset.done $0x0  }
0x164: {  	[sflag:s23] =	ssyncadd.s32 $0xFFFFFF80  }
0x165: {  	_ =	swait.ge [sflag:s23], $0x1000  }
0x166: {  	[sflag:s23] =	ssyncset.done $0x0  }
0x167: {  	[sflag:s23] =	ssyncadd.s32 $0xFFFFF000  }
0x168: {  	_ =	swait.ge [sflag:s23], $0x80  }
0x169: {  	[sflag:s23] =	ssyncset.done $0x0  }
0x16a: {  	[sflag:s23] =	ssyncadd.s32 $0xFFFFFF80  }
0x16b: {  	_ =	swait.ge [sflag:s23], $0x1000  }
0x16c: {  	[sflag:s23] =	ssyncset.done $0x0  }
0x16d: {  	[sflag:s23] =	ssyncadd.s32 $0xFFFFF000  }
0x16e: {  	_ =	swait.ge [sflag:s23], $0x80  }
0x16f: {  	[sflag:s23] =	ssyncset.done $0x0  }
0x170: {  	s25 =	sadd.s32 $0x1, s25;
	[sflag:s23] =	ssyncadd.s32 $0xFFFFFF80  }
0x171: {  	p0 =	sne.s32 s25, $0x28;
	_ =	swait.ge [sflag:s23], $0x1000  }
.Ltmp1:
0x172: {  	[sflag:s23] =	ssyncset.done $0x0;
	(pc) =	sbr.rel @p0 .LBB2_2-.Ltmp1, $4  }
0x173: {  	[sflag:s23] =	ssyncadd.s32 $0xFFFFF000  }
0x174: {  	_ =	swait.ge [sflag:s23], $0x80  }
0x175: {  	[sflag:s23] =	ssyncset.done $0x0  }
0x176: {  	[sflag:s23] =	ssyncadd.s32 $0xFFFFFF80  }
0x177: {  	[bflag:$0x0] =	sbarrier.arrive $0xFFFF  }
0x178: {  	s25 =	rddreg [dreg:$0x6]  }
0x179: {  	s0 =	rddreg [dreg:$0x7]  }
0x17a: {  	s29 =	simm.s32 $0x2;
	s28 =	rddreg [dreg:$0xa]  }
0x17b: {  	[hbm:s0], [sflag:s25] =	dma.local [spmem:s28], $0xA00  }
0x17c: {  	_ =	swait.ge [sflag:s29], $0xA00  }
0x17d: {  	[sflag:s29] =	ssyncset.done $0x0;
	s2 =	rddreg [dreg:$0x8]  }
0x17e: {  	s31 =	rddreg [dreg:$0xb];
	[sflag:s29] =	ssyncadd.s32 $0xFFFFF600  }
0x17f: {  	[hbm:s2], [sflag:s25] =	dma.local [spmem:s31], $0x50  }
0x180: {  	_ =	swait.ge [sflag:s29], $0x50  }
0x181: {  	s2 =	rddreg [dreg:$0xc]  }
0x182: {  	s0 =	rddreg [dreg:$0x9];
	s2 =	sadd.s32 $0x1, s2  }
0x183: {  	p0 =	sne.s32 s2, s0  }
.Ltmp2:
0x184: {  	_ = 	snop;
	(pc) =	sbr.rel @p0 .LBB2_1-.Ltmp2, $3  }
0x185: {  	_ =	sdelay $0x1  }
0x186: {  	[sflag:s29] =	ssyncset.done $0x0  }
0x187: {  	[sflag:s29] =	ssyncadd.s32 $0xFFFFFFB0;
	[dreg:$0xc] =	wrdreg s2;
	s2 =	simm.s32 $0x300  }
0x188: {  	_ =	sfence.sel $0x180000  }
0x189: {  	[bflag:$0x0] =	sbarrier.arrive $0xFFFF  }
0x18a: {  	_ =	strace $0x90000047  }
0x18b: {  	s0 =	stileid.u32;
	[bflag:$0x2] =	sbarrier.arrive $0xFFFF  }
0x18c: {  	p0 =	sne.s32 s0, $0x0;
	s0 =	rddreg [dreg:$0x3]  }
0x18d: {  	s0 =	sadd.s32 @!p0 $0x100000, s0  }
0x18e: {  	[sflag:s0] =	ssyncadd.tile.s32 @!p0 $0x1;
	_ =	shalt  }
.Lfunc_end2:
_tile_overlayer_lowered:
.L_overlay_start_2:
0x18f: {  	(tag) =	ssettag $0x2  }
0x190: {  	s0 =	rddreg [dreg:$0x0];
	s2 =	stileid.u32  }
0x191: {  	s1 =	rddreg [dreg:$0x1];
	p0 =	sne.s32 s2, $0x0  }
0x192: {  	s3 =	rddreg [dreg:$0x2];
	[bflag:$0x3] =	sbarrier.arrive $0xFFFF;
	s2 =	simm.s32 @!p0 $0x1C02  }
0x193: {  	[timem:s3], [sflag:s2] =	dma.local @!p0 [hbm:s0], s1  }
0x194: {  	s0 =	simm.s32 @!p0 $0x2  }
0x195: {  	_ =	swait.ge @!p0 [sflag:s0], s1  }
0x196: {  	s1 =	ssub.s32 @!p0 $0x0, s1;
	[sflag:s0] =	ssyncset.done @!p0 $0x0  }
0x197: {  	[sflag:s0] =	ssyncadd.s32 @!p0 s1  }
0x198: {  	[bflag:$0x3] =	sbarrier.arrive $0xFFFF  }
0x199: {  	_ =	shalt  }

// kernel: kernel.8.cloned.1.call-start
scs
__scs_entry_jumppad:
0x0: {  	(pc) =	sbr.rel $0x88, $3  }
0x1: {  	(tag) =	ssettag $0x0;
	lr =	simm.s32 $0x1  }
0x2: {  	[smem:$0x3F74] =	sst lr;
	_ =	strace $0xD0000000  }
0x3: {  	_ = 	snop  }
0x4: {  	_ = 	snop  }
0x5: {  	_ = 	snop  }
0x6: {  	_ = 	snop  }
0x7: {  	_ = 	snop  }
__scs_overlays_trampoline_lowered:
0x8: {  	[smem:$0x3F83] =	sst s0  }
0x9: {  	[smem:$0x3F84] =	sst s1  }
0xa: {  	[smem:$0x3F85] =	sst s2  }
0xb: {  	[smem:$0x3F86] =	sst s3  }
0xc: {  	[smem:$0x3F87] =	sst s4  }
0xd: {  	[smem:$0x3F88] =	sst s5  }
0xe: {  	[smem:$0x3F89] =	sst s6  }
0xf: {  	[smem:$0x3F8A] =	sst s7  }
0x10: {  	[smem:$0x3F8B] =	sst s8  }
0x11: {  	[smem:$0x3F8C] =	sst s9;
	s0 =	simm.s32 @!p0 $0x0  }
0x12: {  	s1 =	sld [smem:$0x3F72];
	s0 =	simm.s32 @p0 $0x1  }
0x13: {  	[smem:$0x3F8D] =	sst s0;
	s0 =	simm.s32 @!p1 $0x0  }
0x14: {  	s2 =	sld [smem:$0x3F71];
	s0 =	simm.s32 @p1 $0x1  }
0x15: {  	[smem:$0x3F8E] =	sst s0;
	s0 =	simm.s32 @!p2 $0x0  }
0x16: {  	s3 =	sld [smem:$0x3FDB];
	s0 =	simm.s32 @p2 $0x1  }
0x17: {  	s4 =	simm.s32 $0x1BF5;
	[smem:$0x3F90] =	sst s0  }
0x18: {  	s0 =	sld [smem:$0x3F73];
	_ =	swait.ge [sflag:s4], $0x0  }
0x19: {  	s7 =	sld [smem:$0x3F74]  }
0x1a: {  	s8 =	sadd.s32 $0xFFFFE003, lr  }
0x1b: {  	s9 =	sadd.s32 $0xFFFFFEF7, lr;
	s5 =	simm.s32 $0xFFFFFFFF;
	p2 =	slt.u32 s8, $0xFFFFF086  }
0x1c: {  	p1 =	slt.u32 s9, $0xF7A;
	s5 =	simm.s32 @!p2 $0x0  }
0x1d: {  	s5 =	simm.s32 @p1 $0x1;
	p0 =	seq.s32 s7, s2  }
0x1e: {  	s7 =	smul.u32 @!p0 $0xF7A, s2;
	p2 =	seq.s32 @!p0 s5, $0x0  }
0x1f: {  	s9 =	smul.u32 $0xF7A, s1;
	s8 =	simm.s32 @!p0 $0x1BF5;
	p2 =	por !p2, p0  }
0x20: {  	[sflag:s8] =	ssyncset.s32 @!p0 $0xFFFFF086;
	s6 =	sadd.s32 @!p0 s3, s7;
	s7 =	simm.s32 @!p0 $0x108  }
0x21: {  	s3 =	sadd.s32 s3, s9;
	s6 =	sadd.s32 @!p0 $0x88, s6;
	s7 =	simm.s32 @p2 $0x1082  }
0x22: {  	[simem:s7], [sflag:s8] =	dma.local @!p0 [hbm:s6], $0xF7A  }
0x23: {  	s9 =	sor.u32 $0xD0000000, s2;
	s6 =	simm.s32 $0x108;
	_ =	swait.ge @!p0 [sflag:s8], $0x0  }
0x24: {  	s3 =	sadd.s32 $0x88, s3;
	s6 =	simm.s32 @!p1 $0x1082;
	[sflag:s4] =	ssyncset.s32 $0xFFFFF086  }
0x25: {  	[simem:s6], [sflag:s4] =	dma.local [hbm:s3], $0xF7A  }
0x26: {  	[smem:$0x3F74] =	sst s1;
	(tag) =	ssettag s2;
	_ =	strace s9  }
0x27: {  	s1 =	sld [smem:$0x3F84]  }
0x28: {  	s2 =	sld [smem:$0x3F85]  }
0x29: {  	s4 =	sld [smem:$0x3F87]  }
0x2a: {  	p0 =	seq.s32 s5, $0x0;
	s5 =	sld [smem:$0x3F88]  }
0x2b: {  	s6 =	sld [smem:$0x3F89]  }
0x2c: {  	s7 =	sld [smem:$0x3F8A]  }
0x2d: {  	s3 =	simm.s32 $0x108;
	s8 =	sld [smem:$0x3F8B]  }
0x2e: {  	s3 =	simm.s32 @!p0 $0x1082;
	s9 =	sld [smem:$0x3F8C]  }
0x2f: {  	lr =	sadd.s32 s0, s3;
	s0 =	sld [smem:$0x3F83]  }
0x30: {  	s3 =	sld [smem:$0x3F86]  }
0x31: {  	[smem:$0x3F8F] =	sst s10  }
0x32: {  	s10 =	sld [smem:$0x3F8D];
	_ =	sdelay $0x3  }
0x33: {  	p0 =	seq.s32 s10, $0x1;
	s10 =	sld [smem:$0x3F8F];
	_ =	sdelay $0x3  }
0x34: {  	[smem:$0x3F8F] =	sst s10  }
0x35: {  	s10 =	sld [smem:$0x3F8E];
	_ =	sdelay $0x3  }
0x36: {  	p1 =	seq.s32 s10, $0x1;
	s10 =	sld [smem:$0x3F8F];
	_ =	sdelay $0x3  }
0x37: {  	[smem:$0x3F8F] =	sst s10  }
0x38: {  	s10 =	sld [smem:$0x3F90]  }
0x39: {  	_ = 	snop;
	(pc) =	sbr.ind lr, $3  }
0x3a: {  	_ = 	snop  }
0x3b: {  	_ = 	snop  }
0x3c: {  	p2 =	seq.s32 s10, $0x1;
	s10 =	sld [smem:$0x3F8F]  }
0x3d: {  	_ =	shalt  }
0x3e: {  	_ =	shalt  }
0x3f: {  	_ =	shalt  }
0x40: {  	_ =	shalt  }
0x41: {  	_ =	shalt  }
0x42: {  	_ =	shalt  }
0x43: {  	_ =	shalt  }
0x44: {  	_ =	shalt  }
0x45: {  	_ =	shalt  }
0x46: {  	_ =	shalt  }
0x47: {  	_ =	shalt  }
0x48: {  	_ =	shalt  }
0x49: {  	_ =	shalt  }
0x4a: {  	_ =	shalt  }
0x4b: {  	_ =	shalt  }
0x4c: {  	_ =	shalt  }
0x4d: {  	_ =	shalt  }
0x4e: {  	_ =	shalt  }
0x4f: {  	_ =	shalt  }
0x50: {  	_ =	shalt  }
0x51: {  	_ =	shalt  }
0x52: {  	_ =	shalt  }
0x53: {  	_ =	shalt  }
0x54: {  	_ =	shalt  }
0x55: {  	_ =	shalt  }
0x56: {  	_ =	shalt  }
0x57: {  	_ =	shalt  }
0x58: {  	_ =	shalt  }
0x59: {  	_ =	shalt  }
0x5a: {  	_ =	shalt  }
0x5b: {  	_ =	shalt  }
0x5c: {  	_ =	shalt  }
0x5d: {  	_ =	shalt  }
0x5e: {  	_ =	shalt  }
0x5f: {  	_ =	shalt  }
0x60: {  	_ =	shalt  }
0x61: {  	_ =	shalt  }
0x62: {  	_ =	shalt  }
0x63: {  	_ =	shalt  }
0x64: {  	_ =	shalt  }
0x65: {  	_ =	shalt  }
0x66: {  	_ =	shalt  }
0x67: {  	_ =	shalt  }
0x68: {  	_ =	shalt  }
0x69: {  	_ =	shalt  }
0x6a: {  	_ =	shalt  }
0x6b: {  	_ =	shalt  }
0x6c: {  	_ =	shalt  }
0x6d: {  	_ =	shalt  }
0x6e: {  	_ =	shalt  }
0x6f: {  	_ =	shalt  }
0x70: {  	_ =	shalt  }
0x71: {  	_ =	shalt  }
0x72: {  	_ =	shalt  }
0x73: {  	_ =	shalt  }
0x74: {  	_ =	shalt  }
0x75: {  	_ =	shalt  }
0x76: {  	_ =	shalt  }
0x77: {  	_ =	shalt  }
0x78: {  	_ =	shalt  }
0x79: {  	_ =	shalt  }
0x7a: {  	_ =	shalt  }
0x7b: {  	_ =	shalt  }
0x7c: {  	_ =	shalt  }
0x7d: {  	_ =	shalt  }
0x7e: {  	_ =	shalt  }
0x7f: {  	_ =	shalt  }
0x80: {  	_ =	shalt  }
0x81: {  	_ =	shalt  }
0x82: {  	_ =	shalt  }
0x83: {  	_ =	shalt  }
0x84: {  	_ =	shalt  }
0x85: {  	_ =	shalt  }
0x86: {  	_ =	shalt  }
0x87: {  	_ =	shalt  }
.Lfunc_end0:
.L_simem_size_0:
called_computation.1_lowered:
.L_overlay_start_0:
0x88: {  	s2 =	sld [smem:$0x3FD9]  }
0x89: {  	s3 =	sld [smem:$0x3FFE];
	_ =	sdelay $0x1  }
0x8a: {  	s1 =	srdreg.scid  }
0x8b: {  	s0 =	sand.u32 $0x1, s1  }
0x8c: {  	s16 =	sshll.u32 s0, $0xA;
	s2 =	sadd.s32 s3, s2  }
0x8d: {  	s2 =	sadd.s32 s2, s16  }
0x8e: {  	[smem:$0x3F9B] =	sst s2  }
0x8f: {  	_ = 	snop  }
0x90: {  	(tm) =	ssettm $0x1  }
0x91: {  	s17 =	sld [smem:$0x3FFB];
	_ =	sdelay $0x3  }
0x92: {  	_ =	strace s17  }
0x93: {  	s2 =	sld [smem:$0x3FFC];
	_ =	sdelay $0x3  }
0x94: {  	_ =	strace s2  }
0x95: {  	s2 =	sld [smem:$0x3FFD];
	_ =	sdelay $0x3  }
0x96: {  	_ =	strace s2  }
0x97: {  	_ =	strace $0x8FFFFFFF  }
0x98: {  	s18 =	sld [smem:$0x3FDB];
	_ =	sdelay $0x1  }
0x99: {  	s19 =	simm.s32 $_scs_section_size  }
0x9a: {  	s4 =	simm.s32 $_size__tile_overlayer_lowered;
	s5 =	simm.s32 $_tile_overlayer_lowered  }
0x9b: {  	s22 =	simm.s32 $0x1BFF;
	s21 =	sshll.u32 s5, $0x1;
	s2 =	sadd.s32 s19, s18  }
0x9c: {  	s6 =	simm.s32 $0x0;
	s20 =	sshll.u32 s4, $0x1;
	s4 =	sadd.s32 s21, s2  }
0x9d: {  	[timem:s6], [sflag:s22] =	dma.local [hbm:s4], s20  }
0x9e: {  	_ =	swait.ge [sflag:s22], s20  }
0x9f: {  	s3 =	ssub.s32 $0x0, s20;
	[sflag:s22] =	ssyncset.done $0x0  }
0xa0: {  	[sflag:s22] =	ssyncadd.s32 s3;
	_ =	sdelay $0x1  }
0xa1: {  	s23 =	simm.s32 $0x1B8B  }
0xa2: {  	_ =	swait.ge [sflag:s23], $0x1  }
0xa3: {  	[sflag:s23] =	ssyncset.done $0x0  }
0xa4: {  	s25 =	simm.s32 $0x1B8E;
	s24 =	sld [smem:$0x3FFE];
	[sflag:s23] =	ssyncadd.s32 $0xFFFFFFFF  }
0xa5: {  	s26 =	simm.s32 $execute0_lowered;
	[smem:$0x3FD2] =	sst s25  }
0xa6: {  	s4 =	sshll.u32 s26, $0x1;
	_ =	strace $0x80000049;
	[dreg:$0x1] =	wrdreg $0xFFFFFFFF  }
0xa7: {  	s28 =	simm.s32 $_size_execute0_lowered;
	s2 =	sadd.s32 s2, s4;
	[dreg:$0x0] =	wrdreg $0x0  }
0xa8: {  	s4 =	sshll.u32 s28, $0x1;
	[dreg:$0x2] =	wrdreg s2  }
0xa9: {  	[dreg:$0x3] =	wrdreg s4  }
0xaa: {  	[dreg:$0x4] =	wrdreg $0xC0  }
0xab: {  	_ =	task [dreg:s6], $0x5FFFF  }
0xac: {  	[dreg:$0x1] =	wrdreg $0xFFFFFFFF  }
0xad: {  	[dreg:$0x0] =	wrdreg $0x60  }
0xae: {  	[dreg:$0x2] =	wrdreg s24  }
0xaf: {  	[dreg:$0x3] =	wrdreg $0xDA100  }
0xb0: {  	[dreg:$0x4] =	wrdreg $0x17A100  }
0xb1: {  	[dreg:$0x5] =	wrdreg $0x9  }
0xb2: {  	_ =	task.clear_ibuf [dreg:s6], $0x6FFFF;
	_ =	strace $0x90000049  }
0xb3: {  	s29 =	simm.s32 $0x9;
	_ =	strace $0x8000004B  }
0xb4: {  	_ =	swait.ge [sflag:s29], $0x1  }
0xb5: {  	[sflag:s29] =	ssyncadd.s32 $0xFFFFFFFF  }
0xb6: {  	_ =	strace $0x9000004B  }
0xb7: {  	_ =	sfence  }
0xb8: {  	s30 =	sld [smem:$0x0];
	_ =	sdelay $0x2  }
0xb9: {  	s31 =	sshll.u32 s1, $0xD;
	s1 =	sshrl.u32 s1, $0x2  }
0xba: {  	s3 =	sand.u32 $0x4000, s31;
	s1 =	sadd.s32 s1, s30  }
0xbb: {  	s0 =	sor.u32 s3, s0;
	s1 =	sshll.u32 s1, $0x11  }
0xbc: {  	s0 =	sor.u32 s1, s0  }
0xbd: {  	s0 =	sadd.s32 $0x8F2B, s0  }
0xbe: {  	[sflag:s0] =	ssyncadd.remote.s32 $0x1  }
0xbf: {  	_ =	sfence.sel $0xFFFF  }
0xc0: {  	[dreg:$0x0] =	wrdreg $0xFFFFFFFF;
	(pc) =	sbr.abs _section_cstart, $3  }
0xc1: {  	[dreg:$0x1] =	wrdreg $0xFFFFFFFF  }
0xc2: {  	_ =	task.clear_ibuf [dreg:s6], $0x2FFFF;
	_ =	strace $0x9FFFFFFF  }
0xc3: {  	(tm) =	ssettm $0x7FFFFFFF  }
tec
execute0_lowered:
.L_overlay_start_1:
0x0: {  	(tag) =	ssettag $0x1  }
0x1: {  	s1 =	rddreg [dreg:$0x0]  }
0x2: {  	s0 =	srdreg.scid;
	s2 =	rddreg [dreg:$0x1]  }
0x3: {  	s3 =	rddreg [dreg:$0x2];
	s5 =	simm.s32 $0x0;
	s17 =	stileid.u32  }
0x4: {  	s28 =	simm.s32 $0x1;
	s29 =	simm.s32 $0x80;
	s31 =	simm.s32 $0x5A00  }
0x5: {  	s18 =	simm.s32 $0x5900;
	[smem:$0x7FF] =	sst s5;
	s10 =	smul.u32 $0xA000, s17  }
0x6: {  	s7 =	sadd.s32 $0x3C000, s1;
	s8 =	sadd.s32 $0x2E5600, s1;
	s13 =	smul.u32 $0x280, s17  }
0x7: {  	s4 =	sand.u32 $0x1, s0;
	s14 =	sadd.s32 $0x2D2200, s1;
	s19 =	sadd.s32 $0x2D0A00, s1  }
0x8: {  	s21 =	sshll.u32 s17, $0x6;
	s23 =	smul.u32 $0x5000, s17;
	s17 =	simm.s32 $0x5300  }
0x9: {  	s0 =	smul.u32 $0x2800, s4;
	_ =	strace $0x8000004A;
	[dreg:$0x4] =	wrdreg s14  }
0xa: {  	s11 =	smul.u32 $0xA0000, s4;
	s12 =	sshll.u32 s4, $0x1;
	[dreg:$0x5] =	wrdreg s19  }
0xb: {  	s15 =	ssub.s32 $0x2, s4;
	s4 =	smul.u32 $0x50000, s4;
	s19 =	simm.s32 $0x5380  }
0xc: {  	s12 =	sadd.s32 s12, s1;
	s16 =	sshrl.u32 s15, $0x1;
	s6 =	sshrl.u32 s0, $0x3  }
0xd: {  	s11 =	sadd.s32 s10, s11;
	s20 =	sadd.s32 s13, s0;
	s16 =	ssub.s32 s15, s16  }
0xe: {  	s10 =	sadd.s32 s10, s2;
	s13 =	sadd.s32 s13, s3;
	s24 =	sadd.s32 $0x2D2000, s12  }
0xf: {  	s15 =	sadd.s32 s23, s4;
	s23 =	simm.s32 $0x2;
	s4 =	simm.s32 $0x7A00  }
0x10: {  	s12 =	simm.s32 $0xBA00;
	s9 =	sadd.s32 s6, s1;
	s6 =	sadd.s32 $0x28000, s1  }
0x11: {  	s11 =	sshrl.u32 s11, $0x3;
	[dreg:$0x9] =	wrdreg s24;
	s30 =	smax.u32 s16, $0x1  }
0x12: {  	s14 =	sshrl.u32 s20, $0x3;
	s20 =	sor.u32 $0x1C02, s21;
	[dreg:$0xc] =	wrdreg s30  }
0x13: {  	s24 =	sshrl.u32 s13, $0x3;
	s13 =	simm.s32 $0x5800;
	[dreg:$0x6] =	wrdreg s20  }
0x14: {  	s16 =	simm.s32 $0x5880;
	s22 =	sadd.s32 $0x2D0C00, s9;
	[dreg:$0xe] =	wrdreg s24  }
0x15: {  	s21 =	simm.s32 $0x5980;
	s9 =	sadd.s32 $0x2D1600, s9;
	[dreg:$0x7] =	wrdreg s22  }
0x16: {  	s11 =	sadd.s32 s11, s1;
	s14 =	sadd.s32 s14, s1;
	[dreg:$0x8] =	wrdreg s9  }
0x17: {  	s25 =	sadd.s32 $0x50000, s11;
	s26 =	sadd.s32 $0x2D3600, s14;
	s11 =	sshrl.u32 s10, $0x3  }
0x18: {  	s22 =	simm.s32 $0x2800;
	s9 =	simm.s32 $0x9A00;
	[dreg:$0xa] =	wrdreg s25  }
0x19: {  	v1 =	vimm.s32 $0x0;
	vm0 =	vcmask $0x300;
	s10 =	simm.s32 $0x5580;
	s14 =	simm.s32 $0x5280;
	[dreg:$0xb] =	wrdreg s26  }
0x1a: {  	v1 =	vsel vm0, $0x3, v1;
	v0 =	vmov s0;
	s25 =	simm.s32 $0x5200;
	s26 =	simm.s32 $0x0;
	[dreg:$0xd] =	wrdreg s11  }
.LBB2_1:
0x1b: {  	[dreg:$0xf] =	wrdreg s26  }
0x1c: {  	s0 =	rddreg [dreg:$0x4]  }
0x1d: {  	[spmem:s11], [sflag:s20] =	dma.local [hbm:s0], $0x1400  }
0x1e: {  	_ =	swait.ge [sflag:s23], $0x1400  }
0x1f: {  	[sflag:s23] =	ssyncset.done $0x0  }
0x20: {  	s11 =	rddreg [dreg:$0x5];
	[sflag:s23] =	ssyncadd.s32 $0xFFFFEC00  }
0x21: {  	[spmem:s24], [sflag:s20] =	dma.local [hbm:s11], $0x50  }
0x22: {  	_ =	swait.ge [sflag:s23], $0x50  }
0x23: {  	[sflag:s23] =	ssyncset.done $0x0  }
0x24: {  	s20 =	rddreg [dreg:$0x7];
	[sflag:s23] =	ssyncadd.s32 $0xFFFFFFB0  }
0x25: {  	[tilespmem:s5], [sflag:$0x2] =	stream.linear.gather [hbm4b:s20+s5], $0x2800, $0x38;
	[tilespmem:$0x17C90] =	vst v63  }
0x26: {  	_ =	swait.ge [sflag:s23], $0x2800  }
0x27: {  	[sflag:s23] =	ssyncset.done $0x0  }
0x28: {  	s24 =	rddreg [dreg:$0x8];
	[sflag:s23] =	ssyncadd.s32 $0xFFFFD800  }
0x29: {  	[tilespmem:s22], [sflag:$0x2] =	stream.linear.gather [hbm4b:s24+s5], $0x2800, $0x38;
	[tilespmem:$0x17C90] =	vst v63  }
0x2a: {  	_ =	swait.ge [sflag:s23], $0x2800  }
0x2b: {  	[sflag:s23] =	ssyncset.done $0x0  }
0x2c: {  	s30 =	simm.s32 $0xDA00;
	s26 =	rddreg [dreg:$0x9];
	[sflag:s23] =	ssyncadd.s32 $0xFFFFD800  }
0x2d: {  	[tilespmem:s30], [sflag:$0x2] =	stream.linear.gather [hbm4b:s26+s5], $0x10, $0x38;
	[tilespmem:$0x17C90] =	vst v63  }
0x2e: {  	_ =	swait.ge [sflag:s23], $0x10  }
0x2f: {  	[sflag:s23] =	ssyncset.done $0x0  }
0x30: {  	[sflag:s23] =	ssyncadd.s32 $0xFFFFFFF0  }
0x31: {  	[bflag:$0x0] =	sbarrier.arrive $0xFFFF  }
0x32: {  	s11 =	simm.s32 $0x0;
	v2 =	vld [tilespmem:$0xDA00]  }
.LBB2_2:
0x33: {  	s0 =	sshll.u32 s11, $0x9  }
0x34: {  	s0 =	sadd.s32 s0, s15  }
0x35: {  	s0 =	sshrl.u32 s0, $0x3  }
0x36: {  	s23 =	simm.s32 $0x5000;
	s20 =	sadd.s32 s6, s0  }
0x37: {  	[tilespmem:s23], [sflag:$0x1] =	stream.linear.gather [hbm4b:s20+s5], $0x200, $0x38;
	[tilespmem:$0x17C90] =	vst v63  }
0x38: {  	s24 =	sadd.s32 s7, s0  }
0x39: {  	[tilespmem:s25], [sflag:$0x1] =	stream.linear.gather [hbm4b:s24+s5], $0x200, $0x38;
	[tilespmem:$0x17C90] =	vst v63  }
0x3a: {  	s26 =	simm.s32 $0x5600;
	s0 =	sadd.s32 s8, s0  }
0x3b: {  	[tilespmem:s26], [sflag:$0x1] =	stream.linear.gather [hbm4b:s0+s5], $0x200, $0x38;
	[tilespmem:$0x17C90] =	vst v63  }
0x3c: {  	_ =	swait.ge [sflag:s28], $0x200  }
0x3d: {  	[sflag:s28] =	ssyncset.done $0x0  }
0x3e: {  	[sflag:s28] =	ssyncadd.s32 $0xFFFFFE00  }
0x3f: {  	_ =	swait.ge [sflag:s28], $0x200  }
0x40: {  	[sflag:s28] =	ssyncset.done $0x0  }
0x41: {  	[sflag:s28] =	ssyncadd.s32 $0xFFFFFE00  }
0x42: {  	_ =	swait.ge [sflag:s28], $0x200  }
0x43: {  	[sflag:s28] =	ssyncset.done $0x0  }
0x44: {  	[sflag:s28] =	ssyncadd.s32 $0xFFFFFE00  }
0x45: {  	v3 =	vld [tilespmem:$0x5000]  }
0x46: {  	v4 =	vld [tilespmem:$0x5010]  }
0x47: {  	v5 =	vld [tilespmem:$0x5020]  }
0x48: {  	v6 =	vld [tilespmem:$0x5030]  }
0x49: {  	v7 =	vld [tilespmem:$0x5040]  }
0x4a: {  	v8 =	vld [tilespmem:$0x5050];
	v3 =	vadd.s32 v0, v3  }
0x4b: {  	v38 =	vld [tilespmem:$0x5060];
	[tilespmem:$0x5400] =	vst v3;
	v3 =	vadd.s32 v0, v4  }
0x4c: {  	v39 =	vld [tilespmem:$0x5070];
	[tilespmem:$0x5410] =	vst v3;
	v3 =	vadd.s32 v0, v5  }
0x4d: {  	v40 =	vld [tilespmem:$0x5080];
	[tilespmem:$0x5420] =	vst v3;
	v3 =	vadd.s32 v0, v6  }
0x4e: {  	v41 =	vld [tilespmem:$0x5090];
	[tilespmem:$0x5430] =	vst v3;
	v3 =	vadd.s32 v0, v7  }
0x4f: {  	v42 =	vld [tilespmem:$0x50A0];
	[tilespmem:$0x5440] =	vst v3;
	v3 =	vadd.s32 v0, v8  }
0x50: {  	v43 =	vld [tilespmem:$0x50B0];
	[tilespmem:$0x5450] =	vst v3;
	v3 =	vadd.s32 v0, v38  }
0x51: {  	v44 =	vld [tilespmem:$0x50C0];
	[tilespmem:$0x5460] =	vst v3;
	v3 =	vadd.s32 v0, v39  }
0x52: {  	v45 =	vld [tilespmem:$0x50D0];
	[tilespmem:$0x5470] =	vst v3;
	v3 =	vadd.s32 v0, v40  }
0x53: {  	v46 =	vld [tilespmem:$0x50E0];
	[tilespmem:$0x5480] =	vst v3;
	v3 =	vadd.s32 v0, v41  }
0x54: {  	v47 =	vld [tilespmem:$0x50F0];
	[tilespmem:$0x5490] =	vst v3;
	v3 =	vadd.s32 v0, v42  }
0x55: {  	v48 =	vld [tilespmem:$0x5100];
	[tilespmem:$0x54A0] =	vst v3;
	v3 =	vadd.s32 v0, v43  }
0x56: {  	v49 =	vld [tilespmem:$0x5110];
	[tilespmem:$0x54B0] =	vst v3;
	v3 =	vadd.s32 v0, v44  }
0x57: {  	v50 =	vld [tilespmem:$0x5120];
	[tilespmem:$0x54C0] =	vst v3;
	v3 =	vadd.s32 v0, v45  }
0x58: {  	v51 =	vld [tilespmem:$0x5130];
	[tilespmem:$0x54D0] =	vst v3;
	v3 =	vadd.s32 v0, v46  }
0x59: {  	v52 =	vld [tilespmem:$0x5140];
	[tilespmem:$0x54E0] =	vst v3;
	v3 =	vadd.s32 v0, v47  }
0x5a: {  	v53 =	vld [tilespmem:$0x5150];
	[tilespmem:$0x54F0] =	vst v3;
	v3 =	vadd.s32 v0, v48  }
0x5b: {  	v54 =	vld [tilespmem:$0x5160];
	[tilespmem:$0x5500] =	vst v3;
	v3 =	vadd.s32 v0, v49  }
0x5c: {  	v55 =	vld [tilespmem:$0x5170];
	[tilespmem:$0x5510] =	vst v3;
	v3 =	vadd.s32 v0, v50  }
0x5d: {  	v56 =	vld [tilespmem:$0x5180];
	[tilespmem:$0x5520] =	vst v3;
	v3 =	vadd.s32 v0, v51  }
0x5e: {  	v57 =	vld [tilespmem:$0x5190];
	[tilespmem:$0x5530] =	vst v3;
	v3 =	vadd.s32 v0, v52  }
0x5f: {  	v58 =	vld [tilespmem:$0x51A0];
	[tilespmem:$0x5540] =	vst v3;
	v3 =	vadd.s32 v0, v53  }
0x60: {  	v59 =	vld [tilespmem:$0x51B0];
	[tilespmem:$0x5550] =	vst v3;
	v3 =	vadd.s32 v0, v54  }
0x61: {  	v60 =	vld [tilespmem:$0x51C0];
	[tilespmem:$0x5560] =	vst v3;
	v3 =	vadd.s32 v0, v55  }
0x62: {  	v61 =	vld [tilespmem:$0x51D0];
	[tilespmem:$0x5570] =	vst v3;
	v3 =	vadd.s32 v0, v56  }
0x63: {  	v62 =	vld [tilespmem:$0x51E0];
	[tilespmem:$0x5580] =	vst v3;
	v3 =	vadd.s32 v0, v57  }
0x64: {  	v63 =	vld [tilespmem:$0x51F0];
	[tilespmem:$0x5590] =	vst v3;
	v3 =	vadd.s32 v0, v58  }
0x65: {  	[tilespmem:$0x55A0] =	vst v3;
	v3 =	vadd.s32 v0, v59  }
0x66: {  	[tilespmem:$0x55B0] =	vst v3;
	v3 =	vadd.s32 v0, v60  }
0x67: {  	[tilespmem:$0x55C0] =	vst v3;
	v3 =	vadd.s32 v0, v61  }
0x68: {  	[tilespmem:$0x55D0] =	vst v3;
	v3 =	vadd.s32 v0, v62  }
0x69: {  	[tilespmem:$0x55E0] =	vst v3;
	v3 =	vadd.s32 v0, v63  }
0x6a: {  	s23 =	simm.s32 $0x5400;
	[tilespmem:$0x55F0] =	vst v3  }
0x6b: {  	[tilespmem:s31], [sflag:$0x1] =	stream.indirect.gather [hbm4b:s1+s29], $0x40, s23, s29, $0xb8;
	[tilespmem:$0x17C90] =	vst v63  }
0x6c: {  	s24 =	simm.s32 $0x5480  }
0x6d: {  	[tilespmem:s4], [sflag:$0x1] =	stream.indirect.gather [hbm4b:s1+s29], $0x40, s24, s29, $0xb8;
	[tilespmem:$0x17C90] =	vst v63  }
0x6e: {  	s30 =	simm.s32 $0x5820;
	s20 =	simm.s32 $0x5020;
	s26 =	simm.s32 $0x5500  }
0x6f: {  	[tilespmem:s9], [sflag:$0x1] =	stream.indirect.gather [hbm4b:s1+s29], $0x40, s26, s29, $0xb8;
	[tilespmem:$0x17C90] =	vst v63  }
0x70: {  	s0 =	simm.s32 $0xFFFFFFFC;
	s24 =	simm.s32 $0x5220;
	s26 =	simm.s32 $0x5620  }
0x71: {  	[tilespmem:s12], [sflag:$0x1] =	stream.indirect.gather [hbm4b:s1+s29], $0x40, s10, s29, $0xb8;
	[tilespmem:$0x17C90] =	vst v63  }
.LBB2_3:
0x72: {  	v3 =	vld [tilespmem:s20+$0xFFFFFFE0]  }
0x73: {  	v4 =	vld [tilespmem:s24+$0xFFFFFFE0];
	_ =	sdelay $0x6  }
0x74: {  	v3 =	vld.idx.msk [tilespmem:v3+s5+$0x0], $0xffff  }
0x75: {  	v4 =	vld.idx.msk [tilespmem:v4+s22+$0x0], $0xffff;
	_ =	sdelay $0x1  }
0x76: {  	v5 =	vld [tilespmem:s26+$0xFFFFFFE0];
	_ =	sdelay $0x2  }
0x77: {  	v3 =	vadd.f32 v4, v3;
	_ =	sdelay $0x1  }
0x78: {  	v3 =	vadd.f32 v5, v3;
	_ =	sdelay $0x1  }
0x79: {  	v54 =	vmul.f32 $2.000000030e-01, v3;
	_ =	sdelay $0x1  }
0x7a: {  	v3 =	vmax.f32 v3, v54  }
0x7b: {  	v3 =	vsub.f32 v3, v2;
	_ =	sdelay $0x1  }
0x7c: {  	v3 =	vmul.f32 $1.442695020e+00, v3;
	_ =	sdelay $0x1  }
0x7d: {  	(erf) = vpow2.f32 v3;
	_ =	sdelay $0x8  }
0x7e: {  	v3 =	vpop (erf)  }
0x7f: {  	[tilespmem:s30+$0xFFFFFFE0] =	vst v3  }
0x80: {  	v3 =	vld [tilespmem:s20+$0xFFFFFFF0]  }
0x81: {  	v55 =	vld [tilespmem:s24+$0xFFFFFFF0];
	_ =	sdelay $0x6  }
0x82: {  	v3 =	vld.idx.msk [tilespmem:v3+s5+$0x0], $0xffff  }
0x83: {  	v4 =	vld.idx.msk [tilespmem:v55+s22+$0x0], $0xffff;
	_ =	sdelay $0x1  }
0x84: {  	v56 =	vld [tilespmem:s26+$0xFFFFFFF0];
	_ =	sdelay $0x2  }
0x85: {  	v3 =	vadd.f32 v4, v3;
	_ =	sdelay $0x1  }
0x86: {  	v3 =	vadd.f32 v56, v3;
	_ =	sdelay $0x1  }
0x87: {  	v57 =	vmul.f32 $2.000000030e-01, v3;
	_ =	sdelay $0x1  }
0x88: {  	v3 =	vmax.f32 v3, v57  }
0x89: {  	v3 =	vsub.f32 v3, v2;
	_ =	sdelay $0x1  }
0x8a: {  	v3 =	vmul.f32 $1.442695020e+00, v3;
	_ =	sdelay $0x1  }
0x8b: {  	(erf) = vpow2.f32 v3;
	_ =	sdelay $0x8  }
0x8c: {  	v3 =	vpop (erf)  }
0x8d: {  	[tilespmem:s30+$0xFFFFFFF0] =	vst v3  }
0x8e: {  	v3 =	vld [tilespmem:s20+$0x0]  }
0x8f: {  	v58 =	vld [tilespmem:s24+$0x0];
	_ =	sdelay $0x6  }
0x90: {  	v3 =	vld.idx.msk [tilespmem:v3+s5+$0x0], $0xffff  }
0x91: {  	v4 =	vld.idx.msk [tilespmem:v58+s22+$0x0], $0xffff;
	_ =	sdelay $0x1  }
0x92: {  	v59 =	vld [tilespmem:s26+$0x0];
	_ =	sdelay $0x2  }
0x93: {  	v3 =	vadd.f32 v4, v3;
	_ =	sdelay $0x1  }
0x94: {  	v3 =	vadd.f32 v59, v3;
	_ =	sdelay $0x1  }
0x95: {  	v60 =	vmul.f32 $2.000000030e-01, v3;
	_ =	sdelay $0x1  }
0x96: {  	v3 =	vmax.f32 v3, v60  }
0x97: {  	v3 =	vsub.f32 v3, v2;
	_ =	sdelay $0x1  }
0x98: {  	v3 =	vmul.f32 $1.442695020e+00, v3;
	_ =	sdelay $0x1  }
0x99: {  	(erf) = vpow2.f32 v3;
	_ =	sdelay $0x8  }
0x9a: {  	v3 =	vpop (erf)  }
0x9b: {  	[tilespmem:s30+$0x0] =	vst v3  }
0x9c: {  	v3 =	vld [tilespmem:s20+$0x10]  }
0x9d: {  	v61 =	vld [tilespmem:s24+$0x10];
	_ =	sdelay $0x6  }
0x9e: {  	v3 =	vld.idx.msk [tilespmem:v3+s5+$0x0], $0xffff  }
0x9f: {  	v4 =	vld.idx.msk [tilespmem:v61+s22+$0x0], $0xffff;
	_ =	sdelay $0x1  }
0xa0: {  	v62 =	vld [tilespmem:s26+$0x10];
	_ =	sdelay $0x2  }
0xa1: {  	v3 =	vadd.f32 v4, v3;
	_ =	sdelay $0x1  }
0xa2: {  	v3 =	vadd.f32 v62, v3;
	_ =	sdelay $0x1  }
0xa3: {  	v63 =	vmul.f32 $2.000000030e-01, v3;
	_ =	sdelay $0x1  }
0xa4: {  	v3 =	vmax.f32 v3, v63  }
0xa5: {  	v3 =	vsub.f32 v3, v2;
	_ =	sdelay $0x1  }
0xa6: {  	v3 =	vmul.f32 $1.442695020e+00, v3;
	_ =	sdelay $0x1  }
0xa7: {  	(erf) = vpow2.f32 v3;
	_ =	sdelay $0x3  }
0xa8: {  	s0 =	sadd.s32 $0x4, s0  }
0xa9: {  	p0 =	slt.u32 s0, $0x1C  }
.Ltmp0:
0xaa: {  	_ = 	snop;
	(pc) =	sbr.rel @p0 .LBB2_3-.Ltmp0, $3  }
0xab: {  	_ =	sdelay $0x1  }
0xac: {  	s20 =	sadd.s32 $0x40, s20;
	v3 =	vpop (erf)  }
0xad: {  	s24 =	sadd.s32 $0x40, s24;
	s26 =	sadd.s32 $0x40, s26;
	[tilespmem:s30+$0x10] =	vst v3;
	s30 =	sadd.s32 $0x40, s30  }
0xae: {  	_ =	swait.ge [sflag:s28], $0x2000  }
0xaf: {  	s20 =	simm.s32 $0x0;
	[sflag:s28] =	ssyncset.done $0x0  }
0xb0: {  	s0 =	sand.u32 $0x78, s20;
	[sflag:s28] =	ssyncadd.s32 $0xFFFFE000  }
0xb1: {  	v3 =	vmov s0;
	_ =	swait.ge [sflag:s28], $0x2000  }
0xb2: {  	v3 =	vshrl.u32 v3, $0x3;
	[sflag:s28] =	ssyncset.done $0x0  }
0xb3: {  	s24 =	sand.u32 $0xFFFFFF80, s20;
	v3 =	vshll.u32 v3, v1;
	[sflag:s28] =	ssyncadd.s32 $0xFFFFE000  }
0xb4: {  	v3 =	vor.u32 s24, v3;
	_ =	swait.ge [sflag:s28], $0x2000  }
0xb5: {  	v3 =	vbroadcast v3, $0x0;
	[sflag:s28] =	ssyncset.done $0x0  }
0xb6: {  	[sflag:s28] =	ssyncadd.s32 $0xFFFFE000  }
0xb7: {  	_ =	swait.ge [sflag:s28], $0x2000  }
0xb8: {  	[sflag:s28] =	ssyncset.done $0x0  }
0xb9: {  	s26 =	simm.s32 $0x5B00;
	s23 =	simm.s32 $0x1;
	[sflag:s28] =	ssyncadd.s32 $0xFFFFE000  }
0xba: {  	s0 =	sand.u32 $0x79, s23;
	v4 =	vld [tilespmem:s26+$0xFFFFFF20]  }
0xbb: {  	v5 =	vmov s0;
	v3 =	vld.idx.msk [tilespmem:v3+s13+$0x0], $0xffff  }
0xbc: {  	v5 =	vshrl.u32 v5, $0x3;
	v6 =	vld [tilespmem:s26+$0xFFFFFF00]  }
0xbd: {  	v5 =	vshll.u32 v5, v1;
	v7 =	vld [tilespmem:s26+$0xFFFFFF30]  }
0xbe: {  	v5 =	vor.u32 s24, v5;
	v8 =	vld [tilespmem:s26+$0xFFFFFF10]  }
0xbf: {  	v5 =	vadd.s32 $0x1, v5  }
0xc0: {  	v5 =	vbroadcast v5, $0x0;
	v4 =	vmul.f32 v4, v3  }
0xc1: {  	v6 =	vmul.f32 v6, v3  }
0xc2: {  	v7 =	vmul.f32 v7, v3;
	[tilespmem:s26+$0xFFFFFF20] =	vst v4  }
0xc3: {  	v3 =	vmul.f32 v8, v3;
	[tilespmem:s26+$0xFFFFFF00] =	vst v6  }
0xc4: {  	[tilespmem:s26+$0xFFFFFF30] =	vst v7  }
0xc5: {  	s23 =	simm.s32 $0x2;
	[tilespmem:s26+$0xFFFFFF10] =	vst v3  }
0xc6: {  	s0 =	sand.u32 $0x7A, s23;
	v3 =	vld.idx.msk [tilespmem:v5+s13+$0x0], $0xffff  }
0xc7: {  	v6 =	vmov s0;
	v5 =	vld [tilespmem:s26+$0xFFFFFF40]  }
0xc8: {  	v9 =	vld [tilespmem:s26+$0xFFFFFF50];
	v6 =	vshrl.u32 v6, $0x3  }
0xc9: {  	v7 =	vld [tilespmem:s26+$0xFFFFFF70];
	v6 =	vshll.u32 v6, v1  }
0xca: {  	v4 =	vld [tilespmem:s26+$0xFFFFFF60];
	v6 =	vor.u32 s24, v6  }
0xcb: {  	v6 =	vadd.s32 $0x2, v6  }
0xcc: {  	v6 =	vbroadcast v6, $0x0;
	v5 =	vmul.f32 v5, v3  }
0xcd: {  	v8 =	vmul.f32 v9, v3  }
0xce: {  	v7 =	vmul.f32 v7, v3;
	[tilespmem:s26+$0xFFFFFF40] =	vst v5  }
0xcf: {  	v3 =	vmul.f32 v4, v3;
	[tilespmem:s26+$0xFFFFFF50] =	vst v8  }
0xd0: {  	s23 =	simm.s32 $0x3;
	[tilespmem:s26+$0xFFFFFF70] =	vst v7  }
0xd1: {  	s0 =	sand.u32 $0x7B, s23;
	v5 =	vld [tilespmem:s26+$0xFFFFFF80];
	[tilespmem:s26+$0xFFFFFF60] =	vst v3  }
0xd2: {  	v3 =	vmov s0;
	v6 =	vld.idx.msk [tilespmem:v6+s13+$0x0], $0xffff  }
0xd3: {  	v7 =	vld [tilespmem:s26+$0xFFFFFFB0];
	v3 =	vshrl.u32 v3, $0x3  }
0xd4: {  	v8 =	vld [tilespmem:s26+$0xFFFFFFA0];
	v3 =	vshll.u32 v3, v1  }
0xd5: {  	v4 =	vld [tilespmem:s26+$0xFFFFFF90];
	v3 =	vor.u32 s24, v3  }
0xd6: {  	v3 =	vadd.s32 $0x3, v3  }
0xd7: {  	v3 =	vbroadcast v3, $0x0;
	v5 =	vmul.f32 v5, v6  }
0xd8: {  	v7 =	vmul.f32 v7, v6  }
0xd9: {  	v8 =	vmul.f32 v8, v6;
	[tilespmem:s26+$0xFFFFFF80] =	vst v5  }
0xda: {  	v4 =	vmul.f32 v4, v6;
	[tilespmem:s26+$0xFFFFFFB0] =	vst v7  }
0xdb: {  	s23 =	simm.s32 $0x4;
	[tilespmem:s26+$0xFFFFFFA0] =	vst v8  }
0xdc: {  	v9 =	vld [tilespmem:s26+$0xFFFFFFD0];
	s0 =	sand.u32 $0x7C, s23;
	[tilespmem:s26+$0xFFFFFF90] =	vst v4  }
0xdd: {  	v4 =	vmov s0;
	v3 =	vld.idx.msk [tilespmem:v3+s13+$0x0], $0xffff  }
0xde: {  	v5 =	vld [tilespmem:s26+$0xFFFFFFC0];
	v4 =	vshrl.u32 v4, $0x3  }
0xdf: {  	v6 =	vld [tilespmem:s26+$0xFFFFFFE0];
	v4 =	vshll.u32 v4, v1  }
0xe0: {  	v7 =	vld [tilespmem:s26+$0xFFFFFFF0];
	v4 =	vor.u32 s24, v4  }
0xe1: {  	v4 =	vadd.s32 $0x4, v4  }
0xe2: {  	v4 =	vbroadcast v4, $0x0;
	v8 =	vmul.f32 v9, v3  }
0xe3: {  	v5 =	vmul.f32 v5, v3  }
0xe4: {  	v6 =	vmul.f32 v6, v3;
	[tilespmem:s26+$0xFFFFFFD0] =	vst v8  }
0xe5: {  	v3 =	vmul.f32 v7, v3;
	[tilespmem:s26+$0xFFFFFFC0] =	vst v5  }
0xe6: {  	s23 =	simm.s32 $0x5;
	[tilespmem:s26+$0xFFFFFFE0] =	vst v6  }
0xe7: {  	s0 =	sand.u32 $0x7D, s23;
	[tilespmem:s26+$0xFFFFFFF0] =	vst v3;
	v3 =	vld [tilespmem:s26+$0x10]  }
0xe8: {  	v5 =	vmov s0;
	v4 =	vld.idx.msk [tilespmem:v4+s13+$0x0], $0xffff  }
0xe9: {  	v6 =	vld [tilespmem:s26+$0x0];
	v5 =	vshrl.u32 v5, $0x3  }
0xea: {  	v7 =	vld [tilespmem:s26+$0x30];
	v5 =	vshll.u32 v5, v1  }
0xeb: {  	v8 =	vld [tilespmem:s26+$0x20];
	v5 =	vor.u32 s24, v5  }
0xec: {  	v5 =	vadd.s32 $0x5, v5  }
0xed: {  	v5 =	vbroadcast v5, $0x0;
	v3 =	vmul.f32 v3, v4  }
0xee: {  	v6 =	vmul.f32 v6, v4  }
0xef: {  	v7 =	vmul.f32 v7, v4;
	[tilespmem:s26+$0x10] =	vst v3  }
0xf0: {  	v3 =	vmul.f32 v8, v4;
	[tilespmem:s26+$0x0] =	vst v6  }
0xf1: {  	s23 =	simm.s32 $0x6;
	[tilespmem:s26+$0x30] =	vst v7  }
0xf2: {  	s0 =	sand.u32 $0x7E, s23;
	v4 =	vld [tilespmem:s26+$0x40];
	[tilespmem:s26+$0x20] =	vst v3  }
0xf3: {  	v3 =	vld.idx.msk [tilespmem:v5+s13+$0x0], $0xffff;
	v5 =	vmov s0  }
0xf4: {  	v6 =	vld [tilespmem:s26+$0x60];
	v5 =	vshrl.u32 v5, $0x3  }
0xf5: {  	v7 =	vld [tilespmem:s26+$0x50];
	v5 =	vshll.u32 v5, v1  }
0xf6: {  	v8 =	vld [tilespmem:s26+$0x70];
	v5 =	vor.u32 s24, v5  }
0xf7: {  	v5 =	vadd.s32 $0x6, v5  }
0xf8: {  	v4 =	vmul.f32 v4, v3;
	v5 =	vbroadcast v5, $0x0  }
0xf9: {  	v6 =	vmul.f32 v6, v3  }
0xfa: {  	[tilespmem:s26+$0x40] =	vst v4;
	v4 =	vmul.f32 v7, v3  }
0xfb: {  	v3 =	vmul.f32 v8, v3;
	[tilespmem:s26+$0x60] =	vst v6;
	v7 =	vld [tilespmem:s26+$0x80]  }
0xfc: {  	v6 =	vld [tilespmem:s26+$0xB0];
	[tilespmem:s26+$0x50] =	vst v4  }
0xfd: {  	s23 =	simm.s32 $0x7;
	v4 =	vld [tilespmem:s26+$0xA0];
	[tilespmem:s26+$0x70] =	vst v3  }
0xfe: {  	s0 =	sand.u32 $0x7F, s23;
	v3 =	vld.idx.msk [tilespmem:v5+s13+$0x0], $0xffff  }
0xff: {  	s30 =	simm.s32 $0x5B00;
	v8 =	vmov s0;
	v5 =	vld [tilespmem:s26+$0x90]  }
.LBB2_5:
0x100: {  	v8 =	vshrl.u32 v8, $0x3;
	s26 =	sadd.s32 $0x200, s26;
	s0 =	smov.u32 s20;
	s20 =	sadd.s32 $0x8, s20  }
0x101: {  	s23 =	sand.u32 $0x78, s20;
	p0 =	slt.u32 s20, $0x1F8;
	v8 =	vshll.u32 v8, v1  }
0x102: {  	v9 =	vmov s23;
	v8 =	vor.u32 s24, v8  }
0x103: {  	v7 =	vmul.f32 v7, v3;
	v9 =	vshrl.u32 v9, $0x3;
	v8 =	vadd.s32 $0x7, v8  }
0x104: {  	s24 =	sand.u32 $0xFFFFFF80, s20;
	v4 =	vmul.f32 v4, v3;
	v9 =	vshll.u32 v9, v1;
	v8 =	vbroadcast v8, $0x0  }
0x105: {  	v5 =	vmul.f32 v5, v3;
	v3 =	vmul.f32 v6, v3;
	v9 =	vor.u32 s24, v9;
	[tilespmem:s30+$0x80] =	vst v7  }
0x106: {  	v6 =	vbroadcast v9, $0x0;
	[tilespmem:s30+$0xA0] =	vst v4  }
0x107: {  	[tilespmem:s30+$0xB0] =	vst v3;
	v3 =	vld [tilespmem:s30+$0xF0]  }
0x108: {  	v4 =	vld [tilespmem:s30+$0xC0]  }
0x109: {  	[tilespmem:s30+$0x90] =	vst v5;
	v5 =	vld [tilespmem:s30+$0xD0]  }
0x10a: {  	v7 =	vld.idx.msk [tilespmem:v8+s13+$0x0], $0xffff  }
0x10b: {  	s23 =	sadd.s32 $0x9, s0;
	v8 =	vld [tilespmem:s26+$0xFFFFFF30]  }
0x10c: {  	s23 =	sand.u32 $0x79, s23;
	v9 =	vld [tilespmem:s30+$0xE0]  }
0x10d: {  	v10 =	vmov s23  }
0x10e: {  	v10 =	vshrl.u32 v10, $0x3;
	v11 =	vld [tilespmem:s26+$0xFFFFFF20]  }
0x10f: {  	v10 =	vshll.u32 v10, v1  }
0x110: {  	v10 =	vor.u32 s24, v10;
	v4 =	vmul.f32 v4, v7;
	v5 =	vmul.f32 v5, v7  }
0x111: {  	v10 =	vadd.s32 $0x1, v10;
	v3 =	vmul.f32 v3, v7;
	v9 =	vmul.f32 v9, v7  }
0x112: {  	v7 =	vbroadcast v10, $0x0;
	[tilespmem:s30+$0xC0] =	vst v4  }
0x113: {  	[tilespmem:s30+$0xF0] =	vst v3  }
0x114: {  	[tilespmem:s30+$0xD0] =	vst v5  }
0x115: {  	[tilespmem:s30+$0xE0] =	vst v9;
	s30 =	smov.u32 s26  }
0x116: {  	v3 =	vld.idx.msk [tilespmem:v6+s13+$0x0], $0xffff  }
0x117: {  	s23 =	sadd.s32 $0xA, s0;
	v4 =	vld [tilespmem:s26+$0xFFFFFF10]  }
0x118: {  	s23 =	sand.u32 $0x7A, s23;
	v5 =	vld [tilespmem:s26+$0xFFFFFF00]  }
0x119: {  	v6 =	vmov s23  }
0x11a: {  	v6 =	vshrl.u32 v6, $0x3  }
0x11b: {  	v6 =	vshll.u32 v6, v1;
	v9 =	vld [tilespmem:s26+$0xFFFFFF70]  }
0x11c: {  	v6 =	vor.u32 s24, v6;
	v10 =	vmul.f32 v11, v3;
	v4 =	vmul.f32 v4, v3;
	v11 =	vld [tilespmem:s26+$0xFFFFFF50]  }
0x11d: {  	v6 =	vadd.s32 $0x2, v6;
	v5 =	vmul.f32 v5, v3;
	v3 =	vmul.f32 v8, v3  }
0x11e: {  	[tilespmem:s26+$0xFFFFFF20] =	vst v10  }
0x11f: {  	v6 =	vbroadcast v6, $0x0;
	[tilespmem:s26+$0xFFFFFF00] =	vst v5;
	v5 =	vld [tilespmem:s26+$0xFFFFFF60]  }
0x120: {  	[tilespmem:s26+$0xFFFFFF30] =	vst v3  }
0x121: {  	[tilespmem:s26+$0xFFFFFF10] =	vst v4  }
0x122: {  	v3 =	vld.idx.msk [tilespmem:v7+s13+$0x0], $0xffff  }
0x123: {  	v4 =	vld [tilespmem:s26+$0xFFFFFF40];
	_ =	sdelay $0x4  }
0x124: {  	s23 =	sadd.s32 $0xB, s0;
	v5 =	vmul.f32 v5, v3;
	v4 =	vmul.f32 v4, v3;
	v7 =	vld [tilespmem:s26+$0xFFFFFFB0]  }
0x125: {  	s23 =	sand.u32 $0x7B, s23;
	v8 =	vmul.f32 v11, v3;
	v3 =	vmul.f32 v9, v3  }
0x126: {  	v9 =	vmov s23;
	[tilespmem:s26+$0xFFFFFF40] =	vst v4;
	v4 =	vld [tilespmem:s26+$0xFFFFFF80]  }
0x127: {  	[tilespmem:s26+$0xFFFFFF50] =	vst v8;
	v8 =	vshrl.u32 v9, $0x3  }
0x128: {  	[tilespmem:s26+$0xFFFFFF70] =	vst v3;
	v3 =	vld [tilespmem:s26+$0xFFFFFF90];
	v8 =	vshll.u32 v8, v1  }
0x129: {  	[tilespmem:s26+$0xFFFFFF60] =	vst v5;
	v5 =	vor.u32 s24, v8  }
0x12a: {  	v6 =	vld.idx.msk [tilespmem:v6+s13+$0x0], $0xffff;
	v5 =	vadd.s32 $0x3, v5  }
0x12b: {  	v8 =	vld [tilespmem:s26+$0xFFFFFFA0];
	v5 =	vbroadcast v5, $0x0;
	_ =	sdelay $0x4  }
0x12c: {  	s23 =	sadd.s32 $0xC, s0;
	v4 =	vmul.f32 v4, v6;
	v8 =	vmul.f32 v8, v6;
	v9 =	vld [tilespmem:s26+$0xFFFFFFD0]  }
0x12d: {  	s23 =	sand.u32 $0x7C, s23;
	v3 =	vmul.f32 v3, v6;
	v6 =	vmul.f32 v7, v6  }
0x12e: {  	v7 =	vmov s23;
	[tilespmem:s26+$0xFFFFFF80] =	vst v4;
	v4 =	vld [tilespmem:s26+$0xFFFFFFC0]  }
0x12f: {  	[tilespmem:s26+$0xFFFFFFB0] =	vst v6;
	v6 =	vshrl.u32 v7, $0x3  }
0x130: {  	[tilespmem:s26+$0xFFFFFFA0] =	vst v8;
	v6 =	vshll.u32 v6, v1  }
0x131: {  	[tilespmem:s26+$0xFFFFFF90] =	vst v3;
	v3 =	vor.u32 s24, v6  }
0x132: {  	v5 =	vld.idx.msk [tilespmem:v5+s13+$0x0], $0xffff;
	v3 =	vadd.s32 $0x4, v3  }
0x133: {  	v6 =	vld [tilespmem:s26+$0xFFFFFFF0]  }
0x134: {  	v3 =	vbroadcast v3, $0x0;
	v7 =	vld [tilespmem:s26+$0xFFFFFFE0];
	_ =	sdelay $0x3  }
0x135: {  	v4 =	vmul.f32 v4, v5;
	v8 =	vmul.f32 v9, v5  }
0x136: {  	s23 =	sadd.s32 $0xD, s0;
	v7 =	vmul.f32 v7, v5;
	v5 =	vmul.f32 v6, v5  }
0x137: {  	s23 =	sand.u32 $0x7D, s23;
	[tilespmem:s26+$0xFFFFFFD0] =	vst v8  }
0x138: {  	[tilespmem:s26+$0xFFFFFFC0] =	vst v4;
	v4 =	vmov s23  }
0x139: {  	[tilespmem:s26+$0xFFFFFFE0] =	vst v7;
	v6 =	vld [tilespmem:s26+$0x30];
	v4 =	vshrl.u32 v4, $0x3  }
0x13a: {  	[tilespmem:s26+$0xFFFFFFF0] =	vst v5;
	v5 =	vld [tilespmem:s26+$0x10];
	v4 =	vshll.u32 v4, v1  }
0x13b: {  	v3 =	vld.idx.msk [tilespmem:v3+s13+$0x0], $0xffff;
	v4 =	vor.u32 s24, v4  }
0x13c: {  	v7 =	vld [tilespmem:s26+$0x0];
	v4 =	vadd.s32 $0x5, v4  }
0x13d: {  	v8 =	vld [tilespmem:s26+$0x20]  }
0x13e: {  	v4 =	vbroadcast v4, $0x0;
	_ =	sdelay $0x2  }
0x13f: {  	v5 =	vmul.f32 v5, v3;
	v7 =	vmul.f32 v7, v3  }
0x140: {  	v8 =	vmul.f32 v8, v3;
	v3 =	vmul.f32 v6, v3  }
0x141: {  	[tilespmem:s26+$0x10] =	vst v5  }
0x142: {  	[tilespmem:s26+$0x0] =	vst v7  }
0x143: {  	[tilespmem:s26+$0x30] =	vst v3  }
0x144: {  	s23 =	sadd.s32 $0xE, s0;
	[tilespmem:s26+$0x20] =	vst v8;
	v3 =	vld [tilespmem:s26+$0x70]  }
0x145: {  	s23 =	sand.u32 $0x7E, s23;
	v4 =	vld.idx.msk [tilespmem:v4+s13+$0x0], $0xffff  }
0x146: {  	v6 =	vmov s23;
	v5 =	vld [tilespmem:s26+$0x40]  }
0x147: {  	v6 =	vshrl.u32 v6, $0x3;
	v7 =	vld [tilespmem:s26+$0x60]  }
0x148: {  	v6 =	vshll.u32 v6, v1;
	v8 =	vld [tilespmem:s26+$0x50]  }
0x149: {  	v6 =	vor.u32 s24, v6  }
0x14a: {  	v6 =	vadd.s32 $0x6, v6  }
0x14b: {  	v6 =	vbroadcast v6, $0x0;
	v5 =	vmul.f32 v5, v4  }
0x14c: {  	v3 =	vmul.f32 v3, v4;
	v7 =	vmul.f32 v7, v4  }
0x14d: {  	[tilespmem:s26+$0x40] =	vst v5;
	v4 =	vmul.f32 v8, v4  }
0x14e: {  	[tilespmem:s26+$0x60] =	vst v7  }
.Ltmp1:
0x14f: {  	[tilespmem:s26+$0x50] =	vst v4;
	v4 =	vld [tilespmem:s26+$0xA0];
	(pc) =	sbr.rel @p0 .LBB2_5-.Ltmp1, $4  }
0x150: {  	[tilespmem:s26+$0x70] =	vst v3;
	v7 =	vld [tilespmem:s26+$0x80]  }
0x151: {  	s0 =	sadd.s32 $0xF, s0;
	v3 =	vld.idx.msk [tilespmem:v6+s13+$0x0], $0xffff  }
0x152: {  	s0 =	sand.u32 $0x7F, s0;
	v5 =	vld [tilespmem:s26+$0x90]  }
0x153: {  	v8 =	vmov s0;
	v6 =	vld [tilespmem:s26+$0xB0]  }
0x154: {  	v8 =	vshrl.u32 v8, $0x3  }
0x155: {  	v8 =	vshll.u32 v8, v1  }
0x156: {  	v8 =	vor.u32 s24, v8  }
0x157: {  	v8 =	vadd.s32 $0x7, v8  }
0x158: {  	v7 =	vmul.f32 v7, v3;
	v8 =	vbroadcast v8, $0x0  }
0x159: {  	v4 =	vmul.f32 v4, v3  }
0x15a: {  	[tilespmem:s30+$0x80] =	vst v7;
	v6 =	vmul.f32 v6, v3  }
0x15b: {  	[tilespmem:s30+$0xA0] =	vst v4;
	v3 =	vmul.f32 v5, v3  }
0x15c: {  	[tilespmem:s30+$0xB0] =	vst v6  }
0x15d: {  	v60 =	vld [tilespmem:s30+$0xC0];
	[tilespmem:s30+$0x90] =	vst v3  }
0x15e: {  	v3 =	vld.idx.msk [tilespmem:v8+s13+$0x0], $0xffff  }
0x15f: {  	v61 =	vld [tilespmem:s30+$0xF0]  }
0x160: {  	v62 =	vld [tilespmem:s30+$0xD0]  }
0x161: {  	v63 =	vld [tilespmem:s30+$0xE0];
	_ =	sdelay $0x1  }
0x162: {  	v4 =	vmul.f32 v60, v3  }
0x163: {  	v5 =	vmul.f32 v61, v3  }
0x164: {  	v6 =	vmul.f32 v62, v3;
	[tilespmem:s30+$0xC0] =	vst v4  }
0x165: {  	v3 =	vmul.f32 v63, v3;
	[tilespmem:s30+$0xF0] =	vst v5  }
0x166: {  	[tilespmem:s30+$0xD0] =	vst v6  }
0x167: {  	[tilespmem:s30+$0xE0] =	vst v3  }
0x168: {  	[spmem:s2] =	stream.indirect.scatter.add.f32 [tilespmem:s31], [sflag:$0x1], $0x40, s25, s29, $0xb8;
	[tilespmem:$0x17C90] =	vst v63  }
0x169: {  	_ = 	snop  }
0x16a: {  	[spmem:s3] =	stream.indirect.scatter.add.f32 [tilespmem:s13], [sflag:$0x1], $0x1, s25, s29, $0xb8;
	[tilespmem:$0x17C90] =	vst v63  }
0x16b: {  	_ = 	snop  }
0x16c: {  	[spmem:s2] =	stream.indirect.scatter.add.f32 [tilespmem:s4], [sflag:$0x1], $0x40, s14, s29, $0xb8;
	[tilespmem:$0x17C90] =	vst v63  }
0x16d: {  	_ = 	snop  }
0x16e: {  	[spmem:s3] =	stream.indirect.scatter.add.f32 [tilespmem:s16], [sflag:$0x1], $0x1, s14, s29, $0xb8;
	[tilespmem:$0x17C90] =	vst v63  }
0x16f: {  	_ = 	snop  }
0x170: {  	[spmem:s2] =	stream.indirect.scatter.add.f32 [tilespmem:s9], [sflag:$0x1], $0x40, s17, s29, $0xb8;
	[tilespmem:$0x17C90] =	vst v63  }
0x171: {  	_ = 	snop  }
0x172: {  	[spmem:s3] =	stream.indirect.scatter.add.f32 [tilespmem:s18], [sflag:$0x1], $0x1, s17, s29, $0xb8;
	[tilespmem:$0x17C90] =	vst v63  }
0x173: {  	_ = 	snop  }
0x174: {  	[spmem:s2] =	stream.indirect.scatter.add.f32 [tilespmem:s12], [sflag:$0x1], $0x40, s19, s29, $0xb8;
	[tilespmem:$0x17C90] =	vst v63  }
0x175: {  	_ = 	snop  }
0x176: {  	[spmem:s3] =	stream.indirect.scatter.add.f32 [tilespmem:s21], [sflag:$0x1], $0x1, s19, s29, $0xb8;
	[tilespmem:$0x17C90] =	vst v63  }
0x177: {  	_ =	swait.ge [sflag:s28], $0x2000  }
0x178: {  	[sflag:s28] =	ssyncset.done $0x0  }
0x179: {  	[sflag:s28] =	ssyncadd.s32 $0xFFFFE000  }
0x17a: {  	_ =	swait.ge [sflag:s28], $0x80  }
0x17b: {  	[sflag:s28] =	ssyncset.done $0x0  }
0x17c: {  	[sflag:s28] =	ssyncadd.s32 $0xFFFFFF80  }
0x17d: {  	_ =	swait.ge [sflag:s28], $0x2000  }
0x17e: {  	[sflag:s28] =	ssyncset.done $0x0  }
0x17f: {  	[sflag:s28] =	ssyncadd.s32 $0xFFFFE000  }
0x180: {  	_ =	swait.ge [sflag:s28], $0x80  }
0x181: {  	[sflag:s28] =	ssyncset.done $0x0  }
0x182: {  	[sflag:s28] =	ssyncadd.s32 $0xFFFFFF80  }
0x183: {  	_ =	swait.ge [sflag:s28], $0x2000  }
0x184: {  	[sflag:s28] =	ssyncset.done $0x0  }
0x185: {  	[sflag:s28] =	ssyncadd.s32 $0xFFFFE000  }
0x186: {  	_ =	swait.ge [sflag:s28], $0x80  }
0x187: {  	[sflag:s28] =	ssyncset.done $0x0  }
0x188: {  	s11 =	sadd.s32 $0x1, s11;
	[sflag:s28] =	ssyncadd.s32 $0xFFFFFF80  }
0x189: {  	p0 =	sne.s32 s11, $0x28;
	_ =	swait.ge [sflag:s28], $0x2000  }
.Ltmp2:
0x18a: {  	[sflag:s28] =	ssyncset.done $0x0;
	(pc) =	sbr.rel @p0 .LBB2_2-.Ltmp2, $4  }
0x18b: {  	[sflag:s28] =	ssyncadd.s32 $0xFFFFE000  }
0x18c: {  	_ =	swait.ge [sflag:s28], $0x80  }
0x18d: {  	[sflag:s28] =	ssyncset.done $0x0  }
0x18e: {  	[sflag:s28] =	ssyncadd.s32 $0xFFFFFF80  }
0x18f: {  	[bflag:$0x0] =	sbarrier.arrive $0xFFFF  }
0x190: {  	s20 =	rddreg [dreg:$0x6]  }
0x191: {  	s0 =	rddreg [dreg:$0xa]  }
0x192: {  	s23 =	simm.s32 $0x2;
	s11 =	rddreg [dreg:$0xd]  }
0x193: {  	[hbm:s0], [sflag:s20] =	dma.local [spmem:s11], $0x1400  }
0x194: {  	_ =	swait.ge [sflag:s23], $0x1400  }
0x195: {  	[sflag:s23] =	ssyncset.done $0x0;
	s26 =	rddreg [dreg:$0xb]  }
0x196: {  	s24 =	rddreg [dreg:$0xe];
	[sflag:s23] =	ssyncadd.s32 $0xFFFFEC00  }
0x197: {  	[hbm:s26], [sflag:s20] =	dma.local [spmem:s24], $0x50  }
0x198: {  	_ =	swait.ge [sflag:s23], $0x50  }
0x199: {  	s26 =	rddreg [dreg:$0xf]  }
0x19a: {  	s30 =	rddreg [dreg:$0xc];
	s26 =	sadd.s32 $0x1, s26  }
0x19b: {  	p0 =	sne.s32 s26, s30  }
.Ltmp3:
0x19c: {  	_ = 	snop;
	(pc) =	sbr.rel @p0 .LBB2_1-.Ltmp3, $3  }
0x19d: {  	_ =	sdelay $0x1  }
0x19e: {  	[sflag:s23] =	ssyncset.done $0x0  }
0x19f: {  	[sflag:s23] =	ssyncadd.s32 $0xFFFFFFB0  }
0x1a0: {  	_ =	sfence.sel $0x180000  }
0x1a1: {  	[bflag:$0x0] =	sbarrier.arrive $0xFFFF  }
0x1a2: {  	_ =	strace $0x9000004A  }
0x1a3: {  	s0 =	stileid.u32;
	[bflag:$0x2] =	sbarrier.arrive $0xFFFF  }
0x1a4: {  	p0 =	sne.s32 s0, $0x0;
	s0 =	rddreg [dreg:$0x3]  }
0x1a5: {  	s0 =	sadd.s32 @!p0 $0x100000, s0  }
0x1a6: {  	[sflag:s0] =	ssyncadd.tile.s32 @!p0 $0x1;
	_ =	shalt  }
.Lfunc_end2:
_tile_overlayer_lowered:
.L_overlay_start_2:
0x1a7: {  	(tag) =	ssettag $0x2  }
0x1a8: {  	s0 =	rddreg [dreg:$0x0];
	s2 =	stileid.u32  }
0x1a9: {  	s1 =	rddreg [dreg:$0x1];
	p0 =	sne.s32 s2, $0x0  }
0x1aa: {  	s3 =	rddreg [dreg:$0x2];
	[bflag:$0x3] =	sbarrier.arrive $0xFFFF;
	s2 =	simm.s32 @!p0 $0x1C02  }
0x1ab: {  	[timem:s3], [sflag:s2] =	dma.local @!p0 [hbm:s0], s1  }
0x1ac: {  	s0 =	simm.s32 @!p0 $0x2  }
0x1ad: {  	_ =	swait.ge @!p0 [sflag:s0], s1  }
0x1ae: {  	s1 =	ssub.s32 @!p0 $0x0, s1;
	[sflag:s0] =	ssyncset.done @!p0 $0x0  }
0x1af: {  	[sflag:s0] =	ssyncadd.s32 @!p0 s1  }
0x1b0: {  	[bflag:$0x3] =	sbarrier.arrive $0xFFFF  }
0x1b1: {  	_ =	shalt  }

</sc_bundles>
